<compile_context>
chip_gen: v7x
topology: tpu7x:2x2x1
jax: 0.10.2.dev20260603
libtpu: 0.0.44.dev20260713+nightly
codegen_flags: <defaults>
</compile_context>

<pallas_src>
import functools

import jax
import jax.numpy as jnp
import numpy as np
from jax import lax
from jax.experimental import pallas as pl
from jax.experimental.pallas import tpu as pltpu
from jax.experimental.pallas import tpu_sc as plsc

_EPS = 1e-05
_D = 768
_F = 32768
_K = 32
_N = 2048

_NC = 2
_NS = 16
_NW = _NC * _NS
_L = 16
_ROWS_PER_W = _N // _NW

_NEG = np.float32(-3.0e38)

_CAP = 544
_CVR = _CAP // _L
_BLK = 256
_NBLK = _F // _BLK
_COMPACT_AT = 256



_RB = 512
_FB = 2048


def _encode_body(x_ref, pb_ref, lb_ref, w_ref, h_ref):
    r = pl.program_id(1)
    xb = x_ref[pl.ds(r * _RB, _RB), :]
    mean = jnp.mean(xb, axis=1, keepdims=True)
    var = jnp.mean(jnp.square(xb - mean), axis=1, keepdims=True)
    inv = lax.rsqrt(var + _EPS)
    xc = (xb - mean) * inv - pb_ref[:][None, :]
    h = lax.dot_general(xc, w_ref[:], (((1,), (1,)), ((), ())),
                        preferred_element_type=jnp.float32)
    h_ref[:, :] = h + lb_ref[:][None, :]


def _encode(x, pre_bias, latent_bias, w_enc):
    return pl.pallas_call(
        _encode_body,
        grid=(_F // _FB, _N // _RB),
        in_specs=[
            pl.BlockSpec((_N, _D), lambda f, r: (0, 0)),
            pl.BlockSpec((_D,), lambda f, r: (0,)),
            pl.BlockSpec((_FB,), lambda f, r: (f,)),
            pl.BlockSpec((_FB, _D), lambda f, r: (f, 0)),
        ],
        out_specs=pl.BlockSpec((_RB, _FB), lambda f, r: (r, f)),
        out_shape=jax.ShapeDtypeStruct((_N, _F), jnp.float32),
    )(x, pre_bias, latent_bias, w_enc)




def _scalar(v):
    if getattr(v, "shape", ()) == ():
        return v
    return jnp.max(v)


def _splat(s, dtype=jnp.float32):
    return lax.broadcast(s.astype(dtype) if s.dtype != dtype else s, (_L,))


def _vreg(ref, start):
    return ref[pl.ds(start, _L)]


def _extract_top32(cand_v, cand_i, topk_v, topk_i, gm_v):
    for g in range(3):
        mx = _splat(jnp.float32(_NEG))
        for t in range(_L):
            j = g * _L + t
            if j < _CVR:
                val = jnp.max(_vreg(cand_v, j * _L))
                onehot = lax.iota(jnp.int32, _L) == t
                mx = jnp.where(onehot, _splat(val), mx)
        gm_v[pl.ds(g * _L, _L)] = mx

    def ext_body(k, _):
        g0 = _vreg(gm_v, 0)
        g1 = _vreg(gm_v, _L)
        g2 = _vreg(gm_v, 2 * _L)
        m = jnp.max(jnp.maximum(jnp.maximum(g0, g1), g2))
        msp = _splat(m)
        big = _splat(jnp.int32(10 ** 9), jnp.int32)
        io = lax.iota(jnp.int32, _L)
        pos = jnp.minimum(
            jnp.minimum(jnp.where(g0 == msp, io, big),
                        jnp.where(g1 == msp, io + _L, big)),
            jnp.where(g2 == msp, io + 2 * _L, big))
        j = jnp.min(pos)
        base = j * _L
        vv = _vreg(cand_v, base)
        lane_pos = jnp.min(jnp.where(vv == msp, io, big))
        ii = _vreg(cand_i, base)
        idx_val = jnp.max(jnp.where(io == lane_pos, ii, jnp.int32(-1)))
        k_one = io == (k % _L)
        half = k // _L
        tv = _vreg(topk_v, half * _L)
        ti = _vreg(topk_i, half * _L)
        topk_v[pl.ds(half * _L, _L)] = jnp.where(k_one, msp, tv)
        topk_i[pl.ds(half * _L, _L)] = jnp.where(k_one, _splat(idx_val,
                                                               jnp.int32), ti)
        vv2 = jnp.where(io == lane_pos, _splat(jnp.float32(_NEG)), vv)
        cand_v[pl.ds(base, _L)] = vv2
        newmax = jnp.max(vv2)
        gsel = j // _L
        glane = j % _L
        for g in range(3):
            cur = _vreg(gm_v, g * _L)
            upd = jnp.where((io == glane) & (gsel == g), _splat(newmax), cur)
            gm_v[pl.ds(g * _L, _L)] = upd
        return 0

    lax.fori_loop(0, _K, ext_body, 0, unroll=False)


def _sc_body(hpre_hbm, wdt_hbm, x_hbm, pb_hbm, out_hbm,
             row_v, cand_v, cand_i, topk_v, topk_i, gm_v,
             gbuf_v, xrow_v, orow_v, pb_v, sem):
    wid = lax.axis_index("s") * _NC + lax.axis_index("c")
    base_row = wid * _ROWS_PER_W
    pltpu.sync_copy(pb_hbm, pb_v)

    def row_body(i, _):
        r = base_row + i
        pltpu.sync_copy(hpre_hbm.at[r], row_v)
        pltpu.sync_copy(x_hbm.at[r], xrow_v)

        for j in range(_CVR):
            cand_v[pl.ds(j * _L, _L)] = _splat(jnp.float32(_NEG))

        def blk_body(b, carry):
            thr, cnt = carry
            base = b * _BLK
            bm = _vreg(row_v, base)
            for j in range(1, _BLK // _L):
                bm = jnp.maximum(bm, _vreg(row_v, base + j * _L))
            hit = jnp.max(bm) > thr

            def rare(c):
                thr_, cnt_ = c
                tsp = _splat(thr_)
                cc = cnt_
                for j in range(_BLK // _L):
                    v = _vreg(row_v, base + j * _L)
                    msk = v > tsp
                    idx = lax.iota(jnp.int32, _L) + (base + j * _L)
                    plsc.store_compressed(cand_v.at[pl.ds(cc, _L)], v,
                                          mask=msk)
                    plsc.store_compressed(cand_i.at[pl.ds(cc, _L)], idx,
                                          mask=msk)
                    cc = cc + _scalar(plsc.all_reduce_population_count(msk))
                return thr_, cc

            thr, cnt = lax.cond(hit, rare, lambda c: c, (thr, cnt))

            def compact(c):
                thr_, cnt_ = c
                _extract_top32(cand_v, cand_i, topk_v, topk_i, gm_v)
                for j in range(_CVR):
                    cand_v[pl.ds(j * _L, _L)] = _splat(jnp.float32(_NEG))
                cand_v[pl.ds(0, _L)] = _vreg(topk_v, 0)
                cand_v[pl.ds(_L, _L)] = _vreg(topk_v, _L)
                cand_i[pl.ds(0, _L)] = _vreg(topk_i, 0)
                cand_i[pl.ds(_L, _L)] = _vreg(topk_i, _L)
                new_thr = jnp.min(jnp.minimum(_vreg(topk_v, 0),
                                              _vreg(topk_v, _L)))
                return new_thr, jnp.int32(_K)

            return lax.cond(cnt >= _COMPACT_AT, compact, lambda c: c,
                            (thr, cnt))

        lax.fori_loop(0, _NBLK, blk_body, (_NEG, jnp.int32(0)),
                      unroll=False)

        _extract_top32(cand_v, cand_i, topk_v, topk_i, gm_v)

        gat = pltpu.async_copy(wdt_hbm.at[topk_i], gbuf_v, sem)
        gat.wait()

        zero = _splat(jnp.float32(0.0))
        relu0 = jnp.maximum(_vreg(topk_v, 0), 0.0)
        relu1 = jnp.maximum(_vreg(topk_v, _L), 0.0)
        for c in range(3):
            c0 = c * 256

            def acc_body(k, acc):
                vhalf = jnp.where(k < _L, relu0, relu1)
                lane = lax.broadcast(k % _L, (_L,))
                vsp = vhalf.at[lane].get(mode="promise_in_bounds")
                return tuple(
                    acc[j] + vsp * gbuf_v[k, pl.ds(c0 + j * _L, _L)]
                    for j in range(16))

            acc = lax.fori_loop(0, _K, acc_body, (zero,) * 16, unroll=False)
            for j in range(16):
                orow_v[pl.ds(c0 + j * _L, _L)] = acc[j]

        s = zero
        for j in range(_D // _L):
            s = s + _vreg(xrow_v, j * _L)
        mean = jnp.sum(s) * jnp.float32(1.0 / _D)
        msp = _splat(mean)
        s2 = zero
        for j in range(_D // _L):
            dlt = _vreg(xrow_v, j * _L) - msp
            s2 = s2 + dlt * dlt
        var = jnp.sum(s2) * jnp.float32(1.0 / _D) + jnp.float32(_EPS)
        vv = _splat(var)
        bits = plsc.bitcast(vv, jnp.int32)
        y = plsc.bitcast(jnp.int32(0x5F3759DF) - (bits >> 1), jnp.float32)
        half = _splat(jnp.float32(0.5)) * vv
        for _it in range(3):
            y = y * (_splat(jnp.float32(1.5)) - half * y * y)
        std = vv * y
        for j in range(_D // _L):
            o = _vreg(orow_v, j * _L) + _vreg(pb_v, j * _L)
            orow_v[pl.ds(j * _L, _L)] = o * std + msp
        pltpu.sync_copy(orow_v, out_hbm.at[r])
        return 0

    lax.fori_loop(0, _ROWS_PER_W, row_body, 0, unroll=False)


def _sc_decode(h_pre, wdt, x, pre_bias):
    mesh = plsc.VectorSubcoreMesh(core_axis_name="c", subcore_axis_name="s",
                                  num_cores=_NC, num_subcores=_NS)
    f = pl.kernel(
        _sc_body,
        out_type=jax.ShapeDtypeStruct((_N, _D), jnp.float32),
        mesh=mesh,
        compiler_params=pltpu.CompilerParams(needs_layout_passes=False),
        scratch_types=[
            pltpu.VMEM((_F,), jnp.float32),
            pltpu.VMEM((_CAP,), jnp.float32),
            pltpu.VMEM((_CAP,), jnp.int32),
            pltpu.VMEM((_K,), jnp.float32),
            pltpu.VMEM((_K,), jnp.int32),
            pltpu.VMEM((48,), jnp.float32),
            pltpu.VMEM((_K, _D), jnp.float32),
            pltpu.VMEM((_D,), jnp.float32),
            pltpu.VMEM((_D,), jnp.float32),
            pltpu.VMEM((_D,), jnp.float32),
            pltpu.SemaphoreType.DMA,
        ],
    )
    return f(h_pre, wdt, x, pre_bias)


def kernel(x, pre_bias, latent_bias, W_enc, W_dec):
    h_pre = _encode(x, pre_bias, latent_bias, W_enc)
    wdt = W_dec.T
    return _sc_decode(h_pre, wdt, x, pre_bias)

# --- scband reference (transcript-rebuilt; emitter-appended) ---
"""Pipeline reference for scband-single-saev5-12841952215220 (READ-ONLY COPY).

The authoritative reference and input builder live on the scoring server;
editing this copy changes nothing except your own understanding.
"""

import jax, jax.numpy as jnp
import numpy as np

EPS = 1e-05
D = 768
F = 32768
K = 32
N_TOK = 2048


def setup_inputs(seed: int = 0) -> dict:
    key = jax.random.key(seed)
    k1, k2, k3, k4, k5 = jax.random.split(key, 5)
    x = jax.random.normal(k1, (N_TOK, D), dtype=jnp.float32)
    pre_bias = jax.random.normal(k2, (D,), dtype=jnp.float32) * 0.02
    latent_bias = jax.random.normal(k3, (F,), dtype=jnp.float32) * 0.02
    W_enc = jax.random.normal(k4, (F, D), dtype=jnp.float32) * (1.0 / np.sqrt(D))
    W_dec = jax.random.normal(k5, (D, F), dtype=jnp.float32) * (1.0 / np.sqrt(F))
    return {"x": x, "pre_bias": pre_bias, "latent_bias": latent_bias, "W_enc": W_enc, "W_dec": W_dec}


def _layer_norm(x, eps=EPS):
    mean = jnp.mean(x, axis=-1, keepdims=True)
    var = jnp.mean((x - mean) ** 2, axis=-1, keepdims=True)
    std = jnp.sqrt(var + eps)
    return (x - mean) / std, mean, std


def reference(x, pre_bias, latent_bias, W_enc, W_dec):
    # encode
    x_norm, mean, std = _layer_norm(x)
    x_centered = x_norm - pre_bias
    h_pre = x_centered @ W_enc.T + latent_bias  # (N, F)
    topk_vals, topk_idx = jax.lax.top_k(h_pre, K)  # (N, K)
    rows = jnp.arange(h_pre.shape[0])[:, None]
    h = jnp.zeros_like(h_pre).at[rows, topk_idx].set(jax.nn.relu(topk_vals))
    # decode
    x_rec_norm = h @ W_dec.T + pre_bias  # (N, D)
    x_hat = x_rec_norm * std + mean
    return x_hat

if __name__ == "__main__":
    import jax
    _d = setup_inputs()
    print(jax.jit(kernel)(*tuple(_d.values())))

</pallas_src>

<mosaic_0001>
#map = affine_map<(d0, d1) -> (0, 0)>
#map1 = affine_map<(d0, d1) -> (0)>
module attributes {stable_mosaic.version = 14 : i64} {
  func.func @_sc_body(%arg0: i32, %arg1: i32, %arg2: memref<2048x32768xf32, #tpu.memory_space<hbm>>, %arg3: memref<32768x768xf32, #tpu.memory_space<hbm>>, %arg4: memref<2048x768xf32, #tpu.memory_space<hbm>>, %arg5: memref<768xf32, #tpu.memory_space<hbm>>, %arg6: memref<2048x768xf32, #tpu.memory_space<hbm>>, %arg7: memref<32768xf32, #tpu.memory_space<vmem>>, %arg8: memref<544xf32, #tpu.memory_space<vmem>>, %arg9: memref<544xi32, #tpu.memory_space<vmem>>, %arg10: memref<32xf32, #tpu.memory_space<vmem>>, %arg11: memref<32xi32, #tpu.memory_space<vmem>>, %arg12: memref<48xf32, #tpu.memory_space<vmem>>, %arg13: memref<32x768xf32, #tpu.memory_space<vmem>>, %arg14: memref<768xf32, #tpu.memory_space<vmem>>, %arg15: memref<768xf32, #tpu.memory_space<vmem>>, %arg16: memref<768xf32, #tpu.memory_space<vmem>>, %arg17: memref<!tpu.dma_semaphore, #tpu.memory_space<semaphore_mem>>) attributes {dimension_semantics = [#tpu.dimension_semantics<core_parallel>, #tpu.dimension_semantics<subcore_parallel>], iteration_bounds = array<i64: 2, 16>, scalar_prefetch = 0 : i64, scratch_operands = 11 : i64, tpu.core_type = #tpu.core_type<sc_vector_subcore>, window_params = [{transform_indices = #map}, {transform_indices = #map}, {transform_indices = #map}, {transform_indices = #map1}, {transform_indices = #map}]} {
    %mul3A = arith.constant 2 : i32
    %mul3A_0 = arith.muli %arg1, %mul3A : i32
    %add3A = arith.addi %mul3A_0, %arg0 : i32
    %mul3A_1 = arith.constant 64 : i32
    %mul3A_2 = arith.muli %add3A, %mul3A_1 : i32
    "tpu.region"() ({
      %run_scoped3A = tpu.sem_alloc : memref<!tpu.dma_semaphore, #tpu.memory_space<semaphore_mem>>
      tpu.enqueue_dma source(%arg5 : memref<768xf32, #tpu.memory_space<hbm>>) target(%arg16 : memref<768xf32, #tpu.memory_space<vmem>>) target_semaphore(%run_scoped3A : memref<!tpu.dma_semaphore, #tpu.memory_space<semaphore_mem>>)
      tpu.wait_dma2 semaphore(%run_scoped3A : memref<!tpu.dma_semaphore, #tpu.memory_space<semaphore_mem>>) src(%arg5 : memref<768xf32, #tpu.memory_space<hbm>>) dst(%arg16 : memref<768xf32, #tpu.memory_space<vmem>>)
      tpu.yield
    }) : () -> ()
    %scan3A = arith.constant 0 : i32
    %scan3A_3 = arith.constant 0 : i32
    %scan3A_4 = arith.constant 64 : i32
    %scan3A_5 = arith.addi %scan3A_3, %scan3A_4 : i32
    %scan3A_6 = arith.constant 1 : i32
    %scan3A_7 = scf.for %scan3A_9 = %scan3A_3 to %scan3A_5 step %scan3A_6 iter_args(%scan3A_10 = %scan3A) -> (i32)  : i32 {
      %add3A_11 = arith.addi %mul3A_2, %scan3A_9 : i32
      "tpu.region"() ({
        %run_scoped3A = tpu.sem_alloc : memref<!tpu.dma_semaphore, #tpu.memory_space<semaphore_mem>>
        %dma_start3A_1564 = arith.constant 0 : i32
        %dma_start3A_1565 = tpu.memref_slice %arg2[%add3A_11, %dma_start3A_1564] : memref<2048x32768xf32, #tpu.memory_space<hbm>> -> memref<1x32768xf32, #tpu.memory_space<hbm>>
        %dma_start3A_1566 = tpu.memref_squeeze %dma_start3A_1565 : memref<1x32768xf32, #tpu.memory_space<hbm>> -> memref<32768xf32, #tpu.memory_space<hbm>>
        %dma_start3A_1567 = arith.constant 0 : i32
        %dma_start3A_1568 = tpu.memref_slice %arg2[%add3A_11, %dma_start3A_1567] : memref<2048x32768xf32, #tpu.memory_space<hbm>> -> memref<1x32768xf32, #tpu.memory_space<hbm>>
        %dma_start3A_1569 = tpu.memref_squeeze %dma_start3A_1568 : memref<1x32768xf32, #tpu.memory_space<hbm>> -> memref<32768xf32, #tpu.memory_space<hbm>>
        tpu.enqueue_dma source(%dma_start3A_1569 : memref<32768xf32, #tpu.memory_space<hbm>>) target(%arg7 : memref<32768xf32, #tpu.memory_space<vmem>>) target_semaphore(%run_scoped3A : memref<!tpu.dma_semaphore, #tpu.memory_space<semaphore_mem>>)
        %dma_wait3A_1570 = arith.constant 0 : i32
        %dma_wait3A_1571 = tpu.memref_slice %arg2[%add3A_11, %dma_wait3A_1570] : memref<2048x32768xf32, #tpu.memory_space<hbm>> -> memref<1x32768xf32, #tpu.memory_space<hbm>>
        %dma_wait3A_1572 = tpu.memref_squeeze %dma_wait3A_1571 : memref<1x32768xf32, #tpu.memory_space<hbm>> -> memref<32768xf32, #tpu.memory_space<hbm>>
        %dma_wait3A_1573 = arith.constant 0 : i32
        %dma_wait3A_1574 = tpu.memref_slice %arg2[%add3A_11, %dma_wait3A_1573] : memref<2048x32768xf32, #tpu.memory_space<hbm>> -> memref<1x32768xf32, #tpu.memory_space<hbm>>
        %dma_wait3A_1575 = tpu.memref_squeeze %dma_wait3A_1574 : memref<1x32768xf32, #tpu.memory_space<hbm>> -> memref<32768xf32, #tpu.memory_space<hbm>>
        tpu.wait_dma2 semaphore(%run_scoped3A : memref<!tpu.dma_semaphore, #tpu.memory_space<semaphore_mem>>) src(%dma_wait3A_1575 : memref<32768xf32, #tpu.memory_space<hbm>>) dst(%arg7 : memref<32768xf32, #tpu.memory_space<vmem>>)
        tpu.yield
      }) : () -> ()
      "tpu.region"() ({
        %run_scoped3A = tpu.sem_alloc : memref<!tpu.dma_semaphore, #tpu.memory_space<semaphore_mem>>
        %dma_start3A_1564 = arith.constant 0 : i32
        %dma_start3A_1565 = tpu.memref_slice %arg4[%add3A_11, %dma_start3A_1564] : memref<2048x768xf32, #tpu.memory_space<hbm>> -> memref<1x768xf32, #tpu.memory_space<hbm>>
        %dma_start3A_1566 = tpu.memref_squeeze %dma_start3A_1565 : memref<1x768xf32, #tpu.memory_space<hbm>> -> memref<768xf32, #tpu.memory_space<hbm>>
        %dma_start3A_1567 = arith.constant 0 : i32
        %dma_start3A_1568 = tpu.memref_slice %arg4[%add3A_11, %dma_start3A_1567] : memref<2048x768xf32, #tpu.memory_space<hbm>> -> memref<1x768xf32, #tpu.memory_space<hbm>>
        %dma_start3A_1569 = tpu.memref_squeeze %dma_start3A_1568 : memref<1x768xf32, #tpu.memory_space<hbm>> -> memref<768xf32, #tpu.memory_space<hbm>>
        tpu.enqueue_dma source(%dma_start3A_1569 : memref<768xf32, #tpu.memory_space<hbm>>) target(%arg14 : memref<768xf32, #tpu.memory_space<vmem>>) target_semaphore(%run_scoped3A : memref<!tpu.dma_semaphore, #tpu.memory_space<semaphore_mem>>)
        %dma_wait3A_1570 = arith.constant 0 : i32
        %dma_wait3A_1571 = tpu.memref_slice %arg4[%add3A_11, %dma_wait3A_1570] : memref<2048x768xf32, #tpu.memory_space<hbm>> -> memref<1x768xf32, #tpu.memory_space<hbm>>
        %dma_wait3A_1572 = tpu.memref_squeeze %dma_wait3A_1571 : memref<1x768xf32, #tpu.memory_space<hbm>> -> memref<768xf32, #tpu.memory_space<hbm>>
        %dma_wait3A_1573 = arith.constant 0 : i32
        %dma_wait3A_1574 = tpu.memref_slice %arg4[%add3A_11, %dma_wait3A_1573] : memref<2048x768xf32, #tpu.memory_space<hbm>> -> memref<1x768xf32, #tpu.memory_space<hbm>>
        %dma_wait3A_1575 = tpu.memref_squeeze %dma_wait3A_1574 : memref<1x768xf32, #tpu.memory_space<hbm>> -> memref<768xf32, #tpu.memory_space<hbm>>
        tpu.wait_dma2 semaphore(%run_scoped3A : memref<!tpu.dma_semaphore, #tpu.memory_space<semaphore_mem>>) src(%dma_wait3A_1575 : memref<768xf32, #tpu.memory_space<hbm>>) dst(%arg14 : memref<768xf32, #tpu.memory_space<vmem>>)
        tpu.yield
      }) : () -> ()
      %broadcast_in_dim3A = arith.constant -3.000000e+38 : f32
      %broadcast_in_dim3A_12 = vector.broadcast %broadcast_in_dim3A : f32 to vector<16xf32>
      %swap3A = arith.constant 0 : index
      %swap3A_13 = tpu.vector_load %arg8[%swap3A] {strides = array<i32>} : memref<544xf32, #tpu.memory_space<vmem>>, vector<16xf32>,
      tpu.vector_store %arg8[%swap3A], %broadcast_in_dim3A_12 {strides = array<i32>} : memref<544xf32, #tpu.memory_space<vmem>>, vector<16xf32>,
      %broadcast_in_dim3A_14 = arith.constant -3.000000e+38 : f32
      %broadcast_in_dim3A_15 = vector.broadcast %broadcast_in_dim3A_14 : f32 to vector<16xf32>
      %swap3A_16 = arith.constant 16 : index
      %swap3A_17 = tpu.vector_load %arg8[%swap3A_16] {strides = array<i32>} : memref<544xf32, #tpu.memory_space<vmem>>, vector<16xf32>,
      tpu.vector_store %arg8[%swap3A_16], %broadcast_in_dim3A_15 {strides = array<i32>} : memref<544xf32, #tpu.memory_space<vmem>>, vector<16xf32>,
      %broadcast_in_dim3A_18 = arith.constant -3.000000e+38 : f32
      %broadcast_in_dim3A_19 = vector.broadcast %broadcast_in_dim3A_18 : f32 to vector<16xf32>
      %swap3A_20 = arith.constant 32 : index
      %swap3A_21 = tpu.vector_load %arg8[%swap3A_20] {strides = array<i32>} : memref<544xf32, #tpu.memory_space<vmem>>, vector<16xf32>,
      tpu.vector_store %arg8[%swap3A_20], %broadcast_in_dim3A_19 {strides = array<i32>} : memref<544xf32, #tpu.memory_space<vmem>>, vector<16xf32>,
      %broadcast_in_dim3A_22 = arith.constant -3.000000e+38 : f32
      %broadcast_in_dim3A_23 = vector.broadcast %broadcast_in_dim3A_22 : f32 to vector<16xf32>
      %swap3A_24 = arith.constant 48 : index
      %swap3A_25 = tpu.vector_load %arg8[%swap3A_24] {strides = array<i32>} : memref<544xf32, #tpu.memory_space<vmem>>, vector<16xf32>,
      tpu.vector_store %arg8[%swap3A_24], %broadcast_in_dim3A_23 {strides = array<i32>} : memref<544xf32, #tpu.memory_space<vmem>>, vector<16xf32>,
      %broadcast_in_dim3A_26 = arith.constant -3.000000e+38 : f32
      %broadcast_in_dim3A_27 = vector.broadcast %broadcast_in_dim3A_26 : f32 to vector<16xf32>
      %swap3A_28 = arith.constant 64 : index
      %swap3A_29 = tpu.vector_load %arg8[%swap3A_28] {strides = array<i32>} : memref<544xf32, #tpu.memory_space<vmem>>, vector<16xf32>,
      tpu.vector_store %arg8[%swap3A_28], %broadcast_in_dim3A_27 {strides = array<i32>} : memref<544xf32, #tpu.memory_space<vmem>>, vector<16xf32>,
      %broadcast_in_dim3A_30 = arith.constant -3.000000e+38 : f32
      %broadcast_in_dim3A_31 = vector.broadcast %broadcast_in_dim3A_30 : f32 to vector<16xf32>
      %swap3A_32 = arith.constant 80 : index
      %swap3A_33 = tpu.vector_load %arg8[%swap3A_32] {strides = array<i32>} : memref<544xf32, #tpu.memory_space<vmem>>, vector<16xf32>,
      tpu.vector_store %arg8[%swap3A_32], %broadcast_in_dim3A_31 {strides = array<i32>} : memref<544xf32, #tpu.memory_space<vmem>>, vector<16xf32>,
      %broadcast_in_dim3A_34 = arith.constant -3.000000e+38 : f32
      %broadcast_in_dim3A_35 = vector.broadcast %broadcast_in_dim3A_34 : f32 to vector<16xf32>
      %swap3A_36 = arith.constant 96 : index
      %swap3A_37 = tpu.vector_load %arg8[%swap3A_36] {strides = array<i32>} : memref<544xf32, #tpu.memory_space<vmem>>, vector<16xf32>,
      tpu.vector_store %arg8[%swap3A_36], %broadcast_in_dim3A_35 {strides = array<i32>} : memref<544xf32, #tpu.memory_space<vmem>>, vector<16xf32>,
      %broadcast_in_dim3A_38 = arith.constant -3.000000e+38 : f32
      %broadcast_in_dim3A_39 = vector.broadcast %broadcast_in_dim3A_38 : f32 to vector<16xf32>
      %swap3A_40 = arith.constant 112 : index
      %swap3A_41 = tpu.vector_load %arg8[%swap3A_40] {strides = array<i32>} : memref<544xf32, #tpu.memory_space<vmem>>, vector<16xf32>,
      tpu.vector_store %arg8[%swap3A_40], %broadcast_in_dim3A_39 {strides = array<i32>} : memref<544xf32, #tpu.memory_space<vmem>>, vector<16xf32>,
      %broadcast_in_dim3A_42 = arith.constant -3.000000e+38 : f32
      %broadcast_in_dim3A_43 = vector.broadcast %broadcast_in_dim3A_42 : f32 to vector<16xf32>
      %swap3A_44 = arith.constant 128 : index
      %swap3A_45 = tpu.vector_load %arg8[%swap3A_44] {strides = array<i32>} : memref<544xf32, #tpu.memory_space<vmem>>, vector<16xf32>,
      tpu.vector_store %arg8[%swap3A_44], %broadcast_in_dim3A_43 {strides = array<i32>} : memref<544xf32, #tpu.memory_space<vmem>>, vector<16xf32>,
      %broadcast_in_dim3A_46 = arith.constant -3.000000e+38 : f32
      %broadcast_in_dim3A_47 = vector.broadcast %broadcast_in_dim3A_46 : f32 to vector<16xf32>
      %swap3A_48 = arith.constant 144 : index
      %swap3A_49 = tpu.vector_load %arg8[%swap3A_48] {strides = array<i32>} : memref<544xf32, #tpu.memory_space<vmem>>, vector<16xf32>,
      tpu.vector_store %arg8[%swap3A_48], %broadcast_in_dim3A_47 {strides = array<i32>} : memref<544xf32, #tpu.memory_space<vmem>>, vector<16xf32>,
      %broadcast_in_dim3A_50 = arith.constant -3.000000e+38 : f32
      %broadcast_in_dim3A_51 = vector.broadcast %broadcast_in_dim3A_50 : f32 to vector<16xf32>
      %swap3A_52 = arith.constant 160 : index
      %swap3A_53 = tpu.vector_load %arg8[%swap3A_52] {strides = array<i32>} : memref<544xf32, #tpu.memory_space<vmem>>, vector<16xf32>,
      tpu.vector_store %arg8[%swap3A_52], %broadcast_in_dim3A_51 {strides = array<i32>} : memref<544xf32, #tpu.memory_space<vmem>>, vector<16xf32>,
      %broadcast_in_dim3A_54 = arith.constant -3.000000e+38 : f32
      %broadcast_in_dim3A_55 = vector.broadcast %broadcast_in_dim3A_54 : f32 to vector<16xf32>
      %swap3A_56 = arith.constant 176 : index
      %swap3A_57 = tpu.vector_load %arg8[%swap3A_56] {strides = array<i32>} : memref<544xf32, #tpu.memory_space<vmem>>, vector<16xf32>,
      tpu.vector_store %arg8[%swap3A_56], %broadcast_in_dim3A_55 {strides = array<i32>} : memref<544xf32, #tpu.memory_space<vmem>>, vector<16xf32>,
      %broadcast_in_dim3A_58 = arith.constant -3.000000e+38 : f32
      %broadcast_in_dim3A_59 = vector.broadcast %broadcast_in_dim3A_58 : f32 to vector<16xf32>
      %swap3A_60 = arith.constant 192 : index
      %swap3A_61 = tpu.vector_load %arg8[%swap3A_60] {strides = array<i32>} : memref<544xf32, #tpu.memory_space<vmem>>, vector<16xf32>,
      tpu.vector_store %arg8[%swap3A_60], %broadcast_in_dim3A_59 {strides = array<i32>} : memref<544xf32, #tpu.memory_space<vmem>>, vector<16xf32>,
      %broadcast_in_dim3A_62 = arith.constant -3.000000e+38 : f32
      %broadcast_in_dim3A_63 = vector.broadcast %broadcast_in_dim3A_62 : f32 to vector<16xf32>
      %swap3A_64 = arith.constant 208 : index
      %swap3A_65 = tpu.vector_load %arg8[%swap3A_64] {strides = array<i32>} : memref<544xf32, #tpu.memory_space<vmem>>, vector<16xf32>,
      tpu.vector_store %arg8[%swap3A_64], %broadcast_in_dim3A_63 {strides = array<i32>} : memref<544xf32, #tpu.memory_space<vmem>>, vector<16xf32>,
      %broadcast_in_dim3A_66 = arith.constant -3.000000e+38 : f32
      %broadcast_in_dim3A_67 = vector.broadcast %broadcast_in_dim3A_66 : f32 to vector<16xf32>
      %swap3A_68 = arith.constant 224 : index
      %swap3A_69 = tpu.vector_load %arg8[%swap3A_68] {strides = array<i32>} : memref<544xf32, #tpu.memory_space<vmem>>, vector<16xf32>,
      tpu.vector_store %arg8[%swap3A_68], %broadcast_in_dim3A_67 {strides = array<i32>} : memref<544xf32, #tpu.memory_space<vmem>>, vector<16xf32>,
      %broadcast_in_dim3A_70 = arith.constant -3.000000e+38 : f32
      %broadcast_in_dim3A_71 = vector.broadcast %broadcast_in_dim3A_70 : f32 to vector<16xf32>
      %swap3A_72 = arith.constant 240 : index
      %swap3A_73 = tpu.vector_load %arg8[%swap3A_72] {strides = array<i32>} : memref<544xf32, #tpu.memory_space<vmem>>, vector<16xf32>,
      tpu.vector_store %arg8[%swap3A_72], %broadcast_in_dim3A_71 {strides = array<i32>} : memref<544xf32, #tpu.memory_space<vmem>>, vector<16xf32>,
      %broadcast_in_dim3A_74 = arith.constant -3.000000e+38 : f32
      %broadcast_in_dim3A_75 = vector.broadcast %broadcast_in_dim3A_74 : f32 to vector<16xf32>
      %swap3A_76 = arith.constant 256 : index
      %swap3A_77 = tpu.vector_load %arg8[%swap3A_76] {strides = array<i32>} : memref<544xf32, #tpu.memory_space<vmem>>, vector<16xf32>,
      tpu.vector_store %arg8[%swap3A_76], %broadcast_in_dim3A_75 {strides = array<i32>} : memref<544xf32, #tpu.memory_space<vmem>>, vector<16xf32>,
      %broadcast_in_dim3A_78 = arith.constant -3.000000e+38 : f32
      %broadcast_in_dim3A_79 = vector.broadcast %broadcast_in_dim3A_78 : f32 to vector<16xf32>
      %swap3A_80 = arith.constant 272 : index
      %swap3A_81 = tpu.vector_load %arg8[%swap3A_80] {strides = array<i32>} : memref<544xf32, #tpu.memory_space<vmem>>, vector<16xf32>,
      tpu.vector_store %arg8[%swap3A_80], %broadcast_in_dim3A_79 {strides = array<i32>} : memref<544xf32, #tpu.memory_space<vmem>>, vector<16xf32>,
      %broadcast_in_dim3A_82 = arith.constant -3.000000e+38 : f32
      %broadcast_in_dim3A_83 = vector.broadcast %broadcast_in_dim3A_82 : f32 to vector<16xf32>
      %swap3A_84 = arith.constant 288 : index
      %swap3A_85 = tpu.vector_load %arg8[%swap3A_84] {strides = array<i32>} : memref<544xf32, #tpu.memory_space<vmem>>, vector<16xf32>,
      tpu.vector_store %arg8[%swap3A_84], %broadcast_in_dim3A_83 {strides = array<i32>} : memref<544xf32, #tpu.memory_space<vmem>>, vector<16xf32>,
      %broadcast_in_dim3A_86 = arith.constant -3.000000e+38 : f32
      %broadcast_in_dim3A_87 = vector.broadcast %broadcast_in_dim3A_86 : f32 to vector<16xf32>
      %swap3A_88 = arith.constant 304 : index
      %swap3A_89 = tpu.vector_load %arg8[%swap3A_88] {strides = array<i32>} : memref<544xf32, #tpu.memory_space<vmem>>, vector<16xf32>,
      tpu.vector_store %arg8[%swap3A_88], %broadcast_in_dim3A_87 {strides = array<i32>} : memref<544xf32, #tpu.memory_space<vmem>>, vector<16xf32>,
      %broadcast_in_dim3A_90 = arith.constant -3.000000e+38 : f32
      %broadcast_in_dim3A_91 = vector.broadcast %broadcast_in_dim3A_90 : f32 to vector<16xf32>
      %swap3A_92 = arith.constant 320 : index
      %swap3A_93 = tpu.vector_load %arg8[%swap3A_92] {strides = array<i32>} : memref<544xf32, #tpu.memory_space<vmem>>, vector<16xf32>,
      tpu.vector_store %arg8[%swap3A_92], %broadcast_in_dim3A_91 {strides = array<i32>} : memref<544xf32, #tpu.memory_space<vmem>>, vector<16xf32>,
      %broadcast_in_dim3A_94 = arith.constant -3.000000e+38 : f32
      %broadcast_in_dim3A_95 = vector.broadcast %broadcast_in_dim3A_94 : f32 to vector<16xf32>
      %swap3A_96 = arith.constant 336 : index
      %swap3A_97 = tpu.vector_load %arg8[%swap3A_96] {strides = array<i32>} : memref<544xf32, #tpu.memory_space<vmem>>, vector<16xf32>,
      tpu.vector_store %arg8[%swap3A_96], %broadcast_in_dim3A_95 {strides = array<i32>} : memref<544xf32, #tpu.memory_space<vmem>>, vector<16xf32>,
      %broadcast_in_dim3A_98 = arith.constant -3.000000e+38 : f32
      %broadcast_in_dim3A_99 = vector.broadcast %broadcast_in_dim3A_98 : f32 to vector<16xf32>
      %swap3A_100 = arith.constant 352 : index
      %swap3A_101 = tpu.vector_load %arg8[%swap3A_100] {strides = array<i32>} : memref<544xf32, #tpu.memory_space<vmem>>, vector<16xf32>,
      tpu.vector_store %arg8[%swap3A_100], %broadcast_in_dim3A_99 {strides = array<i32>} : memref<544xf32, #tpu.memory_space<vmem>>, vector<16xf32>,
      %broadcast_in_dim3A_102 = arith.constant -3.000000e+38 : f32
      %broadcast_in_dim3A_103 = vector.broadcast %broadcast_in_dim3A_102 : f32 to vector<16xf32>
      %swap3A_104 = arith.constant 368 : index
      %swap3A_105 = tpu.vector_load %arg8[%swap3A_104] {strides = array<i32>} : memref<544xf32, #tpu.memory_space<vmem>>, vector<16xf32>,
      tpu.vector_store %arg8[%swap3A_104], %broadcast_in_dim3A_103 {strides = array<i32>} : memref<544xf32, #tpu.memory_space<vmem>>, vector<16xf32>,
      %broadcast_in_dim3A_106 = arith.constant -3.000000e+38 : f32
      %broadcast_in_dim3A_107 = vector.broadcast %broadcast_in_dim3A_106 : f32 to vector<16xf32>
      %swap3A_108 = arith.constant 384 : index
      %swap3A_109 = tpu.vector_load %arg8[%swap3A_108] {strides = array<i32>} : memref<544xf32, #tpu.memory_space<vmem>>, vector<16xf32>,
      tpu.vector_store %arg8[%swap3A_108], %broadcast_in_dim3A_107 {strides = array<i32>} : memref<544xf32, #tpu.memory_space<vmem>>, vector<16xf32>,
      %broadcast_in_dim3A_110 = arith.constant -3.000000e+38 : f32
      %broadcast_in_dim3A_111 = vector.broadcast %broadcast_in_dim3A_110 : f32 to vector<16xf32>
      %swap3A_112 = arith.constant 400 : index
      %swap3A_113 = tpu.vector_load %arg8[%swap3A_112] {strides = array<i32>} : memref<544xf32, #tpu.memory_space<vmem>>, vector<16xf32>,
      tpu.vector_store %arg8[%swap3A_112], %broadcast_in_dim3A_111 {strides = array<i32>} : memref<544xf32, #tpu.memory_space<vmem>>, vector<16xf32>,
      %broadcast_in_dim3A_114 = arith.constant -3.000000e+38 : f32
      %broadcast_in_dim3A_115 = vector.broadcast %broadcast_in_dim3A_114 : f32 to vector<16xf32>
      %swap3A_116 = arith.constant 416 : index
      %swap3A_117 = tpu.vector_load %arg8[%swap3A_116] {strides = array<i32>} : memref<544xf32, #tpu.memory_space<vmem>>, vector<16xf32>,
      tpu.vector_store %arg8[%swap3A_116], %broadcast_in_dim3A_115 {strides = array<i32>} : memref<544xf32, #tpu.memory_space<vmem>>, vector<16xf32>,
      %broadcast_in_dim3A_118 = arith.constant -3.000000e+38 : f32
      %broadcast_in_dim3A_119 = vector.broadcast %broadcast_in_dim3A_118 : f32 to vector<16xf32>
      %swap3A_120 = arith.constant 432 : index
      %swap3A_121 = tpu.vector_load %arg8[%swap3A_120] {strides = array<i32>} : memref<544xf32, #tpu.memory_space<vmem>>, vector<16xf32>,
      tpu.vector_store %arg8[%swap3A_120], %broadcast_in_dim3A_119 {strides = array<i32>} : memref<544xf32, #tpu.memory_space<vmem>>, vector<16xf32>,
      %broadcast_in_dim3A_122 = arith.constant -3.000000e+38 : f32
      %broadcast_in_dim3A_123 = vector.broadcast %broadcast_in_dim3A_122 : f32 to vector<16xf32>
      %swap3A_124 = arith.constant 448 : index
      %swap3A_125 = tpu.vector_load %arg8[%swap3A_124] {strides = array<i32>} : memref<544xf32, #tpu.memory_space<vmem>>, vector<16xf32>,
      tpu.vector_store %arg8[%swap3A_124], %broadcast_in_dim3A_123 {strides = array<i32>} : memref<544xf32, #tpu.memory_space<vmem>>, vector<16xf32>,
      %broadcast_in_dim3A_126 = arith.constant -3.000000e+38 : f32
      %broadcast_in_dim3A_127 = vector.broadcast %broadcast_in_dim3A_126 : f32 to vector<16xf32>
      %swap3A_128 = arith.constant 464 : index
      %swap3A_129 = tpu.vector_load %arg8[%swap3A_128] {strides = array<i32>} : memref<544xf32, #tpu.memory_space<vmem>>, vector<16xf32>,
      tpu.vector_store %arg8[%swap3A_128], %broadcast_in_dim3A_127 {strides = array<i32>} : memref<544xf32, #tpu.memory_space<vmem>>, vector<16xf32>,
      %broadcast_in_dim3A_130 = arith.constant -3.000000e+38 : f32
      %broadcast_in_dim3A_131 = vector.broadcast %broadcast_in_dim3A_130 : f32 to vector<16xf32>
      %swap3A_132 = arith.constant 480 : index
      %swap3A_133 = tpu.vector_load %arg8[%swap3A_132] {strides = array<i32>} : memref<544xf32, #tpu.memory_space<vmem>>, vector<16xf32>,
      tpu.vector_store %arg8[%swap3A_132], %broadcast_in_dim3A_131 {strides = array<i32>} : memref<544xf32, #tpu.memory_space<vmem>>, vector<16xf32>,
      %broadcast_in_dim3A_134 = arith.constant -3.000000e+38 : f32
      %broadcast_in_dim3A_135 = vector.broadcast %broadcast_in_dim3A_134 : f32 to vector<16xf32>
      %swap3A_136 = arith.constant 496 : index
      %swap3A_137 = tpu.vector_load %arg8[%swap3A_136] {strides = array<i32>} : memref<544xf32, #tpu.memory_space<vmem>>, vector<16xf32>,
      tpu.vector_store %arg8[%swap3A_136], %broadcast_in_dim3A_135 {strides = array<i32>} : memref<544xf32, #tpu.memory_space<vmem>>, vector<16xf32>,
      %broadcast_in_dim3A_138 = arith.constant -3.000000e+38 : f32
      %broadcast_in_dim3A_139 = vector.broadcast %broadcast_in_dim3A_138 : f32 to vector<16xf32>
      %swap3A_140 = arith.constant 512 : index
      %swap3A_141 = tpu.vector_load %arg8[%swap3A_140] {strides = array<i32>} : memref<544xf32, #tpu.memory_space<vmem>>, vector<16xf32>,
      tpu.vector_store %arg8[%swap3A_140], %broadcast_in_dim3A_139 {strides = array<i32>} : memref<544xf32, #tpu.memory_space<vmem>>, vector<16xf32>,
      %broadcast_in_dim3A_142 = arith.constant -3.000000e+38 : f32
      %broadcast_in_dim3A_143 = vector.broadcast %broadcast_in_dim3A_142 : f32 to vector<16xf32>
      %swap3A_144 = arith.constant 528 : index
      %swap3A_145 = tpu.vector_load %arg8[%swap3A_144] {strides = array<i32>} : memref<544xf32, #tpu.memory_space<vmem>>, vector<16xf32>,
      tpu.vector_store %arg8[%swap3A_144], %broadcast_in_dim3A_143 {strides = array<i32>} : memref<544xf32, #tpu.memory_space<vmem>>, vector<16xf32>,
      %scan3A_146 = arith.constant -3.000000e+38 : f32
      %scan3A_147 = arith.constant 0 : i32
      %scan3A_148 = arith.constant 0 : i32
      %scan3A_149 = arith.constant 128 : i32
      %scan3A_150 = arith.addi %scan3A_148, %scan3A_149 : i32
      %scan3A_151 = arith.constant 1 : i32
      %scan3A_152:2 = scf.for %scan3A_1564 = %scan3A_148 to %scan3A_150 step %scan3A_151 iter_args(%scan3A_1565 = %scan3A_146, %scan3A_1566 = %scan3A_147) -> (f32, i32)  : i32 {
        %mul3A_1567 = arith.constant 256 : i32
        %mul3A_1568 = arith.muli %scan3A_1564, %mul3A_1567 : i32
        %get3A_1569 = arith.index_cast %mul3A_1568 : i32 to index
        %get3A_1570 = tpu.vector_load %arg7[%get3A_1569] {strides = array<i32>} : memref<32768xf32, #tpu.memory_space<vmem>>, vector<16xf32>,
        %add3A_1571 = arith.constant 16 : i32
        %add3A_1572 = arith.addi %mul3A_1568, %add3A_1571 : i32
        %get3A_1573 = arith.index_cast %add3A_1572 : i32 to index
        %get3A_1574 = tpu.vector_load %arg7[%get3A_1573] {strides = array<i32>} : memref<32768xf32, #tpu.memory_space<vmem>>, vector<16xf32>,
        %max3A_1575 = arith.maximumf %get3A_1570, %get3A_1574 : vector<16xf32>
        %add3A_1576 = arith.constant 32 : i32
        %add3A_1577 = arith.addi %mul3A_1568, %add3A_1576 : i32
        %get3A_1578 = arith.index_cast %add3A_1577 : i32 to index
        %get3A_1579 = tpu.vector_load %arg7[%get3A_1578] {strides = array<i32>} : memref<32768xf32, #tpu.memory_space<vmem>>, vector<16xf32>,
        %max3A_1580 = arith.maximumf %max3A_1575, %get3A_1579 : vector<16xf32>
        %add3A_1581 = arith.constant 48 : i32
        %add3A_1582 = arith.addi %mul3A_1568, %add3A_1581 : i32
        %get3A_1583 = arith.index_cast %add3A_1582 : i32 to index
        %get3A_1584 = tpu.vector_load %arg7[%get3A_1583] {strides = array<i32>} : memref<32768xf32, #tpu.memory_space<vmem>>, vector<16xf32>,
        %max3A_1585 = arith.maximumf %max3A_1580, %get3A_1584 : vector<16xf32>
        %add3A_1586 = arith.constant 64 : i32
        %add3A_1587 = arith.addi %mul3A_1568, %add3A_1586 : i32
        %get3A_1588 = arith.index_cast %add3A_1587 : i32 to index
        %get3A_1589 = tpu.vector_load %arg7[%get3A_1588] {strides = array<i32>} : memref<32768xf32, #tpu.memory_space<vmem>>, vector<16xf32>,
        %max3A_1590 = arith.maximumf %max3A_1585, %get3A_1589 : vector<16xf32>
        %add3A_1591 = arith.constant 80 : i32
        %add3A_1592 = arith.addi %mul3A_1568, %add3A_1591 : i32
        %get3A_1593 = arith.index_cast %add3A_1592 : i32 to index
        %get3A_1594 = tpu.vector_load %arg7[%get3A_1593] {strides = array<i32>} : memref<32768xf32, #tpu.memory_space<vmem>>, vector<16xf32>,
        %max3A_1595 = arith.maximumf %max3A_1590, %get3A_1594 : vector<16xf32>
        %add3A_1596 = arith.constant 96 : i32
        %add3A_1597 = arith.addi %mul3A_1568, %add3A_1596 : i32
        %get3A_1598 = arith.index_cast %add3A_1597 : i32 to index
        %get3A_1599 = tpu.vector_load %arg7[%get3A_1598] {strides = array<i32>} : memref<32768xf32, #tpu.memory_space<vmem>>, vector<16xf32>,
        %max3A_1600 = arith.maximumf %max3A_1595, %get3A_1599 : vector<16xf32>
        %add3A_1601 = arith.constant 112 : i32
        %add3A_1602 = arith.addi %mul3A_1568, %add3A_1601 : i32
        %get3A_1603 = arith.index_cast %add3A_1602 : i32 to index
        %get3A_1604 = tpu.vector_load %arg7[%get3A_1603] {strides = array<i32>} : memref<32768xf32, #tpu.memory_space<vmem>>, vector<16xf32>,
        %max3A_1605 = arith.maximumf %max3A_1600, %get3A_1604 : vector<16xf32>
        %add3A_1606 = arith.constant 128 : i32
        %add3A_1607 = arith.addi %mul3A_1568, %add3A_1606 : i32
        %get3A_1608 = arith.index_cast %add3A_1607 : i32 to index
        %get3A_1609 = tpu.vector_load %arg7[%get3A_1608] {strides = array<i32>} : memref<32768xf32, #tpu.memory_space<vmem>>, vector<16xf32>,
        %max3A_1610 = arith.maximumf %max3A_1605, %get3A_1609 : vector<16xf32>
        %add3A_1611 = arith.constant 144 : i32
        %add3A_1612 = arith.addi %mul3A_1568, %add3A_1611 : i32
        %get3A_1613 = arith.index_cast %add3A_1612 : i32 to index
        %get3A_1614 = tpu.vector_load %arg7[%get3A_1613] {strides = array<i32>} : memref<32768xf32, #tpu.memory_space<vmem>>, vector<16xf32>,
        %max3A_1615 = arith.maximumf %max3A_1610, %get3A_1614 : vector<16xf32>
        %add3A_1616 = arith.constant 160 : i32
        %add3A_1617 = arith.addi %mul3A_1568, %add3A_1616 : i32
        %get3A_1618 = arith.index_cast %add3A_1617 : i32 to index
        %get3A_1619 = tpu.vector_load %arg7[%get3A_1618] {strides = array<i32>} : memref<32768xf32, #tpu.memory_space<vmem>>, vector<16xf32>,
        %max3A_1620 = arith.maximumf %max3A_1615, %get3A_1619 : vector<16xf32>
        %add3A_1621 = arith.constant 176 : i32
        %add3A_1622 = arith.addi %mul3A_1568, %add3A_1621 : i32
        %get3A_1623 = arith.index_cast %add3A_1622 : i32 to index
        %get3A_1624 = tpu.vector_load %arg7[%get3A_1623] {strides = array<i32>} : memref<32768xf32, #tpu.memory_space<vmem>>, vector<16xf32>,
        %max3A_1625 = arith.maximumf %max3A_1620, %get3A_1624 : vector<16xf32>
        %add3A_1626 = arith.constant 192 : i32
        %add3A_1627 = arith.addi %mul3A_1568, %add3A_1626 : i32
        %get3A_1628 = arith.index_cast %add3A_1627 : i32 to index
        %get3A_1629 = tpu.vector_load %arg7[%get3A_1628] {strides = array<i32>} : memref<32768xf32, #tpu.memory_space<vmem>>, vector<16xf32>,
        %max3A_1630 = arith.maximumf %max3A_1625, %get3A_1629 : vector<16xf32>
        %add3A_1631 = arith.constant 208 : i32
        %add3A_1632 = arith.addi %mul3A_1568, %add3A_1631 : i32
        %get3A_1633 = arith.index_cast %add3A_1632 : i32 to index
        %get3A_1634 = tpu.vector_load %arg7[%get3A_1633] {strides = array<i32>} : memref<32768xf32, #tpu.memory_space<vmem>>, vector<16xf32>,
        %max3A_1635 = arith.maximumf %max3A_1630, %get3A_1634 : vector<16xf32>
        %add3A_1636 = arith.constant 224 : i32
        %add3A_1637 = arith.addi %mul3A_1568, %add3A_1636 : i32
        %get3A_1638 = arith.index_cast %add3A_1637 : i32 to index
        %get3A_1639 = tpu.vector_load %arg7[%get3A_1638] {strides = array<i32>} : memref<32768xf32, #tpu.memory_space<vmem>>, vector<16xf32>,
        %max3A_1640 = arith.maximumf %max3A_1635, %get3A_1639 : vector<16xf32>
        %add3A_1641 = arith.constant 240 : i32
        %add3A_1642 = arith.addi %mul3A_1568, %add3A_1641 : i32
        %get3A_1643 = arith.index_cast %add3A_1642 : i32 to index
        %get3A_1644 = tpu.vector_load %arg7[%get3A_1643] {strides = array<i32>} : memref<32768xf32, #tpu.memory_space<vmem>>, vector<16xf32>,
        %max3A_1645 = arith.maximumf %max3A_1640, %get3A_1644 : vector<16xf32>
        %reduce_max3A_1646 = arith.constant true
        %reduce_max3A_1647 = vector.broadcast %reduce_max3A_1646 : i1 to vector<16xi1>
        %reduce_max3A_1648 = tpu.scan <max>, %max3A_1645 masked %reduce_max3A_1647 : vector<16xf32>, vector<16xi1> -> vector<16xf32>
        %reduce_max3A_1649 = vector.extract %reduce_max3A_1648[15] : f32 from vector<16xf32>
        %gt3A = arith.cmpf ogt, %reduce_max3A_1649, %scan3A_1565 : f32
        %convert_element_type3A = arith.extui %gt3A : i1 to i32
        %cond3A = arith.constant 0 : i32
        %cond3A_1650 = arith.cmpi ne, %convert_element_type3A, %cond3A : i32
        %cond3A_1651 = scf.if %cond3A_1650 -> (i32) {
          %broadcast_in_dim3A_1657 = vector.broadcast %scan3A_1565 : f32 to vector<16xf32>
          %add3A_1658 = arith.constant 0 : i32
          %add3A_1659 = arith.addi %mul3A_1568, %add3A_1658 : i32
          %get3A_1660 = arith.index_cast %add3A_1659 : i32 to index
          %get3A_1661 = tpu.vector_load %arg7[%get3A_1660] {strides = array<i32>} : memref<32768xf32, #tpu.memory_space<vmem>>, vector<16xf32>,
          %gt3A_1662 = arith.cmpf ogt, %get3A_1661, %broadcast_in_dim3A_1657 : vector<16xf32>
          %iota3A_1663 = tpu.iota {dimensions = array<i32: 0>} : vector<16xi32>
          %add3A_1664 = arith.constant 0 : i32
          %add3A_1665 = arith.addi %mul3A_1568, %add3A_1664 : i32
          %add3A_1666 = vector.broadcast %add3A_1665 : i32 to vector<16xi32>
          %add3A_1667 = arith.addi %iota3A_1663, %add3A_1666 : vector<16xi32>
          %swap3A_1668 = arith.index_cast %scan3A_1566 : i32 to index
          %swap3A_1669 = tpu.vector_load %arg8[%swap3A_1668] masked %gt3A_1662 {strides = array<i32>} : memref<544xf32, #tpu.memory_space<vmem>>, vector<16xf32>, vector<16xi1>
          tpu.vector_store %arg8[%swap3A_1668], %get3A_1661 masked %gt3A_1662 {strides = array<i32>} : memref<544xf32, #tpu.memory_space<vmem>>, vector<16xf32>, vector<16xi1>
          %swap3A_1670 = arith.index_cast %scan3A_1566 : i32 to index
          %swap3A_1671 = tpu.vector_load %arg9[%swap3A_1670] masked %gt3A_1662 {strides = array<i32>} : memref<544xi32, #tpu.memory_space<vmem>>, vector<16xi32>, vector<16xi1>
          tpu.vector_store %arg9[%swap3A_1670], %add3A_1667 masked %gt3A_1662 {strides = array<i32>} : memref<544xi32, #tpu.memory_space<vmem>>, vector<16xi32>, vector<16xi1>
          %all_reduce_population_count3A = tpu.all_reduce %gt3A_1662 {dim = 0 : i64, kind = #tpu.reduction_kind<sum>} : vector<16xi1> -> vector<16xi32>
          %reduce_max3A_1672 = arith.constant true
          %reduce_max3A_1673 = vector.broadcast %reduce_max3A_1672 : i1 to vector<16xi1>
          %reduce_max3A_1674 = arith.constant -2147483648 : i32
          %reduce_max3A_1675 = vector.broadcast %reduce_max3A_1674 : i32 to vector<16xi32>
          %reduce_max3A_1676 = arith.xori %all_reduce_population_count3A, %reduce_max3A_1675 : vector<16xi32>
          %reduce_max3A_1677 = tpu.scan <max>, %reduce_max3A_1676 masked %reduce_max3A_1673 : vector<16xi32>, vector<16xi1> -> vector<16xi32>
          %reduce_max3A_1678 = arith.xori %reduce_max3A_1677, %reduce_max3A_1675 : vector<16xi32>
          %reduce_max3A_1679 = vector.extract %reduce_max3A_1678[15] : i32 from vector<16xi32>
          %add3A_1680 = arith.addi %scan3A_1566, %reduce_max3A_1679 : i32
          %add3A_1681 = arith.constant 16 : i32
          %add3A_1682 = arith.addi %mul3A_1568, %add3A_1681 : i32
          %get3A_1683 = arith.index_cast %add3A_1682 : i32 to index
          %get3A_1684 = tpu.vector_load %arg7[%get3A_1683] {strides = array<i32>} : memref<32768xf32, #tpu.memory_space<vmem>>, vector<16xf32>,
          %gt3A_1685 = arith.cmpf ogt, %get3A_1684, %broadcast_in_dim3A_1657 : vector<16xf32>
          %iota3A_1686 = tpu.iota {dimensions = array<i32: 0>} : vector<16xi32>
          %add3A_1687 = arith.constant 16 : i32
          %add3A_1688 = arith.addi %mul3A_1568, %add3A_1687 : i32
          %add3A_1689 = vector.broadcast %add3A_1688 : i32 to vector<16xi32>
          %add3A_1690 = arith.addi %iota3A_1686, %add3A_1689 : vector<16xi32>
          %swap3A_1691 = arith.index_cast %add3A_1680 : i32 to index
          %swap3A_1692 = tpu.vector_load %arg8[%swap3A_1691] masked %gt3A_1685 {strides = array<i32>} : memref<544xf32, #tpu.memory_space<vmem>>, vector<16xf32>, vector<16xi1>
          tpu.vector_store %arg8[%swap3A_1691], %get3A_1684 masked %gt3A_1685 {strides = array<i32>} : memref<544xf32, #tpu.memory_space<vmem>>, vector<16xf32>, vector<16xi1>
          %swap3A_1693 = arith.index_cast %add3A_1680 : i32 to index
          %swap3A_1694 = tpu.vector_load %arg9[%swap3A_1693] masked %gt3A_1685 {strides = array<i32>} : memref<544xi32, #tpu.memory_space<vmem>>, vector<16xi32>, vector<16xi1>
          tpu.vector_store %arg9[%swap3A_1693], %add3A_1690 masked %gt3A_1685 {strides = array<i32>} : memref<544xi32, #tpu.memory_space<vmem>>, vector<16xi32>, vector<16xi1>
          %all_reduce_population_count3A_1695 = tpu.all_reduce %gt3A_1685 {dim = 0 : i64, kind = #tpu.reduction_kind<sum>} : vector<16xi1> -> vector<16xi32>
          %reduce_max3A_1696 = arith.constant true
          %reduce_max3A_1697 = vector.broadcast %reduce_max3A_1696 : i1 to vector<16xi1>
          %reduce_max3A_1698 = arith.constant -2147483648 : i32
          %reduce_max3A_1699 = vector.broadcast %reduce_max3A_1698 : i32 to vector<16xi32>
          %reduce_max3A_1700 = arith.xori %all_reduce_population_count3A_1695, %reduce_max3A_1699 : vector<16xi32>
          %reduce_max3A_1701 = tpu.scan <max>, %reduce_max3A_1700 masked %reduce_max3A_1697 : vector<16xi32>, vector<16xi1> -> vector<16xi32>
          %reduce_max3A_1702 = arith.xori %reduce_max3A_1701, %reduce_max3A_1699 : vector<16xi32>
          %reduce_max3A_1703 = vector.extract %reduce_max3A_1702[15] : i32 from vector<16xi32>
          %add3A_1704 = arith.addi %add3A_1680, %reduce_max3A_1703 : i32
          %add3A_1705 = arith.constant 32 : i32
          %add3A_1706 = arith.addi %mul3A_1568, %add3A_1705 : i32
          %get3A_1707 = arith.index_cast %add3A_1706 : i32 to index
          %get3A_1708 = tpu.vector_load %arg7[%get3A_1707] {strides = array<i32>} : memref<32768xf32, #tpu.memory_space<vmem>>, vector<16xf32>,
          %gt3A_1709 = arith.cmpf ogt, %get3A_1708, %broadcast_in_dim3A_1657 : vector<16xf32>
          %iota3A_1710 = tpu.iota {dimensions = array<i32: 0>} : vector<16xi32>
          %add3A_1711 = arith.constant 32 : i32
          %add3A_1712 = arith.addi %mul3A_1568, %add3A_1711 : i32
          %add3A_1713 = vector.broadcast %add3A_1712 : i32 to vector<16xi32>
          %add3A_1714 = arith.addi %iota3A_1710, %add3A_1713 : vector<16xi32>
          %swap3A_1715 = arith.index_cast %add3A_1704 : i32 to index
          %swap3A_1716 = tpu.vector_load %arg8[%swap3A_1715] masked %gt3A_1709 {strides = array<i32>} : memref<544xf32, #tpu.memory_space<vmem>>, vector<16xf32>, vector<16xi1>
          tpu.vector_store %arg8[%swap3A_1715], %get3A_1708 masked %gt3A_1709 {strides = array<i32>} : memref<544xf32, #tpu.memory_space<vmem>>, vector<16xf32>, vector<16xi1>
          %swap3A_1717 = arith.index_cast %add3A_1704 : i32 to index
          %swap3A_1718 = tpu.vector_load %arg9[%swap3A_1717] masked %gt3A_1709 {strides = array<i32>} : memref<544xi32, #tpu.memory_space<vmem>>, vector<16xi32>, vector<16xi1>
          tpu.vector_store %arg9[%swap3A_1717], %add3A_1714 masked %gt3A_1709 {strides = array<i32>} : memref<544xi32, #tpu.memory_space<vmem>>, vector<16xi32>, vector<16xi1>
          %all_reduce_population_count3A_1719 = tpu.all_reduce %gt3A_1709 {dim = 0 : i64, kind = #tpu.reduction_kind<sum>} : vector<16xi1> -> vector<16xi32>
          %reduce_max3A_1720 = arith.constant true
          %reduce_max3A_1721 = vector.broadcast %reduce_max3A_1720 : i1 to vector<16xi1>
          %reduce_max3A_1722 = arith.constant -2147483648 : i32
          %reduce_max3A_1723 = vector.broadcast %reduce_max3A_1722 : i32 to vector<16xi32>
          %reduce_max3A_1724 = arith.xori %all_reduce_population_count3A_1719, %reduce_max3A_1723 : vector<16xi32>
          %reduce_max3A_1725 = tpu.scan <max>, %reduce_max3A_1724 masked %reduce_max3A_1721 : vector<16xi32>, vector<16xi1> -> vector<16xi32>
          %reduce_max3A_1726 = arith.xori %reduce_max3A_1725, %reduce_max3A_1723 : vector<16xi32>
          %reduce_max3A_1727 = vector.extract %reduce_max3A_1726[15] : i32 from vector<16xi32>
          %add3A_1728 = arith.addi %add3A_1704, %reduce_max3A_1727 : i32
          %add3A_1729 = arith.constant 48 : i32
          %add3A_1730 = arith.addi %mul3A_1568, %add3A_1729 : i32
          %get3A_1731 = arith.index_cast %add3A_1730 : i32 to index
          %get3A_1732 = tpu.vector_load %arg7[%get3A_1731] {strides = array<i32>} : memref<32768xf32, #tpu.memory_space<vmem>>, vector<16xf32>,
          %gt3A_1733 = arith.cmpf ogt, %get3A_1732, %broadcast_in_dim3A_1657 : vector<16xf32>
          %iota3A_1734 = tpu.iota {dimensions = array<i32: 0>} : vector<16xi32>
          %add3A_1735 = arith.constant 48 : i32
          %add3A_1736 = arith.addi %mul3A_1568, %add3A_1735 : i32
          %add3A_1737 = vector.broadcast %add3A_1736 : i32 to vector<16xi32>
          %add3A_1738 = arith.addi %iota3A_1734, %add3A_1737 : vector<16xi32>
          %swap3A_1739 = arith.index_cast %add3A_1728 : i32 to index
          %swap3A_1740 = tpu.vector_load %arg8[%swap3A_1739] masked %gt3A_1733 {strides = array<i32>} : memref<544xf32, #tpu.memory_space<vmem>>, vector<16xf32>, vector<16xi1>
          tpu.vector_store %arg8[%swap3A_1739], %get3A_1732 masked %gt3A_1733 {strides = array<i32>} : memref<544xf32, #tpu.memory_space<vmem>>, vector<16xf32>, vector<16xi1>
          %swap3A_1741 = arith.index_cast %add3A_1728 : i32 to index
          %swap3A_1742 = tpu.vector_load %arg9[%swap3A_1741] masked %gt3A_1733 {strides = array<i32>} : memref<544xi32, #tpu.memory_space<vmem>>, vector<16xi32>, vector<16xi1>
          tpu.vector_store %arg9[%swap3A_1741], %add3A_1738 masked %gt3A_1733 {strides = array<i32>} : memref<544xi32, #tpu.memory_space<vmem>>, vector<16xi32>, vector<16xi1>
          %all_reduce_population_count3A_1743 = tpu.all_reduce %gt3A_1733 {dim = 0 : i64, kind = #tpu.reduction_kind<sum>} : vector<16xi1> -> vector<16xi32>
          %reduce_max3A_1744 = arith.constant true
          %reduce_max3A_1745 = vector.broadcast %reduce_max3A_1744 : i1 to vector<16xi1>
          %reduce_max3A_1746 = arith.constant -2147483648 : i32
          %reduce_max3A_1747 = vector.broadcast %reduce_max3A_1746 : i32 to vector<16xi32>
          %reduce_max3A_1748 = arith.xori %all_reduce_population_count3A_1743, %reduce_max3A_1747 : vector<16xi32>
          %reduce_max3A_1749 = tpu.scan <max>, %reduce_max3A_1748 masked %reduce_max3A_1745 : vector<16xi32>, vector<16xi1> -> vector<16xi32>
          %reduce_max3A_1750 = arith.xori %reduce_max3A_1749, %reduce_max3A_1747 : vector<16xi32>
          %reduce_max3A_1751 = vector.extract %reduce_max3A_1750[15] : i32 from vector<16xi32>
          %add3A_1752 = arith.addi %add3A_1728, %reduce_max3A_1751 : i32
          %add3A_1753 = arith.constant 64 : i32
          %add3A_1754 = arith.addi %mul3A_1568, %add3A_1753 : i32
          %get3A_1755 = arith.index_cast %add3A_1754 : i32 to index
          %get3A_1756 = tpu.vector_load %arg7[%get3A_1755] {strides = array<i32>} : memref<32768xf32, #tpu.memory_space<vmem>>, vector<16xf32>,
          %gt3A_1757 = arith.cmpf ogt, %get3A_1756, %broadcast_in_dim3A_1657 : vector<16xf32>
          %iota3A_1758 = tpu.iota {dimensions = array<i32: 0>} : vector<16xi32>
          %add3A_1759 = arith.constant 64 : i32
          %add3A_1760 = arith.addi %mul3A_1568, %add3A_1759 : i32
          %add3A_1761 = vector.broadcast %add3A_1760 : i32 to vector<16xi32>
          %add3A_1762 = arith.addi %iota3A_1758, %add3A_1761 : vector<16xi32>
          %swap3A_1763 = arith.index_cast %add3A_1752 : i32 to index
          %swap3A_1764 = tpu.vector_load %arg8[%swap3A_1763] masked %gt3A_1757 {strides = array<i32>} : memref<544xf32, #tpu.memory_space<vmem>>, vector<16xf32>, vector<16xi1>
          tpu.vector_store %arg8[%swap3A_1763], %get3A_1756 masked %gt3A_1757 {strides = array<i32>} : memref<544xf32, #tpu.memory_space<vmem>>, vector<16xf32>, vector<16xi1>
          %swap3A_1765 = arith.index_cast %add3A_1752 : i32 to index
          %swap3A_1766 = tpu.vector_load %arg9[%swap3A_1765] masked %gt3A_1757 {strides = array<i32>} : memref<544xi32, #tpu.memory_space<vmem>>, vector<16xi32>, vector<16xi1>
          tpu.vector_store %arg9[%swap3A_1765], %add3A_1762 masked %gt3A_1757 {strides = array<i32>} : memref<544xi32, #tpu.memory_space<vmem>>, vector<16xi32>, vector<16xi1>
          %all_reduce_population_count3A_1767 = tpu.all_reduce %gt3A_1757 {dim = 0 : i64, kind = #tpu.reduction_kind<sum>} : vector<16xi1> -> vector<16xi32>
          %reduce_max3A_1768 = arith.constant true
          %reduce_max3A_1769 = vector.broadcast %reduce_max3A_1768 : i1 to vector<16xi1>
          %reduce_max3A_1770 = arith.constant -2147483648 : i32
          %reduce_max3A_1771 = vector.broadcast %reduce_max3A_1770 : i32 to vector<16xi32>
          %reduce_max3A_1772 = arith.xori %all_reduce_population_count3A_1767, %reduce_max3A_1771 : vector<16xi32>
          %reduce_max3A_1773 = tpu.scan <max>, %reduce_max3A_1772 masked %reduce_max3A_1769 : vector<16xi32>, vector<16xi1> -> vector<16xi32>
          %reduce_max3A_1774 = arith.xori %reduce_max3A_1773, %reduce_max3A_1771 : vector<16xi32>
          %reduce_max3A_1775 = vector.extract %reduce_max3A_1774[15] : i32 from vector<16xi32>
          %add3A_1776 = arith.addi %add3A_1752, %reduce_max3A_1775 : i32
          %add3A_1777 = arith.constant 80 : i32
          %add3A_1778 = arith.addi %mul3A_1568, %add3A_1777 : i32
          %get3A_1779 = arith.index_cast %add3A_1778 : i32 to index
          %get3A_1780 = tpu.vector_load %arg7[%get3A_1779] {strides = array<i32>} : memref<32768xf32, #tpu.memory_space<vmem>>, vector<16xf32>,
          %gt3A_1781 = arith.cmpf ogt, %get3A_1780, %broadcast_in_dim3A_1657 : vector<16xf32>
          %iota3A_1782 = tpu.iota {dimensions = array<i32: 0>} : vector<16xi32>
          %add3A_1783 = arith.constant 80 : i32
          %add3A_1784 = arith.addi %mul3A_1568, %add3A_1783 : i32
          %add3A_1785 = vector.broadcast %add3A_1784 : i32 to vector<16xi32>
          %add3A_1786 = arith.addi %iota3A_1782, %add3A_1785 : vector<16xi32>
          %swap3A_1787 = arith.index_cast %add3A_1776 : i32 to index
          %swap3A_1788 = tpu.vector_load %arg8[%swap3A_1787] masked %gt3A_1781 {strides = array<i32>} : memref<544xf32, #tpu.memory_space<vmem>>, vector<16xf32>, vector<16xi1>
          tpu.vector_store %arg8[%swap3A_1787], %get3A_1780 masked %gt3A_1781 {strides = array<i32>} : memref<544xf32, #tpu.memory_space<vmem>>, vector<16xf32>, vector<16xi1>
          %swap3A_1789 = arith.index_cast %add3A_1776 : i32 to index
          %swap3A_1790 = tpu.vector_load %arg9[%swap3A_1789] masked %gt3A_1781 {strides = array<i32>} : memref<544xi32, #tpu.memory_space<vmem>>, vector<16xi32>, vector<16xi1>
          tpu.vector_store %arg9[%swap3A_1789], %add3A_1786 masked %gt3A_1781 {strides = array<i32>} : memref<544xi32, #tpu.memory_space<vmem>>, vector<16xi32>, vector<16xi1>
          %all_reduce_population_count3A_1791 = tpu.all_reduce %gt3A_1781 {dim = 0 : i64, kind = #tpu.reduction_kind<sum>} : vector<16xi1> -> vector<16xi32>
          %reduce_max3A_1792 = arith.constant true
          %reduce_max3A_1793 = vector.broadcast %reduce_max3A_1792 : i1 to vector<16xi1>
          %reduce_max3A_1794 = arith.constant -2147483648 : i32
          %reduce_max3A_1795 = vector.broadcast %reduce_max3A_1794 : i32 to vector<16xi32>
          %reduce_max3A_1796 = arith.xori %all_reduce_population_count3A_1791, %reduce_max3A_1795 : vector<16xi32>
          %reduce_max3A_1797 = tpu.scan <max>, %reduce_max3A_1796 masked %reduce_max3A_1793 : vector<16xi32>, vector<16xi1> -> vector<16xi32>
          %reduce_max3A_1798 = arith.xori %reduce_max3A_1797, %reduce_max3A_1795 : vector<16xi32>
          %reduce_max3A_1799 = vector.extract %reduce_max3A_1798[15] : i32 from vector<16xi32>
          %add3A_1800 = arith.addi %add3A_1776, %reduce_max3A_1799 : i32
          %add3A_1801 = arith.constant 96 : i32
          %add3A_1802 = arith.addi %mul3A_1568, %add3A_1801 : i32
          %get3A_1803 = arith.index_cast %add3A_1802 : i32 to index
          %get3A_1804 = tpu.vector_load %arg7[%get3A_1803] {strides = array<i32>} : memref<32768xf32, #tpu.memory_space<vmem>>, vector<16xf32>,
          %gt3A_1805 = arith.cmpf ogt, %get3A_1804, %broadcast_in_dim3A_1657 : vector<16xf32>
          %iota3A_1806 = tpu.iota {dimensions = array<i32: 0>} : vector<16xi32>
          %add3A_1807 = arith.constant 96 : i32
          %add3A_1808 = arith.addi %mul3A_1568, %add3A_1807 : i32
          %add3A_1809 = vector.broadcast %add3A_1808 : i32 to vector<16xi32>
          %add3A_1810 = arith.addi %iota3A_1806, %add3A_1809 : vector<16xi32>
          %swap3A_1811 = arith.index_cast %add3A_1800 : i32 to index
          %swap3A_1812 = tpu.vector_load %arg8[%swap3A_1811] masked %gt3A_1805 {strides = array<i32>} : memref<544xf32, #tpu.memory_space<vmem>>, vector<16xf32>, vector<16xi1>
          tpu.vector_store %arg8[%swap3A_1811], %get3A_1804 masked %gt3A_1805 {strides = array<i32>} : memref<544xf32, #tpu.memory_space<vmem>>, vector<16xf32>, vector<16xi1>
          %swap3A_1813 = arith.index_cast %add3A_1800 : i32 to index
          %swap3A_1814 = tpu.vector_load %arg9[%swap3A_1813] masked %gt3A_1805 {strides = array<i32>} : memref<544xi32, #tpu.memory_space<vmem>>, vector<16xi32>, vector<16xi1>
          tpu.vector_store %arg9[%swap3A_1813], %add3A_1810 masked %gt3A_1805 {strides = array<i32>} : memref<544xi32, #tpu.memory_space<vmem>>, vector<16xi32>, vector<16xi1>
          %all_reduce_population_count3A_1815 = tpu.all_reduce %gt3A_1805 {dim = 0 : i64, kind = #tpu.reduction_kind<sum>} : vector<16xi1> -> vector<16xi32>
          %reduce_max3A_1816 = arith.constant true
          %reduce_max3A_1817 = vector.broadcast %reduce_max3A_1816 : i1 to vector<16xi1>
          %reduce_max3A_1818 = arith.constant -2147483648 : i32
          %reduce_max3A_1819 = vector.broadcast %reduce_max3A_1818 : i32 to vector<16xi32>
          %reduce_max3A_1820 = arith.xori %all_reduce_population_count3A_1815, %reduce_max3A_1819 : vector<16xi32>
          %reduce_max3A_1821 = tpu.scan <max>, %reduce_max3A_1820 masked %reduce_max3A_1817 : vector<16xi32>, vector<16xi1> -> vector<16xi32>
          %reduce_max3A_1822 = arith.xori %reduce_max3A_1821, %reduce_max3A_1819 : vector<16xi32>
          %reduce_max3A_1823 = vector.extract %reduce_max3A_1822[15] : i32 from vector<16xi32>
          %add3A_1824 = arith.addi %add3A_1800, %reduce_max3A_1823 : i32
          %add3A_1825 = arith.constant 112 : i32
          %add3A_1826 = arith.addi %mul3A_1568, %add3A_1825 : i32
          %get3A_1827 = arith.index_cast %add3A_1826 : i32 to index
          %get3A_1828 = tpu.vector_load %arg7[%get3A_1827] {strides = array<i32>} : memref<32768xf32, #tpu.memory_space<vmem>>, vector<16xf32>,
          %gt3A_1829 = arith.cmpf ogt, %get3A_1828, %broadcast_in_dim3A_1657 : vector<16xf32>
          %iota3A_1830 = tpu.iota {dimensions = array<i32: 0>} : vector<16xi32>
          %add3A_1831 = arith.constant 112 : i32
          %add3A_1832 = arith.addi %mul3A_1568, %add3A_1831 : i32
          %add3A_1833 = vector.broadcast %add3A_1832 : i32 to vector<16xi32>
          %add3A_1834 = arith.addi %iota3A_1830, %add3A_1833 : vector<16xi32>
          %swap3A_1835 = arith.index_cast %add3A_1824 : i32 to index
          %swap3A_1836 = tpu.vector_load %arg8[%swap3A_1835] masked %gt3A_1829 {strides = array<i32>} : memref<544xf32, #tpu.memory_space<vmem>>, vector<16xf32>, vector<16xi1>
          tpu.vector_store %arg8[%swap3A_1835], %get3A_1828 masked %gt3A_1829 {strides = array<i32>} : memref<544xf32, #tpu.memory_space<vmem>>, vector<16xf32>, vector<16xi1>
          %swap3A_1837 = arith.index_cast %add3A_1824 : i32 to index
          %swap3A_1838 = tpu.vector_load %arg9[%swap3A_1837] masked %gt3A_1829 {strides = array<i32>} : memref<544xi32, #tpu.memory_space<vmem>>, vector<16xi32>, vector<16xi1>
          tpu.vector_store %arg9[%swap3A_1837], %add3A_1834 masked %gt3A_1829 {strides = array<i32>} : memref<544xi32, #tpu.memory_space<vmem>>, vector<16xi32>, vector<16xi1>
          %all_reduce_population_count3A_1839 = tpu.all_reduce %gt3A_1829 {dim = 0 : i64, kind = #tpu.reduction_kind<sum>} : vector<16xi1> -> vector<16xi32>
          %reduce_max3A_1840 = arith.constant true
          %reduce_max3A_1841 = vector.broadcast %reduce_max3A_1840 : i1 to vector<16xi1>
          %reduce_max3A_1842 = arith.constant -2147483648 : i32
          %reduce_max3A_1843 = vector.broadcast %reduce_max3A_1842 : i32 to vector<16xi32>
          %reduce_max3A_1844 = arith.xori %all_reduce_population_count3A_1839, %reduce_max3A_1843 : vector<16xi32>
          %reduce_max3A_1845 = tpu.scan <max>, %reduce_max3A_1844 masked %reduce_max3A_1841 : vector<16xi32>, vector<16xi1> -> vector<16xi32>
          %reduce_max3A_1846 = arith.xori %reduce_max3A_1845, %reduce_max3A_1843 : vector<16xi32>
          %reduce_max3A_1847 = vector.extract %reduce_max3A_1846[15] : i32 from vector<16xi32>
          %add3A_1848 = arith.addi %add3A_1824, %reduce_max3A_1847 : i32
          %add3A_1849 = arith.constant 128 : i32
          %add3A_1850 = arith.addi %mul3A_1568, %add3A_1849 : i32
          %get3A_1851 = arith.index_cast %add3A_1850 : i32 to index
          %get3A_1852 = tpu.vector_load %arg7[%get3A_1851] {strides = array<i32>} : memref<32768xf32, #tpu.memory_space<vmem>>, vector<16xf32>,
          %gt3A_1853 = arith.cmpf ogt, %get3A_1852, %broadcast_in_dim3A_1657 : vector<16xf32>
          %iota3A_1854 = tpu.iota {dimensions = array<i32: 0>} : vector<16xi32>
          %add3A_1855 = arith.constant 128 : i32
          %add3A_1856 = arith.addi %mul3A_1568, %add3A_1855 : i32
          %add3A_1857 = vector.broadcast %add3A_1856 : i32 to vector<16xi32>
          %add3A_1858 = arith.addi %iota3A_1854, %add3A_1857 : vector<16xi32>
          %swap3A_1859 = arith.index_cast %add3A_1848 : i32 to index
          %swap3A_1860 = tpu.vector_load %arg8[%swap3A_1859] masked %gt3A_1853 {strides = array<i32>} : memref<544xf32, #tpu.memory_space<vmem>>, vector<16xf32>, vector<16xi1>
          tpu.vector_store %arg8[%swap3A_1859], %get3A_1852 masked %gt3A_1853 {strides = array<i32>} : memref<544xf32, #tpu.memory_space<vmem>>, vector<16xf32>, vector<16xi1>
          %swap3A_1861 = arith.index_cast %add3A_1848 : i32 to index
          %swap3A_1862 = tpu.vector_load %arg9[%swap3A_1861] masked %gt3A_1853 {strides = array<i32>} : memref<544xi32, #tpu.memory_space<vmem>>, vector<16xi32>, vector<16xi1>
          tpu.vector_store %arg9[%swap3A_1861], %add3A_1858 masked %gt3A_1853 {strides = array<i32>} : memref<544xi32, #tpu.memory_space<vmem>>, vector<16xi32>, vector<16xi1>
          %all_reduce_population_count3A_1863 = tpu.all_reduce %gt3A_1853 {dim = 0 : i64, kind = #tpu.reduction_kind<sum>} : vector<16xi1> -> vector<16xi32>
          %reduce_max3A_1864 = arith.constant true
          %reduce_max3A_1865 = vector.broadcast %reduce_max3A_1864 : i1 to vector<16xi1>
          %reduce_max3A_1866 = arith.constant -2147483648 : i32
          %reduce_max3A_1867 = vector.broadcast %reduce_max3A_1866 : i32 to vector<16xi32>
          %reduce_max3A_1868 = arith.xori %all_reduce_population_count3A_1863, %reduce_max3A_1867 : vector<16xi32>
          %reduce_max3A_1869 = tpu.scan <max>, %reduce_max3A_1868 masked %reduce_max3A_1865 : vector<16xi32>, vector<16xi1> -> vector<16xi32>
          %reduce_max3A_1870 = arith.xori %reduce_max3A_1869, %reduce_max3A_1867 : vector<16xi32>
          %reduce_max3A_1871 = vector.extract %reduce_max3A_1870[15] : i32 from vector<16xi32>
          %add3A_1872 = arith.addi %add3A_1848, %reduce_max3A_1871 : i32
          %add3A_1873 = arith.constant 144 : i32
          %add3A_1874 = arith.addi %mul3A_1568, %add3A_1873 : i32
          %get3A_1875 = arith.index_cast %add3A_1874 : i32 to index
          %get3A_1876 = tpu.vector_load %arg7[%get3A_1875] {strides = array<i32>} : memref<32768xf32, #tpu.memory_space<vmem>>, vector<16xf32>,
          %gt3A_1877 = arith.cmpf ogt, %get3A_1876, %broadcast_in_dim3A_1657 : vector<16xf32>
          %iota3A_1878 = tpu.iota {dimensions = array<i32: 0>} : vector<16xi32>
          %add3A_1879 = arith.constant 144 : i32
          %add3A_1880 = arith.addi %mul3A_1568, %add3A_1879 : i32
          %add3A_1881 = vector.broadcast %add3A_1880 : i32 to vector<16xi32>
          %add3A_1882 = arith.addi %iota3A_1878, %add3A_1881 : vector<16xi32>
          %swap3A_1883 = arith.index_cast %add3A_1872 : i32 to index
          %swap3A_1884 = tpu.vector_load %arg8[%swap3A_1883] masked %gt3A_1877 {strides = array<i32>} : memref<544xf32, #tpu.memory_space<vmem>>, vector<16xf32>, vector<16xi1>
          tpu.vector_store %arg8[%swap3A_1883], %get3A_1876 masked %gt3A_1877 {strides = array<i32>} : memref<544xf32, #tpu.memory_space<vmem>>, vector<16xf32>, vector<16xi1>
          %swap3A_1885 = arith.index_cast %add3A_1872 : i32 to index
          %swap3A_1886 = tpu.vector_load %arg9[%swap3A_1885] masked %gt3A_1877 {strides = array<i32>} : memref<544xi32, #tpu.memory_space<vmem>>, vector<16xi32>, vector<16xi1>
          tpu.vector_store %arg9[%swap3A_1885], %add3A_1882 masked %gt3A_1877 {strides = array<i32>} : memref<544xi32, #tpu.memory_space<vmem>>, vector<16xi32>, vector<16xi1>
          %all_reduce_population_count3A_1887 = tpu.all_reduce %gt3A_1877 {dim = 0 : i64, kind = #tpu.reduction_kind<sum>} : vector<16xi1> -> vector<16xi32>
          %reduce_max3A_1888 = arith.constant true
          %reduce_max3A_1889 = vector.broadcast %reduce_max3A_1888 : i1 to vector<16xi1>
          %reduce_max3A_1890 = arith.constant -2147483648 : i32
          %reduce_max3A_1891 = vector.broadcast %reduce_max3A_1890 : i32 to vector<16xi32>
          %reduce_max3A_1892 = arith.xori %all_reduce_population_count3A_1887, %reduce_max3A_1891 : vector<16xi32>
          %reduce_max3A_1893 = tpu.scan <max>, %reduce_max3A_1892 masked %reduce_max3A_1889 : vector<16xi32>, vector<16xi1> -> vector<16xi32>
          %reduce_max3A_1894 = arith.xori %reduce_max3A_1893, %reduce_max3A_1891 : vector<16xi32>
          %reduce_max3A_1895 = vector.extract %reduce_max3A_1894[15] : i32 from vector<16xi32>
          %add3A_1896 = arith.addi %add3A_1872, %reduce_max3A_1895 : i32
          %add3A_1897 = arith.constant 160 : i32
          %add3A_1898 = arith.addi %mul3A_1568, %add3A_1897 : i32
          %get3A_1899 = arith.index_cast %add3A_1898 : i32 to index
          %get3A_1900 = tpu.vector_load %arg7[%get3A_1899] {strides = array<i32>} : memref<32768xf32, #tpu.memory_space<vmem>>, vector<16xf32>,
          %gt3A_1901 = arith.cmpf ogt, %get3A_1900, %broadcast_in_dim3A_1657 : vector<16xf32>
          %iota3A_1902 = tpu.iota {dimensions = array<i32: 0>} : vector<16xi32>
          %add3A_1903 = arith.constant 160 : i32
          %add3A_1904 = arith.addi %mul3A_1568, %add3A_1903 : i32
          %add3A_1905 = vector.broadcast %add3A_1904 : i32 to vector<16xi32>
          %add3A_1906 = arith.addi %iota3A_1902, %add3A_1905 : vector<16xi32>
          %swap3A_1907 = arith.index_cast %add3A_1896 : i32 to index
          %swap3A_1908 = tpu.vector_load %arg8[%swap3A_1907] masked %gt3A_1901 {strides = array<i32>} : memref<544xf32, #tpu.memory_space<vmem>>, vector<16xf32>, vector<16xi1>
          tpu.vector_store %arg8[%swap3A_1907], %get3A_1900 masked %gt3A_1901 {strides = array<i32>} : memref<544xf32, #tpu.memory_space<vmem>>, vector<16xf32>, vector<16xi1>
          %swap3A_1909 = arith.index_cast %add3A_1896 : i32 to index
          %swap3A_1910 = tpu.vector_load %arg9[%swap3A_1909] masked %gt3A_1901 {strides = array<i32>} : memref<544xi32, #tpu.memory_space<vmem>>, vector<16xi32>, vector<16xi1>
          tpu.vector_store %arg9[%swap3A_1909], %add3A_1906 masked %gt3A_1901 {strides = array<i32>} : memref<544xi32, #tpu.memory_space<vmem>>, vector<16xi32>, vector<16xi1>
          %all_reduce_population_count3A_1911 = tpu.all_reduce %gt3A_1901 {dim = 0 : i64, kind = #tpu.reduction_kind<sum>} : vector<16xi1> -> vector<16xi32>
          %reduce_max3A_1912 = arith.constant true
          %reduce_max3A_1913 = vector.broadcast %reduce_max3A_1912 : i1 to vector<16xi1>
          %reduce_max3A_1914 = arith.constant -2147483648 : i32
          %reduce_max3A_1915 = vector.broadcast %reduce_max3A_1914 : i32 to vector<16xi32>
          %reduce_max3A_1916 = arith.xori %all_reduce_population_count3A_1911, %reduce_max3A_1915 : vector<16xi32>
          %reduce_max3A_1917 = tpu.scan <max>, %reduce_max3A_1916 masked %reduce_max3A_1913 : vector<16xi32>, vector<16xi1> -> vector<16xi32>
          %reduce_max3A_1918 = arith.xori %reduce_max3A_1917, %reduce_max3A_1915 : vector<16xi32>
          %reduce_max3A_1919 = vector.extract %reduce_max3A_1918[15] : i32 from vector<16xi32>
          %add3A_1920 = arith.addi %add3A_1896, %reduce_max3A_1919 : i32
          %add3A_1921 = arith.constant 176 : i32
          %add3A_1922 = arith.addi %mul3A_1568, %add3A_1921 : i32
          %get3A_1923 = arith.index_cast %add3A_1922 : i32 to index
          %get3A_1924 = tpu.vector_load %arg7[%get3A_1923] {strides = array<i32>} : memref<32768xf32, #tpu.memory_space<vmem>>, vector<16xf32>,
          %gt3A_1925 = arith.cmpf ogt, %get3A_1924, %broadcast_in_dim3A_1657 : vector<16xf32>
          %iota3A_1926 = tpu.iota {dimensions = array<i32: 0>} : vector<16xi32>
          %add3A_1927 = arith.constant 176 : i32
          %add3A_1928 = arith.addi %mul3A_1568, %add3A_1927 : i32
          %add3A_1929 = vector.broadcast %add3A_1928 : i32 to vector<16xi32>
          %add3A_1930 = arith.addi %iota3A_1926, %add3A_1929 : vector<16xi32>
          %swap3A_1931 = arith.index_cast %add3A_1920 : i32 to index
          %swap3A_1932 = tpu.vector_load %arg8[%swap3A_1931] masked %gt3A_1925 {strides = array<i32>} : memref<544xf32, #tpu.memory_space<vmem>>, vector<16xf32>, vector<16xi1>
          tpu.vector_store %arg8[%swap3A_1931], %get3A_1924 masked %gt3A_1925 {strides = array<i32>} : memref<544xf32, #tpu.memory_space<vmem>>, vector<16xf32>, vector<16xi1>
          %swap3A_1933 = arith.index_cast %add3A_1920 : i32 to index
          %swap3A_1934 = tpu.vector_load %arg9[%swap3A_1933] masked %gt3A_1925 {strides = array<i32>} : memref<544xi32, #tpu.memory_space<vmem>>, vector<16xi32>, vector<16xi1>
          tpu.vector_store %arg9[%swap3A_1933], %add3A_1930 masked %gt3A_1925 {strides = array<i32>} : memref<544xi32, #tpu.memory_space<vmem>>, vector<16xi32>, vector<16xi1>
          %all_reduce_population_count3A_1935 = tpu.all_reduce %gt3A_1925 {dim = 0 : i64, kind = #tpu.reduction_kind<sum>} : vector<16xi1> -> vector<16xi32>
          %reduce_max3A_1936 = arith.constant true
          %reduce_max3A_1937 = vector.broadcast %reduce_max3A_1936 : i1 to vector<16xi1>
          %reduce_max3A_1938 = arith.constant -2147483648 : i32
          %reduce_max3A_1939 = vector.broadcast %reduce_max3A_1938 : i32 to vector<16xi32>
          %reduce_max3A_1940 = arith.xori %all_reduce_population_count3A_1935, %reduce_max3A_1939 : vector<16xi32>
          %reduce_max3A_1941 = tpu.scan <max>, %reduce_max3A_1940 masked %reduce_max3A_1937 : vector<16xi32>, vector<16xi1> -> vector<16xi32>
          %reduce_max3A_1942 = arith.xori %reduce_max3A_1941, %reduce_max3A_1939 : vector<16xi32>
          %reduce_max3A_1943 = vector.extract %reduce_max3A_1942[15] : i32 from vector<16xi32>
          %add3A_1944 = arith.addi %add3A_1920, %reduce_max3A_1943 : i32
          %add3A_1945 = arith.constant 192 : i32
          %add3A_1946 = arith.addi %mul3A_1568, %add3A_1945 : i32
          %get3A_1947 = arith.index_cast %add3A_1946 : i32 to index
          %get3A_1948 = tpu.vector_load %arg7[%get3A_1947] {strides = array<i32>} : memref<32768xf32, #tpu.memory_space<vmem>>, vector<16xf32>,
          %gt3A_1949 = arith.cmpf ogt, %get3A_1948, %broadcast_in_dim3A_1657 : vector<16xf32>
          %iota3A_1950 = tpu.iota {dimensions = array<i32: 0>} : vector<16xi32>
          %add3A_1951 = arith.constant 192 : i32
          %add3A_1952 = arith.addi %mul3A_1568, %add3A_1951 : i32
          %add3A_1953 = vector.broadcast %add3A_1952 : i32 to vector<16xi32>
          %add3A_1954 = arith.addi %iota3A_1950, %add3A_1953 : vector<16xi32>
          %swap3A_1955 = arith.index_cast %add3A_1944 : i32 to index
          %swap3A_1956 = tpu.vector_load %arg8[%swap3A_1955] masked %gt3A_1949 {strides = array<i32>} : memref<544xf32, #tpu.memory_space<vmem>>, vector<16xf32>, vector<16xi1>
          tpu.vector_store %arg8[%swap3A_1955], %get3A_1948 masked %gt3A_1949 {strides = array<i32>} : memref<544xf32, #tpu.memory_space<vmem>>, vector<16xf32>, vector<16xi1>
          %swap3A_1957 = arith.index_cast %add3A_1944 : i32 to index
          %swap3A_1958 = tpu.vector_load %arg9[%swap3A_1957] masked %gt3A_1949 {strides = array<i32>} : memref<544xi32, #tpu.memory_space<vmem>>, vector<16xi32>, vector<16xi1>
          tpu.vector_store %arg9[%swap3A_1957], %add3A_1954 masked %gt3A_1949 {strides = array<i32>} : memref<544xi32, #tpu.memory_space<vmem>>, vector<16xi32>, vector<16xi1>
          %all_reduce_population_count3A_1959 = tpu.all_reduce %gt3A_1949 {dim = 0 : i64, kind = #tpu.reduction_kind<sum>} : vector<16xi1> -> vector<16xi32>
          %reduce_max3A_1960 = arith.constant true
          %reduce_max3A_1961 = vector.broadcast %reduce_max3A_1960 : i1 to vector<16xi1>
          %reduce_max3A_1962 = arith.constant -2147483648 : i32
          %reduce_max3A_1963 = vector.broadcast %reduce_max3A_1962 : i32 to vector<16xi32>
          %reduce_max3A_1964 = arith.xori %all_reduce_population_count3A_1959, %reduce_max3A_1963 : vector<16xi32>
          %reduce_max3A_1965 = tpu.scan <max>, %reduce_max3A_1964 masked %reduce_max3A_1961 : vector<16xi32>, vector<16xi1> -> vector<16xi32>
          %reduce_max3A_1966 = arith.xori %reduce_max3A_1965, %reduce_max3A_1963 : vector<16xi32>
          %reduce_max3A_1967 = vector.extract %reduce_max3A_1966[15] : i32 from vector<16xi32>
          %add3A_1968 = arith.addi %add3A_1944, %reduce_max3A_1967 : i32
          %add3A_1969 = arith.constant 208 : i32
          %add3A_1970 = arith.addi %mul3A_1568, %add3A_1969 : i32
          %get3A_1971 = arith.index_cast %add3A_1970 : i32 to index
          %get3A_1972 = tpu.vector_load %arg7[%get3A_1971] {strides = array<i32>} : memref<32768xf32, #tpu.memory_space<vmem>>, vector<16xf32>,
          %gt3A_1973 = arith.cmpf ogt, %get3A_1972, %broadcast_in_dim3A_1657 : vector<16xf32>
          %iota3A_1974 = tpu.iota {dimensions = array<i32: 0>} : vector<16xi32>
          %add3A_1975 = arith.constant 208 : i32
          %add3A_1976 = arith.addi %mul3A_1568, %add3A_1975 : i32
          %add3A_1977 = vector.broadcast %add3A_1976 : i32 to vector<16xi32>
          %add3A_1978 = arith.addi %iota3A_1974, %add3A_1977 : vector<16xi32>
          %swap3A_1979 = arith.index_cast %add3A_1968 : i32 to index
          %swap3A_1980 = tpu.vector_load %arg8[%swap3A_1979] masked %gt3A_1973 {strides = array<i32>} : memref<544xf32, #tpu.memory_space<vmem>>, vector<16xf32>, vector<16xi1>
          tpu.vector_store %arg8[%swap3A_1979], %get3A_1972 masked %gt3A_1973 {strides = array<i32>} : memref<544xf32, #tpu.memory_space<vmem>>, vector<16xf32>, vector<16xi1>
          %swap3A_1981 = arith.index_cast %add3A_1968 : i32 to index
          %swap3A_1982 = tpu.vector_load %arg9[%swap3A_1981] masked %gt3A_1973 {strides = array<i32>} : memref<544xi32, #tpu.memory_space<vmem>>, vector<16xi32>, vector<16xi1>
          tpu.vector_store %arg9[%swap3A_1981], %add3A_1978 masked %gt3A_1973 {strides = array<i32>} : memref<544xi32, #tpu.memory_space<vmem>>, vector<16xi32>, vector<16xi1>
          %all_reduce_population_count3A_1983 = tpu.all_reduce %gt3A_1973 {dim = 0 : i64, kind = #tpu.reduction_kind<sum>} : vector<16xi1> -> vector<16xi32>
          %reduce_max3A_1984 = arith.constant true
          %reduce_max3A_1985 = vector.broadcast %reduce_max3A_1984 : i1 to vector<16xi1>
          %reduce_max3A_1986 = arith.constant -2147483648 : i32
          %reduce_max3A_1987 = vector.broadcast %reduce_max3A_1986 : i32 to vector<16xi32>
          %reduce_max3A_1988 = arith.xori %all_reduce_population_count3A_1983, %reduce_max3A_1987 : vector<16xi32>
          %reduce_max3A_1989 = tpu.scan <max>, %reduce_max3A_1988 masked %reduce_max3A_1985 : vector<16xi32>, vector<16xi1> -> vector<16xi32>
          %reduce_max3A_1990 = arith.xori %reduce_max3A_1989, %reduce_max3A_1987 : vector<16xi32>
          %reduce_max3A_1991 = vector.extract %reduce_max3A_1990[15] : i32 from vector<16xi32>
          %add3A_1992 = arith.addi %add3A_1968, %reduce_max3A_1991 : i32
          %add3A_1993 = arith.constant 224 : i32
          %add3A_1994 = arith.addi %mul3A_1568, %add3A_1993 : i32
          %get3A_1995 = arith.index_cast %add3A_1994 : i32 to index
          %get3A_1996 = tpu.vector_load %arg7[%get3A_1995] {strides = array<i32>} : memref<32768xf32, #tpu.memory_space<vmem>>, vector<16xf32>,
          %gt3A_1997 = arith.cmpf ogt, %get3A_1996, %broadcast_in_dim3A_1657 : vector<16xf32>
          %iota3A_1998 = tpu.iota {dimensions = array<i32: 0>} : vector<16xi32>
          %add3A_1999 = arith.constant 224 : i32
          %add3A_2000 = arith.addi %mul3A_1568, %add3A_1999 : i32
          %add3A_2001 = vector.broadcast %add3A_2000 : i32 to vector<16xi32>
          %add3A_2002 = arith.addi %iota3A_1998, %add3A_2001 : vector<16xi32>
          %swap3A_2003 = arith.index_cast %add3A_1992 : i32 to index
          %swap3A_2004 = tpu.vector_load %arg8[%swap3A_2003] masked %gt3A_1997 {strides = array<i32>} : memref<544xf32, #tpu.memory_space<vmem>>, vector<16xf32>, vector<16xi1>
          tpu.vector_store %arg8[%swap3A_2003], %get3A_1996 masked %gt3A_1997 {strides = array<i32>} : memref<544xf32, #tpu.memory_space<vmem>>, vector<16xf32>, vector<16xi1>
          %swap3A_2005 = arith.index_cast %add3A_1992 : i32 to index
          %swap3A_2006 = tpu.vector_load %arg9[%swap3A_2005] masked %gt3A_1997 {strides = array<i32>} : memref<544xi32, #tpu.memory_space<vmem>>, vector<16xi32>, vector<16xi1>
          tpu.vector_store %arg9[%swap3A_2005], %add3A_2002 masked %gt3A_1997 {strides = array<i32>} : memref<544xi32, #tpu.memory_space<vmem>>, vector<16xi32>, vector<16xi1>
          %all_reduce_population_count3A_2007 = tpu.all_reduce %gt3A_1997 {dim = 0 : i64, kind = #tpu.reduction_kind<sum>} : vector<16xi1> -> vector<16xi32>
          %reduce_max3A_2008 = arith.constant true
          %reduce_max3A_2009 = vector.broadcast %reduce_max3A_2008 : i1 to vector<16xi1>
          %reduce_max3A_2010 = arith.constant -2147483648 : i32
          %reduce_max3A_2011 = vector.broadcast %reduce_max3A_2010 : i32 to vector<16xi32>
          %reduce_max3A_2012 = arith.xori %all_reduce_population_count3A_2007, %reduce_max3A_2011 : vector<16xi32>
          %reduce_max3A_2013 = tpu.scan <max>, %reduce_max3A_2012 masked %reduce_max3A_2009 : vector<16xi32>, vector<16xi1> -> vector<16xi32>
          %reduce_max3A_2014 = arith.xori %reduce_max3A_2013, %reduce_max3A_2011 : vector<16xi32>
          %reduce_max3A_2015 = vector.extract %reduce_max3A_2014[15] : i32 from vector<16xi32>
          %add3A_2016 = arith.addi %add3A_1992, %reduce_max3A_2015 : i32
          %add3A_2017 = arith.constant 240 : i32
          %add3A_2018 = arith.addi %mul3A_1568, %add3A_2017 : i32
          %get3A_2019 = arith.index_cast %add3A_2018 : i32 to index
          %get3A_2020 = tpu.vector_load %arg7[%get3A_2019] {strides = array<i32>} : memref<32768xf32, #tpu.memory_space<vmem>>, vector<16xf32>,
          %gt3A_2021 = arith.cmpf ogt, %get3A_2020, %broadcast_in_dim3A_1657 : vector<16xf32>
          %iota3A_2022 = tpu.iota {dimensions = array<i32: 0>} : vector<16xi32>
          %add3A_2023 = arith.constant 240 : i32
          %add3A_2024 = arith.addi %mul3A_1568, %add3A_2023 : i32
          %add3A_2025 = vector.broadcast %add3A_2024 : i32 to vector<16xi32>
          %add3A_2026 = arith.addi %iota3A_2022, %add3A_2025 : vector<16xi32>
          %swap3A_2027 = arith.index_cast %add3A_2016 : i32 to index
          %swap3A_2028 = tpu.vector_load %arg8[%swap3A_2027] masked %gt3A_2021 {strides = array<i32>} : memref<544xf32, #tpu.memory_space<vmem>>, vector<16xf32>, vector<16xi1>
          tpu.vector_store %arg8[%swap3A_2027], %get3A_2020 masked %gt3A_2021 {strides = array<i32>} : memref<544xf32, #tpu.memory_space<vmem>>, vector<16xf32>, vector<16xi1>
          %swap3A_2029 = arith.index_cast %add3A_2016 : i32 to index
          %swap3A_2030 = tpu.vector_load %arg9[%swap3A_2029] masked %gt3A_2021 {strides = array<i32>} : memref<544xi32, #tpu.memory_space<vmem>>, vector<16xi32>, vector<16xi1>
          tpu.vector_store %arg9[%swap3A_2029], %add3A_2026 masked %gt3A_2021 {strides = array<i32>} : memref<544xi32, #tpu.memory_space<vmem>>, vector<16xi32>, vector<16xi1>
          %all_reduce_population_count3A_2031 = tpu.all_reduce %gt3A_2021 {dim = 0 : i64, kind = #tpu.reduction_kind<sum>} : vector<16xi1> -> vector<16xi32>
          %reduce_max3A_2032 = arith.constant true
          %reduce_max3A_2033 = vector.broadcast %reduce_max3A_2032 : i1 to vector<16xi1>
          %reduce_max3A_2034 = arith.constant -2147483648 : i32
          %reduce_max3A_2035 = vector.broadcast %reduce_max3A_2034 : i32 to vector<16xi32>
          %reduce_max3A_2036 = arith.xori %all_reduce_population_count3A_2031, %reduce_max3A_2035 : vector<16xi32>
          %reduce_max3A_2037 = tpu.scan <max>, %reduce_max3A_2036 masked %reduce_max3A_2033 : vector<16xi32>, vector<16xi1> -> vector<16xi32>
          %reduce_max3A_2038 = arith.xori %reduce_max3A_2037, %reduce_max3A_2035 : vector<16xi32>
          %reduce_max3A_2039 = vector.extract %reduce_max3A_2038[15] : i32 from vector<16xi32>
          %add3A_2040 = arith.addi %add3A_2016, %reduce_max3A_2039 : i32
          scf.yield %add3A_2040 : i32
        } else {
          scf.yield %scan3A_1566 : i32
        }
        %ge3A = arith.constant 256 : i32
        %ge3A_1652 = arith.cmpi sge, %cond3A_1651, %ge3A : i32
        %convert_element_type3A_1653 = arith.extui %ge3A_1652 : i1 to i32
        %cond3A_1654 = arith.constant 0 : i32
        %cond3A_1655 = arith.cmpi ne, %convert_element_type3A_1653, %cond3A_1654 : i32
        %cond3A_1656:2 = scf.if %cond3A_1655 -> (f32, i32) {
          %broadcast_in_dim3A_1657 = arith.constant -3.000000e+38 : f32
          %broadcast_in_dim3A_1658 = vector.broadcast %broadcast_in_dim3A_1657 : f32 to vector<16xf32>
          %get3A_1659 = arith.constant 0 : index
          %get3A_1660 = tpu.vector_load %arg8[%get3A_1659] {strides = array<i32>} : memref<544xf32, #tpu.memory_space<vmem>>, vector<16xf32>,
          %reduce_max3A_1661 = arith.constant true
          %reduce_max3A_1662 = vector.broadcast %reduce_max3A_1661 : i1 to vector<16xi1>
          %reduce_max3A_1663 = tpu.scan <max>, %get3A_1660 masked %reduce_max3A_1662 : vector<16xf32>, vector<16xi1> -> vector<16xf32>
          %reduce_max3A_1664 = vector.extract %reduce_max3A_1663[15] : f32 from vector<16xf32>
          %iota3A_1665 = tpu.iota {dimensions = array<i32: 0>} : vector<16xi32>
          %eq3A_1666 = arith.constant 0 : i32
          %eq3A_1667 = vector.broadcast %eq3A_1666 : i32 to vector<16xi32>
          %eq3A_1668 = arith.cmpi eq, %iota3A_1665, %eq3A_1667 : vector<16xi32>
          %broadcast_in_dim3A_1669 = vector.broadcast %reduce_max3A_1664 : f32 to vector<16xf32>
          %select_n3A_1670 = arith.select %eq3A_1668, %broadcast_in_dim3A_1669, %broadcast_in_dim3A_1658 : vector<16xi1>, vector<16xf32>
          %get3A_1671 = arith.constant 16 : index
          %get3A_1672 = tpu.vector_load %arg8[%get3A_1671] {strides = array<i32>} : memref<544xf32, #tpu.memory_space<vmem>>, vector<16xf32>,
          %reduce_max3A_1673 = arith.constant true
          %reduce_max3A_1674 = vector.broadcast %reduce_max3A_1673 : i1 to vector<16xi1>
          %reduce_max3A_1675 = tpu.scan <max>, %get3A_1672 masked %reduce_max3A_1674 : vector<16xf32>, vector<16xi1> -> vector<16xf32>
          %reduce_max3A_1676 = vector.extract %reduce_max3A_1675[15] : f32 from vector<16xf32>
          %iota3A_1677 = tpu.iota {dimensions = array<i32: 0>} : vector<16xi32>
          %eq3A_1678 = arith.constant 1 : i32
          %eq3A_1679 = vector.broadcast %eq3A_1678 : i32 to vector<16xi32>
          %eq3A_1680 = arith.cmpi eq, %iota3A_1677, %eq3A_1679 : vector<16xi32>
          %broadcast_in_dim3A_1681 = vector.broadcast %reduce_max3A_1676 : f32 to vector<16xf32>
          %select_n3A_1682 = arith.select %eq3A_1680, %broadcast_in_dim3A_1681, %select_n3A_1670 : vector<16xi1>, vector<16xf32>
          %get3A_1683 = arith.constant 32 : index
          %get3A_1684 = tpu.vector_load %arg8[%get3A_1683] {strides = array<i32>} : memref<544xf32, #tpu.memory_space<vmem>>, vector<16xf32>,
          %reduce_max3A_1685 = arith.constant true
          %reduce_max3A_1686 = vector.broadcast %reduce_max3A_1685 : i1 to vector<16xi1>
          %reduce_max3A_1687 = tpu.scan <max>, %get3A_1684 masked %reduce_max3A_1686 : vector<16xf32>, vector<16xi1> -> vector<16xf32>
          %reduce_max3A_1688 = vector.extract %reduce_max3A_1687[15] : f32 from vector<16xf32>
          %iota3A_1689 = tpu.iota {dimensions = array<i32: 0>} : vector<16xi32>
          %eq3A_1690 = arith.constant 2 : i32
          %eq3A_1691 = vector.broadcast %eq3A_1690 : i32 to vector<16xi32>
          %eq3A_1692 = arith.cmpi eq, %iota3A_1689, %eq3A_1691 : vector<16xi32>
          %broadcast_in_dim3A_1693 = vector.broadcast %reduce_max3A_1688 : f32 to vector<16xf32>
          %select_n3A_1694 = arith.select %eq3A_1692, %broadcast_in_dim3A_1693, %select_n3A_1682 : vector<16xi1>, vector<16xf32>
          %get3A_1695 = arith.constant 48 : index
          %get3A_1696 = tpu.vector_load %arg8[%get3A_1695] {strides = array<i32>} : memref<544xf32, #tpu.memory_space<vmem>>, vector<16xf32>,
          %reduce_max3A_1697 = arith.constant true
          %reduce_max3A_1698 = vector.broadcast %reduce_max3A_1697 : i1 to vector<16xi1>
          %reduce_max3A_1699 = tpu.scan <max>, %get3A_1696 masked %reduce_max3A_1698 : vector<16xf32>, vector<16xi1> -> vector<16xf32>
          %reduce_max3A_1700 = vector.extract %reduce_max3A_1699[15] : f32 from vector<16xf32>
          %iota3A_1701 = tpu.iota {dimensions = array<i32: 0>} : vector<16xi32>
          %eq3A_1702 = arith.constant 3 : i32
          %eq3A_1703 = vector.broadcast %eq3A_1702 : i32 to vector<16xi32>
          %eq3A_1704 = arith.cmpi eq, %iota3A_1701, %eq3A_1703 : vector<16xi32>
          %broadcast_in_dim3A_1705 = vector.broadcast %reduce_max3A_1700 : f32 to vector<16xf32>
          %select_n3A_1706 = arith.select %eq3A_1704, %broadcast_in_dim3A_1705, %select_n3A_1694 : vector<16xi1>, vector<16xf32>
          %get3A_1707 = arith.constant 64 : index
          %get3A_1708 = tpu.vector_load %arg8[%get3A_1707] {strides = array<i32>} : memref<544xf32, #tpu.memory_space<vmem>>, vector<16xf32>,
          %reduce_max3A_1709 = arith.constant true
          %reduce_max3A_1710 = vector.broadcast %reduce_max3A_1709 : i1 to vector<16xi1>
          %reduce_max3A_1711 = tpu.scan <max>, %get3A_1708 masked %reduce_max3A_1710 : vector<16xf32>, vector<16xi1> -> vector<16xf32>
          %reduce_max3A_1712 = vector.extract %reduce_max3A_1711[15] : f32 from vector<16xf32>
          %iota3A_1713 = tpu.iota {dimensions = array<i32: 0>} : vector<16xi32>
          %eq3A_1714 = arith.constant 4 : i32
          %eq3A_1715 = vector.broadcast %eq3A_1714 : i32 to vector<16xi32>
          %eq3A_1716 = arith.cmpi eq, %iota3A_1713, %eq3A_1715 : vector<16xi32>
          %broadcast_in_dim3A_1717 = vector.broadcast %reduce_max3A_1712 : f32 to vector<16xf32>
          %select_n3A_1718 = arith.select %eq3A_1716, %broadcast_in_dim3A_1717, %select_n3A_1706 : vector<16xi1>, vector<16xf32>
          %get3A_1719 = arith.constant 80 : index
          %get3A_1720 = tpu.vector_load %arg8[%get3A_1719] {strides = array<i32>} : memref<544xf32, #tpu.memory_space<vmem>>, vector<16xf32>,
          %reduce_max3A_1721 = arith.constant true
          %reduce_max3A_1722 = vector.broadcast %reduce_max3A_1721 : i1 to vector<16xi1>
          %reduce_max3A_1723 = tpu.scan <max>, %get3A_1720 masked %reduce_max3A_1722 : vector<16xf32>, vector<16xi1> -> vector<16xf32>
          %reduce_max3A_1724 = vector.extract %reduce_max3A_1723[15] : f32 from vector<16xf32>
          %iota3A_1725 = tpu.iota {dimensions = array<i32: 0>} : vector<16xi32>
          %eq3A_1726 = arith.constant 5 : i32
          %eq3A_1727 = vector.broadcast %eq3A_1726 : i32 to vector<16xi32>
          %eq3A_1728 = arith.cmpi eq, %iota3A_1725, %eq3A_1727 : vector<16xi32>
          %broadcast_in_dim3A_1729 = vector.broadcast %reduce_max3A_1724 : f32 to vector<16xf32>
          %select_n3A_1730 = arith.select %eq3A_1728, %broadcast_in_dim3A_1729, %select_n3A_1718 : vector<16xi1>, vector<16xf32>
          %get3A_1731 = arith.constant 96 : index
          %get3A_1732 = tpu.vector_load %arg8[%get3A_1731] {strides = array<i32>} : memref<544xf32, #tpu.memory_space<vmem>>, vector<16xf32>,
          %reduce_max3A_1733 = arith.constant true
          %reduce_max3A_1734 = vector.broadcast %reduce_max3A_1733 : i1 to vector<16xi1>
          %reduce_max3A_1735 = tpu.scan <max>, %get3A_1732 masked %reduce_max3A_1734 : vector<16xf32>, vector<16xi1> -> vector<16xf32>
          %reduce_max3A_1736 = vector.extract %reduce_max3A_1735[15] : f32 from vector<16xf32>
          %iota3A_1737 = tpu.iota {dimensions = array<i32: 0>} : vector<16xi32>
          %eq3A_1738 = arith.constant 6 : i32
          %eq3A_1739 = vector.broadcast %eq3A_1738 : i32 to vector<16xi32>
          %eq3A_1740 = arith.cmpi eq, %iota3A_1737, %eq3A_1739 : vector<16xi32>
          %broadcast_in_dim3A_1741 = vector.broadcast %reduce_max3A_1736 : f32 to vector<16xf32>
          %select_n3A_1742 = arith.select %eq3A_1740, %broadcast_in_dim3A_1741, %select_n3A_1730 : vector<16xi1>, vector<16xf32>
          %get3A_1743 = arith.constant 112 : index
          %get3A_1744 = tpu.vector_load %arg8[%get3A_1743] {strides = array<i32>} : memref<544xf32, #tpu.memory_space<vmem>>, vector<16xf32>,
          %reduce_max3A_1745 = arith.constant true
          %reduce_max3A_1746 = vector.broadcast %reduce_max3A_1745 : i1 to vector<16xi1>
          %reduce_max3A_1747 = tpu.scan <max>, %get3A_1744 masked %reduce_max3A_1746 : vector<16xf32>, vector<16xi1> -> vector<16xf32>
          %reduce_max3A_1748 = vector.extract %reduce_max3A_1747[15] : f32 from vector<16xf32>
          %iota3A_1749 = tpu.iota {dimensions = array<i32: 0>} : vector<16xi32>
          %eq3A_1750 = arith.constant 7 : i32
          %eq3A_1751 = vector.broadcast %eq3A_1750 : i32 to vector<16xi32>
          %eq3A_1752 = arith.cmpi eq, %iota3A_1749, %eq3A_1751 : vector<16xi32>
          %broadcast_in_dim3A_1753 = vector.broadcast %reduce_max3A_1748 : f32 to vector<16xf32>
          %select_n3A_1754 = arith.select %eq3A_1752, %broadcast_in_dim3A_1753, %select_n3A_1742 : vector<16xi1>, vector<16xf32>
          %get3A_1755 = arith.constant 128 : index
          %get3A_1756 = tpu.vector_load %arg8[%get3A_1755] {strides = array<i32>} : memref<544xf32, #tpu.memory_space<vmem>>, vector<16xf32>,
          %reduce_max3A_1757 = arith.constant true
          %reduce_max3A_1758 = vector.broadcast %reduce_max3A_1757 : i1 to vector<16xi1>
          %reduce_max3A_1759 = tpu.scan <max>, %get3A_1756 masked %reduce_max3A_1758 : vector<16xf32>, vector<16xi1> -> vector<16xf32>
          %reduce_max3A_1760 = vector.extract %reduce_max3A_1759[15] : f32 from vector<16xf32>
          %iota3A_1761 = tpu.iota {dimensions = array<i32: 0>} : vector<16xi32>
          %eq3A_1762 = arith.constant 8 : i32
          %eq3A_1763 = vector.broadcast %eq3A_1762 : i32 to vector<16xi32>
          %eq3A_1764 = arith.cmpi eq, %iota3A_1761, %eq3A_1763 : vector<16xi32>
          %broadcast_in_dim3A_1765 = vector.broadcast %reduce_max3A_1760 : f32 to vector<16xf32>
          %select_n3A_1766 = arith.select %eq3A_1764, %broadcast_in_dim3A_1765, %select_n3A_1754 : vector<16xi1>, vector<16xf32>
          %get3A_1767 = arith.constant 144 : index
          %get3A_1768 = tpu.vector_load %arg8[%get3A_1767] {strides = array<i32>} : memref<544xf32, #tpu.memory_space<vmem>>, vector<16xf32>,
          %reduce_max3A_1769 = arith.constant true
          %reduce_max3A_1770 = vector.broadcast %reduce_max3A_1769 : i1 to vector<16xi1>
          %reduce_max3A_1771 = tpu.scan <max>, %get3A_1768 masked %reduce_max3A_1770 : vector<16xf32>, vector<16xi1> -> vector<16xf32>
          %reduce_max3A_1772 = vector.extract %reduce_max3A_1771[15] : f32 from vector<16xf32>
          %iota3A_1773 = tpu.iota {dimensions = array<i32: 0>} : vector<16xi32>
          %eq3A_1774 = arith.constant 9 : i32
          %eq3A_1775 = vector.broadcast %eq3A_1774 : i32 to vector<16xi32>
          %eq3A_1776 = arith.cmpi eq, %iota3A_1773, %eq3A_1775 : vector<16xi32>
          %broadcast_in_dim3A_1777 = vector.broadcast %reduce_max3A_1772 : f32 to vector<16xf32>
          %select_n3A_1778 = arith.select %eq3A_1776, %broadcast_in_dim3A_1777, %select_n3A_1766 : vector<16xi1>, vector<16xf32>
          %get3A_1779 = arith.constant 160 : index
          %get3A_1780 = tpu.vector_load %arg8[%get3A_1779] {strides = array<i32>} : memref<544xf32, #tpu.memory_space<vmem>>, vector<16xf32>,
          %reduce_max3A_1781 = arith.constant true
          %reduce_max3A_1782 = vector.broadcast %reduce_max3A_1781 : i1 to vector<16xi1>
          %reduce_max3A_1783 = tpu.scan <max>, %get3A_1780 masked %reduce_max3A_1782 : vector<16xf32>, vector<16xi1> -> vector<16xf32>
          %reduce_max3A_1784 = vector.extract %reduce_max3A_1783[15] : f32 from vector<16xf32>
          %iota3A_1785 = tpu.iota {dimensions = array<i32: 0>} : vector<16xi32>
          %eq3A_1786 = arith.constant 10 : i32
          %eq3A_1787 = vector.broadcast %eq3A_1786 : i32 to vector<16xi32>
          %eq3A_1788 = arith.cmpi eq, %iota3A_1785, %eq3A_1787 : vector<16xi32>
          %broadcast_in_dim3A_1789 = vector.broadcast %reduce_max3A_1784 : f32 to vector<16xf32>
          %select_n3A_1790 = arith.select %eq3A_1788, %broadcast_in_dim3A_1789, %select_n3A_1778 : vector<16xi1>, vector<16xf32>
          %get3A_1791 = arith.constant 176 : index
          %get3A_1792 = tpu.vector_load %arg8[%get3A_1791] {strides = array<i32>} : memref<544xf32, #tpu.memory_space<vmem>>, vector<16xf32>,
          %reduce_max3A_1793 = arith.constant true
          %reduce_max3A_1794 = vector.broadcast %reduce_max3A_1793 : i1 to vector<16xi1>
          %reduce_max3A_1795 = tpu.scan <max>, %get3A_1792 masked %reduce_max3A_1794 : vector<16xf32>, vector<16xi1> -> vector<16xf32>
          %reduce_max3A_1796 = vector.extract %reduce_max3A_1795[15] : f32 from vector<16xf32>
          %iota3A_1797 = tpu.iota {dimensions = array<i32: 0>} : vector<16xi32>
          %eq3A_1798 = arith.constant 11 : i32
          %eq3A_1799 = vector.broadcast %eq3A_1798 : i32 to vector<16xi32>
          %eq3A_1800 = arith.cmpi eq, %iota3A_1797, %eq3A_1799 : vector<16xi32>
          %broadcast_in_dim3A_1801 = vector.broadcast %reduce_max3A_1796 : f32 to vector<16xf32>
          %select_n3A_1802 = arith.select %eq3A_1800, %broadcast_in_dim3A_1801, %select_n3A_1790 : vector<16xi1>, vector<16xf32>
          %get3A_1803 = arith.constant 192 : index
          %get3A_1804 = tpu.vector_load %arg8[%get3A_1803] {strides = array<i32>} : memref<544xf32, #tpu.memory_space<vmem>>, vector<16xf32>,
          %reduce_max3A_1805 = arith.constant true
          %reduce_max3A_1806 = vector.broadcast %reduce_max3A_1805 : i1 to vector<16xi1>
          %reduce_max3A_1807 = tpu.scan <max>, %get3A_1804 masked %reduce_max3A_1806 : vector<16xf32>, vector<16xi1> -> vector<16xf32>
          %reduce_max3A_1808 = vector.extract %reduce_max3A_1807[15] : f32 from vector<16xf32>
          %iota3A_1809 = tpu.iota {dimensions = array<i32: 0>} : vector<16xi32>
          %eq3A_1810 = arith.constant 12 : i32
          %eq3A_1811 = vector.broadcast %eq3A_1810 : i32 to vector<16xi32>
          %eq3A_1812 = arith.cmpi eq, %iota3A_1809, %eq3A_1811 : vector<16xi32>
          %broadcast_in_dim3A_1813 = vector.broadcast %reduce_max3A_1808 : f32 to vector<16xf32>
          %select_n3A_1814 = arith.select %eq3A_1812, %broadcast_in_dim3A_1813, %select_n3A_1802 : vector<16xi1>, vector<16xf32>
          %get3A_1815 = arith.constant 208 : index
          %get3A_1816 = tpu.vector_load %arg8[%get3A_1815] {strides = array<i32>} : memref<544xf32, #tpu.memory_space<vmem>>, vector<16xf32>,
          %reduce_max3A_1817 = arith.constant true
          %reduce_max3A_1818 = vector.broadcast %reduce_max3A_1817 : i1 to vector<16xi1>
          %reduce_max3A_1819 = tpu.scan <max>, %get3A_1816 masked %reduce_max3A_1818 : vector<16xf32>, vector<16xi1> -> vector<16xf32>
          %reduce_max3A_1820 = vector.extract %reduce_max3A_1819[15] : f32 from vector<16xf32>
          %iota3A_1821 = tpu.iota {dimensions = array<i32: 0>} : vector<16xi32>
          %eq3A_1822 = arith.constant 13 : i32
          %eq3A_1823 = vector.broadcast %eq3A_1822 : i32 to vector<16xi32>
          %eq3A_1824 = arith.cmpi eq, %iota3A_1821, %eq3A_1823 : vector<16xi32>
          %broadcast_in_dim3A_1825 = vector.broadcast %reduce_max3A_1820 : f32 to vector<16xf32>
          %select_n3A_1826 = arith.select %eq3A_1824, %broadcast_in_dim3A_1825, %select_n3A_1814 : vector<16xi1>, vector<16xf32>
          %get3A_1827 = arith.constant 224 : index
          %get3A_1828 = tpu.vector_load %arg8[%get3A_1827] {strides = array<i32>} : memref<544xf32, #tpu.memory_space<vmem>>, vector<16xf32>,
          %reduce_max3A_1829 = arith.constant true
          %reduce_max3A_1830 = vector.broadcast %reduce_max3A_1829 : i1 to vector<16xi1>
          %reduce_max3A_1831 = tpu.scan <max>, %get3A_1828 masked %reduce_max3A_1830 : vector<16xf32>, vector<16xi1> -> vector<16xf32>
          %reduce_max3A_1832 = vector.extract %reduce_max3A_1831[15] : f32 from vector<16xf32>
          %iota3A_1833 = tpu.iota {dimensions = array<i32: 0>} : vector<16xi32>
          %eq3A_1834 = arith.constant 14 : i32
          %eq3A_1835 = vector.broadcast %eq3A_1834 : i32 to vector<16xi32>
          %eq3A_1836 = arith.cmpi eq, %iota3A_1833, %eq3A_1835 : vector<16xi32>
          %broadcast_in_dim3A_1837 = vector.broadcast %reduce_max3A_1832 : f32 to vector<16xf32>
          %select_n3A_1838 = arith.select %eq3A_1836, %broadcast_in_dim3A_1837, %select_n3A_1826 : vector<16xi1>, vector<16xf32>
          %get3A_1839 = arith.constant 240 : index
          %get3A_1840 = tpu.vector_load %arg8[%get3A_1839] {strides = array<i32>} : memref<544xf32, #tpu.memory_space<vmem>>, vector<16xf32>,
          %reduce_max3A_1841 = arith.constant true
          %reduce_max3A_1842 = vector.broadcast %reduce_max3A_1841 : i1 to vector<16xi1>
          %reduce_max3A_1843 = tpu.scan <max>, %get3A_1840 masked %reduce_max3A_1842 : vector<16xf32>, vector<16xi1> -> vector<16xf32>
          %reduce_max3A_1844 = vector.extract %reduce_max3A_1843[15] : f32 from vector<16xf32>
          %iota3A_1845 = tpu.iota {dimensions = array<i32: 0>} : vector<16xi32>
          %eq3A_1846 = arith.constant 15 : i32
          %eq3A_1847 = vector.broadcast %eq3A_1846 : i32 to vector<16xi32>
          %eq3A_1848 = arith.cmpi eq, %iota3A_1845, %eq3A_1847 : vector<16xi32>
          %broadcast_in_dim3A_1849 = vector.broadcast %reduce_max3A_1844 : f32 to vector<16xf32>
          %select_n3A_1850 = arith.select %eq3A_1848, %broadcast_in_dim3A_1849, %select_n3A_1838 : vector<16xi1>, vector<16xf32>
          %swap3A_1851 = arith.constant 0 : index
          %swap3A_1852 = tpu.vector_load %arg12[%swap3A_1851] {strides = array<i32>} : memref<48xf32, #tpu.memory_space<vmem>>, vector<16xf32>,
          tpu.vector_store %arg12[%swap3A_1851], %select_n3A_1850 {strides = array<i32>} : memref<48xf32, #tpu.memory_space<vmem>>, vector<16xf32>,
          %broadcast_in_dim3A_1853 = arith.constant -3.000000e+38 : f32
          %broadcast_in_dim3A_1854 = vector.broadcast %broadcast_in_dim3A_1853 : f32 to vector<16xf32>
          %get3A_1855 = arith.constant 256 : index
          %get3A_1856 = tpu.vector_load %arg8[%get3A_1855] {strides = array<i32>} : memref<544xf32, #tpu.memory_space<vmem>>, vector<16xf32>,
          %reduce_max3A_1857 = arith.constant true
          %reduce_max3A_1858 = vector.broadcast %reduce_max3A_1857 : i1 to vector<16xi1>
          %reduce_max3A_1859 = tpu.scan <max>, %get3A_1856 masked %reduce_max3A_1858 : vector<16xf32>, vector<16xi1> -> vector<16xf32>
          %reduce_max3A_1860 = vector.extract %reduce_max3A_1859[15] : f32 from vector<16xf32>
          %iota3A_1861 = tpu.iota {dimensions = array<i32: 0>} : vector<16xi32>
          %eq3A_1862 = arith.constant 0 : i32
          %eq3A_1863 = vector.broadcast %eq3A_1862 : i32 to vector<16xi32>
          %eq3A_1864 = arith.cmpi eq, %iota3A_1861, %eq3A_1863 : vector<16xi32>
          %broadcast_in_dim3A_1865 = vector.broadcast %reduce_max3A_1860 : f32 to vector<16xf32>
          %select_n3A_1866 = arith.select %eq3A_1864, %broadcast_in_dim3A_1865, %broadcast_in_dim3A_1854 : vector<16xi1>, vector<16xf32>
          %get3A_1867 = arith.constant 272 : index
          %get3A_1868 = tpu.vector_load %arg8[%get3A_1867] {strides = array<i32>} : memref<544xf32, #tpu.memory_space<vmem>>, vector<16xf32>,
          %reduce_max3A_1869 = arith.constant true
          %reduce_max3A_1870 = vector.broadcast %reduce_max3A_1869 : i1 to vector<16xi1>
          %reduce_max3A_1871 = tpu.scan <max>, %get3A_1868 masked %reduce_max3A_1870 : vector<16xf32>, vector<16xi1> -> vector<16xf32>
          %reduce_max3A_1872 = vector.extract %reduce_max3A_1871[15] : f32 from vector<16xf32>
          %iota3A_1873 = tpu.iota {dimensions = array<i32: 0>} : vector<16xi32>
          %eq3A_1874 = arith.constant 1 : i32
          %eq3A_1875 = vector.broadcast %eq3A_1874 : i32 to vector<16xi32>
          %eq3A_1876 = arith.cmpi eq, %iota3A_1873, %eq3A_1875 : vector<16xi32>
          %broadcast_in_dim3A_1877 = vector.broadcast %reduce_max3A_1872 : f32 to vector<16xf32>
          %select_n3A_1878 = arith.select %eq3A_1876, %broadcast_in_dim3A_1877, %select_n3A_1866 : vector<16xi1>, vector<16xf32>
          %get3A_1879 = arith.constant 288 : index
          %get3A_1880 = tpu.vector_load %arg8[%get3A_1879] {strides = array<i32>} : memref<544xf32, #tpu.memory_space<vmem>>, vector<16xf32>,
          %reduce_max3A_1881 = arith.constant true
          %reduce_max3A_1882 = vector.broadcast %reduce_max3A_1881 : i1 to vector<16xi1>
          %reduce_max3A_1883 = tpu.scan <max>, %get3A_1880 masked %reduce_max3A_1882 : vector<16xf32>, vector<16xi1> -> vector<16xf32>
          %reduce_max3A_1884 = vector.extract %reduce_max3A_1883[15] : f32 from vector<16xf32>
          %iota3A_1885 = tpu.iota {dimensions = array<i32: 0>} : vector<16xi32>
          %eq3A_1886 = arith.constant 2 : i32
          %eq3A_1887 = vector.broadcast %eq3A_1886 : i32 to vector<16xi32>
          %eq3A_1888 = arith.cmpi eq, %iota3A_1885, %eq3A_1887 : vector<16xi32>
          %broadcast_in_dim3A_1889 = vector.broadcast %reduce_max3A_1884 : f32 to vector<16xf32>
          %select_n3A_1890 = arith.select %eq3A_1888, %broadcast_in_dim3A_1889, %select_n3A_1878 : vector<16xi1>, vector<16xf32>
          %get3A_1891 = arith.constant 304 : index
          %get3A_1892 = tpu.vector_load %arg8[%get3A_1891] {strides = array<i32>} : memref<544xf32, #tpu.memory_space<vmem>>, vector<16xf32>,
          %reduce_max3A_1893 = arith.constant true
          %reduce_max3A_1894 = vector.broadcast %reduce_max3A_1893 : i1 to vector<16xi1>
          %reduce_max3A_1895 = tpu.scan <max>, %get3A_1892 masked %reduce_max3A_1894 : vector<16xf32>, vector<16xi1> -> vector<16xf32>
          %reduce_max3A_1896 = vector.extract %reduce_max3A_1895[15] : f32 from vector<16xf32>
          %iota3A_1897 = tpu.iota {dimensions = array<i32: 0>} : vector<16xi32>
          %eq3A_1898 = arith.constant 3 : i32
          %eq3A_1899 = vector.broadcast %eq3A_1898 : i32 to vector<16xi32>
          %eq3A_1900 = arith.cmpi eq, %iota3A_1897, %eq3A_1899 : vector<16xi32>
          %broadcast_in_dim3A_1901 = vector.broadcast %reduce_max3A_1896 : f32 to vector<16xf32>
          %select_n3A_1902 = arith.select %eq3A_1900, %broadcast_in_dim3A_1901, %select_n3A_1890 : vector<16xi1>, vector<16xf32>
          %get3A_1903 = arith.constant 320 : index
          %get3A_1904 = tpu.vector_load %arg8[%get3A_1903] {strides = array<i32>} : memref<544xf32, #tpu.memory_space<vmem>>, vector<16xf32>,
          %reduce_max3A_1905 = arith.constant true
          %reduce_max3A_1906 = vector.broadcast %reduce_max3A_1905 : i1 to vector<16xi1>
          %reduce_max3A_1907 = tpu.scan <max>, %get3A_1904 masked %reduce_max3A_1906 : vector<16xf32>, vector<16xi1> -> vector<16xf32>
          %reduce_max3A_1908 = vector.extract %reduce_max3A_1907[15] : f32 from vector<16xf32>
          %iota3A_1909 = tpu.iota {dimensions = array<i32: 0>} : vector<16xi32>
          %eq3A_1910 = arith.constant 4 : i32
          %eq3A_1911 = vector.broadcast %eq3A_1910 : i32 to vector<16xi32>
          %eq3A_1912 = arith.cmpi eq, %iota3A_1909, %eq3A_1911 : vector<16xi32>
          %broadcast_in_dim3A_1913 = vector.broadcast %reduce_max3A_1908 : f32 to vector<16xf32>
          %select_n3A_1914 = arith.select %eq3A_1912, %broadcast_in_dim3A_1913, %select_n3A_1902 : vector<16xi1>, vector<16xf32>
          %get3A_1915 = arith.constant 336 : index
          %get3A_1916 = tpu.vector_load %arg8[%get3A_1915] {strides = array<i32>} : memref<544xf32, #tpu.memory_space<vmem>>, vector<16xf32>,
          %reduce_max3A_1917 = arith.constant true
          %reduce_max3A_1918 = vector.broadcast %reduce_max3A_1917 : i1 to vector<16xi1>
          %reduce_max3A_1919 = tpu.scan <max>, %get3A_1916 masked %reduce_max3A_1918 : vector<16xf32>, vector<16xi1> -> vector<16xf32>
          %reduce_max3A_1920 = vector.extract %reduce_max3A_1919[15] : f32 from vector<16xf32>
          %iota3A_1921 = tpu.iota {dimensions = array<i32: 0>} : vector<16xi32>
          %eq3A_1922 = arith.constant 5 : i32
          %eq3A_1923 = vector.broadcast %eq3A_1922 : i32 to vector<16xi32>
          %eq3A_1924 = arith.cmpi eq, %iota3A_1921, %eq3A_1923 : vector<16xi32>
          %broadcast_in_dim3A_1925 = vector.broadcast %reduce_max3A_1920 : f32 to vector<16xf32>
          %select_n3A_1926 = arith.select %eq3A_1924, %broadcast_in_dim3A_1925, %select_n3A_1914 : vector<16xi1>, vector<16xf32>
          %get3A_1927 = arith.constant 352 : index
          %get3A_1928 = tpu.vector_load %arg8[%get3A_1927] {strides = array<i32>} : memref<544xf32, #tpu.memory_space<vmem>>, vector<16xf32>,
          %reduce_max3A_1929 = arith.constant true
          %reduce_max3A_1930 = vector.broadcast %reduce_max3A_1929 : i1 to vector<16xi1>
          %reduce_max3A_1931 = tpu.scan <max>, %get3A_1928 masked %reduce_max3A_1930 : vector<16xf32>, vector<16xi1> -> vector<16xf32>
          %reduce_max3A_1932 = vector.extract %reduce_max3A_1931[15] : f32 from vector<16xf32>
          %iota3A_1933 = tpu.iota {dimensions = array<i32: 0>} : vector<16xi32>
          %eq3A_1934 = arith.constant 6 : i32
          %eq3A_1935 = vector.broadcast %eq3A_1934 : i32 to vector<16xi32>
          %eq3A_1936 = arith.cmpi eq, %iota3A_1933, %eq3A_1935 : vector<16xi32>
          %broadcast_in_dim3A_1937 = vector.broadcast %reduce_max3A_1932 : f32 to vector<16xf32>
          %select_n3A_1938 = arith.select %eq3A_1936, %broadcast_in_dim3A_1937, %select_n3A_1926 : vector<16xi1>, vector<16xf32>
          %get3A_1939 = arith.constant 368 : index
          %get3A_1940 = tpu.vector_load %arg8[%get3A_1939] {strides = array<i32>} : memref<544xf32, #tpu.memory_space<vmem>>, vector<16xf32>,
          %reduce_max3A_1941 = arith.constant true
          %reduce_max3A_1942 = vector.broadcast %reduce_max3A_1941 : i1 to vector<16xi1>
          %reduce_max3A_1943 = tpu.scan <max>, %get3A_1940 masked %reduce_max3A_1942 : vector<16xf32>, vector<16xi1> -> vector<16xf32>
          %reduce_max3A_1944 = vector.extract %reduce_max3A_1943[15] : f32 from vector<16xf32>
          %iota3A_1945 = tpu.iota {dimensions = array<i32: 0>} : vector<16xi32>
          %eq3A_1946 = arith.constant 7 : i32
          %eq3A_1947 = vector.broadcast %eq3A_1946 : i32 to vector<16xi32>
          %eq3A_1948 = arith.cmpi eq, %iota3A_1945, %eq3A_1947 : vector<16xi32>
          %broadcast_in_dim3A_1949 = vector.broadcast %reduce_max3A_1944 : f32 to vector<16xf32>
          %select_n3A_1950 = arith.select %eq3A_1948, %broadcast_in_dim3A_1949, %select_n3A_1938 : vector<16xi1>, vector<16xf32>
          %get3A_1951 = arith.constant 384 : index
          %get3A_1952 = tpu.vector_load %arg8[%get3A_1951] {strides = array<i32>} : memref<544xf32, #tpu.memory_space<vmem>>, vector<16xf32>,
          %reduce_max3A_1953 = arith.constant true
          %reduce_max3A_1954 = vector.broadcast %reduce_max3A_1953 : i1 to vector<16xi1>
          %reduce_max3A_1955 = tpu.scan <max>, %get3A_1952 masked %reduce_max3A_1954 : vector<16xf32>, vector<16xi1> -> vector<16xf32>
          %reduce_max3A_1956 = vector.extract %reduce_max3A_1955[15] : f32 from vector<16xf32>
          %iota3A_1957 = tpu.iota {dimensions = array<i32: 0>} : vector<16xi32>
          %eq3A_1958 = arith.constant 8 : i32
          %eq3A_1959 = vector.broadcast %eq3A_1958 : i32 to vector<16xi32>
          %eq3A_1960 = arith.cmpi eq, %iota3A_1957, %eq3A_1959 : vector<16xi32>
          %broadcast_in_dim3A_1961 = vector.broadcast %reduce_max3A_1956 : f32 to vector<16xf32>
          %select_n3A_1962 = arith.select %eq3A_1960, %broadcast_in_dim3A_1961, %select_n3A_1950 : vector<16xi1>, vector<16xf32>
          %get3A_1963 = arith.constant 400 : index
          %get3A_1964 = tpu.vector_load %arg8[%get3A_1963] {strides = array<i32>} : memref<544xf32, #tpu.memory_space<vmem>>, vector<16xf32>,
          %reduce_max3A_1965 = arith.constant true
          %reduce_max3A_1966 = vector.broadcast %reduce_max3A_1965 : i1 to vector<16xi1>
          %reduce_max3A_1967 = tpu.scan <max>, %get3A_1964 masked %reduce_max3A_1966 : vector<16xf32>, vector<16xi1> -> vector<16xf32>
          %reduce_max3A_1968 = vector.extract %reduce_max3A_1967[15] : f32 from vector<16xf32>
          %iota3A_1969 = tpu.iota {dimensions = array<i32: 0>} : vector<16xi32>
          %eq3A_1970 = arith.constant 9 : i32
          %eq3A_1971 = vector.broadcast %eq3A_1970 : i32 to vector<16xi32>
          %eq3A_1972 = arith.cmpi eq, %iota3A_1969, %eq3A_1971 : vector<16xi32>
          %broadcast_in_dim3A_1973 = vector.broadcast %reduce_max3A_1968 : f32 to vector<16xf32>
          %select_n3A_1974 = arith.select %eq3A_1972, %broadcast_in_dim3A_1973, %select_n3A_1962 : vector<16xi1>, vector<16xf32>
          %get3A_1975 = arith.constant 416 : index
          %get3A_1976 = tpu.vector_load %arg8[%get3A_1975] {strides = array<i32>} : memref<544xf32, #tpu.memory_space<vmem>>, vector<16xf32>,
          %reduce_max3A_1977 = arith.constant true
          %reduce_max3A_1978 = vector.broadcast %reduce_max3A_1977 : i1 to vector<16xi1>
          %reduce_max3A_1979 = tpu.scan <max>, %get3A_1976 masked %reduce_max3A_1978 : vector<16xf32>, vector<16xi1> -> vector<16xf32>
          %reduce_max3A_1980 = vector.extract %reduce_max3A_1979[15] : f32 from vector<16xf32>
          %iota3A_1981 = tpu.iota {dimensions = array<i32: 0>} : vector<16xi32>
          %eq3A_1982 = arith.constant 10 : i32
          %eq3A_1983 = vector.broadcast %eq3A_1982 : i32 to vector<16xi32>
          %eq3A_1984 = arith.cmpi eq, %iota3A_1981, %eq3A_1983 : vector<16xi32>
          %broadcast_in_dim3A_1985 = vector.broadcast %reduce_max3A_1980 : f32 to vector<16xf32>
          %select_n3A_1986 = arith.select %eq3A_1984, %broadcast_in_dim3A_1985, %select_n3A_1974 : vector<16xi1>, vector<16xf32>
          %get3A_1987 = arith.constant 432 : index
          %get3A_1988 = tpu.vector_load %arg8[%get3A_1987] {strides = array<i32>} : memref<544xf32, #tpu.memory_space<vmem>>, vector<16xf32>,
          %reduce_max3A_1989 = arith.constant true
          %reduce_max3A_1990 = vector.broadcast %reduce_max3A_1989 : i1 to vector<16xi1>
          %reduce_max3A_1991 = tpu.scan <max>, %get3A_1988 masked %reduce_max3A_1990 : vector<16xf32>, vector<16xi1> -> vector<16xf32>
          %reduce_max3A_1992 = vector.extract %reduce_max3A_1991[15] : f32 from vector<16xf32>
          %iota3A_1993 = tpu.iota {dimensions = array<i32: 0>} : vector<16xi32>
          %eq3A_1994 = arith.constant 11 : i32
          %eq3A_1995 = vector.broadcast %eq3A_1994 : i32 to vector<16xi32>
          %eq3A_1996 = arith.cmpi eq, %iota3A_1993, %eq3A_1995 : vector<16xi32>
          %broadcast_in_dim3A_1997 = vector.broadcast %reduce_max3A_1992 : f32 to vector<16xf32>
          %select_n3A_1998 = arith.select %eq3A_1996, %broadcast_in_dim3A_1997, %select_n3A_1986 : vector<16xi1>, vector<16xf32>
          %get3A_1999 = arith.constant 448 : index
          %get3A_2000 = tpu.vector_load %arg8[%get3A_1999] {strides = array<i32>} : memref<544xf32, #tpu.memory_space<vmem>>, vector<16xf32>,
          %reduce_max3A_2001 = arith.constant true
          %reduce_max3A_2002 = vector.broadcast %reduce_max3A_2001 : i1 to vector<16xi1>
          %reduce_max3A_2003 = tpu.scan <max>, %get3A_2000 masked %reduce_max3A_2002 : vector<16xf32>, vector<16xi1> -> vector<16xf32>
          %reduce_max3A_2004 = vector.extract %reduce_max3A_2003[15] : f32 from vector<16xf32>
          %iota3A_2005 = tpu.iota {dimensions = array<i32: 0>} : vector<16xi32>
          %eq3A_2006 = arith.constant 12 : i32
          %eq3A_2007 = vector.broadcast %eq3A_2006 : i32 to vector<16xi32>
          %eq3A_2008 = arith.cmpi eq, %iota3A_2005, %eq3A_2007 : vector<16xi32>
          %broadcast_in_dim3A_2009 = vector.broadcast %reduce_max3A_2004 : f32 to vector<16xf32>
          %select_n3A_2010 = arith.select %eq3A_2008, %broadcast_in_dim3A_2009, %select_n3A_1998 : vector<16xi1>, vector<16xf32>
          %get3A_2011 = arith.constant 464 : index
          %get3A_2012 = tpu.vector_load %arg8[%get3A_2011] {strides = array<i32>} : memref<544xf32, #tpu.memory_space<vmem>>, vector<16xf32>,
          %reduce_max3A_2013 = arith.constant true
          %reduce_max3A_2014 = vector.broadcast %reduce_max3A_2013 : i1 to vector<16xi1>
          %reduce_max3A_2015 = tpu.scan <max>, %get3A_2012 masked %reduce_max3A_2014 : vector<16xf32>, vector<16xi1> -> vector<16xf32>
          %reduce_max3A_2016 = vector.extract %reduce_max3A_2015[15] : f32 from vector<16xf32>
          %iota3A_2017 = tpu.iota {dimensions = array<i32: 0>} : vector<16xi32>
          %eq3A_2018 = arith.constant 13 : i32
          %eq3A_2019 = vector.broadcast %eq3A_2018 : i32 to vector<16xi32>
          %eq3A_2020 = arith.cmpi eq, %iota3A_2017, %eq3A_2019 : vector<16xi32>
          %broadcast_in_dim3A_2021 = vector.broadcast %reduce_max3A_2016 : f32 to vector<16xf32>
          %select_n3A_2022 = arith.select %eq3A_2020, %broadcast_in_dim3A_2021, %select_n3A_2010 : vector<16xi1>, vector<16xf32>
          %get3A_2023 = arith.constant 480 : index
          %get3A_2024 = tpu.vector_load %arg8[%get3A_2023] {strides = array<i32>} : memref<544xf32, #tpu.memory_space<vmem>>, vector<16xf32>,
          %reduce_max3A_2025 = arith.constant true
          %reduce_max3A_2026 = vector.broadcast %reduce_max3A_2025 : i1 to vector<16xi1>
          %reduce_max3A_2027 = tpu.scan <max>, %get3A_2024 masked %reduce_max3A_2026 : vector<16xf32>, vector<16xi1> -> vector<16xf32>
          %reduce_max3A_2028 = vector.extract %reduce_max3A_2027[15] : f32 from vector<16xf32>
          %iota3A_2029 = tpu.iota {dimensions = array<i32: 0>} : vector<16xi32>
          %eq3A_2030 = arith.constant 14 : i32
          %eq3A_2031 = vector.broadcast %eq3A_2030 : i32 to vector<16xi32>
          %eq3A_2032 = arith.cmpi eq, %iota3A_2029, %eq3A_2031 : vector<16xi32>
          %broadcast_in_dim3A_2033 = vector.broadcast %reduce_max3A_2028 : f32 to vector<16xf32>
          %select_n3A_2034 = arith.select %eq3A_2032, %broadcast_in_dim3A_2033, %select_n3A_2022 : vector<16xi1>, vector<16xf32>
          %get3A_2035 = arith.constant 496 : index
          %get3A_2036 = tpu.vector_load %arg8[%get3A_2035] {strides = array<i32>} : memref<544xf32, #tpu.memory_space<vmem>>, vector<16xf32>,
          %reduce_max3A_2037 = arith.constant true
          %reduce_max3A_2038 = vector.broadcast %reduce_max3A_2037 : i1 to vector<16xi1>
          %reduce_max3A_2039 = tpu.scan <max>, %get3A_2036 masked %reduce_max3A_2038 : vector<16xf32>, vector<16xi1> -> vector<16xf32>
          %reduce_max3A_2040 = vector.extract %reduce_max3A_2039[15] : f32 from vector<16xf32>
          %iota3A_2041 = tpu.iota {dimensions = array<i32: 0>} : vector<16xi32>
          %eq3A_2042 = arith.constant 15 : i32
          %eq3A_2043 = vector.broadcast %eq3A_2042 : i32 to vector<16xi32>
          %eq3A_2044 = arith.cmpi eq, %iota3A_2041, %eq3A_2043 : vector<16xi32>
          %broadcast_in_dim3A_2045 = vector.broadcast %reduce_max3A_2040 : f32 to vector<16xf32>
          %select_n3A_2046 = arith.select %eq3A_2044, %broadcast_in_dim3A_2045, %select_n3A_2034 : vector<16xi1>, vector<16xf32>
          %swap3A_2047 = arith.constant 16 : index
          %swap3A_2048 = tpu.vector_load %arg12[%swap3A_2047] {strides = array<i32>} : memref<48xf32, #tpu.memory_space<vmem>>, vector<16xf32>,
          tpu.vector_store %arg12[%swap3A_2047], %select_n3A_2046 {strides = array<i32>} : memref<48xf32, #tpu.memory_space<vmem>>, vector<16xf32>,
          %broadcast_in_dim3A_2049 = arith.constant -3.000000e+38 : f32
          %broadcast_in_dim3A_2050 = vector.broadcast %broadcast_in_dim3A_2049 : f32 to vector<16xf32>
          %get3A_2051 = arith.constant 512 : index
          %get3A_2052 = tpu.vector_load %arg8[%get3A_2051] {strides = array<i32>} : memref<544xf32, #tpu.memory_space<vmem>>, vector<16xf32>,
          %reduce_max3A_2053 = arith.constant true
          %reduce_max3A_2054 = vector.broadcast %reduce_max3A_2053 : i1 to vector<16xi1>
          %reduce_max3A_2055 = tpu.scan <max>, %get3A_2052 masked %reduce_max3A_2054 : vector<16xf32>, vector<16xi1> -> vector<16xf32>
          %reduce_max3A_2056 = vector.extract %reduce_max3A_2055[15] : f32 from vector<16xf32>
          %iota3A_2057 = tpu.iota {dimensions = array<i32: 0>} : vector<16xi32>
          %eq3A_2058 = arith.constant 0 : i32
          %eq3A_2059 = vector.broadcast %eq3A_2058 : i32 to vector<16xi32>
          %eq3A_2060 = arith.cmpi eq, %iota3A_2057, %eq3A_2059 : vector<16xi32>
          %broadcast_in_dim3A_2061 = vector.broadcast %reduce_max3A_2056 : f32 to vector<16xf32>
          %select_n3A_2062 = arith.select %eq3A_2060, %broadcast_in_dim3A_2061, %broadcast_in_dim3A_2050 : vector<16xi1>, vector<16xf32>
          %get3A_2063 = arith.constant 528 : index
          %get3A_2064 = tpu.vector_load %arg8[%get3A_2063] {strides = array<i32>} : memref<544xf32, #tpu.memory_space<vmem>>, vector<16xf32>,
          %reduce_max3A_2065 = arith.constant true
          %reduce_max3A_2066 = vector.broadcast %reduce_max3A_2065 : i1 to vector<16xi1>
          %reduce_max3A_2067 = tpu.scan <max>, %get3A_2064 masked %reduce_max3A_2066 : vector<16xf32>, vector<16xi1> -> vector<16xf32>
          %reduce_max3A_2068 = vector.extract %reduce_max3A_2067[15] : f32 from vector<16xf32>
          %iota3A_2069 = tpu.iota {dimensions = array<i32: 0>} : vector<16xi32>
          %eq3A_2070 = arith.constant 1 : i32
          %eq3A_2071 = vector.broadcast %eq3A_2070 : i32 to vector<16xi32>
          %eq3A_2072 = arith.cmpi eq, %iota3A_2069, %eq3A_2071 : vector<16xi32>
          %broadcast_in_dim3A_2073 = vector.broadcast %reduce_max3A_2068 : f32 to vector<16xf32>
          %select_n3A_2074 = arith.select %eq3A_2072, %broadcast_in_dim3A_2073, %select_n3A_2062 : vector<16xi1>, vector<16xf32>
          %swap3A_2075 = arith.constant 32 : index
          %swap3A_2076 = tpu.vector_load %arg12[%swap3A_2075] {strides = array<i32>} : memref<48xf32, #tpu.memory_space<vmem>>, vector<16xf32>,
          tpu.vector_store %arg12[%swap3A_2075], %select_n3A_2074 {strides = array<i32>} : memref<48xf32, #tpu.memory_space<vmem>>, vector<16xf32>,
          %scan3A_2077 = arith.constant 0 : i32
          %scan3A_2078 = arith.constant 0 : i32
          %scan3A_2079 = arith.constant 32 : i32
          %scan3A_2080 = arith.addi %scan3A_2078, %scan3A_2079 : i32
          %scan3A_2081 = arith.constant 1 : i32
          %scan3A_2082 = scf.for %scan3A_2244 = %scan3A_2078 to %scan3A_2080 step %scan3A_2081 iter_args(%scan3A_2245 = %scan3A_2077) -> (i32)  : i32 {
            %get3A_2246 = arith.constant 0 : index
            %get3A_2247 = tpu.vector_load %arg12[%get3A_2246] {strides = array<i32>} : memref<48xf32, #tpu.memory_space<vmem>>, vector<16xf32>,
            %get3A_2248 = arith.constant 16 : index
            %get3A_2249 = tpu.vector_load %arg12[%get3A_2248] {strides = array<i32>} : memref<48xf32, #tpu.memory_space<vmem>>, vector<16xf32>,
            %get3A_2250 = arith.constant 32 : index
            %get3A_2251 = tpu.vector_load %arg12[%get3A_2250] {strides = array<i32>} : memref<48xf32, #tpu.memory_space<vmem>>, vector<16xf32>,
            %max3A_2252 = arith.maximumf %get3A_2247, %get3A_2249 : vector<16xf32>
            %max3A_2253 = arith.maximumf %max3A_2252, %get3A_2251 : vector<16xf32>
            %reduce_max3A_2254 = arith.constant true
            %reduce_max3A_2255 = vector.broadcast %reduce_max3A_2254 : i1 to vector<16xi1>
            %reduce_max3A_2256 = tpu.scan <max>, %max3A_2253 masked %reduce_max3A_2255 : vector<16xf32>, vector<16xi1> -> vector<16xf32>
            %reduce_max3A_2257 = vector.extract %reduce_max3A_2256[15] : f32 from vector<16xf32>
            %broadcast_in_dim3A_2258 = vector.broadcast %reduce_max3A_2257 : f32 to vector<16xf32>
            %broadcast_in_dim3A_2259 = arith.constant 1000000000 : i32
            %broadcast_in_dim3A_2260 = vector.broadcast %broadcast_in_dim3A_2259 : i32 to vector<16xi32>
            %iota3A_2261 = tpu.iota {dimensions = array<i32: 0>} : vector<16xi32>
            %eq3A_2262 = arith.cmpf oeq, %get3A_2247, %broadcast_in_dim3A_2258 : vector<16xf32>
            %select_n3A_2263 = arith.select %eq3A_2262, %iota3A_2261, %broadcast_in_dim3A_2260 : vector<16xi1>, vector<16xi32>
            %eq3A_2264 = arith.cmpf oeq, %get3A_2249, %broadcast_in_dim3A_2258 : vector<16xf32>
            %add3A_2265 = arith.constant 16 : i32
            %add3A_2266 = vector.broadcast %add3A_2265 : i32 to vector<16xi32>
            %add3A_2267 = arith.addi %iota3A_2261, %add3A_2266 : vector<16xi32>
            %select_n3A_2268 = arith.select %eq3A_2264, %add3A_2267, %broadcast_in_dim3A_2260 : vector<16xi1>, vector<16xi32>
            %min3A_2269 = arith.minsi %select_n3A_2263, %select_n3A_2268 : vector<16xi32>
            %eq3A_2270 = arith.cmpf oeq, %get3A_2251, %broadcast_in_dim3A_2258 : vector<16xf32>
            %add3A_2271 = arith.constant 32 : i32
            %add3A_2272 = vector.broadcast %add3A_2271 : i32 to vector<16xi32>
            %add3A_2273 = arith.addi %iota3A_2261, %add3A_2272 : vector<16xi32>
            %select_n3A_2274 = arith.select %eq3A_2270, %add3A_2273, %broadcast_in_dim3A_2260 : vector<16xi1>, vector<16xi32>
            %min3A_2275 = arith.minsi %min3A_2269, %select_n3A_2274 : vector<16xi32>
            %reduce_min3A_2276 = arith.constant true
            %reduce_min3A_2277 = vector.broadcast %reduce_min3A_2276 : i1 to vector<16xi1>
            %reduce_min3A_2278 = arith.constant -2147483648 : i32
            %reduce_min3A_2279 = vector.broadcast %reduce_min3A_2278 : i32 to vector<16xi32>
            %reduce_min3A_2280 = arith.xori %min3A_2275, %reduce_min3A_2279 : vector<16xi32>
            %reduce_min3A_2281 = tpu.scan <min>, %reduce_min3A_2280 masked %reduce_min3A_2277 : vector<16xi32>, vector<16xi1> -> vector<16xi32>
            %reduce_min3A_2282 = arith.xori %reduce_min3A_2281, %reduce_min3A_2279 : vector<16xi32>
            %reduce_min3A_2283 = vector.extract %reduce_min3A_2282[15] : i32 from vector<16xi32>
            %mul3A_2284 = arith.constant 16 : i32
            %mul3A_2285 = arith.muli %reduce_min3A_2283, %mul3A_2284 : i32
            %get3A_2286 = arith.index_cast %mul3A_2285 : i32 to index
            %get3A_2287 = tpu.vector_load %arg8[%get3A_2286] {strides = array<i32>} : memref<544xf32, #tpu.memory_space<vmem>>, vector<16xf32>,
            %eq3A_2288 = arith.cmpf oeq, %get3A_2287, %broadcast_in_dim3A_2258 : vector<16xf32>
            %select_n3A_2289 = arith.select %eq3A_2288, %iota3A_2261, %broadcast_in_dim3A_2260 : vector<16xi1>, vector<16xi32>
            %reduce_min3A_2290 = arith.constant true
            %reduce_min3A_2291 = vector.broadcast %reduce_min3A_2290 : i1 to vector<16xi1>
            %reduce_min3A_2292 = arith.constant -2147483648 : i32
            %reduce_min3A_2293 = vector.broadcast %reduce_min3A_2292 : i32 to vector<16xi32>
            %reduce_min3A_2294 = arith.xori %select_n3A_2289, %reduce_min3A_2293 : vector<16xi32>
            %reduce_min3A_2295 = tpu.scan <min>, %reduce_min3A_2294 masked %reduce_min3A_2291 : vector<16xi32>, vector<16xi1> -> vector<16xi32>
            %reduce_min3A_2296 = arith.xori %reduce_min3A_2295, %reduce_min3A_2293 : vector<16xi32>
            %reduce_min3A_2297 = vector.extract %reduce_min3A_2296[15] : i32 from vector<16xi32>
            %get3A_2298 = arith.index_cast %mul3A_2285 : i32 to index
            %get3A_2299 = tpu.vector_load %arg9[%get3A_2298] {strides = array<i32>} : memref<544xi32, #tpu.memory_space<vmem>>, vector<16xi32>,
            %eq3A_2300 = vector.broadcast %reduce_min3A_2297 : i32 to vector<16xi32>
            %eq3A_2301 = arith.cmpi eq, %iota3A_2261, %eq3A_2300 : vector<16xi32>
            %jit3A = arith.constant -1 : i32
            %broadcast_in_dim3A_2302 = vector.broadcast %jit3A : i32 to vector<16xi32>
            %select_n3A_2303 = arith.select %eq3A_2301, %get3A_2299, %broadcast_in_dim3A_2302 : vector<16xi1>, vector<16xi32>
            %reduce_max3A_2304 = arith.constant true
            %reduce_max3A_2305 = vector.broadcast %reduce_max3A_2304 : i1 to vector<16xi1>
            %reduce_max3A_2306 = arith.constant -2147483648 : i32
            %reduce_max3A_2307 = vector.broadcast %reduce_max3A_2306 : i32 to vector<16xi32>
            %reduce_max3A_2308 = arith.xori %select_n3A_2303, %reduce_max3A_2307 : vector<16xi32>
            %reduce_max3A_2309 = tpu.scan <max>, %reduce_max3A_2308 masked %reduce_max3A_2305 : vector<16xi32>, vector<16xi1> -> vector<16xi32>
            %reduce_max3A_2310 = arith.xori %reduce_max3A_2309, %reduce_max3A_2307 : vector<16xi32>
            %reduce_max3A_2311 = vector.extract %reduce_max3A_2310[15] : i32 from vector<16xi32>
            %jit3A_2312 = arith.constant 16 : i32
            %eq3A_2313 = arith.constant 0 : i32
            %eq3A_2314 = arith.cmpi eq, %jit3A_2312, %eq3A_2313 : i32
            %jit3A_2315 = arith.constant 1 : i32
            %select_n3A_2316 = arith.select %eq3A_2314, %jit3A_2315, %jit3A_2312 : i32
            %rem3A = arith.remsi %scan3A_2244, %select_n3A_2316 : i32
            %ne3A = arith.constant 0 : i32
            %ne3A_2317 = arith.cmpi ne, %rem3A, %ne3A : i32
            %lt3A = arith.constant 0 : i32
            %lt3A_2318 = arith.cmpi slt, %rem3A, %lt3A : i32
            %lt3A_2319 = arith.constant 0 : i32
            %lt3A_2320 = arith.cmpi slt, %select_n3A_2316, %lt3A_2319 : i32
            %ne3A_2321 = arith.xori %lt3A_2318, %lt3A_2320 : i1
            %and3A = arith.andi %ne3A_2321, %ne3A_2317 : i1
            %add3A_2322 = arith.addi %rem3A, %select_n3A_2316 : i32
            %select_n3A_2323 = arith.select %and3A, %add3A_2322, %rem3A : i32
            %eq3A_2324 = vector.broadcast %select_n3A_2323 : i32 to vector<16xi32>
            %eq3A_2325 = arith.cmpi eq, %iota3A_2261, %eq3A_2324 : vector<16xi32>
            %jit3A_2326 = arith.constant 16 : i32
            %div3A = arith.divsi %scan3A_2244, %jit3A_2326 : i32
            %sign3A = arith.constant 0 : i32
            %sign3A_2327 = arith.cmpi sgt, %scan3A_2244, %sign3A : i32
            %sign3A_2328 = arith.extui %sign3A_2327 : i1 to i32
            %sign3A_2329 = arith.constant 0 : i32
            %sign3A_2330 = arith.cmpi slt, %scan3A_2244, %sign3A_2329 : i32
            %sign3A_2331 = arith.extui %sign3A_2330 : i1 to i32
            %sign3A_2332 = arith.subi %sign3A_2328, %sign3A_2331 : i32
            %sign3A_2333 = arith.constant 0 : i32
            %sign3A_2334 = arith.cmpi sgt, %jit3A_2326, %sign3A_2333 : i32
            %sign3A_2335 = arith.extui %sign3A_2334 : i1 to i32
            %sign3A_2336 = arith.constant 0 : i32
            %sign3A_2337 = arith.cmpi slt, %jit3A_2326, %sign3A_2336 : i32
            %sign3A_2338 = arith.extui %sign3A_2337 : i1 to i32
            %sign3A_2339 = arith.subi %sign3A_2335, %sign3A_2338 : i32
            %ne3A_2340 = arith.cmpi ne, %sign3A_2332, %sign3A_2339 : i32
            %rem3A_2341 = arith.remsi %scan3A_2244, %jit3A_2326 : i32
            %ne3A_2342 = arith.constant 0 : i32
            %ne3A_2343 = arith.cmpi ne, %rem3A_2341, %ne3A_2342 : i32
            %and3A_2344 = arith.andi %ne3A_2340, %ne3A_2343 : i1
            %sub3A_2345 = arith.constant 1 : i32
            %sub3A_2346 = arith.subi %div3A, %sub3A_2345 : i32
            %select_n3A_2347 = arith.select %and3A_2344, %sub3A_2346, %div3A : i32
            %mul3A_2348 = arith.constant 16 : i32
            %mul3A_2349 = arith.muli %select_n3A_2347, %mul3A_2348 : i32
            %get3A_2350 = arith.index_cast %mul3A_2349 : i32 to index
            %get3A_2351 = tpu.vector_load %arg10[%get3A_2350] {strides = array<i32>} : memref<32xf32, #tpu.memory_space<vmem>>, vector<16xf32>,
            %mul3A_2352 = arith.constant 16 : i32
            %mul3A_2353 = arith.muli %select_n3A_2347, %mul3A_2352 : i32
            %get3A_2354 = arith.index_cast %mul3A_2353 : i32 to index
            %get3A_2355 = tpu.vector_load %arg11[%get3A_2354] {strides = array<i32>} : memref<32xi32, #tpu.memory_space<vmem>>, vector<16xi32>,
            %select_n3A_2356 = arith.select %eq3A_2325, %broadcast_in_dim3A_2258, %get3A_2351 : vector<16xi1>, vector<16xf32>
            %mul3A_2357 = arith.constant 16 : i32
            %mul3A_2358 = arith.muli %select_n3A_2347, %mul3A_2357 : i32
            %swap3A_2359 = arith.index_cast %mul3A_2358 : i32 to index
            %swap3A_2360 = tpu.vector_load %arg10[%swap3A_2359] {strides = array<i32>} : memref<32xf32, #tpu.memory_space<vmem>>, vector<16xf32>,
            tpu.vector_store %arg10[%swap3A_2359], %select_n3A_2356 {strides = array<i32>} : memref<32xf32, #tpu.memory_space<vmem>>, vector<16xf32>,
            %broadcast_in_dim3A_2361 = vector.broadcast %reduce_max3A_2311 : i32 to vector<16xi32>
            %select_n3A_2362 = arith.select %eq3A_2325, %broadcast_in_dim3A_2361, %get3A_2355 : vector<16xi1>, vector<16xi32>
            %mul3A_2363 = arith.constant 16 : i32
            %mul3A_2364 = arith.muli %select_n3A_2347, %mul3A_2363 : i32
            %swap3A_2365 = arith.index_cast %mul3A_2364 : i32 to index
            %swap3A_2366 = tpu.vector_load %arg11[%swap3A_2365] {strides = array<i32>} : memref<32xi32, #tpu.memory_space<vmem>>, vector<16xi32>,
            tpu.vector_store %arg11[%swap3A_2365], %select_n3A_2362 {strides = array<i32>} : memref<32xi32, #tpu.memory_space<vmem>>, vector<16xi32>,
            %eq3A_2367 = vector.broadcast %reduce_min3A_2297 : i32 to vector<16xi32>
            %eq3A_2368 = arith.cmpi eq, %iota3A_2261, %eq3A_2367 : vector<16xi32>
            %broadcast_in_dim3A_2369 = arith.constant -3.000000e+38 : f32
            %broadcast_in_dim3A_2370 = vector.broadcast %broadcast_in_dim3A_2369 : f32 to vector<16xf32>
            %select_n3A_2371 = arith.select %eq3A_2368, %broadcast_in_dim3A_2370, %get3A_2287 : vector<16xi1>, vector<16xf32>
            %swap3A_2372 = arith.index_cast %mul3A_2285 : i32 to index
            %swap3A_2373 = tpu.vector_load %arg8[%swap3A_2372] {strides = array<i32>} : memref<544xf32, #tpu.memory_space<vmem>>, vector<16xf32>,
            tpu.vector_store %arg8[%swap3A_2372], %select_n3A_2371 {strides = array<i32>} : memref<544xf32, #tpu.memory_space<vmem>>, vector<16xf32>,
            %reduce_max3A_2374 = arith.constant true
            %reduce_max3A_2375 = vector.broadcast %reduce_max3A_2374 : i1 to vector<16xi1>
            %reduce_max3A_2376 = tpu.scan <max>, %select_n3A_2371 masked %reduce_max3A_2375 : vector<16xf32>, vector<16xi1> -> vector<16xf32>
            %reduce_max3A_2377 = vector.extract %reduce_max3A_2376[15] : f32 from vector<16xf32>
            %jit3A_2378 = arith.constant 16 : i32
            %div3A_2379 = arith.divsi %reduce_min3A_2283, %jit3A_2378 : i32
            %sign3A_2380 = arith.constant 0 : i32
            %sign3A_2381 = arith.cmpi sgt, %reduce_min3A_2283, %sign3A_2380 : i32
            %sign3A_2382 = arith.extui %sign3A_2381 : i1 to i32
            %sign3A_2383 = arith.constant 0 : i32
            %sign3A_2384 = arith.cmpi slt, %reduce_min3A_2283, %sign3A_2383 : i32
            %sign3A_2385 = arith.extui %sign3A_2384 : i1 to i32
            %sign3A_2386 = arith.subi %sign3A_2382, %sign3A_2385 : i32
            %sign3A_2387 = arith.constant 0 : i32
            %sign3A_2388 = arith.cmpi sgt, %jit3A_2378, %sign3A_2387 : i32
            %sign3A_2389 = arith.extui %sign3A_2388 : i1 to i32
            %sign3A_2390 = arith.constant 0 : i32
            %sign3A_2391 = arith.cmpi slt, %jit3A_2378, %sign3A_2390 : i32
            %sign3A_2392 = arith.extui %sign3A_2391 : i1 to i32
            %sign3A_2393 = arith.subi %sign3A_2389, %sign3A_2392 : i32
            %ne3A_2394 = arith.cmpi ne, %sign3A_2386, %sign3A_2393 : i32
            %rem3A_2395 = arith.remsi %reduce_min3A_2283, %jit3A_2378 : i32
            %ne3A_2396 = arith.constant 0 : i32
            %ne3A_2397 = arith.cmpi ne, %rem3A_2395, %ne3A_2396 : i32
            %and3A_2398 = arith.andi %ne3A_2394, %ne3A_2397 : i1
            %sub3A_2399 = arith.constant 1 : i32
            %sub3A_2400 = arith.subi %div3A_2379, %sub3A_2399 : i32
            %select_n3A_2401 = arith.select %and3A_2398, %sub3A_2400, %div3A_2379 : i32
            %jit3A_2402 = arith.constant 16 : i32
            %eq3A_2403 = arith.constant 0 : i32
            %eq3A_2404 = arith.cmpi eq, %jit3A_2402, %eq3A_2403 : i32
            %jit3A_2405 = arith.constant 1 : i32
            %select_n3A_2406 = arith.select %eq3A_2404, %jit3A_2405, %jit3A_2402 : i32
            %rem3A_2407 = arith.remsi %reduce_min3A_2283, %select_n3A_2406 : i32
            %ne3A_2408 = arith.constant 0 : i32
            %ne3A_2409 = arith.cmpi ne, %rem3A_2407, %ne3A_2408 : i32
            %lt3A_2410 = arith.constant 0 : i32
            %lt3A_2411 = arith.cmpi slt, %rem3A_2407, %lt3A_2410 : i32
            %lt3A_2412 = arith.constant 0 : i32
            %lt3A_2413 = arith.cmpi slt, %select_n3A_2406, %lt3A_2412 : i32
            %ne3A_2414 = arith.xori %lt3A_2411, %lt3A_2413 : i1
            %and3A_2415 = arith.andi %ne3A_2414, %ne3A_2409 : i1
            %add3A_2416 = arith.addi %rem3A_2407, %select_n3A_2406 : i32
            %select_n3A_2417 = arith.select %and3A_2415, %add3A_2416, %rem3A_2407 : i32
            %get3A_2418 = arith.constant 0 : index
            %get3A_2419 = tpu.vector_load %arg12[%get3A_2418] {strides = array<i32>} : memref<48xf32, #tpu.memory_space<vmem>>, vector<16xf32>,
            %eq3A_2420 = vector.broadcast %select_n3A_2417 : i32 to vector<16xi32>
            %eq3A_2421 = arith.cmpi eq, %iota3A_2261, %eq3A_2420 : vector<16xi32>
            %eq3A_2422 = arith.constant 0 : i32
            %eq3A_2423 = arith.cmpi eq, %select_n3A_2401, %eq3A_2422 : i32
            %and3A_2424 = vector.broadcast %eq3A_2423 : i1 to vector<16xi1>
            %and3A_2425 = arith.andi %eq3A_2421, %and3A_2424 : vector<16xi1>
            %broadcast_in_dim3A_2426 = vector.broadcast %reduce_max3A_2377 : f32 to vector<16xf32>
            %select_n3A_2427 = arith.select %and3A_2425, %broadcast_in_dim3A_2426, %get3A_2419 : vector<16xi1>, vector<16xf32>
            %swap3A_2428 = arith.constant 0 : index
            %swap3A_2429 = tpu.vector_load %arg12[%swap3A_2428] {strides = array<i32>} : memref<48xf32, #tpu.memory_space<vmem>>, vector<16xf32>,
            tpu.vector_store %arg12[%swap3A_2428], %select_n3A_2427 {strides = array<i32>} : memref<48xf32, #tpu.memory_space<vmem>>, vector<16xf32>,
            %get3A_2430 = arith.constant 16 : index
            %get3A_2431 = tpu.vector_load %arg12[%get3A_2430] {strides = array<i32>} : memref<48xf32, #tpu.memory_space<vmem>>, vector<16xf32>,
            %eq3A_2432 = vector.broadcast %select_n3A_2417 : i32 to vector<16xi32>
            %eq3A_2433 = arith.cmpi eq, %iota3A_2261, %eq3A_2432 : vector<16xi32>
            %eq3A_2434 = arith.constant 1 : i32
            %eq3A_2435 = arith.cmpi eq, %select_n3A_2401, %eq3A_2434 : i32
            %and3A_2436 = vector.broadcast %eq3A_2435 : i1 to vector<16xi1>
            %and3A_2437 = arith.andi %eq3A_2433, %and3A_2436 : vector<16xi1>
            %broadcast_in_dim3A_2438 = vector.broadcast %reduce_max3A_2377 : f32 to vector<16xf32>
            %select_n3A_2439 = arith.select %and3A_2437, %broadcast_in_dim3A_2438, %get3A_2431 : vector<16xi1>, vector<16xf32>
            %swap3A_2440 = arith.constant 16 : index
            %swap3A_2441 = tpu.vector_load %arg12[%swap3A_2440] {strides = array<i32>} : memref<48xf32, #tpu.memory_space<vmem>>, vector<16xf32>,
            tpu.vector_store %arg12[%swap3A_2440], %select_n3A_2439 {strides = array<i32>} : memref<48xf32, #tpu.memory_space<vmem>>, vector<16xf32>,
            %get3A_2442 = arith.constant 32 : index
            %get3A_2443 = tpu.vector_load %arg12[%get3A_2442] {strides = array<i32>} : memref<48xf32, #tpu.memory_space<vmem>>, vector<16xf32>,
            %eq3A_2444 = vector.broadcast %select_n3A_2417 : i32 to vector<16xi32>
            %eq3A_2445 = arith.cmpi eq, %iota3A_2261, %eq3A_2444 : vector<16xi32>
            %eq3A_2446 = arith.constant 2 : i32
            %eq3A_2447 = arith.cmpi eq, %select_n3A_2401, %eq3A_2446 : i32
            %and3A_2448 = vector.broadcast %eq3A_2447 : i1 to vector<16xi1>
            %and3A_2449 = arith.andi %eq3A_2445, %and3A_2448 : vector<16xi1>
            %broadcast_in_dim3A_2450 = vector.broadcast %reduce_max3A_2377 : f32 to vector<16xf32>
            %select_n3A_2451 = arith.select %and3A_2449, %broadcast_in_dim3A_2450, %get3A_2443 : vector<16xi1>, vector<16xf32>
            %swap3A_2452 = arith.constant 32 : index
            %swap3A_2453 = tpu.vector_load %arg12[%swap3A_2452] {strides = array<i32>} : memref<48xf32, #tpu.memory_space<vmem>>, vector<16xf32>,
            tpu.vector_store %arg12[%swap3A_2452], %select_n3A_2451 {strides = array<i32>} : memref<48xf32, #tpu.memory_space<vmem>>, vector<16xf32>,
            %scan3A_2454 = arith.constant 0 : i32
            scf.yield %scan3A_2454 : i32
          }
          %scan3A_2083 = arith.constant 32 : i32
          %broadcast_in_dim3A_2084 = arith.constant -3.000000e+38 : f32
          %broadcast_in_dim3A_2085 = vector.broadcast %broadcast_in_dim3A_2084 : f32 to vector<16xf32>
          %swap3A_2086 = arith.constant 0 : index
          %swap3A_2087 = tpu.vector_load %arg8[%swap3A_2086] {strides = array<i32>} : memref<544xf32, #tpu.memory_space<vmem>>, vector<16xf32>,
          tpu.vector_store %arg8[%swap3A_2086], %broadcast_in_dim3A_2085 {strides = array<i32>} : memref<544xf32, #tpu.memory_space<vmem>>, vector<16xf32>,
          %broadcast_in_dim3A_2088 = arith.constant -3.000000e+38 : f32
          %broadcast_in_dim3A_2089 = vector.broadcast %broadcast_in_dim3A_2088 : f32 to vector<16xf32>
          %swap3A_2090 = arith.constant 16 : index
          %swap3A_2091 = tpu.vector_load %arg8[%swap3A_2090] {strides = array<i32>} : memref<544xf32, #tpu.memory_space<vmem>>, vector<16xf32>,
          tpu.vector_store %arg8[%swap3A_2090], %broadcast_in_dim3A_2089 {strides = array<i32>} : memref<544xf32, #tpu.memory_space<vmem>>, vector<16xf32>,
          %broadcast_in_dim3A_2092 = arith.constant -3.000000e+38 : f32
          %broadcast_in_dim3A_2093 = vector.broadcast %broadcast_in_dim3A_2092 : f32 to vector<16xf32>
          %swap3A_2094 = arith.constant 32 : index
          %swap3A_2095 = tpu.vector_load %arg8[%swap3A_2094] {strides = array<i32>} : memref<544xf32, #tpu.memory_space<vmem>>, vector<16xf32>,
          tpu.vector_store %arg8[%swap3A_2094], %broadcast_in_dim3A_2093 {strides = array<i32>} : memref<544xf32, #tpu.memory_space<vmem>>, vector<16xf32>,
          %broadcast_in_dim3A_2096 = arith.constant -3.000000e+38 : f32
          %broadcast_in_dim3A_2097 = vector.broadcast %broadcast_in_dim3A_2096 : f32 to vector<16xf32>
          %swap3A_2098 = arith.constant 48 : index
          %swap3A_2099 = tpu.vector_load %arg8[%swap3A_2098] {strides = array<i32>} : memref<544xf32, #tpu.memory_space<vmem>>, vector<16xf32>,
          tpu.vector_store %arg8[%swap3A_2098], %broadcast_in_dim3A_2097 {strides = array<i32>} : memref<544xf32, #tpu.memory_space<vmem>>, vector<16xf32>,
          %broadcast_in_dim3A_2100 = arith.constant -3.000000e+38 : f32
          %broadcast_in_dim3A_2101 = vector.broadcast %broadcast_in_dim3A_2100 : f32 to vector<16xf32>
          %swap3A_2102 = arith.constant 64 : index
          %swap3A_2103 = tpu.vector_load %arg8[%swap3A_2102] {strides = array<i32>} : memref<544xf32, #tpu.memory_space<vmem>>, vector<16xf32>,
          tpu.vector_store %arg8[%swap3A_2102], %broadcast_in_dim3A_2101 {strides = array<i32>} : memref<544xf32, #tpu.memory_space<vmem>>, vector<16xf32>,
          %broadcast_in_dim3A_2104 = arith.constant -3.000000e+38 : f32
          %broadcast_in_dim3A_2105 = vector.broadcast %broadcast_in_dim3A_2104 : f32 to vector<16xf32>
          %swap3A_2106 = arith.constant 80 : index
          %swap3A_2107 = tpu.vector_load %arg8[%swap3A_2106] {strides = array<i32>} : memref<544xf32, #tpu.memory_space<vmem>>, vector<16xf32>,
          tpu.vector_store %arg8[%swap3A_2106], %broadcast_in_dim3A_2105 {strides = array<i32>} : memref<544xf32, #tpu.memory_space<vmem>>, vector<16xf32>,
          %broadcast_in_dim3A_2108 = arith.constant -3.000000e+38 : f32
          %broadcast_in_dim3A_2109 = vector.broadcast %broadcast_in_dim3A_2108 : f32 to vector<16xf32>
          %swap3A_2110 = arith.constant 96 : index
          %swap3A_2111 = tpu.vector_load %arg8[%swap3A_2110] {strides = array<i32>} : memref<544xf32, #tpu.memory_space<vmem>>, vector<16xf32>,
          tpu.vector_store %arg8[%swap3A_2110], %broadcast_in_dim3A_2109 {strides = array<i32>} : memref<544xf32, #tpu.memory_space<vmem>>, vector<16xf32>,
          %broadcast_in_dim3A_2112 = arith.constant -3.000000e+38 : f32
          %broadcast_in_dim3A_2113 = vector.broadcast %broadcast_in_dim3A_2112 : f32 to vector<16xf32>
          %swap3A_2114 = arith.constant 112 : index
          %swap3A_2115 = tpu.vector_load %arg8[%swap3A_2114] {strides = array<i32>} : memref<544xf32, #tpu.memory_space<vmem>>, vector<16xf32>,
          tpu.vector_store %arg8[%swap3A_2114], %broadcast_in_dim3A_2113 {strides = array<i32>} : memref<544xf32, #tpu.memory_space<vmem>>, vector<16xf32>,
          %broadcast_in_dim3A_2116 = arith.constant -3.000000e+38 : f32
          %broadcast_in_dim3A_2117 = vector.broadcast %broadcast_in_dim3A_2116 : f32 to vector<16xf32>
          %swap3A_2118 = arith.constant 128 : index
          %swap3A_2119 = tpu.vector_load %arg8[%swap3A_2118] {strides = array<i32>} : memref<544xf32, #tpu.memory_space<vmem>>, vector<16xf32>,
          tpu.vector_store %arg8[%swap3A_2118], %broadcast_in_dim3A_2117 {strides = array<i32>} : memref<544xf32, #tpu.memory_space<vmem>>, vector<16xf32>,
          %broadcast_in_dim3A_2120 = arith.constant -3.000000e+38 : f32
          %broadcast_in_dim3A_2121 = vector.broadcast %broadcast_in_dim3A_2120 : f32 to vector<16xf32>
          %swap3A_2122 = arith.constant 144 : index
          %swap3A_2123 = tpu.vector_load %arg8[%swap3A_2122] {strides = array<i32>} : memref<544xf32, #tpu.memory_space<vmem>>, vector<16xf32>,
          tpu.vector_store %arg8[%swap3A_2122], %broadcast_in_dim3A_2121 {strides = array<i32>} : memref<544xf32, #tpu.memory_space<vmem>>, vector<16xf32>,
          %broadcast_in_dim3A_2124 = arith.constant -3.000000e+38 : f32
          %broadcast_in_dim3A_2125 = vector.broadcast %broadcast_in_dim3A_2124 : f32 to vector<16xf32>
          %swap3A_2126 = arith.constant 160 : index
          %swap3A_2127 = tpu.vector_load %arg8[%swap3A_2126] {strides = array<i32>} : memref<544xf32, #tpu.memory_space<vmem>>, vector<16xf32>,
          tpu.vector_store %arg8[%swap3A_2126], %broadcast_in_dim3A_2125 {strides = array<i32>} : memref<544xf32, #tpu.memory_space<vmem>>, vector<16xf32>,
          %broadcast_in_dim3A_2128 = arith.constant -3.000000e+38 : f32
          %broadcast_in_dim3A_2129 = vector.broadcast %broadcast_in_dim3A_2128 : f32 to vector<16xf32>
          %swap3A_2130 = arith.constant 176 : index
          %swap3A_2131 = tpu.vector_load %arg8[%swap3A_2130] {strides = array<i32>} : memref<544xf32, #tpu.memory_space<vmem>>, vector<16xf32>,
          tpu.vector_store %arg8[%swap3A_2130], %broadcast_in_dim3A_2129 {strides = array<i32>} : memref<544xf32, #tpu.memory_space<vmem>>, vector<16xf32>,
          %broadcast_in_dim3A_2132 = arith.constant -3.000000e+38 : f32
          %broadcast_in_dim3A_2133 = vector.broadcast %broadcast_in_dim3A_2132 : f32 to vector<16xf32>
          %swap3A_2134 = arith.constant 192 : index
          %swap3A_2135 = tpu.vector_load %arg8[%swap3A_2134] {strides = array<i32>} : memref<544xf32, #tpu.memory_space<vmem>>, vector<16xf32>,
          tpu.vector_store %arg8[%swap3A_2134], %broadcast_in_dim3A_2133 {strides = array<i32>} : memref<544xf32, #tpu.memory_space<vmem>>, vector<16xf32>,
          %broadcast_in_dim3A_2136 = arith.constant -3.000000e+38 : f32
          %broadcast_in_dim3A_2137 = vector.broadcast %broadcast_in_dim3A_2136 : f32 to vector<16xf32>
          %swap3A_2138 = arith.constant 208 : index
          %swap3A_2139 = tpu.vector_load %arg8[%swap3A_2138] {strides = array<i32>} : memref<544xf32, #tpu.memory_space<vmem>>, vector<16xf32>,
          tpu.vector_store %arg8[%swap3A_2138], %broadcast_in_dim3A_2137 {strides = array<i32>} : memref<544xf32, #tpu.memory_space<vmem>>, vector<16xf32>,
          %broadcast_in_dim3A_2140 = arith.constant -3.000000e+38 : f32
          %broadcast_in_dim3A_2141 = vector.broadcast %broadcast_in_dim3A_2140 : f32 to vector<16xf32>
          %swap3A_2142 = arith.constant 224 : index
          %swap3A_2143 = tpu.vector_load %arg8[%swap3A_2142] {strides = array<i32>} : memref<544xf32, #tpu.memory_space<vmem>>, vector<16xf32>,
          tpu.vector_store %arg8[%swap3A_2142], %broadcast_in_dim3A_2141 {strides = array<i32>} : memref<544xf32, #tpu.memory_space<vmem>>, vector<16xf32>,
          %broadcast_in_dim3A_2144 = arith.constant -3.000000e+38 : f32
          %broadcast_in_dim3A_2145 = vector.broadcast %broadcast_in_dim3A_2144 : f32 to vector<16xf32>
          %swap3A_2146 = arith.constant 240 : index
          %swap3A_2147 = tpu.vector_load %arg8[%swap3A_2146] {strides = array<i32>} : memref<544xf32, #tpu.memory_space<vmem>>, vector<16xf32>,
          tpu.vector_store %arg8[%swap3A_2146], %broadcast_in_dim3A_2145 {strides = array<i32>} : memref<544xf32, #tpu.memory_space<vmem>>, vector<16xf32>,
          %broadcast_in_dim3A_2148 = arith.constant -3.000000e+38 : f32
          %broadcast_in_dim3A_2149 = vector.broadcast %broadcast_in_dim3A_2148 : f32 to vector<16xf32>
          %swap3A_2150 = arith.constant 256 : index
          %swap3A_2151 = tpu.vector_load %arg8[%swap3A_2150] {strides = array<i32>} : memref<544xf32, #tpu.memory_space<vmem>>, vector<16xf32>,
          tpu.vector_store %arg8[%swap3A_2150], %broadcast_in_dim3A_2149 {strides = array<i32>} : memref<544xf32, #tpu.memory_space<vmem>>, vector<16xf32>,
          %broadcast_in_dim3A_2152 = arith.constant -3.000000e+38 : f32
          %broadcast_in_dim3A_2153 = vector.broadcast %broadcast_in_dim3A_2152 : f32 to vector<16xf32>
          %swap3A_2154 = arith.constant 272 : index
          %swap3A_2155 = tpu.vector_load %arg8[%swap3A_2154] {strides = array<i32>} : memref<544xf32, #tpu.memory_space<vmem>>, vector<16xf32>,
          tpu.vector_store %arg8[%swap3A_2154], %broadcast_in_dim3A_2153 {strides = array<i32>} : memref<544xf32, #tpu.memory_space<vmem>>, vector<16xf32>,
          %broadcast_in_dim3A_2156 = arith.constant -3.000000e+38 : f32
          %broadcast_in_dim3A_2157 = vector.broadcast %broadcast_in_dim3A_2156 : f32 to vector<16xf32>
          %swap3A_2158 = arith.constant 288 : index
          %swap3A_2159 = tpu.vector_load %arg8[%swap3A_2158] {strides = array<i32>} : memref<544xf32, #tpu.memory_space<vmem>>, vector<16xf32>,
          tpu.vector_store %arg8[%swap3A_2158], %broadcast_in_dim3A_2157 {strides = array<i32>} : memref<544xf32, #tpu.memory_space<vmem>>, vector<16xf32>,
          %broadcast_in_dim3A_2160 = arith.constant -3.000000e+38 : f32
          %broadcast_in_dim3A_2161 = vector.broadcast %broadcast_in_dim3A_2160 : f32 to vector<16xf32>
          %swap3A_2162 = arith.constant 304 : index
          %swap3A_2163 = tpu.vector_load %arg8[%swap3A_2162] {strides = array<i32>} : memref<544xf32, #tpu.memory_space<vmem>>, vector<16xf32>,
          tpu.vector_store %arg8[%swap3A_2162], %broadcast_in_dim3A_2161 {strides = array<i32>} : memref<544xf32, #tpu.memory_space<vmem>>, vector<16xf32>,
          %broadcast_in_dim3A_2164 = arith.constant -3.000000e+38 : f32
          %broadcast_in_dim3A_2165 = vector.broadcast %broadcast_in_dim3A_2164 : f32 to vector<16xf32>
          %swap3A_2166 = arith.constant 320 : index
          %swap3A_2167 = tpu.vector_load %arg8[%swap3A_2166] {strides = array<i32>} : memref<544xf32, #tpu.memory_space<vmem>>, vector<16xf32>,
          tpu.vector_store %arg8[%swap3A_2166], %broadcast_in_dim3A_2165 {strides = array<i32>} : memref<544xf32, #tpu.memory_space<vmem>>, vector<16xf32>,
          %broadcast_in_dim3A_2168 = arith.constant -3.000000e+38 : f32
          %broadcast_in_dim3A_2169 = vector.broadcast %broadcast_in_dim3A_2168 : f32 to vector<16xf32>
          %swap3A_2170 = arith.constant 336 : index
          %swap3A_2171 = tpu.vector_load %arg8[%swap3A_2170] {strides = array<i32>} : memref<544xf32, #tpu.memory_space<vmem>>, vector<16xf32>,
          tpu.vector_store %arg8[%swap3A_2170], %broadcast_in_dim3A_2169 {strides = array<i32>} : memref<544xf32, #tpu.memory_space<vmem>>, vector<16xf32>,
          %broadcast_in_dim3A_2172 = arith.constant -3.000000e+38 : f32
          %broadcast_in_dim3A_2173 = vector.broadcast %broadcast_in_dim3A_2172 : f32 to vector<16xf32>
          %swap3A_2174 = arith.constant 352 : index
          %swap3A_2175 = tpu.vector_load %arg8[%swap3A_2174] {strides = array<i32>} : memref<544xf32, #tpu.memory_space<vmem>>, vector<16xf32>,
          tpu.vector_store %arg8[%swap3A_2174], %broadcast_in_dim3A_2173 {strides = array<i32>} : memref<544xf32, #tpu.memory_space<vmem>>, vector<16xf32>,
          %broadcast_in_dim3A_2176 = arith.constant -3.000000e+38 : f32
          %broadcast_in_dim3A_2177 = vector.broadcast %broadcast_in_dim3A_2176 : f32 to vector<16xf32>
          %swap3A_2178 = arith.constant 368 : index
          %swap3A_2179 = tpu.vector_load %arg8[%swap3A_2178] {strides = array<i32>} : memref<544xf32, #tpu.memory_space<vmem>>, vector<16xf32>,
          tpu.vector_store %arg8[%swap3A_2178], %broadcast_in_dim3A_2177 {strides = array<i32>} : memref<544xf32, #tpu.memory_space<vmem>>, vector<16xf32>,
          %broadcast_in_dim3A_2180 = arith.constant -3.000000e+38 : f32
          %broadcast_in_dim3A_2181 = vector.broadcast %broadcast_in_dim3A_2180 : f32 to vector<16xf32>
          %swap3A_2182 = arith.constant 384 : index
          %swap3A_2183 = tpu.vector_load %arg8[%swap3A_2182] {strides = array<i32>} : memref<544xf32, #tpu.memory_space<vmem>>, vector<16xf32>,
          tpu.vector_store %arg8[%swap3A_2182], %broadcast_in_dim3A_2181 {strides = array<i32>} : memref<544xf32, #tpu.memory_space<vmem>>, vector<16xf32>,
          %broadcast_in_dim3A_2184 = arith.constant -3.000000e+38 : f32
          %broadcast_in_dim3A_2185 = vector.broadcast %broadcast_in_dim3A_2184 : f32 to vector<16xf32>
          %swap3A_2186 = arith.constant 400 : index
          %swap3A_2187 = tpu.vector_load %arg8[%swap3A_2186] {strides = array<i32>} : memref<544xf32, #tpu.memory_space<vmem>>, vector<16xf32>,
          tpu.vector_store %arg8[%swap3A_2186], %broadcast_in_dim3A_2185 {strides = array<i32>} : memref<544xf32, #tpu.memory_space<vmem>>, vector<16xf32>,
          %broadcast_in_dim3A_2188 = arith.constant -3.000000e+38 : f32
          %broadcast_in_dim3A_2189 = vector.broadcast %broadcast_in_dim3A_2188 : f32 to vector<16xf32>
          %swap3A_2190 = arith.constant 416 : index
          %swap3A_2191 = tpu.vector_load %arg8[%swap3A_2190] {strides = array<i32>} : memref<544xf32, #tpu.memory_space<vmem>>, vector<16xf32>,
          tpu.vector_store %arg8[%swap3A_2190], %broadcast_in_dim3A_2189 {strides = array<i32>} : memref<544xf32, #tpu.memory_space<vmem>>, vector<16xf32>,
          %broadcast_in_dim3A_2192 = arith.constant -3.000000e+38 : f32
          %broadcast_in_dim3A_2193 = vector.broadcast %broadcast_in_dim3A_2192 : f32 to vector<16xf32>
          %swap3A_2194 = arith.constant 432 : index
          %swap3A_2195 = tpu.vector_load %arg8[%swap3A_2194] {strides = array<i32>} : memref<544xf32, #tpu.memory_space<vmem>>, vector<16xf32>,
          tpu.vector_store %arg8[%swap3A_2194], %broadcast_in_dim3A_2193 {strides = array<i32>} : memref<544xf32, #tpu.memory_space<vmem>>, vector<16xf32>,
          %broadcast_in_dim3A_2196 = arith.constant -3.000000e+38 : f32
          %broadcast_in_dim3A_2197 = vector.broadcast %broadcast_in_dim3A_2196 : f32 to vector<16xf32>
          %swap3A_2198 = arith.constant 448 : index
          %swap3A_2199 = tpu.vector_load %arg8[%swap3A_2198] {strides = array<i32>} : memref<544xf32, #tpu.memory_space<vmem>>, vector<16xf32>,
          tpu.vector_store %arg8[%swap3A_2198], %broadcast_in_dim3A_2197 {strides = array<i32>} : memref<544xf32, #tpu.memory_space<vmem>>, vector<16xf32>,
          %broadcast_in_dim3A_2200 = arith.constant -3.000000e+38 : f32
          %broadcast_in_dim3A_2201 = vector.broadcast %broadcast_in_dim3A_2200 : f32 to vector<16xf32>
          %swap3A_2202 = arith.constant 464 : index
          %swap3A_2203 = tpu.vector_load %arg8[%swap3A_2202] {strides = array<i32>} : memref<544xf32, #tpu.memory_space<vmem>>, vector<16xf32>,
          tpu.vector_store %arg8[%swap3A_2202], %broadcast_in_dim3A_2201 {strides = array<i32>} : memref<544xf32, #tpu.memory_space<vmem>>, vector<16xf32>,
          %broadcast_in_dim3A_2204 = arith.constant -3.000000e+38 : f32
          %broadcast_in_dim3A_2205 = vector.broadcast %broadcast_in_dim3A_2204 : f32 to vector<16xf32>
          %swap3A_2206 = arith.constant 480 : index
          %swap3A_2207 = tpu.vector_load %arg8[%swap3A_2206] {strides = array<i32>} : memref<544xf32, #tpu.memory_space<vmem>>, vector<16xf32>,
          tpu.vector_store %arg8[%swap3A_2206], %broadcast_in_dim3A_2205 {strides = array<i32>} : memref<544xf32, #tpu.memory_space<vmem>>, vector<16xf32>,
          %broadcast_in_dim3A_2208 = arith.constant -3.000000e+38 : f32
          %broadcast_in_dim3A_2209 = vector.broadcast %broadcast_in_dim3A_2208 : f32 to vector<16xf32>
          %swap3A_2210 = arith.constant 496 : index
          %swap3A_2211 = tpu.vector_load %arg8[%swap3A_2210] {strides = array<i32>} : memref<544xf32, #tpu.memory_space<vmem>>, vector<16xf32>,
          tpu.vector_store %arg8[%swap3A_2210], %broadcast_in_dim3A_2209 {strides = array<i32>} : memref<544xf32, #tpu.memory_space<vmem>>, vector<16xf32>,
          %broadcast_in_dim3A_2212 = arith.constant -3.000000e+38 : f32
          %broadcast_in_dim3A_2213 = vector.broadcast %broadcast_in_dim3A_2212 : f32 to vector<16xf32>
          %swap3A_2214 = arith.constant 512 : index
          %swap3A_2215 = tpu.vector_load %arg8[%swap3A_2214] {strides = array<i32>} : memref<544xf32, #tpu.memory_space<vmem>>, vector<16xf32>,
          tpu.vector_store %arg8[%swap3A_2214], %broadcast_in_dim3A_2213 {strides = array<i32>} : memref<544xf32, #tpu.memory_space<vmem>>, vector<16xf32>,
          %broadcast_in_dim3A_2216 = arith.constant -3.000000e+38 : f32
          %broadcast_in_dim3A_2217 = vector.broadcast %broadcast_in_dim3A_2216 : f32 to vector<16xf32>
          %swap3A_2218 = arith.constant 528 : index
          %swap3A_2219 = tpu.vector_load %arg8[%swap3A_2218] {strides = array<i32>} : memref<544xf32, #tpu.memory_space<vmem>>, vector<16xf32>,
          tpu.vector_store %arg8[%swap3A_2218], %broadcast_in_dim3A_2217 {strides = array<i32>} : memref<544xf32, #tpu.memory_space<vmem>>, vector<16xf32>,
          %get3A_2220 = arith.constant 0 : index
          %get3A_2221 = tpu.vector_load %arg10[%get3A_2220] {strides = array<i32>} : memref<32xf32, #tpu.memory_space<vmem>>, vector<16xf32>,
          %swap3A_2222 = arith.constant 0 : index
          %swap3A_2223 = tpu.vector_load %arg8[%swap3A_2222] {strides = array<i32>} : memref<544xf32, #tpu.memory_space<vmem>>, vector<16xf32>,
          tpu.vector_store %arg8[%swap3A_2222], %get3A_2221 {strides = array<i32>} : memref<544xf32, #tpu.memory_space<vmem>>, vector<16xf32>,
          %get3A_2224 = arith.constant 16 : index
          %get3A_2225 = tpu.vector_load %arg10[%get3A_2224] {strides = array<i32>} : memref<32xf32, #tpu.memory_space<vmem>>, vector<16xf32>,
          %swap3A_2226 = arith.constant 16 : index
          %swap3A_2227 = tpu.vector_load %arg8[%swap3A_2226] {strides = array<i32>} : memref<544xf32, #tpu.memory_space<vmem>>, vector<16xf32>,
          tpu.vector_store %arg8[%swap3A_2226], %get3A_2225 {strides = array<i32>} : memref<544xf32, #tpu.memory_space<vmem>>, vector<16xf32>,
          %get3A_2228 = arith.constant 0 : index
          %get3A_2229 = tpu.vector_load %arg11[%get3A_2228] {strides = array<i32>} : memref<32xi32, #tpu.memory_space<vmem>>, vector<16xi32>,
          %swap3A_2230 = arith.constant 0 : index
          %swap3A_2231 = tpu.vector_load %arg9[%swap3A_2230] {strides = array<i32>} : memref<544xi32, #tpu.memory_space<vmem>>, vector<16xi32>,
          tpu.vector_store %arg9[%swap3A_2230], %get3A_2229 {strides = array<i32>} : memref<544xi32, #tpu.memory_space<vmem>>, vector<16xi32>,
          %get3A_2232 = arith.constant 16 : index
          %get3A_2233 = tpu.vector_load %arg11[%get3A_2232] {strides = array<i32>} : memref<32xi32, #tpu.memory_space<vmem>>, vector<16xi32>,
          %swap3A_2234 = arith.constant 16 : index
          %swap3A_2235 = tpu.vector_load %arg9[%swap3A_2234] {strides = array<i32>} : memref<544xi32, #tpu.memory_space<vmem>>, vector<16xi32>,
          tpu.vector_store %arg9[%swap3A_2234], %get3A_2233 {strides = array<i32>} : memref<544xi32, #tpu.memory_space<vmem>>, vector<16xi32>,
          %get3A_2236 = arith.constant 0 : index
          %get3A_2237 = tpu.vector_load %arg10[%get3A_2236] {strides = array<i32>} : memref<32xf32, #tpu.memory_space<vmem>>, vector<16xf32>,
          %get3A_2238 = arith.constant 16 : index
          %get3A_2239 = tpu.vector_load %arg10[%get3A_2238] {strides = array<i32>} : memref<32xf32, #tpu.memory_space<vmem>>, vector<16xf32>,
          %min3A = arith.minimumf %get3A_2237, %get3A_2239 : vector<16xf32>
          %reduce_min3A = arith.constant true
          %reduce_min3A_2240 = vector.broadcast %reduce_min3A : i1 to vector<16xi1>
          %reduce_min3A_2241 = tpu.scan <min>, %min3A masked %reduce_min3A_2240 : vector<16xf32>, vector<16xi1> -> vector<16xf32>
          %reduce_min3A_2242 = vector.extract %reduce_min3A_2241[15] : f32 from vector<16xf32>
          %cond3A_2243 = arith.constant 32 : i32
          scf.yield %reduce_min3A_2242, %cond3A_2243 : f32, i32
        } else {
          scf.yield %scan3A_1565, %cond3A_1651 : f32, i32
        }
        scf.yield %cond3A_1656#0, %cond3A_1656#1 : f32, i32
      }
      %scan3A_153 = arith.constant 128 : i32
      %broadcast_in_dim3A_154 = arith.constant -3.000000e+38 : f32
      %broadcast_in_dim3A_155 = vector.broadcast %broadcast_in_dim3A_154 : f32 to vector<16xf32>
      %get3A = arith.constant 0 : index
      %get3A_156 = tpu.vector_load %arg8[%get3A] {strides = array<i32>} : memref<544xf32, #tpu.memory_space<vmem>>, vector<16xf32>,
      %reduce_max3A = arith.constant true
      %reduce_max3A_157 = vector.broadcast %reduce_max3A : i1 to vector<16xi1>
      %reduce_max3A_158 = tpu.scan <max>, %get3A_156 masked %reduce_max3A_157 : vector<16xf32>, vector<16xi1> -> vector<16xf32>
      %reduce_max3A_159 = vector.extract %reduce_max3A_158[15] : f32 from vector<16xf32>
      %iota3A = tpu.iota {dimensions = array<i32: 0>} : vector<16xi32>
      %eq3A = arith.constant 0 : i32
      %eq3A_160 = vector.broadcast %eq3A : i32 to vector<16xi32>
      %eq3A_161 = arith.cmpi eq, %iota3A, %eq3A_160 : vector<16xi32>
      %broadcast_in_dim3A_162 = vector.broadcast %reduce_max3A_159 : f32 to vector<16xf32>
      %select_n3A = arith.select %eq3A_161, %broadcast_in_dim3A_162, %broadcast_in_dim3A_155 : vector<16xi1>, vector<16xf32>
      %get3A_163 = arith.constant 16 : index
      %get3A_164 = tpu.vector_load %arg8[%get3A_163] {strides = array<i32>} : memref<544xf32, #tpu.memory_space<vmem>>, vector<16xf32>,
      %reduce_max3A_165 = arith.constant true
      %reduce_max3A_166 = vector.broadcast %reduce_max3A_165 : i1 to vector<16xi1>
      %reduce_max3A_167 = tpu.scan <max>, %get3A_164 masked %reduce_max3A_166 : vector<16xf32>, vector<16xi1> -> vector<16xf32>
      %reduce_max3A_168 = vector.extract %reduce_max3A_167[15] : f32 from vector<16xf32>
      %iota3A_169 = tpu.iota {dimensions = array<i32: 0>} : vector<16xi32>
      %eq3A_170 = arith.constant 1 : i32
      %eq3A_171 = vector.broadcast %eq3A_170 : i32 to vector<16xi32>
      %eq3A_172 = arith.cmpi eq, %iota3A_169, %eq3A_171 : vector<16xi32>
      %broadcast_in_dim3A_173 = vector.broadcast %reduce_max3A_168 : f32 to vector<16xf32>
      %select_n3A_174 = arith.select %eq3A_172, %broadcast_in_dim3A_173, %select_n3A : vector<16xi1>, vector<16xf32>
      %get3A_175 = arith.constant 32 : index
      %get3A_176 = tpu.vector_load %arg8[%get3A_175] {strides = array<i32>} : memref<544xf32, #tpu.memory_space<vmem>>, vector<16xf32>,
      %reduce_max3A_177 = arith.constant true
      %reduce_max3A_178 = vector.broadcast %reduce_max3A_177 : i1 to vector<16xi1>
      %reduce_max3A_179 = tpu.scan <max>, %get3A_176 masked %reduce_max3A_178 : vector<16xf32>, vector<16xi1> -> vector<16xf32>
      %reduce_max3A_180 = vector.extract %reduce_max3A_179[15] : f32 from vector<16xf32>
      %iota3A_181 = tpu.iota {dimensions = array<i32: 0>} : vector<16xi32>
      %eq3A_182 = arith.constant 2 : i32
      %eq3A_183 = vector.broadcast %eq3A_182 : i32 to vector<16xi32>
      %eq3A_184 = arith.cmpi eq, %iota3A_181, %eq3A_183 : vector<16xi32>
      %broadcast_in_dim3A_185 = vector.broadcast %reduce_max3A_180 : f32 to vector<16xf32>
      %select_n3A_186 = arith.select %eq3A_184, %broadcast_in_dim3A_185, %select_n3A_174 : vector<16xi1>, vector<16xf32>
      %get3A_187 = arith.constant 48 : index
      %get3A_188 = tpu.vector_load %arg8[%get3A_187] {strides = array<i32>} : memref<544xf32, #tpu.memory_space<vmem>>, vector<16xf32>,
      %reduce_max3A_189 = arith.constant true
      %reduce_max3A_190 = vector.broadcast %reduce_max3A_189 : i1 to vector<16xi1>
      %reduce_max3A_191 = tpu.scan <max>, %get3A_188 masked %reduce_max3A_190 : vector<16xf32>, vector<16xi1> -> vector<16xf32>
      %reduce_max3A_192 = vector.extract %reduce_max3A_191[15] : f32 from vector<16xf32>
      %iota3A_193 = tpu.iota {dimensions = array<i32: 0>} : vector<16xi32>
      %eq3A_194 = arith.constant 3 : i32
      %eq3A_195 = vector.broadcast %eq3A_194 : i32 to vector<16xi32>
      %eq3A_196 = arith.cmpi eq, %iota3A_193, %eq3A_195 : vector<16xi32>
      %broadcast_in_dim3A_197 = vector.broadcast %reduce_max3A_192 : f32 to vector<16xf32>
      %select_n3A_198 = arith.select %eq3A_196, %broadcast_in_dim3A_197, %select_n3A_186 : vector<16xi1>, vector<16xf32>
      %get3A_199 = arith.constant 64 : index
      %get3A_200 = tpu.vector_load %arg8[%get3A_199] {strides = array<i32>} : memref<544xf32, #tpu.memory_space<vmem>>, vector<16xf32>,
      %reduce_max3A_201 = arith.constant true
      %reduce_max3A_202 = vector.broadcast %reduce_max3A_201 : i1 to vector<16xi1>
      %reduce_max3A_203 = tpu.scan <max>, %get3A_200 masked %reduce_max3A_202 : vector<16xf32>, vector<16xi1> -> vector<16xf32>
      %reduce_max3A_204 = vector.extract %reduce_max3A_203[15] : f32 from vector<16xf32>
      %iota3A_205 = tpu.iota {dimensions = array<i32: 0>} : vector<16xi32>
      %eq3A_206 = arith.constant 4 : i32
      %eq3A_207 = vector.broadcast %eq3A_206 : i32 to vector<16xi32>
      %eq3A_208 = arith.cmpi eq, %iota3A_205, %eq3A_207 : vector<16xi32>
      %broadcast_in_dim3A_209 = vector.broadcast %reduce_max3A_204 : f32 to vector<16xf32>
      %select_n3A_210 = arith.select %eq3A_208, %broadcast_in_dim3A_209, %select_n3A_198 : vector<16xi1>, vector<16xf32>
      %get3A_211 = arith.constant 80 : index
      %get3A_212 = tpu.vector_load %arg8[%get3A_211] {strides = array<i32>} : memref<544xf32, #tpu.memory_space<vmem>>, vector<16xf32>,
      %reduce_max3A_213 = arith.constant true
      %reduce_max3A_214 = vector.broadcast %reduce_max3A_213 : i1 to vector<16xi1>
      %reduce_max3A_215 = tpu.scan <max>, %get3A_212 masked %reduce_max3A_214 : vector<16xf32>, vector<16xi1> -> vector<16xf32>
      %reduce_max3A_216 = vector.extract %reduce_max3A_215[15] : f32 from vector<16xf32>
      %iota3A_217 = tpu.iota {dimensions = array<i32: 0>} : vector<16xi32>
      %eq3A_218 = arith.constant 5 : i32
      %eq3A_219 = vector.broadcast %eq3A_218 : i32 to vector<16xi32>
      %eq3A_220 = arith.cmpi eq, %iota3A_217, %eq3A_219 : vector<16xi32>
      %broadcast_in_dim3A_221 = vector.broadcast %reduce_max3A_216 : f32 to vector<16xf32>
      %select_n3A_222 = arith.select %eq3A_220, %broadcast_in_dim3A_221, %select_n3A_210 : vector<16xi1>, vector<16xf32>
      %get3A_223 = arith.constant 96 : index
      %get3A_224 = tpu.vector_load %arg8[%get3A_223] {strides = array<i32>} : memref<544xf32, #tpu.memory_space<vmem>>, vector<16xf32>,
      %reduce_max3A_225 = arith.constant true
      %reduce_max3A_226 = vector.broadcast %reduce_max3A_225 : i1 to vector<16xi1>
      %reduce_max3A_227 = tpu.scan <max>, %get3A_224 masked %reduce_max3A_226 : vector<16xf32>, vector<16xi1> -> vector<16xf32>
      %reduce_max3A_228 = vector.extract %reduce_max3A_227[15] : f32 from vector<16xf32>
      %iota3A_229 = tpu.iota {dimensions = array<i32: 0>} : vector<16xi32>
      %eq3A_230 = arith.constant 6 : i32
      %eq3A_231 = vector.broadcast %eq3A_230 : i32 to vector<16xi32>
      %eq3A_232 = arith.cmpi eq, %iota3A_229, %eq3A_231 : vector<16xi32>
      %broadcast_in_dim3A_233 = vector.broadcast %reduce_max3A_228 : f32 to vector<16xf32>
      %select_n3A_234 = arith.select %eq3A_232, %broadcast_in_dim3A_233, %select_n3A_222 : vector<16xi1>, vector<16xf32>
      %get3A_235 = arith.constant 112 : index
      %get3A_236 = tpu.vector_load %arg8[%get3A_235] {strides = array<i32>} : memref<544xf32, #tpu.memory_space<vmem>>, vector<16xf32>,
      %reduce_max3A_237 = arith.constant true
      %reduce_max3A_238 = vector.broadcast %reduce_max3A_237 : i1 to vector<16xi1>
      %reduce_max3A_239 = tpu.scan <max>, %get3A_236 masked %reduce_max3A_238 : vector<16xf32>, vector<16xi1> -> vector<16xf32>
      %reduce_max3A_240 = vector.extract %reduce_max3A_239[15] : f32 from vector<16xf32>
      %iota3A_241 = tpu.iota {dimensions = array<i32: 0>} : vector<16xi32>
      %eq3A_242 = arith.constant 7 : i32
      %eq3A_243 = vector.broadcast %eq3A_242 : i32 to vector<16xi32>
      %eq3A_244 = arith.cmpi eq, %iota3A_241, %eq3A_243 : vector<16xi32>
      %broadcast_in_dim3A_245 = vector.broadcast %reduce_max3A_240 : f32 to vector<16xf32>
      %select_n3A_246 = arith.select %eq3A_244, %broadcast_in_dim3A_245, %select_n3A_234 : vector<16xi1>, vector<16xf32>
      %get3A_247 = arith.constant 128 : index
      %get3A_248 = tpu.vector_load %arg8[%get3A_247] {strides = array<i32>} : memref<544xf32, #tpu.memory_space<vmem>>, vector<16xf32>,
      %reduce_max3A_249 = arith.constant true
      %reduce_max3A_250 = vector.broadcast %reduce_max3A_249 : i1 to vector<16xi1>
      %reduce_max3A_251 = tpu.scan <max>, %get3A_248 masked %reduce_max3A_250 : vector<16xf32>, vector<16xi1> -> vector<16xf32>
      %reduce_max3A_252 = vector.extract %reduce_max3A_251[15] : f32 from vector<16xf32>
      %iota3A_253 = tpu.iota {dimensions = array<i32: 0>} : vector<16xi32>
      %eq3A_254 = arith.constant 8 : i32
      %eq3A_255 = vector.broadcast %eq3A_254 : i32 to vector<16xi32>
      %eq3A_256 = arith.cmpi eq, %iota3A_253, %eq3A_255 : vector<16xi32>
      %broadcast_in_dim3A_257 = vector.broadcast %reduce_max3A_252 : f32 to vector<16xf32>
      %select_n3A_258 = arith.select %eq3A_256, %broadcast_in_dim3A_257, %select_n3A_246 : vector<16xi1>, vector<16xf32>
      %get3A_259 = arith.constant 144 : index
      %get3A_260 = tpu.vector_load %arg8[%get3A_259] {strides = array<i32>} : memref<544xf32, #tpu.memory_space<vmem>>, vector<16xf32>,
      %reduce_max3A_261 = arith.constant true
      %reduce_max3A_262 = vector.broadcast %reduce_max3A_261 : i1 to vector<16xi1>
      %reduce_max3A_263 = tpu.scan <max>, %get3A_260 masked %reduce_max3A_262 : vector<16xf32>, vector<16xi1> -> vector<16xf32>
      %reduce_max3A_264 = vector.extract %reduce_max3A_263[15] : f32 from vector<16xf32>
      %iota3A_265 = tpu.iota {dimensions = array<i32: 0>} : vector<16xi32>
      %eq3A_266 = arith.constant 9 : i32
      %eq3A_267 = vector.broadcast %eq3A_266 : i32 to vector<16xi32>
      %eq3A_268 = arith.cmpi eq, %iota3A_265, %eq3A_267 : vector<16xi32>
      %broadcast_in_dim3A_269 = vector.broadcast %reduce_max3A_264 : f32 to vector<16xf32>
      %select_n3A_270 = arith.select %eq3A_268, %broadcast_in_dim3A_269, %select_n3A_258 : vector<16xi1>, vector<16xf32>
      %get3A_271 = arith.constant 160 : index
      %get3A_272 = tpu.vector_load %arg8[%get3A_271] {strides = array<i32>} : memref<544xf32, #tpu.memory_space<vmem>>, vector<16xf32>,
      %reduce_max3A_273 = arith.constant true
      %reduce_max3A_274 = vector.broadcast %reduce_max3A_273 : i1 to vector<16xi1>
      %reduce_max3A_275 = tpu.scan <max>, %get3A_272 masked %reduce_max3A_274 : vector<16xf32>, vector<16xi1> -> vector<16xf32>
      %reduce_max3A_276 = vector.extract %reduce_max3A_275[15] : f32 from vector<16xf32>
      %iota3A_277 = tpu.iota {dimensions = array<i32: 0>} : vector<16xi32>
      %eq3A_278 = arith.constant 10 : i32
      %eq3A_279 = vector.broadcast %eq3A_278 : i32 to vector<16xi32>
      %eq3A_280 = arith.cmpi eq, %iota3A_277, %eq3A_279 : vector<16xi32>
      %broadcast_in_dim3A_281 = vector.broadcast %reduce_max3A_276 : f32 to vector<16xf32>
      %select_n3A_282 = arith.select %eq3A_280, %broadcast_in_dim3A_281, %select_n3A_270 : vector<16xi1>, vector<16xf32>
      %get3A_283 = arith.constant 176 : index
      %get3A_284 = tpu.vector_load %arg8[%get3A_283] {strides = array<i32>} : memref<544xf32, #tpu.memory_space<vmem>>, vector<16xf32>,
      %reduce_max3A_285 = arith.constant true
      %reduce_max3A_286 = vector.broadcast %reduce_max3A_285 : i1 to vector<16xi1>
      %reduce_max3A_287 = tpu.scan <max>, %get3A_284 masked %reduce_max3A_286 : vector<16xf32>, vector<16xi1> -> vector<16xf32>
      %reduce_max3A_288 = vector.extract %reduce_max3A_287[15] : f32 from vector<16xf32>
      %iota3A_289 = tpu.iota {dimensions = array<i32: 0>} : vector<16xi32>
      %eq3A_290 = arith.constant 11 : i32
      %eq3A_291 = vector.broadcast %eq3A_290 : i32 to vector<16xi32>
      %eq3A_292 = arith.cmpi eq, %iota3A_289, %eq3A_291 : vector<16xi32>
      %broadcast_in_dim3A_293 = vector.broadcast %reduce_max3A_288 : f32 to vector<16xf32>
      %select_n3A_294 = arith.select %eq3A_292, %broadcast_in_dim3A_293, %select_n3A_282 : vector<16xi1>, vector<16xf32>
      %get3A_295 = arith.constant 192 : index
      %get3A_296 = tpu.vector_load %arg8[%get3A_295] {strides = array<i32>} : memref<544xf32, #tpu.memory_space<vmem>>, vector<16xf32>,
      %reduce_max3A_297 = arith.constant true
      %reduce_max3A_298 = vector.broadcast %reduce_max3A_297 : i1 to vector<16xi1>
      %reduce_max3A_299 = tpu.scan <max>, %get3A_296 masked %reduce_max3A_298 : vector<16xf32>, vector<16xi1> -> vector<16xf32>
      %reduce_max3A_300 = vector.extract %reduce_max3A_299[15] : f32 from vector<16xf32>
      %iota3A_301 = tpu.iota {dimensions = array<i32: 0>} : vector<16xi32>
      %eq3A_302 = arith.constant 12 : i32
      %eq3A_303 = vector.broadcast %eq3A_302 : i32 to vector<16xi32>
      %eq3A_304 = arith.cmpi eq, %iota3A_301, %eq3A_303 : vector<16xi32>
      %broadcast_in_dim3A_305 = vector.broadcast %reduce_max3A_300 : f32 to vector<16xf32>
      %select_n3A_306 = arith.select %eq3A_304, %broadcast_in_dim3A_305, %select_n3A_294 : vector<16xi1>, vector<16xf32>
      %get3A_307 = arith.constant 208 : index
      %get3A_308 = tpu.vector_load %arg8[%get3A_307] {strides = array<i32>} : memref<544xf32, #tpu.memory_space<vmem>>, vector<16xf32>,
      %reduce_max3A_309 = arith.constant true
      %reduce_max3A_310 = vector.broadcast %reduce_max3A_309 : i1 to vector<16xi1>
      %reduce_max3A_311 = tpu.scan <max>, %get3A_308 masked %reduce_max3A_310 : vector<16xf32>, vector<16xi1> -> vector<16xf32>
      %reduce_max3A_312 = vector.extract %reduce_max3A_311[15] : f32 from vector<16xf32>
      %iota3A_313 = tpu.iota {dimensions = array<i32: 0>} : vector<16xi32>
      %eq3A_314 = arith.constant 13 : i32
      %eq3A_315 = vector.broadcast %eq3A_314 : i32 to vector<16xi32>
      %eq3A_316 = arith.cmpi eq, %iota3A_313, %eq3A_315 : vector<16xi32>
      %broadcast_in_dim3A_317 = vector.broadcast %reduce_max3A_312 : f32 to vector<16xf32>
      %select_n3A_318 = arith.select %eq3A_316, %broadcast_in_dim3A_317, %select_n3A_306 : vector<16xi1>, vector<16xf32>
      %get3A_319 = arith.constant 224 : index
      %get3A_320 = tpu.vector_load %arg8[%get3A_319] {strides = array<i32>} : memref<544xf32, #tpu.memory_space<vmem>>, vector<16xf32>,
      %reduce_max3A_321 = arith.constant true
      %reduce_max3A_322 = vector.broadcast %reduce_max3A_321 : i1 to vector<16xi1>
      %reduce_max3A_323 = tpu.scan <max>, %get3A_320 masked %reduce_max3A_322 : vector<16xf32>, vector<16xi1> -> vector<16xf32>
      %reduce_max3A_324 = vector.extract %reduce_max3A_323[15] : f32 from vector<16xf32>
      %iota3A_325 = tpu.iota {dimensions = array<i32: 0>} : vector<16xi32>
      %eq3A_326 = arith.constant 14 : i32
      %eq3A_327 = vector.broadcast %eq3A_326 : i32 to vector<16xi32>
      %eq3A_328 = arith.cmpi eq, %iota3A_325, %eq3A_327 : vector<16xi32>
      %broadcast_in_dim3A_329 = vector.broadcast %reduce_max3A_324 : f32 to vector<16xf32>
      %select_n3A_330 = arith.select %eq3A_328, %broadcast_in_dim3A_329, %select_n3A_318 : vector<16xi1>, vector<16xf32>
      %get3A_331 = arith.constant 240 : index
      %get3A_332 = tpu.vector_load %arg8[%get3A_331] {strides = array<i32>} : memref<544xf32, #tpu.memory_space<vmem>>, vector<16xf32>,
      %reduce_max3A_333 = arith.constant true
      %reduce_max3A_334 = vector.broadcast %reduce_max3A_333 : i1 to vector<16xi1>
      %reduce_max3A_335 = tpu.scan <max>, %get3A_332 masked %reduce_max3A_334 : vector<16xf32>, vector<16xi1> -> vector<16xf32>
      %reduce_max3A_336 = vector.extract %reduce_max3A_335[15] : f32 from vector<16xf32>
      %iota3A_337 = tpu.iota {dimensions = array<i32: 0>} : vector<16xi32>
      %eq3A_338 = arith.constant 15 : i32
      %eq3A_339 = vector.broadcast %eq3A_338 : i32 to vector<16xi32>
      %eq3A_340 = arith.cmpi eq, %iota3A_337, %eq3A_339 : vector<16xi32>
      %broadcast_in_dim3A_341 = vector.broadcast %reduce_max3A_336 : f32 to vector<16xf32>
      %select_n3A_342 = arith.select %eq3A_340, %broadcast_in_dim3A_341, %select_n3A_330 : vector<16xi1>, vector<16xf32>
      %swap3A_343 = arith.constant 0 : index
      %swap3A_344 = tpu.vector_load %arg12[%swap3A_343] {strides = array<i32>} : memref<48xf32, #tpu.memory_space<vmem>>, vector<16xf32>,
      tpu.vector_store %arg12[%swap3A_343], %select_n3A_342 {strides = array<i32>} : memref<48xf32, #tpu.memory_space<vmem>>, vector<16xf32>,
      %broadcast_in_dim3A_345 = arith.constant -3.000000e+38 : f32
      %broadcast_in_dim3A_346 = vector.broadcast %broadcast_in_dim3A_345 : f32 to vector<16xf32>
      %get3A_347 = arith.constant 256 : index
      %get3A_348 = tpu.vector_load %arg8[%get3A_347] {strides = array<i32>} : memref<544xf32, #tpu.memory_space<vmem>>, vector<16xf32>,
      %reduce_max3A_349 = arith.constant true
      %reduce_max3A_350 = vector.broadcast %reduce_max3A_349 : i1 to vector<16xi1>
      %reduce_max3A_351 = tpu.scan <max>, %get3A_348 masked %reduce_max3A_350 : vector<16xf32>, vector<16xi1> -> vector<16xf32>
      %reduce_max3A_352 = vector.extract %reduce_max3A_351[15] : f32 from vector<16xf32>
      %iota3A_353 = tpu.iota {dimensions = array<i32: 0>} : vector<16xi32>
      %eq3A_354 = arith.constant 0 : i32
      %eq3A_355 = vector.broadcast %eq3A_354 : i32 to vector<16xi32>
      %eq3A_356 = arith.cmpi eq, %iota3A_353, %eq3A_355 : vector<16xi32>
      %broadcast_in_dim3A_357 = vector.broadcast %reduce_max3A_352 : f32 to vector<16xf32>
      %select_n3A_358 = arith.select %eq3A_356, %broadcast_in_dim3A_357, %broadcast_in_dim3A_346 : vector<16xi1>, vector<16xf32>
      %get3A_359 = arith.constant 272 : index
      %get3A_360 = tpu.vector_load %arg8[%get3A_359] {strides = array<i32>} : memref<544xf32, #tpu.memory_space<vmem>>, vector<16xf32>,
      %reduce_max3A_361 = arith.constant true
      %reduce_max3A_362 = vector.broadcast %reduce_max3A_361 : i1 to vector<16xi1>
      %reduce_max3A_363 = tpu.scan <max>, %get3A_360 masked %reduce_max3A_362 : vector<16xf32>, vector<16xi1> -> vector<16xf32>
      %reduce_max3A_364 = vector.extract %reduce_max3A_363[15] : f32 from vector<16xf32>
      %iota3A_365 = tpu.iota {dimensions = array<i32: 0>} : vector<16xi32>
      %eq3A_366 = arith.constant 1 : i32
      %eq3A_367 = vector.broadcast %eq3A_366 : i32 to vector<16xi32>
      %eq3A_368 = arith.cmpi eq, %iota3A_365, %eq3A_367 : vector<16xi32>
      %broadcast_in_dim3A_369 = vector.broadcast %reduce_max3A_364 : f32 to vector<16xf32>
      %select_n3A_370 = arith.select %eq3A_368, %broadcast_in_dim3A_369, %select_n3A_358 : vector<16xi1>, vector<16xf32>
      %get3A_371 = arith.constant 288 : index
      %get3A_372 = tpu.vector_load %arg8[%get3A_371] {strides = array<i32>} : memref<544xf32, #tpu.memory_space<vmem>>, vector<16xf32>,
      %reduce_max3A_373 = arith.constant true
      %reduce_max3A_374 = vector.broadcast %reduce_max3A_373 : i1 to vector<16xi1>
      %reduce_max3A_375 = tpu.scan <max>, %get3A_372 masked %reduce_max3A_374 : vector<16xf32>, vector<16xi1> -> vector<16xf32>
      %reduce_max3A_376 = vector.extract %reduce_max3A_375[15] : f32 from vector<16xf32>
      %iota3A_377 = tpu.iota {dimensions = array<i32: 0>} : vector<16xi32>
      %eq3A_378 = arith.constant 2 : i32
      %eq3A_379 = vector.broadcast %eq3A_378 : i32 to vector<16xi32>
      %eq3A_380 = arith.cmpi eq, %iota3A_377, %eq3A_379 : vector<16xi32>
      %broadcast_in_dim3A_381 = vector.broadcast %reduce_max3A_376 : f32 to vector<16xf32>
      %select_n3A_382 = arith.select %eq3A_380, %broadcast_in_dim3A_381, %select_n3A_370 : vector<16xi1>, vector<16xf32>
      %get3A_383 = arith.constant 304 : index
      %get3A_384 = tpu.vector_load %arg8[%get3A_383] {strides = array<i32>} : memref<544xf32, #tpu.memory_space<vmem>>, vector<16xf32>,
      %reduce_max3A_385 = arith.constant true
      %reduce_max3A_386 = vector.broadcast %reduce_max3A_385 : i1 to vector<16xi1>
      %reduce_max3A_387 = tpu.scan <max>, %get3A_384 masked %reduce_max3A_386 : vector<16xf32>, vector<16xi1> -> vector<16xf32>
      %reduce_max3A_388 = vector.extract %reduce_max3A_387[15] : f32 from vector<16xf32>
      %iota3A_389 = tpu.iota {dimensions = array<i32: 0>} : vector<16xi32>
      %eq3A_390 = arith.constant 3 : i32
      %eq3A_391 = vector.broadcast %eq3A_390 : i32 to vector<16xi32>
      %eq3A_392 = arith.cmpi eq, %iota3A_389, %eq3A_391 : vector<16xi32>
      %broadcast_in_dim3A_393 = vector.broadcast %reduce_max3A_388 : f32 to vector<16xf32>
      %select_n3A_394 = arith.select %eq3A_392, %broadcast_in_dim3A_393, %select_n3A_382 : vector<16xi1>, vector<16xf32>
      %get3A_395 = arith.constant 320 : index
      %get3A_396 = tpu.vector_load %arg8[%get3A_395] {strides = array<i32>} : memref<544xf32, #tpu.memory_space<vmem>>, vector<16xf32>,
      %reduce_max3A_397 = arith.constant true
      %reduce_max3A_398 = vector.broadcast %reduce_max3A_397 : i1 to vector<16xi1>
      %reduce_max3A_399 = tpu.scan <max>, %get3A_396 masked %reduce_max3A_398 : vector<16xf32>, vector<16xi1> -> vector<16xf32>
      %reduce_max3A_400 = vector.extract %reduce_max3A_399[15] : f32 from vector<16xf32>
      %iota3A_401 = tpu.iota {dimensions = array<i32: 0>} : vector<16xi32>
      %eq3A_402 = arith.constant 4 : i32
      %eq3A_403 = vector.broadcast %eq3A_402 : i32 to vector<16xi32>
      %eq3A_404 = arith.cmpi eq, %iota3A_401, %eq3A_403 : vector<16xi32>
      %broadcast_in_dim3A_405 = vector.broadcast %reduce_max3A_400 : f32 to vector<16xf32>
      %select_n3A_406 = arith.select %eq3A_404, %broadcast_in_dim3A_405, %select_n3A_394 : vector<16xi1>, vector<16xf32>
      %get3A_407 = arith.constant 336 : index
      %get3A_408 = tpu.vector_load %arg8[%get3A_407] {strides = array<i32>} : memref<544xf32, #tpu.memory_space<vmem>>, vector<16xf32>,
      %reduce_max3A_409 = arith.constant true
      %reduce_max3A_410 = vector.broadcast %reduce_max3A_409 : i1 to vector<16xi1>
      %reduce_max3A_411 = tpu.scan <max>, %get3A_408 masked %reduce_max3A_410 : vector<16xf32>, vector<16xi1> -> vector<16xf32>
      %reduce_max3A_412 = vector.extract %reduce_max3A_411[15] : f32 from vector<16xf32>
      %iota3A_413 = tpu.iota {dimensions = array<i32: 0>} : vector<16xi32>
      %eq3A_414 = arith.constant 5 : i32
      %eq3A_415 = vector.broadcast %eq3A_414 : i32 to vector<16xi32>
      %eq3A_416 = arith.cmpi eq, %iota3A_413, %eq3A_415 : vector<16xi32>
      %broadcast_in_dim3A_417 = vector.broadcast %reduce_max3A_412 : f32 to vector<16xf32>
      %select_n3A_418 = arith.select %eq3A_416, %broadcast_in_dim3A_417, %select_n3A_406 : vector<16xi1>, vector<16xf32>
      %get3A_419 = arith.constant 352 : index
      %get3A_420 = tpu.vector_load %arg8[%get3A_419] {strides = array<i32>} : memref<544xf32, #tpu.memory_space<vmem>>, vector<16xf32>,
      %reduce_max3A_421 = arith.constant true
      %reduce_max3A_422 = vector.broadcast %reduce_max3A_421 : i1 to vector<16xi1>
      %reduce_max3A_423 = tpu.scan <max>, %get3A_420 masked %reduce_max3A_422 : vector<16xf32>, vector<16xi1> -> vector<16xf32>
      %reduce_max3A_424 = vector.extract %reduce_max3A_423[15] : f32 from vector<16xf32>
      %iota3A_425 = tpu.iota {dimensions = array<i32: 0>} : vector<16xi32>
      %eq3A_426 = arith.constant 6 : i32
      %eq3A_427 = vector.broadcast %eq3A_426 : i32 to vector<16xi32>
      %eq3A_428 = arith.cmpi eq, %iota3A_425, %eq3A_427 : vector<16xi32>
      %broadcast_in_dim3A_429 = vector.broadcast %reduce_max3A_424 : f32 to vector<16xf32>
      %select_n3A_430 = arith.select %eq3A_428, %broadcast_in_dim3A_429, %select_n3A_418 : vector<16xi1>, vector<16xf32>
      %get3A_431 = arith.constant 368 : index
      %get3A_432 = tpu.vector_load %arg8[%get3A_431] {strides = array<i32>} : memref<544xf32, #tpu.memory_space<vmem>>, vector<16xf32>,
      %reduce_max3A_433 = arith.constant true
      %reduce_max3A_434 = vector.broadcast %reduce_max3A_433 : i1 to vector<16xi1>
      %reduce_max3A_435 = tpu.scan <max>, %get3A_432 masked %reduce_max3A_434 : vector<16xf32>, vector<16xi1> -> vector<16xf32>
      %reduce_max3A_436 = vector.extract %reduce_max3A_435[15] : f32 from vector<16xf32>
      %iota3A_437 = tpu.iota {dimensions = array<i32: 0>} : vector<16xi32>
      %eq3A_438 = arith.constant 7 : i32
      %eq3A_439 = vector.broadcast %eq3A_438 : i32 to vector<16xi32>
      %eq3A_440 = arith.cmpi eq, %iota3A_437, %eq3A_439 : vector<16xi32>
      %broadcast_in_dim3A_441 = vector.broadcast %reduce_max3A_436 : f32 to vector<16xf32>
      %select_n3A_442 = arith.select %eq3A_440, %broadcast_in_dim3A_441, %select_n3A_430 : vector<16xi1>, vector<16xf32>
      %get3A_443 = arith.constant 384 : index
      %get3A_444 = tpu.vector_load %arg8[%get3A_443] {strides = array<i32>} : memref<544xf32, #tpu.memory_space<vmem>>, vector<16xf32>,
      %reduce_max3A_445 = arith.constant true
      %reduce_max3A_446 = vector.broadcast %reduce_max3A_445 : i1 to vector<16xi1>
      %reduce_max3A_447 = tpu.scan <max>, %get3A_444 masked %reduce_max3A_446 : vector<16xf32>, vector<16xi1> -> vector<16xf32>
      %reduce_max3A_448 = vector.extract %reduce_max3A_447[15] : f32 from vector<16xf32>
      %iota3A_449 = tpu.iota {dimensions = array<i32: 0>} : vector<16xi32>
      %eq3A_450 = arith.constant 8 : i32
      %eq3A_451 = vector.broadcast %eq3A_450 : i32 to vector<16xi32>
      %eq3A_452 = arith.cmpi eq, %iota3A_449, %eq3A_451 : vector<16xi32>
      %broadcast_in_dim3A_453 = vector.broadcast %reduce_max3A_448 : f32 to vector<16xf32>
      %select_n3A_454 = arith.select %eq3A_452, %broadcast_in_dim3A_453, %select_n3A_442 : vector<16xi1>, vector<16xf32>
      %get3A_455 = arith.constant 400 : index
      %get3A_456 = tpu.vector_load %arg8[%get3A_455] {strides = array<i32>} : memref<544xf32, #tpu.memory_space<vmem>>, vector<16xf32>,
      %reduce_max3A_457 = arith.constant true
      %reduce_max3A_458 = vector.broadcast %reduce_max3A_457 : i1 to vector<16xi1>
      %reduce_max3A_459 = tpu.scan <max>, %get3A_456 masked %reduce_max3A_458 : vector<16xf32>, vector<16xi1> -> vector<16xf32>
      %reduce_max3A_460 = vector.extract %reduce_max3A_459[15] : f32 from vector<16xf32>
      %iota3A_461 = tpu.iota {dimensions = array<i32: 0>} : vector<16xi32>
      %eq3A_462 = arith.constant 9 : i32
      %eq3A_463 = vector.broadcast %eq3A_462 : i32 to vector<16xi32>
      %eq3A_464 = arith.cmpi eq, %iota3A_461, %eq3A_463 : vector<16xi32>
      %broadcast_in_dim3A_465 = vector.broadcast %reduce_max3A_460 : f32 to vector<16xf32>
      %select_n3A_466 = arith.select %eq3A_464, %broadcast_in_dim3A_465, %select_n3A_454 : vector<16xi1>, vector<16xf32>
      %get3A_467 = arith.constant 416 : index
      %get3A_468 = tpu.vector_load %arg8[%get3A_467] {strides = array<i32>} : memref<544xf32, #tpu.memory_space<vmem>>, vector<16xf32>,
      %reduce_max3A_469 = arith.constant true
      %reduce_max3A_470 = vector.broadcast %reduce_max3A_469 : i1 to vector<16xi1>
      %reduce_max3A_471 = tpu.scan <max>, %get3A_468 masked %reduce_max3A_470 : vector<16xf32>, vector<16xi1> -> vector<16xf32>
      %reduce_max3A_472 = vector.extract %reduce_max3A_471[15] : f32 from vector<16xf32>
      %iota3A_473 = tpu.iota {dimensions = array<i32: 0>} : vector<16xi32>
      %eq3A_474 = arith.constant 10 : i32
      %eq3A_475 = vector.broadcast %eq3A_474 : i32 to vector<16xi32>
      %eq3A_476 = arith.cmpi eq, %iota3A_473, %eq3A_475 : vector<16xi32>
      %broadcast_in_dim3A_477 = vector.broadcast %reduce_max3A_472 : f32 to vector<16xf32>
      %select_n3A_478 = arith.select %eq3A_476, %broadcast_in_dim3A_477, %select_n3A_466 : vector<16xi1>, vector<16xf32>
      %get3A_479 = arith.constant 432 : index
      %get3A_480 = tpu.vector_load %arg8[%get3A_479] {strides = array<i32>} : memref<544xf32, #tpu.memory_space<vmem>>, vector<16xf32>,
      %reduce_max3A_481 = arith.constant true
      %reduce_max3A_482 = vector.broadcast %reduce_max3A_481 : i1 to vector<16xi1>
      %reduce_max3A_483 = tpu.scan <max>, %get3A_480 masked %reduce_max3A_482 : vector<16xf32>, vector<16xi1> -> vector<16xf32>
      %reduce_max3A_484 = vector.extract %reduce_max3A_483[15] : f32 from vector<16xf32>
      %iota3A_485 = tpu.iota {dimensions = array<i32: 0>} : vector<16xi32>
      %eq3A_486 = arith.constant 11 : i32
      %eq3A_487 = vector.broadcast %eq3A_486 : i32 to vector<16xi32>
      %eq3A_488 = arith.cmpi eq, %iota3A_485, %eq3A_487 : vector<16xi32>
      %broadcast_in_dim3A_489 = vector.broadcast %reduce_max3A_484 : f32 to vector<16xf32>
      %select_n3A_490 = arith.select %eq3A_488, %broadcast_in_dim3A_489, %select_n3A_478 : vector<16xi1>, vector<16xf32>
      %get3A_491 = arith.constant 448 : index
      %get3A_492 = tpu.vector_load %arg8[%get3A_491] {strides = array<i32>} : memref<544xf32, #tpu.memory_space<vmem>>, vector<16xf32>,
      %reduce_max3A_493 = arith.constant true
      %reduce_max3A_494 = vector.broadcast %reduce_max3A_493 : i1 to vector<16xi1>
      %reduce_max3A_495 = tpu.scan <max>, %get3A_492 masked %reduce_max3A_494 : vector<16xf32>, vector<16xi1> -> vector<16xf32>
      %reduce_max3A_496 = vector.extract %reduce_max3A_495[15] : f32 from vector<16xf32>
      %iota3A_497 = tpu.iota {dimensions = array<i32: 0>} : vector<16xi32>
      %eq3A_498 = arith.constant 12 : i32
      %eq3A_499 = vector.broadcast %eq3A_498 : i32 to vector<16xi32>
      %eq3A_500 = arith.cmpi eq, %iota3A_497, %eq3A_499 : vector<16xi32>
      %broadcast_in_dim3A_501 = vector.broadcast %reduce_max3A_496 : f32 to vector<16xf32>
      %select_n3A_502 = arith.select %eq3A_500, %broadcast_in_dim3A_501, %select_n3A_490 : vector<16xi1>, vector<16xf32>
      %get3A_503 = arith.constant 464 : index
      %get3A_504 = tpu.vector_load %arg8[%get3A_503] {strides = array<i32>} : memref<544xf32, #tpu.memory_space<vmem>>, vector<16xf32>,
      %reduce_max3A_505 = arith.constant true
      %reduce_max3A_506 = vector.broadcast %reduce_max3A_505 : i1 to vector<16xi1>
      %reduce_max3A_507 = tpu.scan <max>, %get3A_504 masked %reduce_max3A_506 : vector<16xf32>, vector<16xi1> -> vector<16xf32>
      %reduce_max3A_508 = vector.extract %reduce_max3A_507[15] : f32 from vector<16xf32>
      %iota3A_509 = tpu.iota {dimensions = array<i32: 0>} : vector<16xi32>
      %eq3A_510 = arith.constant 13 : i32
      %eq3A_511 = vector.broadcast %eq3A_510 : i32 to vector<16xi32>
      %eq3A_512 = arith.cmpi eq, %iota3A_509, %eq3A_511 : vector<16xi32>
      %broadcast_in_dim3A_513 = vector.broadcast %reduce_max3A_508 : f32 to vector<16xf32>
      %select_n3A_514 = arith.select %eq3A_512, %broadcast_in_dim3A_513, %select_n3A_502 : vector<16xi1>, vector<16xf32>
      %get3A_515 = arith.constant 480 : index
      %get3A_516 = tpu.vector_load %arg8[%get3A_515] {strides = array<i32>} : memref<544xf32, #tpu.memory_space<vmem>>, vector<16xf32>,
      %reduce_max3A_517 = arith.constant true
      %reduce_max3A_518 = vector.broadcast %reduce_max3A_517 : i1 to vector<16xi1>
      %reduce_max3A_519 = tpu.scan <max>, %get3A_516 masked %reduce_max3A_518 : vector<16xf32>, vector<16xi1> -> vector<16xf32>
      %reduce_max3A_520 = vector.extract %reduce_max3A_519[15] : f32 from vector<16xf32>
      %iota3A_521 = tpu.iota {dimensions = array<i32: 0>} : vector<16xi32>
      %eq3A_522 = arith.constant 14 : i32
      %eq3A_523 = vector.broadcast %eq3A_522 : i32 to vector<16xi32>
      %eq3A_524 = arith.cmpi eq, %iota3A_521, %eq3A_523 : vector<16xi32>
      %broadcast_in_dim3A_525 = vector.broadcast %reduce_max3A_520 : f32 to vector<16xf32>
      %select_n3A_526 = arith.select %eq3A_524, %broadcast_in_dim3A_525, %select_n3A_514 : vector<16xi1>, vector<16xf32>
      %get3A_527 = arith.constant 496 : index
      %get3A_528 = tpu.vector_load %arg8[%get3A_527] {strides = array<i32>} : memref<544xf32, #tpu.memory_space<vmem>>, vector<16xf32>,
      %reduce_max3A_529 = arith.constant true
      %reduce_max3A_530 = vector.broadcast %reduce_max3A_529 : i1 to vector<16xi1>
      %reduce_max3A_531 = tpu.scan <max>, %get3A_528 masked %reduce_max3A_530 : vector<16xf32>, vector<16xi1> -> vector<16xf32>
      %reduce_max3A_532 = vector.extract %reduce_max3A_531[15] : f32 from vector<16xf32>
      %iota3A_533 = tpu.iota {dimensions = array<i32: 0>} : vector<16xi32>
      %eq3A_534 = arith.constant 15 : i32
      %eq3A_535 = vector.broadcast %eq3A_534 : i32 to vector<16xi32>
      %eq3A_536 = arith.cmpi eq, %iota3A_533, %eq3A_535 : vector<16xi32>
      %broadcast_in_dim3A_537 = vector.broadcast %reduce_max3A_532 : f32 to vector<16xf32>
      %select_n3A_538 = arith.select %eq3A_536, %broadcast_in_dim3A_537, %select_n3A_526 : vector<16xi1>, vector<16xf32>
      %swap3A_539 = arith.constant 16 : index
      %swap3A_540 = tpu.vector_load %arg12[%swap3A_539] {strides = array<i32>} : memref<48xf32, #tpu.memory_space<vmem>>, vector<16xf32>,
      tpu.vector_store %arg12[%swap3A_539], %select_n3A_538 {strides = array<i32>} : memref<48xf32, #tpu.memory_space<vmem>>, vector<16xf32>,
      %broadcast_in_dim3A_541 = arith.constant -3.000000e+38 : f32
      %broadcast_in_dim3A_542 = vector.broadcast %broadcast_in_dim3A_541 : f32 to vector<16xf32>
      %get3A_543 = arith.constant 512 : index
      %get3A_544 = tpu.vector_load %arg8[%get3A_543] {strides = array<i32>} : memref<544xf32, #tpu.memory_space<vmem>>, vector<16xf32>,
      %reduce_max3A_545 = arith.constant true
      %reduce_max3A_546 = vector.broadcast %reduce_max3A_545 : i1 to vector<16xi1>
      %reduce_max3A_547 = tpu.scan <max>, %get3A_544 masked %reduce_max3A_546 : vector<16xf32>, vector<16xi1> -> vector<16xf32>
      %reduce_max3A_548 = vector.extract %reduce_max3A_547[15] : f32 from vector<16xf32>
      %iota3A_549 = tpu.iota {dimensions = array<i32: 0>} : vector<16xi32>
      %eq3A_550 = arith.constant 0 : i32
      %eq3A_551 = vector.broadcast %eq3A_550 : i32 to vector<16xi32>
      %eq3A_552 = arith.cmpi eq, %iota3A_549, %eq3A_551 : vector<16xi32>
      %broadcast_in_dim3A_553 = vector.broadcast %reduce_max3A_548 : f32 to vector<16xf32>
      %select_n3A_554 = arith.select %eq3A_552, %broadcast_in_dim3A_553, %broadcast_in_dim3A_542 : vector<16xi1>, vector<16xf32>
      %get3A_555 = arith.constant 528 : index
      %get3A_556 = tpu.vector_load %arg8[%get3A_555] {strides = array<i32>} : memref<544xf32, #tpu.memory_space<vmem>>, vector<16xf32>,
      %reduce_max3A_557 = arith.constant true
      %reduce_max3A_558 = vector.broadcast %reduce_max3A_557 : i1 to vector<16xi1>
      %reduce_max3A_559 = tpu.scan <max>, %get3A_556 masked %reduce_max3A_558 : vector<16xf32>, vector<16xi1> -> vector<16xf32>
      %reduce_max3A_560 = vector.extract %reduce_max3A_559[15] : f32 from vector<16xf32>
      %iota3A_561 = tpu.iota {dimensions = array<i32: 0>} : vector<16xi32>
      %eq3A_562 = arith.constant 1 : i32
      %eq3A_563 = vector.broadcast %eq3A_562 : i32 to vector<16xi32>
      %eq3A_564 = arith.cmpi eq, %iota3A_561, %eq3A_563 : vector<16xi32>
      %broadcast_in_dim3A_565 = vector.broadcast %reduce_max3A_560 : f32 to vector<16xf32>
      %select_n3A_566 = arith.select %eq3A_564, %broadcast_in_dim3A_565, %select_n3A_554 : vector<16xi1>, vector<16xf32>
      %swap3A_567 = arith.constant 32 : index
      %swap3A_568 = tpu.vector_load %arg12[%swap3A_567] {strides = array<i32>} : memref<48xf32, #tpu.memory_space<vmem>>, vector<16xf32>,
      tpu.vector_store %arg12[%swap3A_567], %select_n3A_566 {strides = array<i32>} : memref<48xf32, #tpu.memory_space<vmem>>, vector<16xf32>,
      %scan3A_569 = arith.constant 0 : i32
      %scan3A_570 = arith.constant 0 : i32
      %scan3A_571 = arith.constant 32 : i32
      %scan3A_572 = arith.addi %scan3A_570, %scan3A_571 : i32
      %scan3A_573 = arith.constant 1 : i32
      %scan3A_574 = scf.for %scan3A_1564 = %scan3A_570 to %scan3A_572 step %scan3A_573 iter_args(%scan3A_1565 = %scan3A_569) -> (i32)  : i32 {
        %get3A_1566 = arith.constant 0 : index
        %get3A_1567 = tpu.vector_load %arg12[%get3A_1566] {strides = array<i32>} : memref<48xf32, #tpu.memory_space<vmem>>, vector<16xf32>,
        %get3A_1568 = arith.constant 16 : index
        %get3A_1569 = tpu.vector_load %arg12[%get3A_1568] {strides = array<i32>} : memref<48xf32, #tpu.memory_space<vmem>>, vector<16xf32>,
        %get3A_1570 = arith.constant 32 : index
        %get3A_1571 = tpu.vector_load %arg12[%get3A_1570] {strides = array<i32>} : memref<48xf32, #tpu.memory_space<vmem>>, vector<16xf32>,
        %max3A_1572 = arith.maximumf %get3A_1567, %get3A_1569 : vector<16xf32>
        %max3A_1573 = arith.maximumf %max3A_1572, %get3A_1571 : vector<16xf32>
        %reduce_max3A_1574 = arith.constant true
        %reduce_max3A_1575 = vector.broadcast %reduce_max3A_1574 : i1 to vector<16xi1>
        %reduce_max3A_1576 = tpu.scan <max>, %max3A_1573 masked %reduce_max3A_1575 : vector<16xf32>, vector<16xi1> -> vector<16xf32>
        %reduce_max3A_1577 = vector.extract %reduce_max3A_1576[15] : f32 from vector<16xf32>
        %broadcast_in_dim3A_1578 = vector.broadcast %reduce_max3A_1577 : f32 to vector<16xf32>
        %broadcast_in_dim3A_1579 = arith.constant 1000000000 : i32
        %broadcast_in_dim3A_1580 = vector.broadcast %broadcast_in_dim3A_1579 : i32 to vector<16xi32>
        %iota3A_1581 = tpu.iota {dimensions = array<i32: 0>} : vector<16xi32>
        %eq3A_1582 = arith.cmpf oeq, %get3A_1567, %broadcast_in_dim3A_1578 : vector<16xf32>
        %select_n3A_1583 = arith.select %eq3A_1582, %iota3A_1581, %broadcast_in_dim3A_1580 : vector<16xi1>, vector<16xi32>
        %eq3A_1584 = arith.cmpf oeq, %get3A_1569, %broadcast_in_dim3A_1578 : vector<16xf32>
        %add3A_1585 = arith.constant 16 : i32
        %add3A_1586 = vector.broadcast %add3A_1585 : i32 to vector<16xi32>
        %add3A_1587 = arith.addi %iota3A_1581, %add3A_1586 : vector<16xi32>
        %select_n3A_1588 = arith.select %eq3A_1584, %add3A_1587, %broadcast_in_dim3A_1580 : vector<16xi1>, vector<16xi32>
        %min3A = arith.minsi %select_n3A_1583, %select_n3A_1588 : vector<16xi32>
        %eq3A_1589 = arith.cmpf oeq, %get3A_1571, %broadcast_in_dim3A_1578 : vector<16xf32>
        %add3A_1590 = arith.constant 32 : i32
        %add3A_1591 = vector.broadcast %add3A_1590 : i32 to vector<16xi32>
        %add3A_1592 = arith.addi %iota3A_1581, %add3A_1591 : vector<16xi32>
        %select_n3A_1593 = arith.select %eq3A_1589, %add3A_1592, %broadcast_in_dim3A_1580 : vector<16xi1>, vector<16xi32>
        %min3A_1594 = arith.minsi %min3A, %select_n3A_1593 : vector<16xi32>
        %reduce_min3A = arith.constant true
        %reduce_min3A_1595 = vector.broadcast %reduce_min3A : i1 to vector<16xi1>
        %reduce_min3A_1596 = arith.constant -2147483648 : i32
        %reduce_min3A_1597 = vector.broadcast %reduce_min3A_1596 : i32 to vector<16xi32>
        %reduce_min3A_1598 = arith.xori %min3A_1594, %reduce_min3A_1597 : vector<16xi32>
        %reduce_min3A_1599 = tpu.scan <min>, %reduce_min3A_1598 masked %reduce_min3A_1595 : vector<16xi32>, vector<16xi1> -> vector<16xi32>
        %reduce_min3A_1600 = arith.xori %reduce_min3A_1599, %reduce_min3A_1597 : vector<16xi32>
        %reduce_min3A_1601 = vector.extract %reduce_min3A_1600[15] : i32 from vector<16xi32>
        %mul3A_1602 = arith.constant 16 : i32
        %mul3A_1603 = arith.muli %reduce_min3A_1601, %mul3A_1602 : i32
        %get3A_1604 = arith.index_cast %mul3A_1603 : i32 to index
        %get3A_1605 = tpu.vector_load %arg8[%get3A_1604] {strides = array<i32>} : memref<544xf32, #tpu.memory_space<vmem>>, vector<16xf32>,
        %eq3A_1606 = arith.cmpf oeq, %get3A_1605, %broadcast_in_dim3A_1578 : vector<16xf32>
        %select_n3A_1607 = arith.select %eq3A_1606, %iota3A_1581, %broadcast_in_dim3A_1580 : vector<16xi1>, vector<16xi32>
        %reduce_min3A_1608 = arith.constant true
        %reduce_min3A_1609 = vector.broadcast %reduce_min3A_1608 : i1 to vector<16xi1>
        %reduce_min3A_1610 = arith.constant -2147483648 : i32
        %reduce_min3A_1611 = vector.broadcast %reduce_min3A_1610 : i32 to vector<16xi32>
        %reduce_min3A_1612 = arith.xori %select_n3A_1607, %reduce_min3A_1611 : vector<16xi32>
        %reduce_min3A_1613 = tpu.scan <min>, %reduce_min3A_1612 masked %reduce_min3A_1609 : vector<16xi32>, vector<16xi1> -> vector<16xi32>
        %reduce_min3A_1614 = arith.xori %reduce_min3A_1613, %reduce_min3A_1611 : vector<16xi32>
        %reduce_min3A_1615 = vector.extract %reduce_min3A_1614[15] : i32 from vector<16xi32>
        %get3A_1616 = arith.index_cast %mul3A_1603 : i32 to index
        %get3A_1617 = tpu.vector_load %arg9[%get3A_1616] {strides = array<i32>} : memref<544xi32, #tpu.memory_space<vmem>>, vector<16xi32>,
        %eq3A_1618 = vector.broadcast %reduce_min3A_1615 : i32 to vector<16xi32>
        %eq3A_1619 = arith.cmpi eq, %iota3A_1581, %eq3A_1618 : vector<16xi32>
        %jit3A = arith.constant -1 : i32
        %broadcast_in_dim3A_1620 = vector.broadcast %jit3A : i32 to vector<16xi32>
        %select_n3A_1621 = arith.select %eq3A_1619, %get3A_1617, %broadcast_in_dim3A_1620 : vector<16xi1>, vector<16xi32>
        %reduce_max3A_1622 = arith.constant true
        %reduce_max3A_1623 = vector.broadcast %reduce_max3A_1622 : i1 to vector<16xi1>
        %reduce_max3A_1624 = arith.constant -2147483648 : i32
        %reduce_max3A_1625 = vector.broadcast %reduce_max3A_1624 : i32 to vector<16xi32>
        %reduce_max3A_1626 = arith.xori %select_n3A_1621, %reduce_max3A_1625 : vector<16xi32>
        %reduce_max3A_1627 = tpu.scan <max>, %reduce_max3A_1626 masked %reduce_max3A_1623 : vector<16xi32>, vector<16xi1> -> vector<16xi32>
        %reduce_max3A_1628 = arith.xori %reduce_max3A_1627, %reduce_max3A_1625 : vector<16xi32>
        %reduce_max3A_1629 = vector.extract %reduce_max3A_1628[15] : i32 from vector<16xi32>
        %jit3A_1630 = arith.constant 16 : i32
        %eq3A_1631 = arith.constant 0 : i32
        %eq3A_1632 = arith.cmpi eq, %jit3A_1630, %eq3A_1631 : i32
        %jit3A_1633 = arith.constant 1 : i32
        %select_n3A_1634 = arith.select %eq3A_1632, %jit3A_1633, %jit3A_1630 : i32
        %rem3A = arith.remsi %scan3A_1564, %select_n3A_1634 : i32
        %ne3A = arith.constant 0 : i32
        %ne3A_1635 = arith.cmpi ne, %rem3A, %ne3A : i32
        %lt3A = arith.constant 0 : i32
        %lt3A_1636 = arith.cmpi slt, %rem3A, %lt3A : i32
        %lt3A_1637 = arith.constant 0 : i32
        %lt3A_1638 = arith.cmpi slt, %select_n3A_1634, %lt3A_1637 : i32
        %ne3A_1639 = arith.xori %lt3A_1636, %lt3A_1638 : i1
        %and3A = arith.andi %ne3A_1639, %ne3A_1635 : i1
        %add3A_1640 = arith.addi %rem3A, %select_n3A_1634 : i32
        %select_n3A_1641 = arith.select %and3A, %add3A_1640, %rem3A : i32
        %eq3A_1642 = vector.broadcast %select_n3A_1641 : i32 to vector<16xi32>
        %eq3A_1643 = arith.cmpi eq, %iota3A_1581, %eq3A_1642 : vector<16xi32>
        %jit3A_1644 = arith.constant 16 : i32
        %div3A = arith.divsi %scan3A_1564, %jit3A_1644 : i32
        %sign3A = arith.constant 0 : i32
        %sign3A_1645 = arith.cmpi sgt, %scan3A_1564, %sign3A : i32
        %sign3A_1646 = arith.extui %sign3A_1645 : i1 to i32
        %sign3A_1647 = arith.constant 0 : i32
        %sign3A_1648 = arith.cmpi slt, %scan3A_1564, %sign3A_1647 : i32
        %sign3A_1649 = arith.extui %sign3A_1648 : i1 to i32
        %sign3A_1650 = arith.subi %sign3A_1646, %sign3A_1649 : i32
        %sign3A_1651 = arith.constant 0 : i32
        %sign3A_1652 = arith.cmpi sgt, %jit3A_1644, %sign3A_1651 : i32
        %sign3A_1653 = arith.extui %sign3A_1652 : i1 to i32
        %sign3A_1654 = arith.constant 0 : i32
        %sign3A_1655 = arith.cmpi slt, %jit3A_1644, %sign3A_1654 : i32
        %sign3A_1656 = arith.extui %sign3A_1655 : i1 to i32
        %sign3A_1657 = arith.subi %sign3A_1653, %sign3A_1656 : i32
        %ne3A_1658 = arith.cmpi ne, %sign3A_1650, %sign3A_1657 : i32
        %rem3A_1659 = arith.remsi %scan3A_1564, %jit3A_1644 : i32
        %ne3A_1660 = arith.constant 0 : i32
        %ne3A_1661 = arith.cmpi ne, %rem3A_1659, %ne3A_1660 : i32
        %and3A_1662 = arith.andi %ne3A_1658, %ne3A_1661 : i1
        %sub3A_1663 = arith.constant 1 : i32
        %sub3A_1664 = arith.subi %div3A, %sub3A_1663 : i32
        %select_n3A_1665 = arith.select %and3A_1662, %sub3A_1664, %div3A : i32
        %mul3A_1666 = arith.constant 16 : i32
        %mul3A_1667 = arith.muli %select_n3A_1665, %mul3A_1666 : i32
        %get3A_1668 = arith.index_cast %mul3A_1667 : i32 to index
        %get3A_1669 = tpu.vector_load %arg10[%get3A_1668] {strides = array<i32>} : memref<32xf32, #tpu.memory_space<vmem>>, vector<16xf32>,
        %mul3A_1670 = arith.constant 16 : i32
        %mul3A_1671 = arith.muli %select_n3A_1665, %mul3A_1670 : i32
        %get3A_1672 = arith.index_cast %mul3A_1671 : i32 to index
        %get3A_1673 = tpu.vector_load %arg11[%get3A_1672] {strides = array<i32>} : memref<32xi32, #tpu.memory_space<vmem>>, vector<16xi32>,
        %select_n3A_1674 = arith.select %eq3A_1643, %broadcast_in_dim3A_1578, %get3A_1669 : vector<16xi1>, vector<16xf32>
        %mul3A_1675 = arith.constant 16 : i32
        %mul3A_1676 = arith.muli %select_n3A_1665, %mul3A_1675 : i32
        %swap3A_1677 = arith.index_cast %mul3A_1676 : i32 to index
        %swap3A_1678 = tpu.vector_load %arg10[%swap3A_1677] {strides = array<i32>} : memref<32xf32, #tpu.memory_space<vmem>>, vector<16xf32>,
        tpu.vector_store %arg10[%swap3A_1677], %select_n3A_1674 {strides = array<i32>} : memref<32xf32, #tpu.memory_space<vmem>>, vector<16xf32>,
        %broadcast_in_dim3A_1679 = vector.broadcast %reduce_max3A_1629 : i32 to vector<16xi32>
        %select_n3A_1680 = arith.select %eq3A_1643, %broadcast_in_dim3A_1679, %get3A_1673 : vector<16xi1>, vector<16xi32>
        %mul3A_1681 = arith.constant 16 : i32
        %mul3A_1682 = arith.muli %select_n3A_1665, %mul3A_1681 : i32
        %swap3A_1683 = arith.index_cast %mul3A_1682 : i32 to index
        %swap3A_1684 = tpu.vector_load %arg11[%swap3A_1683] {strides = array<i32>} : memref<32xi32, #tpu.memory_space<vmem>>, vector<16xi32>,
        tpu.vector_store %arg11[%swap3A_1683], %select_n3A_1680 {strides = array<i32>} : memref<32xi32, #tpu.memory_space<vmem>>, vector<16xi32>,
        %eq3A_1685 = vector.broadcast %reduce_min3A_1615 : i32 to vector<16xi32>
        %eq3A_1686 = arith.cmpi eq, %iota3A_1581, %eq3A_1685 : vector<16xi32>
        %broadcast_in_dim3A_1687 = arith.constant -3.000000e+38 : f32
        %broadcast_in_dim3A_1688 = vector.broadcast %broadcast_in_dim3A_1687 : f32 to vector<16xf32>
        %select_n3A_1689 = arith.select %eq3A_1686, %broadcast_in_dim3A_1688, %get3A_1605 : vector<16xi1>, vector<16xf32>
        %swap3A_1690 = arith.index_cast %mul3A_1603 : i32 to index
        %swap3A_1691 = tpu.vector_load %arg8[%swap3A_1690] {strides = array<i32>} : memref<544xf32, #tpu.memory_space<vmem>>, vector<16xf32>,
        tpu.vector_store %arg8[%swap3A_1690], %select_n3A_1689 {strides = array<i32>} : memref<544xf32, #tpu.memory_space<vmem>>, vector<16xf32>,
        %reduce_max3A_1692 = arith.constant true
        %reduce_max3A_1693 = vector.broadcast %reduce_max3A_1692 : i1 to vector<16xi1>
        %reduce_max3A_1694 = tpu.scan <max>, %select_n3A_1689 masked %reduce_max3A_1693 : vector<16xf32>, vector<16xi1> -> vector<16xf32>
        %reduce_max3A_1695 = vector.extract %reduce_max3A_1694[15] : f32 from vector<16xf32>
        %jit3A_1696 = arith.constant 16 : i32
        %div3A_1697 = arith.divsi %reduce_min3A_1601, %jit3A_1696 : i32
        %sign3A_1698 = arith.constant 0 : i32
        %sign3A_1699 = arith.cmpi sgt, %reduce_min3A_1601, %sign3A_1698 : i32
        %sign3A_1700 = arith.extui %sign3A_1699 : i1 to i32
        %sign3A_1701 = arith.constant 0 : i32
        %sign3A_1702 = arith.cmpi slt, %reduce_min3A_1601, %sign3A_1701 : i32
        %sign3A_1703 = arith.extui %sign3A_1702 : i1 to i32
        %sign3A_1704 = arith.subi %sign3A_1700, %sign3A_1703 : i32
        %sign3A_1705 = arith.constant 0 : i32
        %sign3A_1706 = arith.cmpi sgt, %jit3A_1696, %sign3A_1705 : i32
        %sign3A_1707 = arith.extui %sign3A_1706 : i1 to i32
        %sign3A_1708 = arith.constant 0 : i32
        %sign3A_1709 = arith.cmpi slt, %jit3A_1696, %sign3A_1708 : i32
        %sign3A_1710 = arith.extui %sign3A_1709 : i1 to i32
        %sign3A_1711 = arith.subi %sign3A_1707, %sign3A_1710 : i32
        %ne3A_1712 = arith.cmpi ne, %sign3A_1704, %sign3A_1711 : i32
        %rem3A_1713 = arith.remsi %reduce_min3A_1601, %jit3A_1696 : i32
        %ne3A_1714 = arith.constant 0 : i32
        %ne3A_1715 = arith.cmpi ne, %rem3A_1713, %ne3A_1714 : i32
        %and3A_1716 = arith.andi %ne3A_1712, %ne3A_1715 : i1
        %sub3A_1717 = arith.constant 1 : i32
        %sub3A_1718 = arith.subi %div3A_1697, %sub3A_1717 : i32
        %select_n3A_1719 = arith.select %and3A_1716, %sub3A_1718, %div3A_1697 : i32
        %jit3A_1720 = arith.constant 16 : i32
        %eq3A_1721 = arith.constant 0 : i32
        %eq3A_1722 = arith.cmpi eq, %jit3A_1720, %eq3A_1721 : i32
        %jit3A_1723 = arith.constant 1 : i32
        %select_n3A_1724 = arith.select %eq3A_1722, %jit3A_1723, %jit3A_1720 : i32
        %rem3A_1725 = arith.remsi %reduce_min3A_1601, %select_n3A_1724 : i32
        %ne3A_1726 = arith.constant 0 : i32
        %ne3A_1727 = arith.cmpi ne, %rem3A_1725, %ne3A_1726 : i32
        %lt3A_1728 = arith.constant 0 : i32
        %lt3A_1729 = arith.cmpi slt, %rem3A_1725, %lt3A_1728 : i32
        %lt3A_1730 = arith.constant 0 : i32
        %lt3A_1731 = arith.cmpi slt, %select_n3A_1724, %lt3A_1730 : i32
        %ne3A_1732 = arith.xori %lt3A_1729, %lt3A_1731 : i1
        %and3A_1733 = arith.andi %ne3A_1732, %ne3A_1727 : i1
        %add3A_1734 = arith.addi %rem3A_1725, %select_n3A_1724 : i32
        %select_n3A_1735 = arith.select %and3A_1733, %add3A_1734, %rem3A_1725 : i32
        %get3A_1736 = arith.constant 0 : index
        %get3A_1737 = tpu.vector_load %arg12[%get3A_1736] {strides = array<i32>} : memref<48xf32, #tpu.memory_space<vmem>>, vector<16xf32>,
        %eq3A_1738 = vector.broadcast %select_n3A_1735 : i32 to vector<16xi32>
        %eq3A_1739 = arith.cmpi eq, %iota3A_1581, %eq3A_1738 : vector<16xi32>
        %eq3A_1740 = arith.constant 0 : i32
        %eq3A_1741 = arith.cmpi eq, %select_n3A_1719, %eq3A_1740 : i32
        %and3A_1742 = vector.broadcast %eq3A_1741 : i1 to vector<16xi1>
        %and3A_1743 = arith.andi %eq3A_1739, %and3A_1742 : vector<16xi1>
        %broadcast_in_dim3A_1744 = vector.broadcast %reduce_max3A_1695 : f32 to vector<16xf32>
        %select_n3A_1745 = arith.select %and3A_1743, %broadcast_in_dim3A_1744, %get3A_1737 : vector<16xi1>, vector<16xf32>
        %swap3A_1746 = arith.constant 0 : index
        %swap3A_1747 = tpu.vector_load %arg12[%swap3A_1746] {strides = array<i32>} : memref<48xf32, #tpu.memory_space<vmem>>, vector<16xf32>,
        tpu.vector_store %arg12[%swap3A_1746], %select_n3A_1745 {strides = array<i32>} : memref<48xf32, #tpu.memory_space<vmem>>, vector<16xf32>,
        %get3A_1748 = arith.constant 16 : index
        %get3A_1749 = tpu.vector_load %arg12[%get3A_1748] {strides = array<i32>} : memref<48xf32, #tpu.memory_space<vmem>>, vector<16xf32>,
        %eq3A_1750 = vector.broadcast %select_n3A_1735 : i32 to vector<16xi32>
        %eq3A_1751 = arith.cmpi eq, %iota3A_1581, %eq3A_1750 : vector<16xi32>
        %eq3A_1752 = arith.constant 1 : i32
        %eq3A_1753 = arith.cmpi eq, %select_n3A_1719, %eq3A_1752 : i32
        %and3A_1754 = vector.broadcast %eq3A_1753 : i1 to vector<16xi1>
        %and3A_1755 = arith.andi %eq3A_1751, %and3A_1754 : vector<16xi1>
        %broadcast_in_dim3A_1756 = vector.broadcast %reduce_max3A_1695 : f32 to vector<16xf32>
        %select_n3A_1757 = arith.select %and3A_1755, %broadcast_in_dim3A_1756, %get3A_1749 : vector<16xi1>, vector<16xf32>
        %swap3A_1758 = arith.constant 16 : index
        %swap3A_1759 = tpu.vector_load %arg12[%swap3A_1758] {strides = array<i32>} : memref<48xf32, #tpu.memory_space<vmem>>, vector<16xf32>,
        tpu.vector_store %arg12[%swap3A_1758], %select_n3A_1757 {strides = array<i32>} : memref<48xf32, #tpu.memory_space<vmem>>, vector<16xf32>,
        %get3A_1760 = arith.constant 32 : index
        %get3A_1761 = tpu.vector_load %arg12[%get3A_1760] {strides = array<i32>} : memref<48xf32, #tpu.memory_space<vmem>>, vector<16xf32>,
        %eq3A_1762 = vector.broadcast %select_n3A_1735 : i32 to vector<16xi32>
        %eq3A_1763 = arith.cmpi eq, %iota3A_1581, %eq3A_1762 : vector<16xi32>
        %eq3A_1764 = arith.constant 2 : i32
        %eq3A_1765 = arith.cmpi eq, %select_n3A_1719, %eq3A_1764 : i32
        %and3A_1766 = vector.broadcast %eq3A_1765 : i1 to vector<16xi1>
        %and3A_1767 = arith.andi %eq3A_1763, %and3A_1766 : vector<16xi1>
        %broadcast_in_dim3A_1768 = vector.broadcast %reduce_max3A_1695 : f32 to vector<16xf32>
        %select_n3A_1769 = arith.select %and3A_1767, %broadcast_in_dim3A_1768, %get3A_1761 : vector<16xi1>, vector<16xf32>
        %swap3A_1770 = arith.constant 32 : index
        %swap3A_1771 = tpu.vector_load %arg12[%swap3A_1770] {strides = array<i32>} : memref<48xf32, #tpu.memory_space<vmem>>, vector<16xf32>,
        tpu.vector_store %arg12[%swap3A_1770], %select_n3A_1769 {strides = array<i32>} : memref<48xf32, #tpu.memory_space<vmem>>, vector<16xf32>,
        %scan3A_1772 = arith.constant 0 : i32
        scf.yield %scan3A_1772 : i32
      }
      %scan3A_575 = arith.constant 32 : i32
      %dma_start3A = arith.constant 0 : i32
      %dma_start3A_576 = arith.constant 0 : i32
      %dma_start3A_577 = tpu.memref_slice %arg3[%dma_start3A, %dma_start3A_576] : memref<32768x768xf32, #tpu.memory_space<hbm>> -> memref<32768x768xf32, #tpu.memory_space<hbm>>
      tpu.enqueue_indirect_dma source(%dma_start3A_577 : memref<32768x768xf32, #tpu.memory_space<hbm>>) target(%arg13 : memref<32x768xf32, #tpu.memory_space<vmem>>) offsets(%arg11 : memref<32xi32, #tpu.memory_space<vmem>>) semaphore(%arg17 : memref<!tpu.dma_semaphore, #tpu.memory_space<semaphore_mem>>)
      %dma_wait3A = arith.constant 0 : i32
      %dma_wait3A_578 = arith.constant 0 : i32
      %dma_wait3A_579 = tpu.memref_slice %arg3[%dma_wait3A, %dma_wait3A_578] : memref<32768x768xf32, #tpu.memory_space<hbm>> -> memref<32768x768xf32, #tpu.memory_space<hbm>>
      tpu.wait_indirect_dma semaphore(%arg17 : memref<!tpu.dma_semaphore, #tpu.memory_space<semaphore_mem>>) src(%dma_wait3A_579 : memref<32768x768xf32, #tpu.memory_space<hbm>>) dst(%arg13 : memref<32x768xf32, #tpu.memory_space<vmem>>)
      %broadcast_in_dim3A_580 = arith.constant 0.000000e+00 : f32
      %broadcast_in_dim3A_581 = vector.broadcast %broadcast_in_dim3A_580 : f32 to vector<16xf32>
      %get3A_582 = arith.constant 0 : index
      %get3A_583 = tpu.vector_load %arg10[%get3A_582] {strides = array<i32>} : memref<32xf32, #tpu.memory_space<vmem>>, vector<16xf32>,
      %max3A = arith.constant 0.000000e+00 : f32
      %max3A_584 = vector.broadcast %max3A : f32 to vector<16xf32>
      %max3A_585 = arith.maximumf %get3A_583, %max3A_584 : vector<16xf32>
      %get3A_586 = arith.constant 16 : index
      %get3A_587 = tpu.vector_load %arg10[%get3A_586] {strides = array<i32>} : memref<32xf32, #tpu.memory_space<vmem>>, vector<16xf32>,
      %max3A_588 = arith.constant 0.000000e+00 : f32
      %max3A_589 = vector.broadcast %max3A_588 : f32 to vector<16xf32>
      %max3A_590 = arith.maximumf %get3A_587, %max3A_589 : vector<16xf32>
      %scan3A_591 = arith.constant 0 : i32
      %scan3A_592 = arith.constant 32 : i32
      %scan3A_593 = arith.addi %scan3A_591, %scan3A_592 : i32
      %scan3A_594 = arith.constant 1 : i32
      %scan3A_595:16 = scf.for %scan3A_1564 = %scan3A_591 to %scan3A_593 step %scan3A_594 iter_args(%scan3A_1565 = %broadcast_in_dim3A_581, %scan3A_1566 = %broadcast_in_dim3A_581, %scan3A_1567 = %broadcast_in_dim3A_581, %scan3A_1568 = %broadcast_in_dim3A_581, %scan3A_1569 = %broadcast_in_dim3A_581, %scan3A_1570 = %broadcast_in_dim3A_581, %scan3A_1571 = %broadcast_in_dim3A_581, %scan3A_1572 = %broadcast_in_dim3A_581, %scan3A_1573 = %broadcast_in_dim3A_581, %scan3A_1574 = %broadcast_in_dim3A_581, %scan3A_1575 = %broadcast_in_dim3A_581, %scan3A_1576 = %broadcast_in_dim3A_581, %scan3A_1577 = %broadcast_in_dim3A_581, %scan3A_1578 = %broadcast_in_dim3A_581, %scan3A_1579 = %broadcast_in_dim3A_581, %scan3A_1580 = %broadcast_in_dim3A_581) -> (vector<16xf32>, vector<16xf32>, vector<16xf32>, vector<16xf32>, vector<16xf32>, vector<16xf32>, vector<16xf32>, vector<16xf32>, vector<16xf32>, vector<16xf32>, vector<16xf32>, vector<16xf32>, vector<16xf32>, vector<16xf32>, vector<16xf32>, vector<16xf32>)  : i32 {
        %lt3A = arith.constant 16 : i32
        %lt3A_1581 = arith.cmpi slt, %scan3A_1564, %lt3A : i32
        %select_n3A_1582 = arith.select %lt3A_1581, %max3A_585, %max3A_590 : vector<16xf32>
        %jit3A = arith.constant 16 : i32
        %eq3A_1583 = arith.constant 0 : i32
        %eq3A_1584 = arith.cmpi eq, %jit3A, %eq3A_1583 : i32
        %jit3A_1585 = arith.constant 1 : i32
        %select_n3A_1586 = arith.select %eq3A_1584, %jit3A_1585, %jit3A : i32
        %rem3A = arith.remsi %scan3A_1564, %select_n3A_1586 : i32
        %ne3A = arith.constant 0 : i32
        %ne3A_1587 = arith.cmpi ne, %rem3A, %ne3A : i32
        %lt3A_1588 = arith.constant 0 : i32
        %lt3A_1589 = arith.cmpi slt, %rem3A, %lt3A_1588 : i32
        %lt3A_1590 = arith.constant 0 : i32
        %lt3A_1591 = arith.cmpi slt, %select_n3A_1586, %lt3A_1590 : i32
        %ne3A_1592 = arith.xori %lt3A_1589, %lt3A_1591 : i1
        %and3A = arith.andi %ne3A_1592, %ne3A_1587 : i1
        %add3A_1593 = arith.addi %rem3A, %select_n3A_1586 : i32
        %select_n3A_1594 = arith.select %and3A, %add3A_1593, %rem3A : i32
        %broadcast_in_dim3A_1595 = vector.broadcast %select_n3A_1594 : i32 to vector<16xi32>
        %lt3A_1596 = arith.constant 0 : i32
        %lt3A_1597 = vector.broadcast %lt3A_1596 : i32 to vector<16xi32>
        %lt3A_1598 = arith.cmpi slt, %broadcast_in_dim3A_1595, %lt3A_1597 : vector<16xi32>
        %add3A_1599 = arith.constant 16 : i32
        %add3A_1600 = vector.broadcast %add3A_1599 : i32 to vector<16xi32>
        %add3A_1601 = arith.addi %broadcast_in_dim3A_1595, %add3A_1600 : vector<16xi32>
        %select_n3A_1602 = arith.select %lt3A_1598, %add3A_1601, %broadcast_in_dim3A_1595 : vector<16xi1>, vector<16xi32>
        %broadcast_in_dim3A_1603 = vector.shape_cast %select_n3A_1602 : vector<16xi32> to vector<16x1xi32>
        %gather3A = vector.shape_cast %broadcast_in_dim3A_1603 : vector<16x1xi32> to vector<16xi32>
        %gather3A_1604 = tpu.dynamic_gather %select_n3A_1582[%gather3A] in [0] : vector<16xf32>, vector<16xi32> -> vector<16xf32>
        %get3A_1605 = arith.index_cast %scan3A_1564 : i32 to index
        %get3A_1606 = arith.constant 0 : index
        %get3A_1607 = tpu.vector_load %arg13[%get3A_1605, %get3A_1606] {strides = array<i32>} : memref<32x768xf32, #tpu.memory_space<vmem>>, vector<16xf32>,
        %mul3A_1608 = arith.mulf %gather3A_1604, %get3A_1607 : vector<16xf32>
        %add3A_1609 = arith.addf %scan3A_1565, %mul3A_1608 : vector<16xf32>
        %get3A_1610 = arith.index_cast %scan3A_1564 : i32 to index
        %get3A_1611 = arith.constant 16 : index
        %get3A_1612 = tpu.vector_load %arg13[%get3A_1610, %get3A_1611] {strides = array<i32>} : memref<32x768xf32, #tpu.memory_space<vmem>>, vector<16xf32>,
        %mul3A_1613 = arith.mulf %gather3A_1604, %get3A_1612 : vector<16xf32>
        %add3A_1614 = arith.addf %scan3A_1566, %mul3A_1613 : vector<16xf32>
        %get3A_1615 = arith.index_cast %scan3A_1564 : i32 to index
        %get3A_1616 = arith.constant 32 : index
        %get3A_1617 = tpu.vector_load %arg13[%get3A_1615, %get3A_1616] {strides = array<i32>} : memref<32x768xf32, #tpu.memory_space<vmem>>, vector<16xf32>,
        %mul3A_1618 = arith.mulf %gather3A_1604, %get3A_1617 : vector<16xf32>
        %add3A_1619 = arith.addf %scan3A_1567, %mul3A_1618 : vector<16xf32>
        %get3A_1620 = arith.index_cast %scan3A_1564 : i32 to index
        %get3A_1621 = arith.constant 48 : index
        %get3A_1622 = tpu.vector_load %arg13[%get3A_1620, %get3A_1621] {strides = array<i32>} : memref<32x768xf32, #tpu.memory_space<vmem>>, vector<16xf32>,
        %mul3A_1623 = arith.mulf %gather3A_1604, %get3A_1622 : vector<16xf32>
        %add3A_1624 = arith.addf %scan3A_1568, %mul3A_1623 : vector<16xf32>
        %get3A_1625 = arith.index_cast %scan3A_1564 : i32 to index
        %get3A_1626 = arith.constant 64 : index
        %get3A_1627 = tpu.vector_load %arg13[%get3A_1625, %get3A_1626] {strides = array<i32>} : memref<32x768xf32, #tpu.memory_space<vmem>>, vector<16xf32>,
        %mul3A_1628 = arith.mulf %gather3A_1604, %get3A_1627 : vector<16xf32>
        %add3A_1629 = arith.addf %scan3A_1569, %mul3A_1628 : vector<16xf32>
        %get3A_1630 = arith.index_cast %scan3A_1564 : i32 to index
        %get3A_1631 = arith.constant 80 : index
        %get3A_1632 = tpu.vector_load %arg13[%get3A_1630, %get3A_1631] {strides = array<i32>} : memref<32x768xf32, #tpu.memory_space<vmem>>, vector<16xf32>,
        %mul3A_1633 = arith.mulf %gather3A_1604, %get3A_1632 : vector<16xf32>
        %add3A_1634 = arith.addf %scan3A_1570, %mul3A_1633 : vector<16xf32>
        %get3A_1635 = arith.index_cast %scan3A_1564 : i32 to index
        %get3A_1636 = arith.constant 96 : index
        %get3A_1637 = tpu.vector_load %arg13[%get3A_1635, %get3A_1636] {strides = array<i32>} : memref<32x768xf32, #tpu.memory_space<vmem>>, vector<16xf32>,
        %mul3A_1638 = arith.mulf %gather3A_1604, %get3A_1637 : vector<16xf32>
        %add3A_1639 = arith.addf %scan3A_1571, %mul3A_1638 : vector<16xf32>
        %get3A_1640 = arith.index_cast %scan3A_1564 : i32 to index
        %get3A_1641 = arith.constant 112 : index
        %get3A_1642 = tpu.vector_load %arg13[%get3A_1640, %get3A_1641] {strides = array<i32>} : memref<32x768xf32, #tpu.memory_space<vmem>>, vector<16xf32>,
        %mul3A_1643 = arith.mulf %gather3A_1604, %get3A_1642 : vector<16xf32>
        %add3A_1644 = arith.addf %scan3A_1572, %mul3A_1643 : vector<16xf32>
        %get3A_1645 = arith.index_cast %scan3A_1564 : i32 to index
        %get3A_1646 = arith.constant 128 : index
        %get3A_1647 = tpu.vector_load %arg13[%get3A_1645, %get3A_1646] {strides = array<i32>} : memref<32x768xf32, #tpu.memory_space<vmem>>, vector<16xf32>,
        %mul3A_1648 = arith.mulf %gather3A_1604, %get3A_1647 : vector<16xf32>
        %add3A_1649 = arith.addf %scan3A_1573, %mul3A_1648 : vector<16xf32>
        %get3A_1650 = arith.index_cast %scan3A_1564 : i32 to index
        %get3A_1651 = arith.constant 144 : index
        %get3A_1652 = tpu.vector_load %arg13[%get3A_1650, %get3A_1651] {strides = array<i32>} : memref<32x768xf32, #tpu.memory_space<vmem>>, vector<16xf32>,
        %mul3A_1653 = arith.mulf %gather3A_1604, %get3A_1652 : vector<16xf32>
        %add3A_1654 = arith.addf %scan3A_1574, %mul3A_1653 : vector<16xf32>
        %get3A_1655 = arith.index_cast %scan3A_1564 : i32 to index
        %get3A_1656 = arith.constant 160 : index
        %get3A_1657 = tpu.vector_load %arg13[%get3A_1655, %get3A_1656] {strides = array<i32>} : memref<32x768xf32, #tpu.memory_space<vmem>>, vector<16xf32>,
        %mul3A_1658 = arith.mulf %gather3A_1604, %get3A_1657 : vector<16xf32>
        %add3A_1659 = arith.addf %scan3A_1575, %mul3A_1658 : vector<16xf32>
        %get3A_1660 = arith.index_cast %scan3A_1564 : i32 to index
        %get3A_1661 = arith.constant 176 : index
        %get3A_1662 = tpu.vector_load %arg13[%get3A_1660, %get3A_1661] {strides = array<i32>} : memref<32x768xf32, #tpu.memory_space<vmem>>, vector<16xf32>,
        %mul3A_1663 = arith.mulf %gather3A_1604, %get3A_1662 : vector<16xf32>
        %add3A_1664 = arith.addf %scan3A_1576, %mul3A_1663 : vector<16xf32>
        %get3A_1665 = arith.index_cast %scan3A_1564 : i32 to index
        %get3A_1666 = arith.constant 192 : index
        %get3A_1667 = tpu.vector_load %arg13[%get3A_1665, %get3A_1666] {strides = array<i32>} : memref<32x768xf32, #tpu.memory_space<vmem>>, vector<16xf32>,
        %mul3A_1668 = arith.mulf %gather3A_1604, %get3A_1667 : vector<16xf32>
        %add3A_1669 = arith.addf %scan3A_1577, %mul3A_1668 : vector<16xf32>
        %get3A_1670 = arith.index_cast %scan3A_1564 : i32 to index
        %get3A_1671 = arith.constant 208 : index
        %get3A_1672 = tpu.vector_load %arg13[%get3A_1670, %get3A_1671] {strides = array<i32>} : memref<32x768xf32, #tpu.memory_space<vmem>>, vector<16xf32>,
        %mul3A_1673 = arith.mulf %gather3A_1604, %get3A_1672 : vector<16xf32>
        %add3A_1674 = arith.addf %scan3A_1578, %mul3A_1673 : vector<16xf32>
        %get3A_1675 = arith.index_cast %scan3A_1564 : i32 to index
        %get3A_1676 = arith.constant 224 : index
        %get3A_1677 = tpu.vector_load %arg13[%get3A_1675, %get3A_1676] {strides = array<i32>} : memref<32x768xf32, #tpu.memory_space<vmem>>, vector<16xf32>,
        %mul3A_1678 = arith.mulf %gather3A_1604, %get3A_1677 : vector<16xf32>
        %add3A_1679 = arith.addf %scan3A_1579, %mul3A_1678 : vector<16xf32>
        %get3A_1680 = arith.index_cast %scan3A_1564 : i32 to index
        %get3A_1681 = arith.constant 240 : index
        %get3A_1682 = tpu.vector_load %arg13[%get3A_1680, %get3A_1681] {strides = array<i32>} : memref<32x768xf32, #tpu.memory_space<vmem>>, vector<16xf32>,
        %mul3A_1683 = arith.mulf %gather3A_1604, %get3A_1682 : vector<16xf32>
        %add3A_1684 = arith.addf %scan3A_1580, %mul3A_1683 : vector<16xf32>
        scf.yield %add3A_1609, %add3A_1614, %add3A_1619, %add3A_1624, %add3A_1629, %add3A_1634, %add3A_1639, %add3A_1644, %add3A_1649, %add3A_1654, %add3A_1659, %add3A_1664, %add3A_1669, %add3A_1674, %add3A_1679, %add3A_1684 : vector<16xf32>, vector<16xf32>, vector<16xf32>, vector<16xf32>, vector<16xf32>, vector<16xf32>, vector<16xf32>, vector<16xf32>, vector<16xf32>, vector<16xf32>, vector<16xf32>, vector<16xf32>, vector<16xf32>, vector<16xf32>, vector<16xf32>, vector<16xf32>
      }
      %scan3A_596 = arith.constant 32 : i32
      %swap3A_597 = arith.constant 0 : index
      %swap3A_598 = tpu.vector_load %arg15[%swap3A_597] {strides = array<i32>} : memref<768xf32, #tpu.memory_space<vmem>>, vector<16xf32>,
      tpu.vector_store %arg15[%swap3A_597], %scan3A_595#0 {strides = array<i32>} : memref<768xf32, #tpu.memory_space<vmem>>, vector<16xf32>,
      %swap3A_599 = arith.constant 16 : index
      %swap3A_600 = tpu.vector_load %arg15[%swap3A_599] {strides = array<i32>} : memref<768xf32, #tpu.memory_space<vmem>>, vector<16xf32>,
      tpu.vector_store %arg15[%swap3A_599], %scan3A_595#1 {strides = array<i32>} : memref<768xf32, #tpu.memory_space<vmem>>, vector<16xf32>,
      %swap3A_601 = arith.constant 32 : index
      %swap3A_602 = tpu.vector_load %arg15[%swap3A_601] {strides = array<i32>} : memref<768xf32, #tpu.memory_space<vmem>>, vector<16xf32>,
      tpu.vector_store %arg15[%swap3A_601], %scan3A_595#2 {strides = array<i32>} : memref<768xf32, #tpu.memory_space<vmem>>, vector<16xf32>,
      %swap3A_603 = arith.constant 48 : index
      %swap3A_604 = tpu.vector_load %arg15[%swap3A_603] {strides = array<i32>} : memref<768xf32, #tpu.memory_space<vmem>>, vector<16xf32>,
      tpu.vector_store %arg15[%swap3A_603], %scan3A_595#3 {strides = array<i32>} : memref<768xf32, #tpu.memory_space<vmem>>, vector<16xf32>,
      %swap3A_605 = arith.constant 64 : index
      %swap3A_606 = tpu.vector_load %arg15[%swap3A_605] {strides = array<i32>} : memref<768xf32, #tpu.memory_space<vmem>>, vector<16xf32>,
      tpu.vector_store %arg15[%swap3A_605], %scan3A_595#4 {strides = array<i32>} : memref<768xf32, #tpu.memory_space<vmem>>, vector<16xf32>,
      %swap3A_607 = arith.constant 80 : index
      %swap3A_608 = tpu.vector_load %arg15[%swap3A_607] {strides = array<i32>} : memref<768xf32, #tpu.memory_space<vmem>>, vector<16xf32>,
      tpu.vector_store %arg15[%swap3A_607], %scan3A_595#5 {strides = array<i32>} : memref<768xf32, #tpu.memory_space<vmem>>, vector<16xf32>,
      %swap3A_609 = arith.constant 96 : index
      %swap3A_610 = tpu.vector_load %arg15[%swap3A_609] {strides = array<i32>} : memref<768xf32, #tpu.memory_space<vmem>>, vector<16xf32>,
      tpu.vector_store %arg15[%swap3A_609], %scan3A_595#6 {strides = array<i32>} : memref<768xf32, #tpu.memory_space<vmem>>, vector<16xf32>,
      %swap3A_611 = arith.constant 112 : index
      %swap3A_612 = tpu.vector_load %arg15[%swap3A_611] {strides = array<i32>} : memref<768xf32, #tpu.memory_space<vmem>>, vector<16xf32>,
      tpu.vector_store %arg15[%swap3A_611], %scan3A_595#7 {strides = array<i32>} : memref<768xf32, #tpu.memory_space<vmem>>, vector<16xf32>,
      %swap3A_613 = arith.constant 128 : index
      %swap3A_614 = tpu.vector_load %arg15[%swap3A_613] {strides = array<i32>} : memref<768xf32, #tpu.memory_space<vmem>>, vector<16xf32>,
      tpu.vector_store %arg15[%swap3A_613], %scan3A_595#8 {strides = array<i32>} : memref<768xf32, #tpu.memory_space<vmem>>, vector<16xf32>,
      %swap3A_615 = arith.constant 144 : index
      %swap3A_616 = tpu.vector_load %arg15[%swap3A_615] {strides = array<i32>} : memref<768xf32, #tpu.memory_space<vmem>>, vector<16xf32>,
      tpu.vector_store %arg15[%swap3A_615], %scan3A_595#9 {strides = array<i32>} : memref<768xf32, #tpu.memory_space<vmem>>, vector<16xf32>,
      %swap3A_617 = arith.constant 160 : index
      %swap3A_618 = tpu.vector_load %arg15[%swap3A_617] {strides = array<i32>} : memref<768xf32, #tpu.memory_space<vmem>>, vector<16xf32>,
      tpu.vector_store %arg15[%swap3A_617], %scan3A_595#10 {strides = array<i32>} : memref<768xf32, #tpu.memory_space<vmem>>, vector<16xf32>,
      %swap3A_619 = arith.constant 176 : index
      %swap3A_620 = tpu.vector_load %arg15[%swap3A_619] {strides = array<i32>} : memref<768xf32, #tpu.memory_space<vmem>>, vector<16xf32>,
      tpu.vector_store %arg15[%swap3A_619], %scan3A_595#11 {strides = array<i32>} : memref<768xf32, #tpu.memory_space<vmem>>, vector<16xf32>,
      %swap3A_621 = arith.constant 192 : index
      %swap3A_622 = tpu.vector_load %arg15[%swap3A_621] {strides = array<i32>} : memref<768xf32, #tpu.memory_space<vmem>>, vector<16xf32>,
      tpu.vector_store %arg15[%swap3A_621], %scan3A_595#12 {strides = array<i32>} : memref<768xf32, #tpu.memory_space<vmem>>, vector<16xf32>,
      %swap3A_623 = arith.constant 208 : index
      %swap3A_624 = tpu.vector_load %arg15[%swap3A_623] {strides = array<i32>} : memref<768xf32, #tpu.memory_space<vmem>>, vector<16xf32>,
      tpu.vector_store %arg15[%swap3A_623], %scan3A_595#13 {strides = array<i32>} : memref<768xf32, #tpu.memory_space<vmem>>, vector<16xf32>,
      %swap3A_625 = arith.constant 224 : index
      %swap3A_626 = tpu.vector_load %arg15[%swap3A_625] {strides = array<i32>} : memref<768xf32, #tpu.memory_space<vmem>>, vector<16xf32>,
      tpu.vector_store %arg15[%swap3A_625], %scan3A_595#14 {strides = array<i32>} : memref<768xf32, #tpu.memory_space<vmem>>, vector<16xf32>,
      %swap3A_627 = arith.constant 240 : index
      %swap3A_628 = tpu.vector_load %arg15[%swap3A_627] {strides = array<i32>} : memref<768xf32, #tpu.memory_space<vmem>>, vector<16xf32>,
      tpu.vector_store %arg15[%swap3A_627], %scan3A_595#15 {strides = array<i32>} : memref<768xf32, #tpu.memory_space<vmem>>, vector<16xf32>,
      %scan3A_629 = arith.constant 0 : i32
      %scan3A_630 = arith.constant 32 : i32
      %scan3A_631 = arith.addi %scan3A_629, %scan3A_630 : i32
      %scan3A_632 = arith.constant 1 : i32
      %scan3A_633:16 = scf.for %scan3A_1564 = %scan3A_629 to %scan3A_631 step %scan3A_632 iter_args(%scan3A_1565 = %broadcast_in_dim3A_581, %scan3A_1566 = %broadcast_in_dim3A_581, %scan3A_1567 = %broadcast_in_dim3A_581, %scan3A_1568 = %broadcast_in_dim3A_581, %scan3A_1569 = %broadcast_in_dim3A_581, %scan3A_1570 = %broadcast_in_dim3A_581, %scan3A_1571 = %broadcast_in_dim3A_581, %scan3A_1572 = %broadcast_in_dim3A_581, %scan3A_1573 = %broadcast_in_dim3A_581, %scan3A_1574 = %broadcast_in_dim3A_581, %scan3A_1575 = %broadcast_in_dim3A_581, %scan3A_1576 = %broadcast_in_dim3A_581, %scan3A_1577 = %broadcast_in_dim3A_581, %scan3A_1578 = %broadcast_in_dim3A_581, %scan3A_1579 = %broadcast_in_dim3A_581, %scan3A_1580 = %broadcast_in_dim3A_581) -> (vector<16xf32>, vector<16xf32>, vector<16xf32>, vector<16xf32>, vector<16xf32>, vector<16xf32>, vector<16xf32>, vector<16xf32>, vector<16xf32>, vector<16xf32>, vector<16xf32>, vector<16xf32>, vector<16xf32>, vector<16xf32>, vector<16xf32>, vector<16xf32>)  : i32 {
        %lt3A = arith.constant 16 : i32
        %lt3A_1581 = arith.cmpi slt, %scan3A_1564, %lt3A : i32
        %select_n3A_1582 = arith.select %lt3A_1581, %max3A_585, %max3A_590 : vector<16xf32>
        %jit3A = arith.constant 16 : i32
        %eq3A_1583 = arith.constant 0 : i32
        %eq3A_1584 = arith.cmpi eq, %jit3A, %eq3A_1583 : i32
        %jit3A_1585 = arith.constant 1 : i32
        %select_n3A_1586 = arith.select %eq3A_1584, %jit3A_1585, %jit3A : i32
        %rem3A = arith.remsi %scan3A_1564, %select_n3A_1586 : i32
        %ne3A = arith.constant 0 : i32
        %ne3A_1587 = arith.cmpi ne, %rem3A, %ne3A : i32
        %lt3A_1588 = arith.constant 0 : i32
        %lt3A_1589 = arith.cmpi slt, %rem3A, %lt3A_1588 : i32
        %lt3A_1590 = arith.constant 0 : i32
        %lt3A_1591 = arith.cmpi slt, %select_n3A_1586, %lt3A_1590 : i32
        %ne3A_1592 = arith.xori %lt3A_1589, %lt3A_1591 : i1
        %and3A = arith.andi %ne3A_1592, %ne3A_1587 : i1
        %add3A_1593 = arith.addi %rem3A, %select_n3A_1586 : i32
        %select_n3A_1594 = arith.select %and3A, %add3A_1593, %rem3A : i32
        %broadcast_in_dim3A_1595 = vector.broadcast %select_n3A_1594 : i32 to vector<16xi32>
        %lt3A_1596 = arith.constant 0 : i32
        %lt3A_1597 = vector.broadcast %lt3A_1596 : i32 to vector<16xi32>
        %lt3A_1598 = arith.cmpi slt, %broadcast_in_dim3A_1595, %lt3A_1597 : vector<16xi32>
        %add3A_1599 = arith.constant 16 : i32
        %add3A_1600 = vector.broadcast %add3A_1599 : i32 to vector<16xi32>
        %add3A_1601 = arith.addi %broadcast_in_dim3A_1595, %add3A_1600 : vector<16xi32>
        %select_n3A_1602 = arith.select %lt3A_1598, %add3A_1601, %broadcast_in_dim3A_1595 : vector<16xi1>, vector<16xi32>
        %broadcast_in_dim3A_1603 = vector.shape_cast %select_n3A_1602 : vector<16xi32> to vector<16x1xi32>
        %gather3A = vector.shape_cast %broadcast_in_dim3A_1603 : vector<16x1xi32> to vector<16xi32>
        %gather3A_1604 = tpu.dynamic_gather %select_n3A_1582[%gather3A] in [0] : vector<16xf32>, vector<16xi32> -> vector<16xf32>
        %get3A_1605 = arith.index_cast %scan3A_1564 : i32 to index
        %get3A_1606 = arith.constant 256 : index
        %get3A_1607 = tpu.vector_load %arg13[%get3A_1605, %get3A_1606] {strides = array<i32>} : memref<32x768xf32, #tpu.memory_space<vmem>>, vector<16xf32>,
        %mul3A_1608 = arith.mulf %gather3A_1604, %get3A_1607 : vector<16xf32>
        %add3A_1609 = arith.addf %scan3A_1565, %mul3A_1608 : vector<16xf32>
        %get3A_1610 = arith.index_cast %scan3A_1564 : i32 to index
        %get3A_1611 = arith.constant 272 : index
        %get3A_1612 = tpu.vector_load %arg13[%get3A_1610, %get3A_1611] {strides = array<i32>} : memref<32x768xf32, #tpu.memory_space<vmem>>, vector<16xf32>,
        %mul3A_1613 = arith.mulf %gather3A_1604, %get3A_1612 : vector<16xf32>
        %add3A_1614 = arith.addf %scan3A_1566, %mul3A_1613 : vector<16xf32>
        %get3A_1615 = arith.index_cast %scan3A_1564 : i32 to index
        %get3A_1616 = arith.constant 288 : index
        %get3A_1617 = tpu.vector_load %arg13[%get3A_1615, %get3A_1616] {strides = array<i32>} : memref<32x768xf32, #tpu.memory_space<vmem>>, vector<16xf32>,
        %mul3A_1618 = arith.mulf %gather3A_1604, %get3A_1617 : vector<16xf32>
        %add3A_1619 = arith.addf %scan3A_1567, %mul3A_1618 : vector<16xf32>
        %get3A_1620 = arith.index_cast %scan3A_1564 : i32 to index
        %get3A_1621 = arith.constant 304 : index
        %get3A_1622 = tpu.vector_load %arg13[%get3A_1620, %get3A_1621] {strides = array<i32>} : memref<32x768xf32, #tpu.memory_space<vmem>>, vector<16xf32>,
        %mul3A_1623 = arith.mulf %gather3A_1604, %get3A_1622 : vector<16xf32>
        %add3A_1624 = arith.addf %scan3A_1568, %mul3A_1623 : vector<16xf32>
        %get3A_1625 = arith.index_cast %scan3A_1564 : i32 to index
        %get3A_1626 = arith.constant 320 : index
        %get3A_1627 = tpu.vector_load %arg13[%get3A_1625, %get3A_1626] {strides = array<i32>} : memref<32x768xf32, #tpu.memory_space<vmem>>, vector<16xf32>,
        %mul3A_1628 = arith.mulf %gather3A_1604, %get3A_1627 : vector<16xf32>
        %add3A_1629 = arith.addf %scan3A_1569, %mul3A_1628 : vector<16xf32>
        %get3A_1630 = arith.index_cast %scan3A_1564 : i32 to index
        %get3A_1631 = arith.constant 336 : index
        %get3A_1632 = tpu.vector_load %arg13[%get3A_1630, %get3A_1631] {strides = array<i32>} : memref<32x768xf32, #tpu.memory_space<vmem>>, vector<16xf32>,
        %mul3A_1633 = arith.mulf %gather3A_1604, %get3A_1632 : vector<16xf32>
        %add3A_1634 = arith.addf %scan3A_1570, %mul3A_1633 : vector<16xf32>
        %get3A_1635 = arith.index_cast %scan3A_1564 : i32 to index
        %get3A_1636 = arith.constant 352 : index
        %get3A_1637 = tpu.vector_load %arg13[%get3A_1635, %get3A_1636] {strides = array<i32>} : memref<32x768xf32, #tpu.memory_space<vmem>>, vector<16xf32>,
        %mul3A_1638 = arith.mulf %gather3A_1604, %get3A_1637 : vector<16xf32>
        %add3A_1639 = arith.addf %scan3A_1571, %mul3A_1638 : vector<16xf32>
        %get3A_1640 = arith.index_cast %scan3A_1564 : i32 to index
        %get3A_1641 = arith.constant 368 : index
        %get3A_1642 = tpu.vector_load %arg13[%get3A_1640, %get3A_1641] {strides = array<i32>} : memref<32x768xf32, #tpu.memory_space<vmem>>, vector<16xf32>,
        %mul3A_1643 = arith.mulf %gather3A_1604, %get3A_1642 : vector<16xf32>
        %add3A_1644 = arith.addf %scan3A_1572, %mul3A_1643 : vector<16xf32>
        %get3A_1645 = arith.index_cast %scan3A_1564 : i32 to index
        %get3A_1646 = arith.constant 384 : index
        %get3A_1647 = tpu.vector_load %arg13[%get3A_1645, %get3A_1646] {strides = array<i32>} : memref<32x768xf32, #tpu.memory_space<vmem>>, vector<16xf32>,
        %mul3A_1648 = arith.mulf %gather3A_1604, %get3A_1647 : vector<16xf32>
        %add3A_1649 = arith.addf %scan3A_1573, %mul3A_1648 : vector<16xf32>
        %get3A_1650 = arith.index_cast %scan3A_1564 : i32 to index
        %get3A_1651 = arith.constant 400 : index
        %get3A_1652 = tpu.vector_load %arg13[%get3A_1650, %get3A_1651] {strides = array<i32>} : memref<32x768xf32, #tpu.memory_space<vmem>>, vector<16xf32>,
        %mul3A_1653 = arith.mulf %gather3A_1604, %get3A_1652 : vector<16xf32>
        %add3A_1654 = arith.addf %scan3A_1574, %mul3A_1653 : vector<16xf32>
        %get3A_1655 = arith.index_cast %scan3A_1564 : i32 to index
        %get3A_1656 = arith.constant 416 : index
        %get3A_1657 = tpu.vector_load %arg13[%get3A_1655, %get3A_1656] {strides = array<i32>} : memref<32x768xf32, #tpu.memory_space<vmem>>, vector<16xf32>,
        %mul3A_1658 = arith.mulf %gather3A_1604, %get3A_1657 : vector<16xf32>
        %add3A_1659 = arith.addf %scan3A_1575, %mul3A_1658 : vector<16xf32>
        %get3A_1660 = arith.index_cast %scan3A_1564 : i32 to index
        %get3A_1661 = arith.constant 432 : index
        %get3A_1662 = tpu.vector_load %arg13[%get3A_1660, %get3A_1661] {strides = array<i32>} : memref<32x768xf32, #tpu.memory_space<vmem>>, vector<16xf32>,
        %mul3A_1663 = arith.mulf %gather3A_1604, %get3A_1662 : vector<16xf32>
        %add3A_1664 = arith.addf %scan3A_1576, %mul3A_1663 : vector<16xf32>
        %get3A_1665 = arith.index_cast %scan3A_1564 : i32 to index
        %get3A_1666 = arith.constant 448 : index
        %get3A_1667 = tpu.vector_load %arg13[%get3A_1665, %get3A_1666] {strides = array<i32>} : memref<32x768xf32, #tpu.memory_space<vmem>>, vector<16xf32>,
        %mul3A_1668 = arith.mulf %gather3A_1604, %get3A_1667 : vector<16xf32>
        %add3A_1669 = arith.addf %scan3A_1577, %mul3A_1668 : vector<16xf32>
        %get3A_1670 = arith.index_cast %scan3A_1564 : i32 to index
        %get3A_1671 = arith.constant 464 : index
        %get3A_1672 = tpu.vector_load %arg13[%get3A_1670, %get3A_1671] {strides = array<i32>} : memref<32x768xf32, #tpu.memory_space<vmem>>, vector<16xf32>,
        %mul3A_1673 = arith.mulf %gather3A_1604, %get3A_1672 : vector<16xf32>
        %add3A_1674 = arith.addf %scan3A_1578, %mul3A_1673 : vector<16xf32>
        %get3A_1675 = arith.index_cast %scan3A_1564 : i32 to index
        %get3A_1676 = arith.constant 480 : index
        %get3A_1677 = tpu.vector_load %arg13[%get3A_1675, %get3A_1676] {strides = array<i32>} : memref<32x768xf32, #tpu.memory_space<vmem>>, vector<16xf32>,
        %mul3A_1678 = arith.mulf %gather3A_1604, %get3A_1677 : vector<16xf32>
        %add3A_1679 = arith.addf %scan3A_1579, %mul3A_1678 : vector<16xf32>
        %get3A_1680 = arith.index_cast %scan3A_1564 : i32 to index
        %get3A_1681 = arith.constant 496 : index
        %get3A_1682 = tpu.vector_load %arg13[%get3A_1680, %get3A_1681] {strides = array<i32>} : memref<32x768xf32, #tpu.memory_space<vmem>>, vector<16xf32>,
        %mul3A_1683 = arith.mulf %gather3A_1604, %get3A_1682 : vector<16xf32>
        %add3A_1684 = arith.addf %scan3A_1580, %mul3A_1683 : vector<16xf32>
        scf.yield %add3A_1609, %add3A_1614, %add3A_1619, %add3A_1624, %add3A_1629, %add3A_1634, %add3A_1639, %add3A_1644, %add3A_1649, %add3A_1654, %add3A_1659, %add3A_1664, %add3A_1669, %add3A_1674, %add3A_1679, %add3A_1684 : vector<16xf32>, vector<16xf32>, vector<16xf32>, vector<16xf32>, vector<16xf32>, vector<16xf32>, vector<16xf32>, vector<16xf32>, vector<16xf32>, vector<16xf32>, vector<16xf32>, vector<16xf32>, vector<16xf32>, vector<16xf32>, vector<16xf32>, vector<16xf32>
      }
      %scan3A_634 = arith.constant 32 : i32
      %swap3A_635 = arith.constant 256 : index
      %swap3A_636 = tpu.vector_load %arg15[%swap3A_635] {strides = array<i32>} : memref<768xf32, #tpu.memory_space<vmem>>, vector<16xf32>,
      tpu.vector_store %arg15[%swap3A_635], %scan3A_633#0 {strides = array<i32>} : memref<768xf32, #tpu.memory_space<vmem>>, vector<16xf32>,
      %swap3A_637 = arith.constant 272 : index
      %swap3A_638 = tpu.vector_load %arg15[%swap3A_637] {strides = array<i32>} : memref<768xf32, #tpu.memory_space<vmem>>, vector<16xf32>,
      tpu.vector_store %arg15[%swap3A_637], %scan3A_633#1 {strides = array<i32>} : memref<768xf32, #tpu.memory_space<vmem>>, vector<16xf32>,
      %swap3A_639 = arith.constant 288 : index
      %swap3A_640 = tpu.vector_load %arg15[%swap3A_639] {strides = array<i32>} : memref<768xf32, #tpu.memory_space<vmem>>, vector<16xf32>,
      tpu.vector_store %arg15[%swap3A_639], %scan3A_633#2 {strides = array<i32>} : memref<768xf32, #tpu.memory_space<vmem>>, vector<16xf32>,
      %swap3A_641 = arith.constant 304 : index
      %swap3A_642 = tpu.vector_load %arg15[%swap3A_641] {strides = array<i32>} : memref<768xf32, #tpu.memory_space<vmem>>, vector<16xf32>,
      tpu.vector_store %arg15[%swap3A_641], %scan3A_633#3 {strides = array<i32>} : memref<768xf32, #tpu.memory_space<vmem>>, vector<16xf32>,
      %swap3A_643 = arith.constant 320 : index
      %swap3A_644 = tpu.vector_load %arg15[%swap3A_643] {strides = array<i32>} : memref<768xf32, #tpu.memory_space<vmem>>, vector<16xf32>,
      tpu.vector_store %arg15[%swap3A_643], %scan3A_633#4 {strides = array<i32>} : memref<768xf32, #tpu.memory_space<vmem>>, vector<16xf32>,
      %swap3A_645 = arith.constant 336 : index
      %swap3A_646 = tpu.vector_load %arg15[%swap3A_645] {strides = array<i32>} : memref<768xf32, #tpu.memory_space<vmem>>, vector<16xf32>,
      tpu.vector_store %arg15[%swap3A_645], %scan3A_633#5 {strides = array<i32>} : memref<768xf32, #tpu.memory_space<vmem>>, vector<16xf32>,
      %swap3A_647 = arith.constant 352 : index
      %swap3A_648 = tpu.vector_load %arg15[%swap3A_647] {strides = array<i32>} : memref<768xf32, #tpu.memory_space<vmem>>, vector<16xf32>,
      tpu.vector_store %arg15[%swap3A_647], %scan3A_633#6 {strides = array<i32>} : memref<768xf32, #tpu.memory_space<vmem>>, vector<16xf32>,
      %swap3A_649 = arith.constant 368 : index
      %swap3A_650 = tpu.vector_load %arg15[%swap3A_649] {strides = array<i32>} : memref<768xf32, #tpu.memory_space<vmem>>, vector<16xf32>,
      tpu.vector_store %arg15[%swap3A_649], %scan3A_633#7 {strides = array<i32>} : memref<768xf32, #tpu.memory_space<vmem>>, vector<16xf32>,
      %swap3A_651 = arith.constant 384 : index
      %swap3A_652 = tpu.vector_load %arg15[%swap3A_651] {strides = array<i32>} : memref<768xf32, #tpu.memory_space<vmem>>, vector<16xf32>,
      tpu.vector_store %arg15[%swap3A_651], %scan3A_633#8 {strides = array<i32>} : memref<768xf32, #tpu.memory_space<vmem>>, vector<16xf32>,
      %swap3A_653 = arith.constant 400 : index
      %swap3A_654 = tpu.vector_load %arg15[%swap3A_653] {strides = array<i32>} : memref<768xf32, #tpu.memory_space<vmem>>, vector<16xf32>,
      tpu.vector_store %arg15[%swap3A_653], %scan3A_633#9 {strides = array<i32>} : memref<768xf32, #tpu.memory_space<vmem>>, vector<16xf32>,
      %swap3A_655 = arith.constant 416 : index
      %swap3A_656 = tpu.vector_load %arg15[%swap3A_655] {strides = array<i32>} : memref<768xf32, #tpu.memory_space<vmem>>, vector<16xf32>,
      tpu.vector_store %arg15[%swap3A_655], %scan3A_633#10 {strides = array<i32>} : memref<768xf32, #tpu.memory_space<vmem>>, vector<16xf32>,
      %swap3A_657 = arith.constant 432 : index
      %swap3A_658 = tpu.vector_load %arg15[%swap3A_657] {strides = array<i32>} : memref<768xf32, #tpu.memory_space<vmem>>, vector<16xf32>,
      tpu.vector_store %arg15[%swap3A_657], %scan3A_633#11 {strides = array<i32>} : memref<768xf32, #tpu.memory_space<vmem>>, vector<16xf32>,
      %swap3A_659 = arith.constant 448 : index
      %swap3A_660 = tpu.vector_load %arg15[%swap3A_659] {strides = array<i32>} : memref<768xf32, #tpu.memory_space<vmem>>, vector<16xf32>,
      tpu.vector_store %arg15[%swap3A_659], %scan3A_633#12 {strides = array<i32>} : memref<768xf32, #tpu.memory_space<vmem>>, vector<16xf32>,
      %swap3A_661 = arith.constant 464 : index
      %swap3A_662 = tpu.vector_load %arg15[%swap3A_661] {strides = array<i32>} : memref<768xf32, #tpu.memory_space<vmem>>, vector<16xf32>,
      tpu.vector_store %arg15[%swap3A_661], %scan3A_633#13 {strides = array<i32>} : memref<768xf32, #tpu.memory_space<vmem>>, vector<16xf32>,
      %swap3A_663 = arith.constant 480 : index
      %swap3A_664 = tpu.vector_load %arg15[%swap3A_663] {strides = array<i32>} : memref<768xf32, #tpu.memory_space<vmem>>, vector<16xf32>,
      tpu.vector_store %arg15[%swap3A_663], %scan3A_633#14 {strides = array<i32>} : memref<768xf32, #tpu.memory_space<vmem>>, vector<16xf32>,
      %swap3A_665 = arith.constant 496 : index
      %swap3A_666 = tpu.vector_load %arg15[%swap3A_665] {strides = array<i32>} : memref<768xf32, #tpu.memory_space<vmem>>, vector<16xf32>,
      tpu.vector_store %arg15[%swap3A_665], %scan3A_633#15 {strides = array<i32>} : memref<768xf32, #tpu.memory_space<vmem>>, vector<16xf32>,
      %scan3A_667 = arith.constant 0 : i32
      %scan3A_668 = arith.constant 32 : i32
      %scan3A_669 = arith.addi %scan3A_667, %scan3A_668 : i32
      %scan3A_670 = arith.constant 1 : i32
      %scan3A_671:16 = scf.for %scan3A_1564 = %scan3A_667 to %scan3A_669 step %scan3A_670 iter_args(%scan3A_1565 = %broadcast_in_dim3A_581, %scan3A_1566 = %broadcast_in_dim3A_581, %scan3A_1567 = %broadcast_in_dim3A_581, %scan3A_1568 = %broadcast_in_dim3A_581, %scan3A_1569 = %broadcast_in_dim3A_581, %scan3A_1570 = %broadcast_in_dim3A_581, %scan3A_1571 = %broadcast_in_dim3A_581, %scan3A_1572 = %broadcast_in_dim3A_581, %scan3A_1573 = %broadcast_in_dim3A_581, %scan3A_1574 = %broadcast_in_dim3A_581, %scan3A_1575 = %broadcast_in_dim3A_581, %scan3A_1576 = %broadcast_in_dim3A_581, %scan3A_1577 = %broadcast_in_dim3A_581, %scan3A_1578 = %broadcast_in_dim3A_581, %scan3A_1579 = %broadcast_in_dim3A_581, %scan3A_1580 = %broadcast_in_dim3A_581) -> (vector<16xf32>, vector<16xf32>, vector<16xf32>, vector<16xf32>, vector<16xf32>, vector<16xf32>, vector<16xf32>, vector<16xf32>, vector<16xf32>, vector<16xf32>, vector<16xf32>, vector<16xf32>, vector<16xf32>, vector<16xf32>, vector<16xf32>, vector<16xf32>)  : i32 {
        %lt3A = arith.constant 16 : i32
        %lt3A_1581 = arith.cmpi slt, %scan3A_1564, %lt3A : i32
        %select_n3A_1582 = arith.select %lt3A_1581, %max3A_585, %max3A_590 : vector<16xf32>
        %jit3A = arith.constant 16 : i32
        %eq3A_1583 = arith.constant 0 : i32
        %eq3A_1584 = arith.cmpi eq, %jit3A, %eq3A_1583 : i32
        %jit3A_1585 = arith.constant 1 : i32
        %select_n3A_1586 = arith.select %eq3A_1584, %jit3A_1585, %jit3A : i32
        %rem3A = arith.remsi %scan3A_1564, %select_n3A_1586 : i32
        %ne3A = arith.constant 0 : i32
        %ne3A_1587 = arith.cmpi ne, %rem3A, %ne3A : i32
        %lt3A_1588 = arith.constant 0 : i32
        %lt3A_1589 = arith.cmpi slt, %rem3A, %lt3A_1588 : i32
        %lt3A_1590 = arith.constant 0 : i32
        %lt3A_1591 = arith.cmpi slt, %select_n3A_1586, %lt3A_1590 : i32
        %ne3A_1592 = arith.xori %lt3A_1589, %lt3A_1591 : i1
        %and3A = arith.andi %ne3A_1592, %ne3A_1587 : i1
        %add3A_1593 = arith.addi %rem3A, %select_n3A_1586 : i32
        %select_n3A_1594 = arith.select %and3A, %add3A_1593, %rem3A : i32
        %broadcast_in_dim3A_1595 = vector.broadcast %select_n3A_1594 : i32 to vector<16xi32>
        %lt3A_1596 = arith.constant 0 : i32
        %lt3A_1597 = vector.broadcast %lt3A_1596 : i32 to vector<16xi32>
        %lt3A_1598 = arith.cmpi slt, %broadcast_in_dim3A_1595, %lt3A_1597 : vector<16xi32>
        %add3A_1599 = arith.constant 16 : i32
        %add3A_1600 = vector.broadcast %add3A_1599 : i32 to vector<16xi32>
        %add3A_1601 = arith.addi %broadcast_in_dim3A_1595, %add3A_1600 : vector<16xi32>
        %select_n3A_1602 = arith.select %lt3A_1598, %add3A_1601, %broadcast_in_dim3A_1595 : vector<16xi1>, vector<16xi32>
        %broadcast_in_dim3A_1603 = vector.shape_cast %select_n3A_1602 : vector<16xi32> to vector<16x1xi32>
        %gather3A = vector.shape_cast %broadcast_in_dim3A_1603 : vector<16x1xi32> to vector<16xi32>
        %gather3A_1604 = tpu.dynamic_gather %select_n3A_1582[%gather3A] in [0] : vector<16xf32>, vector<16xi32> -> vector<16xf32>
        %get3A_1605 = arith.index_cast %scan3A_1564 : i32 to index
        %get3A_1606 = arith.constant 512 : index
        %get3A_1607 = tpu.vector_load %arg13[%get3A_1605, %get3A_1606] {strides = array<i32>} : memref<32x768xf32, #tpu.memory_space<vmem>>, vector<16xf32>,
        %mul3A_1608 = arith.mulf %gather3A_1604, %get3A_1607 : vector<16xf32>
        %add3A_1609 = arith.addf %scan3A_1565, %mul3A_1608 : vector<16xf32>
        %get3A_1610 = arith.index_cast %scan3A_1564 : i32 to index
        %get3A_1611 = arith.constant 528 : index
        %get3A_1612 = tpu.vector_load %arg13[%get3A_1610, %get3A_1611] {strides = array<i32>} : memref<32x768xf32, #tpu.memory_space<vmem>>, vector<16xf32>,
        %mul3A_1613 = arith.mulf %gather3A_1604, %get3A_1612 : vector<16xf32>
        %add3A_1614 = arith.addf %scan3A_1566, %mul3A_1613 : vector<16xf32>
        %get3A_1615 = arith.index_cast %scan3A_1564 : i32 to index
        %get3A_1616 = arith.constant 544 : index
        %get3A_1617 = tpu.vector_load %arg13[%get3A_1615, %get3A_1616] {strides = array<i32>} : memref<32x768xf32, #tpu.memory_space<vmem>>, vector<16xf32>,
        %mul3A_1618 = arith.mulf %gather3A_1604, %get3A_1617 : vector<16xf32>
        %add3A_1619 = arith.addf %scan3A_1567, %mul3A_1618 : vector<16xf32>
        %get3A_1620 = arith.index_cast %scan3A_1564 : i32 to index
        %get3A_1621 = arith.constant 560 : index
        %get3A_1622 = tpu.vector_load %arg13[%get3A_1620, %get3A_1621] {strides = array<i32>} : memref<32x768xf32, #tpu.memory_space<vmem>>, vector<16xf32>,
        %mul3A_1623 = arith.mulf %gather3A_1604, %get3A_1622 : vector<16xf32>
        %add3A_1624 = arith.addf %scan3A_1568, %mul3A_1623 : vector<16xf32>
        %get3A_1625 = arith.index_cast %scan3A_1564 : i32 to index
        %get3A_1626 = arith.constant 576 : index
        %get3A_1627 = tpu.vector_load %arg13[%get3A_1625, %get3A_1626] {strides = array<i32>} : memref<32x768xf32, #tpu.memory_space<vmem>>, vector<16xf32>,
        %mul3A_1628 = arith.mulf %gather3A_1604, %get3A_1627 : vector<16xf32>
        %add3A_1629 = arith.addf %scan3A_1569, %mul3A_1628 : vector<16xf32>
        %get3A_1630 = arith.index_cast %scan3A_1564 : i32 to index
        %get3A_1631 = arith.constant 592 : index
        %get3A_1632 = tpu.vector_load %arg13[%get3A_1630, %get3A_1631] {strides = array<i32>} : memref<32x768xf32, #tpu.memory_space<vmem>>, vector<16xf32>,
        %mul3A_1633 = arith.mulf %gather3A_1604, %get3A_1632 : vector<16xf32>
        %add3A_1634 = arith.addf %scan3A_1570, %mul3A_1633 : vector<16xf32>
        %get3A_1635 = arith.index_cast %scan3A_1564 : i32 to index
        %get3A_1636 = arith.constant 608 : index
        %get3A_1637 = tpu.vector_load %arg13[%get3A_1635, %get3A_1636] {strides = array<i32>} : memref<32x768xf32, #tpu.memory_space<vmem>>, vector<16xf32>,
        %mul3A_1638 = arith.mulf %gather3A_1604, %get3A_1637 : vector<16xf32>
        %add3A_1639 = arith.addf %scan3A_1571, %mul3A_1638 : vector<16xf32>
        %get3A_1640 = arith.index_cast %scan3A_1564 : i32 to index
        %get3A_1641 = arith.constant 624 : index
        %get3A_1642 = tpu.vector_load %arg13[%get3A_1640, %get3A_1641] {strides = array<i32>} : memref<32x768xf32, #tpu.memory_space<vmem>>, vector<16xf32>,
        %mul3A_1643 = arith.mulf %gather3A_1604, %get3A_1642 : vector<16xf32>
        %add3A_1644 = arith.addf %scan3A_1572, %mul3A_1643 : vector<16xf32>
        %get3A_1645 = arith.index_cast %scan3A_1564 : i32 to index
        %get3A_1646 = arith.constant 640 : index
        %get3A_1647 = tpu.vector_load %arg13[%get3A_1645, %get3A_1646] {strides = array<i32>} : memref<32x768xf32, #tpu.memory_space<vmem>>, vector<16xf32>,
        %mul3A_1648 = arith.mulf %gather3A_1604, %get3A_1647 : vector<16xf32>
        %add3A_1649 = arith.addf %scan3A_1573, %mul3A_1648 : vector<16xf32>
        %get3A_1650 = arith.index_cast %scan3A_1564 : i32 to index
        %get3A_1651 = arith.constant 656 : index
        %get3A_1652 = tpu.vector_load %arg13[%get3A_1650, %get3A_1651] {strides = array<i32>} : memref<32x768xf32, #tpu.memory_space<vmem>>, vector<16xf32>,
        %mul3A_1653 = arith.mulf %gather3A_1604, %get3A_1652 : vector<16xf32>
        %add3A_1654 = arith.addf %scan3A_1574, %mul3A_1653 : vector<16xf32>
        %get3A_1655 = arith.index_cast %scan3A_1564 : i32 to index
        %get3A_1656 = arith.constant 672 : index
        %get3A_1657 = tpu.vector_load %arg13[%get3A_1655, %get3A_1656] {strides = array<i32>} : memref<32x768xf32, #tpu.memory_space<vmem>>, vector<16xf32>,
        %mul3A_1658 = arith.mulf %gather3A_1604, %get3A_1657 : vector<16xf32>
        %add3A_1659 = arith.addf %scan3A_1575, %mul3A_1658 : vector<16xf32>
        %get3A_1660 = arith.index_cast %scan3A_1564 : i32 to index
        %get3A_1661 = arith.constant 688 : index
        %get3A_1662 = tpu.vector_load %arg13[%get3A_1660, %get3A_1661] {strides = array<i32>} : memref<32x768xf32, #tpu.memory_space<vmem>>, vector<16xf32>,
        %mul3A_1663 = arith.mulf %gather3A_1604, %get3A_1662 : vector<16xf32>
        %add3A_1664 = arith.addf %scan3A_1576, %mul3A_1663 : vector<16xf32>
        %get3A_1665 = arith.index_cast %scan3A_1564 : i32 to index
        %get3A_1666 = arith.constant 704 : index
        %get3A_1667 = tpu.vector_load %arg13[%get3A_1665, %get3A_1666] {strides = array<i32>} : memref<32x768xf32, #tpu.memory_space<vmem>>, vector<16xf32>,
        %mul3A_1668 = arith.mulf %gather3A_1604, %get3A_1667 : vector<16xf32>
        %add3A_1669 = arith.addf %scan3A_1577, %mul3A_1668 : vector<16xf32>
        %get3A_1670 = arith.index_cast %scan3A_1564 : i32 to index
        %get3A_1671 = arith.constant 720 : index
        %get3A_1672 = tpu.vector_load %arg13[%get3A_1670, %get3A_1671] {strides = array<i32>} : memref<32x768xf32, #tpu.memory_space<vmem>>, vector<16xf32>,
        %mul3A_1673 = arith.mulf %gather3A_1604, %get3A_1672 : vector<16xf32>
        %add3A_1674 = arith.addf %scan3A_1578, %mul3A_1673 : vector<16xf32>
        %get3A_1675 = arith.index_cast %scan3A_1564 : i32 to index
        %get3A_1676 = arith.constant 736 : index
        %get3A_1677 = tpu.vector_load %arg13[%get3A_1675, %get3A_1676] {strides = array<i32>} : memref<32x768xf32, #tpu.memory_space<vmem>>, vector<16xf32>,
        %mul3A_1678 = arith.mulf %gather3A_1604, %get3A_1677 : vector<16xf32>
        %add3A_1679 = arith.addf %scan3A_1579, %mul3A_1678 : vector<16xf32>
        %get3A_1680 = arith.index_cast %scan3A_1564 : i32 to index
        %get3A_1681 = arith.constant 752 : index
        %get3A_1682 = tpu.vector_load %arg13[%get3A_1680, %get3A_1681] {strides = array<i32>} : memref<32x768xf32, #tpu.memory_space<vmem>>, vector<16xf32>,
        %mul3A_1683 = arith.mulf %gather3A_1604, %get3A_1682 : vector<16xf32>
        %add3A_1684 = arith.addf %scan3A_1580, %mul3A_1683 : vector<16xf32>
        scf.yield %add3A_1609, %add3A_1614, %add3A_1619, %add3A_1624, %add3A_1629, %add3A_1634, %add3A_1639, %add3A_1644, %add3A_1649, %add3A_1654, %add3A_1659, %add3A_1664, %add3A_1669, %add3A_1674, %add3A_1679, %add3A_1684 : vector<16xf32>, vector<16xf32>, vector<16xf32>, vector<16xf32>, vector<16xf32>, vector<16xf32>, vector<16xf32>, vector<16xf32>, vector<16xf32>, vector<16xf32>, vector<16xf32>, vector<16xf32>, vector<16xf32>, vector<16xf32>, vector<16xf32>, vector<16xf32>
      }
      %scan3A_672 = arith.constant 32 : i32
      %swap3A_673 = arith.constant 512 : index
      %swap3A_674 = tpu.vector_load %arg15[%swap3A_673] {strides = array<i32>} : memref<768xf32, #tpu.memory_space<vmem>>, vector<16xf32>,
      tpu.vector_store %arg15[%swap3A_673], %scan3A_671#0 {strides = array<i32>} : memref<768xf32, #tpu.memory_space<vmem>>, vector<16xf32>,
      %swap3A_675 = arith.constant 528 : index
      %swap3A_676 = tpu.vector_load %arg15[%swap3A_675] {strides = array<i32>} : memref<768xf32, #tpu.memory_space<vmem>>, vector<16xf32>,
      tpu.vector_store %arg15[%swap3A_675], %scan3A_671#1 {strides = array<i32>} : memref<768xf32, #tpu.memory_space<vmem>>, vector<16xf32>,
      %swap3A_677 = arith.constant 544 : index
      %swap3A_678 = tpu.vector_load %arg15[%swap3A_677] {strides = array<i32>} : memref<768xf32, #tpu.memory_space<vmem>>, vector<16xf32>,
      tpu.vector_store %arg15[%swap3A_677], %scan3A_671#2 {strides = array<i32>} : memref<768xf32, #tpu.memory_space<vmem>>, vector<16xf32>,
      %swap3A_679 = arith.constant 560 : index
      %swap3A_680 = tpu.vector_load %arg15[%swap3A_679] {strides = array<i32>} : memref<768xf32, #tpu.memory_space<vmem>>, vector<16xf32>,
      tpu.vector_store %arg15[%swap3A_679], %scan3A_671#3 {strides = array<i32>} : memref<768xf32, #tpu.memory_space<vmem>>, vector<16xf32>,
      %swap3A_681 = arith.constant 576 : index
      %swap3A_682 = tpu.vector_load %arg15[%swap3A_681] {strides = array<i32>} : memref<768xf32, #tpu.memory_space<vmem>>, vector<16xf32>,
      tpu.vector_store %arg15[%swap3A_681], %scan3A_671#4 {strides = array<i32>} : memref<768xf32, #tpu.memory_space<vmem>>, vector<16xf32>,
      %swap3A_683 = arith.constant 592 : index
      %swap3A_684 = tpu.vector_load %arg15[%swap3A_683] {strides = array<i32>} : memref<768xf32, #tpu.memory_space<vmem>>, vector<16xf32>,
      tpu.vector_store %arg15[%swap3A_683], %scan3A_671#5 {strides = array<i32>} : memref<768xf32, #tpu.memory_space<vmem>>, vector<16xf32>,
      %swap3A_685 = arith.constant 608 : index
      %swap3A_686 = tpu.vector_load %arg15[%swap3A_685] {strides = array<i32>} : memref<768xf32, #tpu.memory_space<vmem>>, vector<16xf32>,
      tpu.vector_store %arg15[%swap3A_685], %scan3A_671#6 {strides = array<i32>} : memref<768xf32, #tpu.memory_space<vmem>>, vector<16xf32>,
      %swap3A_687 = arith.constant 624 : index
      %swap3A_688 = tpu.vector_load %arg15[%swap3A_687] {strides = array<i32>} : memref<768xf32, #tpu.memory_space<vmem>>, vector<16xf32>,
      tpu.vector_store %arg15[%swap3A_687], %scan3A_671#7 {strides = array<i32>} : memref<768xf32, #tpu.memory_space<vmem>>, vector<16xf32>,
      %swap3A_689 = arith.constant 640 : index
      %swap3A_690 = tpu.vector_load %arg15[%swap3A_689] {strides = array<i32>} : memref<768xf32, #tpu.memory_space<vmem>>, vector<16xf32>,
      tpu.vector_store %arg15[%swap3A_689], %scan3A_671#8 {strides = array<i32>} : memref<768xf32, #tpu.memory_space<vmem>>, vector<16xf32>,
      %swap3A_691 = arith.constant 656 : index
      %swap3A_692 = tpu.vector_load %arg15[%swap3A_691] {strides = array<i32>} : memref<768xf32, #tpu.memory_space<vmem>>, vector<16xf32>,
      tpu.vector_store %arg15[%swap3A_691], %scan3A_671#9 {strides = array<i32>} : memref<768xf32, #tpu.memory_space<vmem>>, vector<16xf32>,
      %swap3A_693 = arith.constant 672 : index
      %swap3A_694 = tpu.vector_load %arg15[%swap3A_693] {strides = array<i32>} : memref<768xf32, #tpu.memory_space<vmem>>, vector<16xf32>,
      tpu.vector_store %arg15[%swap3A_693], %scan3A_671#10 {strides = array<i32>} : memref<768xf32, #tpu.memory_space<vmem>>, vector<16xf32>,
      %swap3A_695 = arith.constant 688 : index
      %swap3A_696 = tpu.vector_load %arg15[%swap3A_695] {strides = array<i32>} : memref<768xf32, #tpu.memory_space<vmem>>, vector<16xf32>,
      tpu.vector_store %arg15[%swap3A_695], %scan3A_671#11 {strides = array<i32>} : memref<768xf32, #tpu.memory_space<vmem>>, vector<16xf32>,
      %swap3A_697 = arith.constant 704 : index
      %swap3A_698 = tpu.vector_load %arg15[%swap3A_697] {strides = array<i32>} : memref<768xf32, #tpu.memory_space<vmem>>, vector<16xf32>,
      tpu.vector_store %arg15[%swap3A_697], %scan3A_671#12 {strides = array<i32>} : memref<768xf32, #tpu.memory_space<vmem>>, vector<16xf32>,
      %swap3A_699 = arith.constant 720 : index
      %swap3A_700 = tpu.vector_load %arg15[%swap3A_699] {strides = array<i32>} : memref<768xf32, #tpu.memory_space<vmem>>, vector<16xf32>,
      tpu.vector_store %arg15[%swap3A_699], %scan3A_671#13 {strides = array<i32>} : memref<768xf32, #tpu.memory_space<vmem>>, vector<16xf32>,
      %swap3A_701 = arith.constant 736 : index
      %swap3A_702 = tpu.vector_load %arg15[%swap3A_701] {strides = array<i32>} : memref<768xf32, #tpu.memory_space<vmem>>, vector<16xf32>,
      tpu.vector_store %arg15[%swap3A_701], %scan3A_671#14 {strides = array<i32>} : memref<768xf32, #tpu.memory_space<vmem>>, vector<16xf32>,
      %swap3A_703 = arith.constant 752 : index
      %swap3A_704 = tpu.vector_load %arg15[%swap3A_703] {strides = array<i32>} : memref<768xf32, #tpu.memory_space<vmem>>, vector<16xf32>,
      tpu.vector_store %arg15[%swap3A_703], %scan3A_671#15 {strides = array<i32>} : memref<768xf32, #tpu.memory_space<vmem>>, vector<16xf32>,
      %get3A_705 = arith.constant 0 : index
      %get3A_706 = tpu.vector_load %arg14[%get3A_705] {strides = array<i32>} : memref<768xf32, #tpu.memory_space<vmem>>, vector<16xf32>,
      %add3A_707 = arith.addf %broadcast_in_dim3A_581, %get3A_706 : vector<16xf32>
      %get3A_708 = arith.constant 16 : index
      %get3A_709 = tpu.vector_load %arg14[%get3A_708] {strides = array<i32>} : memref<768xf32, #tpu.memory_space<vmem>>, vector<16xf32>,
      %add3A_710 = arith.addf %add3A_707, %get3A_709 : vector<16xf32>
      %get3A_711 = arith.constant 32 : index
      %get3A_712 = tpu.vector_load %arg14[%get3A_711] {strides = array<i32>} : memref<768xf32, #tpu.memory_space<vmem>>, vector<16xf32>,
      %add3A_713 = arith.addf %add3A_710, %get3A_712 : vector<16xf32>
      %get3A_714 = arith.constant 48 : index
      %get3A_715 = tpu.vector_load %arg14[%get3A_714] {strides = array<i32>} : memref<768xf32, #tpu.memory_space<vmem>>, vector<16xf32>,
      %add3A_716 = arith.addf %add3A_713, %get3A_715 : vector<16xf32>
      %get3A_717 = arith.constant 64 : index
      %get3A_718 = tpu.vector_load %arg14[%get3A_717] {strides = array<i32>} : memref<768xf32, #tpu.memory_space<vmem>>, vector<16xf32>,
      %add3A_719 = arith.addf %add3A_716, %get3A_718 : vector<16xf32>
      %get3A_720 = arith.constant 80 : index
      %get3A_721 = tpu.vector_load %arg14[%get3A_720] {strides = array<i32>} : memref<768xf32, #tpu.memory_space<vmem>>, vector<16xf32>,
      %add3A_722 = arith.addf %add3A_719, %get3A_721 : vector<16xf32>
      %get3A_723 = arith.constant 96 : index
      %get3A_724 = tpu.vector_load %arg14[%get3A_723] {strides = array<i32>} : memref<768xf32, #tpu.memory_space<vmem>>, vector<16xf32>,
      %add3A_725 = arith.addf %add3A_722, %get3A_724 : vector<16xf32>
      %get3A_726 = arith.constant 112 : index
      %get3A_727 = tpu.vector_load %arg14[%get3A_726] {strides = array<i32>} : memref<768xf32, #tpu.memory_space<vmem>>, vector<16xf32>,
      %add3A_728 = arith.addf %add3A_725, %get3A_727 : vector<16xf32>
      %get3A_729 = arith.constant 128 : index
      %get3A_730 = tpu.vector_load %arg14[%get3A_729] {strides = array<i32>} : memref<768xf32, #tpu.memory_space<vmem>>, vector<16xf32>,
      %add3A_731 = arith.addf %add3A_728, %get3A_730 : vector<16xf32>
      %get3A_732 = arith.constant 144 : index
      %get3A_733 = tpu.vector_load %arg14[%get3A_732] {strides = array<i32>} : memref<768xf32, #tpu.memory_space<vmem>>, vector<16xf32>,
      %add3A_734 = arith.addf %add3A_731, %get3A_733 : vector<16xf32>
      %get3A_735 = arith.constant 160 : index
      %get3A_736 = tpu.vector_load %arg14[%get3A_735] {strides = array<i32>} : memref<768xf32, #tpu.memory_space<vmem>>, vector<16xf32>,
      %add3A_737 = arith.addf %add3A_734, %get3A_736 : vector<16xf32>
      %get3A_738 = arith.constant 176 : index
      %get3A_739 = tpu.vector_load %arg14[%get3A_738] {strides = array<i32>} : memref<768xf32, #tpu.memory_space<vmem>>, vector<16xf32>,
      %add3A_740 = arith.addf %add3A_737, %get3A_739 : vector<16xf32>
      %get3A_741 = arith.constant 192 : index
      %get3A_742 = tpu.vector_load %arg14[%get3A_741] {strides = array<i32>} : memref<768xf32, #tpu.memory_space<vmem>>, vector<16xf32>,
      %add3A_743 = arith.addf %add3A_740, %get3A_742 : vector<16xf32>
      %get3A_744 = arith.constant 208 : index
      %get3A_745 = tpu.vector_load %arg14[%get3A_744] {strides = array<i32>} : memref<768xf32, #tpu.memory_space<vmem>>, vector<16xf32>,
      %add3A_746 = arith.addf %add3A_743, %get3A_745 : vector<16xf32>
      %get3A_747 = arith.constant 224 : index
      %get3A_748 = tpu.vector_load %arg14[%get3A_747] {strides = array<i32>} : memref<768xf32, #tpu.memory_space<vmem>>, vector<16xf32>,
      %add3A_749 = arith.addf %add3A_746, %get3A_748 : vector<16xf32>
      %get3A_750 = arith.constant 240 : index
      %get3A_751 = tpu.vector_load %arg14[%get3A_750] {strides = array<i32>} : memref<768xf32, #tpu.memory_space<vmem>>, vector<16xf32>,
      %add3A_752 = arith.addf %add3A_749, %get3A_751 : vector<16xf32>
      %get3A_753 = arith.constant 256 : index
      %get3A_754 = tpu.vector_load %arg14[%get3A_753] {strides = array<i32>} : memref<768xf32, #tpu.memory_space<vmem>>, vector<16xf32>,
      %add3A_755 = arith.addf %add3A_752, %get3A_754 : vector<16xf32>
      %get3A_756 = arith.constant 272 : index
      %get3A_757 = tpu.vector_load %arg14[%get3A_756] {strides = array<i32>} : memref<768xf32, #tpu.memory_space<vmem>>, vector<16xf32>,
      %add3A_758 = arith.addf %add3A_755, %get3A_757 : vector<16xf32>
      %get3A_759 = arith.constant 288 : index
      %get3A_760 = tpu.vector_load %arg14[%get3A_759] {strides = array<i32>} : memref<768xf32, #tpu.memory_space<vmem>>, vector<16xf32>,
      %add3A_761 = arith.addf %add3A_758, %get3A_760 : vector<16xf32>
      %get3A_762 = arith.constant 304 : index
      %get3A_763 = tpu.vector_load %arg14[%get3A_762] {strides = array<i32>} : memref<768xf32, #tpu.memory_space<vmem>>, vector<16xf32>,
      %add3A_764 = arith.addf %add3A_761, %get3A_763 : vector<16xf32>
      %get3A_765 = arith.constant 320 : index
      %get3A_766 = tpu.vector_load %arg14[%get3A_765] {strides = array<i32>} : memref<768xf32, #tpu.memory_space<vmem>>, vector<16xf32>,
      %add3A_767 = arith.addf %add3A_764, %get3A_766 : vector<16xf32>
      %get3A_768 = arith.constant 336 : index
      %get3A_769 = tpu.vector_load %arg14[%get3A_768] {strides = array<i32>} : memref<768xf32, #tpu.memory_space<vmem>>, vector<16xf32>,
      %add3A_770 = arith.addf %add3A_767, %get3A_769 : vector<16xf32>
      %get3A_771 = arith.constant 352 : index
      %get3A_772 = tpu.vector_load %arg14[%get3A_771] {strides = array<i32>} : memref<768xf32, #tpu.memory_space<vmem>>, vector<16xf32>,
      %add3A_773 = arith.addf %add3A_770, %get3A_772 : vector<16xf32>
      %get3A_774 = arith.constant 368 : index
      %get3A_775 = tpu.vector_load %arg14[%get3A_774] {strides = array<i32>} : memref<768xf32, #tpu.memory_space<vmem>>, vector<16xf32>,
      %add3A_776 = arith.addf %add3A_773, %get3A_775 : vector<16xf32>
      %get3A_777 = arith.constant 384 : index
      %get3A_778 = tpu.vector_load %arg14[%get3A_777] {strides = array<i32>} : memref<768xf32, #tpu.memory_space<vmem>>, vector<16xf32>,
      %add3A_779 = arith.addf %add3A_776, %get3A_778 : vector<16xf32>
      %get3A_780 = arith.constant 400 : index
      %get3A_781 = tpu.vector_load %arg14[%get3A_780] {strides = array<i32>} : memref<768xf32, #tpu.memory_space<vmem>>, vector<16xf32>,
      %add3A_782 = arith.addf %add3A_779, %get3A_781 : vector<16xf32>
      %get3A_783 = arith.constant 416 : index
      %get3A_784 = tpu.vector_load %arg14[%get3A_783] {strides = array<i32>} : memref<768xf32, #tpu.memory_space<vmem>>, vector<16xf32>,
      %add3A_785 = arith.addf %add3A_782, %get3A_784 : vector<16xf32>
      %get3A_786 = arith.constant 432 : index
      %get3A_787 = tpu.vector_load %arg14[%get3A_786] {strides = array<i32>} : memref<768xf32, #tpu.memory_space<vmem>>, vector<16xf32>,
      %add3A_788 = arith.addf %add3A_785, %get3A_787 : vector<16xf32>
      %get3A_789 = arith.constant 448 : index
      %get3A_790 = tpu.vector_load %arg14[%get3A_789] {strides = array<i32>} : memref<768xf32, #tpu.memory_space<vmem>>, vector<16xf32>,
      %add3A_791 = arith.addf %add3A_788, %get3A_790 : vector<16xf32>
      %get3A_792 = arith.constant 464 : index
      %get3A_793 = tpu.vector_load %arg14[%get3A_792] {strides = array<i32>} : memref<768xf32, #tpu.memory_space<vmem>>, vector<16xf32>,
      %add3A_794 = arith.addf %add3A_791, %get3A_793 : vector<16xf32>
      %get3A_795 = arith.constant 480 : index
      %get3A_796 = tpu.vector_load %arg14[%get3A_795] {strides = array<i32>} : memref<768xf32, #tpu.memory_space<vmem>>, vector<16xf32>,
      %add3A_797 = arith.addf %add3A_794, %get3A_796 : vector<16xf32>
      %get3A_798 = arith.constant 496 : index
      %get3A_799 = tpu.vector_load %arg14[%get3A_798] {strides = array<i32>} : memref<768xf32, #tpu.memory_space<vmem>>, vector<16xf32>,
      %add3A_800 = arith.addf %add3A_797, %get3A_799 : vector<16xf32>
      %get3A_801 = arith.constant 512 : index
      %get3A_802 = tpu.vector_load %arg14[%get3A_801] {strides = array<i32>} : memref<768xf32, #tpu.memory_space<vmem>>, vector<16xf32>,
      %add3A_803 = arith.addf %add3A_800, %get3A_802 : vector<16xf32>
      %get3A_804 = arith.constant 528 : index
      %get3A_805 = tpu.vector_load %arg14[%get3A_804] {strides = array<i32>} : memref<768xf32, #tpu.memory_space<vmem>>, vector<16xf32>,
      %add3A_806 = arith.addf %add3A_803, %get3A_805 : vector<16xf32>
      %get3A_807 = arith.constant 544 : index
      %get3A_808 = tpu.vector_load %arg14[%get3A_807] {strides = array<i32>} : memref<768xf32, #tpu.memory_space<vmem>>, vector<16xf32>,
      %add3A_809 = arith.addf %add3A_806, %get3A_808 : vector<16xf32>
      %get3A_810 = arith.constant 560 : index
      %get3A_811 = tpu.vector_load %arg14[%get3A_810] {strides = array<i32>} : memref<768xf32, #tpu.memory_space<vmem>>, vector<16xf32>,
      %add3A_812 = arith.addf %add3A_809, %get3A_811 : vector<16xf32>
      %get3A_813 = arith.constant 576 : index
      %get3A_814 = tpu.vector_load %arg14[%get3A_813] {strides = array<i32>} : memref<768xf32, #tpu.memory_space<vmem>>, vector<16xf32>,
      %add3A_815 = arith.addf %add3A_812, %get3A_814 : vector<16xf32>
      %get3A_816 = arith.constant 592 : index
      %get3A_817 = tpu.vector_load %arg14[%get3A_816] {strides = array<i32>} : memref<768xf32, #tpu.memory_space<vmem>>, vector<16xf32>,
      %add3A_818 = arith.addf %add3A_815, %get3A_817 : vector<16xf32>
      %get3A_819 = arith.constant 608 : index
      %get3A_820 = tpu.vector_load %arg14[%get3A_819] {strides = array<i32>} : memref<768xf32, #tpu.memory_space<vmem>>, vector<16xf32>,
      %add3A_821 = arith.addf %add3A_818, %get3A_820 : vector<16xf32>
      %get3A_822 = arith.constant 624 : index
      %get3A_823 = tpu.vector_load %arg14[%get3A_822] {strides = array<i32>} : memref<768xf32, #tpu.memory_space<vmem>>, vector<16xf32>,
      %add3A_824 = arith.addf %add3A_821, %get3A_823 : vector<16xf32>
      %get3A_825 = arith.constant 640 : index
      %get3A_826 = tpu.vector_load %arg14[%get3A_825] {strides = array<i32>} : memref<768xf32, #tpu.memory_space<vmem>>, vector<16xf32>,
      %add3A_827 = arith.addf %add3A_824, %get3A_826 : vector<16xf32>
      %get3A_828 = arith.constant 656 : index
      %get3A_829 = tpu.vector_load %arg14[%get3A_828] {strides = array<i32>} : memref<768xf32, #tpu.memory_space<vmem>>, vector<16xf32>,
      %add3A_830 = arith.addf %add3A_827, %get3A_829 : vector<16xf32>
      %get3A_831 = arith.constant 672 : index
      %get3A_832 = tpu.vector_load %arg14[%get3A_831] {strides = array<i32>} : memref<768xf32, #tpu.memory_space<vmem>>, vector<16xf32>,
      %add3A_833 = arith.addf %add3A_830, %get3A_832 : vector<16xf32>
      %get3A_834 = arith.constant 688 : index
      %get3A_835 = tpu.vector_load %arg14[%get3A_834] {strides = array<i32>} : memref<768xf32, #tpu.memory_space<vmem>>, vector<16xf32>,
      %add3A_836 = arith.addf %add3A_833, %get3A_835 : vector<16xf32>
      %get3A_837 = arith.constant 704 : index
      %get3A_838 = tpu.vector_load %arg14[%get3A_837] {strides = array<i32>} : memref<768xf32, #tpu.memory_space<vmem>>, vector<16xf32>,
      %add3A_839 = arith.addf %add3A_836, %get3A_838 : vector<16xf32>
      %get3A_840 = arith.constant 720 : index
      %get3A_841 = tpu.vector_load %arg14[%get3A_840] {strides = array<i32>} : memref<768xf32, #tpu.memory_space<vmem>>, vector<16xf32>,
      %add3A_842 = arith.addf %add3A_839, %get3A_841 : vector<16xf32>
      %get3A_843 = arith.constant 736 : index
      %get3A_844 = tpu.vector_load %arg14[%get3A_843] {strides = array<i32>} : memref<768xf32, #tpu.memory_space<vmem>>, vector<16xf32>,
      %add3A_845 = arith.addf %add3A_842, %get3A_844 : vector<16xf32>
      %get3A_846 = arith.constant 752 : index
      %get3A_847 = tpu.vector_load %arg14[%get3A_846] {strides = array<i32>} : memref<768xf32, #tpu.memory_space<vmem>>, vector<16xf32>,
      %add3A_848 = arith.addf %add3A_845, %get3A_847 : vector<16xf32>
      %reduce_sum3A = arith.constant true
      %reduce_sum3A_849 = vector.broadcast %reduce_sum3A : i1 to vector<16xi1>
      %reduce_sum3A_850 = tpu.scan <sum>, %add3A_848 masked %reduce_sum3A_849 : vector<16xf32>, vector<16xi1> -> vector<16xf32>
      %reduce_sum3A_851 = vector.extract %reduce_sum3A_850[15] : f32 from vector<16xf32>
      %mul3A_852 = arith.constant 0.00130208337 : f32
      %mul3A_853 = arith.mulf %reduce_sum3A_851, %mul3A_852 : f32
      %broadcast_in_dim3A_854 = vector.broadcast %mul3A_853 : f32 to vector<16xf32>
      %get3A_855 = arith.constant 0 : index
      %get3A_856 = tpu.vector_load %arg14[%get3A_855] {strides = array<i32>} : memref<768xf32, #tpu.memory_space<vmem>>, vector<16xf32>,
      %sub3A = arith.subf %get3A_856, %broadcast_in_dim3A_854 : vector<16xf32>
      %mul3A_857 = arith.mulf %sub3A, %sub3A : vector<16xf32>
      %add3A_858 = arith.addf %broadcast_in_dim3A_581, %mul3A_857 : vector<16xf32>
      %get3A_859 = arith.constant 16 : index
      %get3A_860 = tpu.vector_load %arg14[%get3A_859] {strides = array<i32>} : memref<768xf32, #tpu.memory_space<vmem>>, vector<16xf32>,
      %sub3A_861 = arith.subf %get3A_860, %broadcast_in_dim3A_854 : vector<16xf32>
      %mul3A_862 = arith.mulf %sub3A_861, %sub3A_861 : vector<16xf32>
      %add3A_863 = arith.addf %add3A_858, %mul3A_862 : vector<16xf32>
      %get3A_864 = arith.constant 32 : index
      %get3A_865 = tpu.vector_load %arg14[%get3A_864] {strides = array<i32>} : memref<768xf32, #tpu.memory_space<vmem>>, vector<16xf32>,
      %sub3A_866 = arith.subf %get3A_865, %broadcast_in_dim3A_854 : vector<16xf32>
      %mul3A_867 = arith.mulf %sub3A_866, %sub3A_866 : vector<16xf32>
      %add3A_868 = arith.addf %add3A_863, %mul3A_867 : vector<16xf32>
      %get3A_869 = arith.constant 48 : index
      %get3A_870 = tpu.vector_load %arg14[%get3A_869] {strides = array<i32>} : memref<768xf32, #tpu.memory_space<vmem>>, vector<16xf32>,
      %sub3A_871 = arith.subf %get3A_870, %broadcast_in_dim3A_854 : vector<16xf32>
      %mul3A_872 = arith.mulf %sub3A_871, %sub3A_871 : vector<16xf32>
      %add3A_873 = arith.addf %add3A_868, %mul3A_872 : vector<16xf32>
      %get3A_874 = arith.constant 64 : index
      %get3A_875 = tpu.vector_load %arg14[%get3A_874] {strides = array<i32>} : memref<768xf32, #tpu.memory_space<vmem>>, vector<16xf32>,
      %sub3A_876 = arith.subf %get3A_875, %broadcast_in_dim3A_854 : vector<16xf32>
      %mul3A_877 = arith.mulf %sub3A_876, %sub3A_876 : vector<16xf32>
      %add3A_878 = arith.addf %add3A_873, %mul3A_877 : vector<16xf32>
      %get3A_879 = arith.constant 80 : index
      %get3A_880 = tpu.vector_load %arg14[%get3A_879] {strides = array<i32>} : memref<768xf32, #tpu.memory_space<vmem>>, vector<16xf32>,
      %sub3A_881 = arith.subf %get3A_880, %broadcast_in_dim3A_854 : vector<16xf32>
      %mul3A_882 = arith.mulf %sub3A_881, %sub3A_881 : vector<16xf32>
      %add3A_883 = arith.addf %add3A_878, %mul3A_882 : vector<16xf32>
      %get3A_884 = arith.constant 96 : index
      %get3A_885 = tpu.vector_load %arg14[%get3A_884] {strides = array<i32>} : memref<768xf32, #tpu.memory_space<vmem>>, vector<16xf32>,
      %sub3A_886 = arith.subf %get3A_885, %broadcast_in_dim3A_854 : vector<16xf32>
      %mul3A_887 = arith.mulf %sub3A_886, %sub3A_886 : vector<16xf32>
      %add3A_888 = arith.addf %add3A_883, %mul3A_887 : vector<16xf32>
      %get3A_889 = arith.constant 112 : index
      %get3A_890 = tpu.vector_load %arg14[%get3A_889] {strides = array<i32>} : memref<768xf32, #tpu.memory_space<vmem>>, vector<16xf32>,
      %sub3A_891 = arith.subf %get3A_890, %broadcast_in_dim3A_854 : vector<16xf32>
      %mul3A_892 = arith.mulf %sub3A_891, %sub3A_891 : vector<16xf32>
      %add3A_893 = arith.addf %add3A_888, %mul3A_892 : vector<16xf32>
      %get3A_894 = arith.constant 128 : index
      %get3A_895 = tpu.vector_load %arg14[%get3A_894] {strides = array<i32>} : memref<768xf32, #tpu.memory_space<vmem>>, vector<16xf32>,
      %sub3A_896 = arith.subf %get3A_895, %broadcast_in_dim3A_854 : vector<16xf32>
      %mul3A_897 = arith.mulf %sub3A_896, %sub3A_896 : vector<16xf32>
      %add3A_898 = arith.addf %add3A_893, %mul3A_897 : vector<16xf32>
      %get3A_899 = arith.constant 144 : index
      %get3A_900 = tpu.vector_load %arg14[%get3A_899] {strides = array<i32>} : memref<768xf32, #tpu.memory_space<vmem>>, vector<16xf32>,
      %sub3A_901 = arith.subf %get3A_900, %broadcast_in_dim3A_854 : vector<16xf32>
      %mul3A_902 = arith.mulf %sub3A_901, %sub3A_901 : vector<16xf32>
      %add3A_903 = arith.addf %add3A_898, %mul3A_902 : vector<16xf32>
      %get3A_904 = arith.constant 160 : index
      %get3A_905 = tpu.vector_load %arg14[%get3A_904] {strides = array<i32>} : memref<768xf32, #tpu.memory_space<vmem>>, vector<16xf32>,
      %sub3A_906 = arith.subf %get3A_905, %broadcast_in_dim3A_854 : vector<16xf32>
      %mul3A_907 = arith.mulf %sub3A_906, %sub3A_906 : vector<16xf32>
      %add3A_908 = arith.addf %add3A_903, %mul3A_907 : vector<16xf32>
      %get3A_909 = arith.constant 176 : index
      %get3A_910 = tpu.vector_load %arg14[%get3A_909] {strides = array<i32>} : memref<768xf32, #tpu.memory_space<vmem>>, vector<16xf32>,
      %sub3A_911 = arith.subf %get3A_910, %broadcast_in_dim3A_854 : vector<16xf32>
      %mul3A_912 = arith.mulf %sub3A_911, %sub3A_911 : vector<16xf32>
      %add3A_913 = arith.addf %add3A_908, %mul3A_912 : vector<16xf32>
      %get3A_914 = arith.constant 192 : index
      %get3A_915 = tpu.vector_load %arg14[%get3A_914] {strides = array<i32>} : memref<768xf32, #tpu.memory_space<vmem>>, vector<16xf32>,
      %sub3A_916 = arith.subf %get3A_915, %broadcast_in_dim3A_854 : vector<16xf32>
      %mul3A_917 = arith.mulf %sub3A_916, %sub3A_916 : vector<16xf32>
      %add3A_918 = arith.addf %add3A_913, %mul3A_917 : vector<16xf32>
      %get3A_919 = arith.constant 208 : index
      %get3A_920 = tpu.vector_load %arg14[%get3A_919] {strides = array<i32>} : memref<768xf32, #tpu.memory_space<vmem>>, vector<16xf32>,
      %sub3A_921 = arith.subf %get3A_920, %broadcast_in_dim3A_854 : vector<16xf32>
      %mul3A_922 = arith.mulf %sub3A_921, %sub3A_921 : vector<16xf32>
      %add3A_923 = arith.addf %add3A_918, %mul3A_922 : vector<16xf32>
      %get3A_924 = arith.constant 224 : index
      %get3A_925 = tpu.vector_load %arg14[%get3A_924] {strides = array<i32>} : memref<768xf32, #tpu.memory_space<vmem>>, vector<16xf32>,
      %sub3A_926 = arith.subf %get3A_925, %broadcast_in_dim3A_854 : vector<16xf32>
      %mul3A_927 = arith.mulf %sub3A_926, %sub3A_926 : vector<16xf32>
      %add3A_928 = arith.addf %add3A_923, %mul3A_927 : vector<16xf32>
      %get3A_929 = arith.constant 240 : index
      %get3A_930 = tpu.vector_load %arg14[%get3A_929] {strides = array<i32>} : memref<768xf32, #tpu.memory_space<vmem>>, vector<16xf32>,
      %sub3A_931 = arith.subf %get3A_930, %broadcast_in_dim3A_854 : vector<16xf32>
      %mul3A_932 = arith.mulf %sub3A_931, %sub3A_931 : vector<16xf32>
      %add3A_933 = arith.addf %add3A_928, %mul3A_932 : vector<16xf32>
      %get3A_934 = arith.constant 256 : index
      %get3A_935 = tpu.vector_load %arg14[%get3A_934] {strides = array<i32>} : memref<768xf32, #tpu.memory_space<vmem>>, vector<16xf32>,
      %sub3A_936 = arith.subf %get3A_935, %broadcast_in_dim3A_854 : vector<16xf32>
      %mul3A_937 = arith.mulf %sub3A_936, %sub3A_936 : vector<16xf32>
      %add3A_938 = arith.addf %add3A_933, %mul3A_937 : vector<16xf32>
      %get3A_939 = arith.constant 272 : index
      %get3A_940 = tpu.vector_load %arg14[%get3A_939] {strides = array<i32>} : memref<768xf32, #tpu.memory_space<vmem>>, vector<16xf32>,
      %sub3A_941 = arith.subf %get3A_940, %broadcast_in_dim3A_854 : vector<16xf32>
      %mul3A_942 = arith.mulf %sub3A_941, %sub3A_941 : vector<16xf32>
      %add3A_943 = arith.addf %add3A_938, %mul3A_942 : vector<16xf32>
      %get3A_944 = arith.constant 288 : index
      %get3A_945 = tpu.vector_load %arg14[%get3A_944] {strides = array<i32>} : memref<768xf32, #tpu.memory_space<vmem>>, vector<16xf32>,
      %sub3A_946 = arith.subf %get3A_945, %broadcast_in_dim3A_854 : vector<16xf32>
      %mul3A_947 = arith.mulf %sub3A_946, %sub3A_946 : vector<16xf32>
      %add3A_948 = arith.addf %add3A_943, %mul3A_947 : vector<16xf32>
      %get3A_949 = arith.constant 304 : index
      %get3A_950 = tpu.vector_load %arg14[%get3A_949] {strides = array<i32>} : memref<768xf32, #tpu.memory_space<vmem>>, vector<16xf32>,
      %sub3A_951 = arith.subf %get3A_950, %broadcast_in_dim3A_854 : vector<16xf32>
      %mul3A_952 = arith.mulf %sub3A_951, %sub3A_951 : vector<16xf32>
      %add3A_953 = arith.addf %add3A_948, %mul3A_952 : vector<16xf32>
      %get3A_954 = arith.constant 320 : index
      %get3A_955 = tpu.vector_load %arg14[%get3A_954] {strides = array<i32>} : memref<768xf32, #tpu.memory_space<vmem>>, vector<16xf32>,
      %sub3A_956 = arith.subf %get3A_955, %broadcast_in_dim3A_854 : vector<16xf32>
      %mul3A_957 = arith.mulf %sub3A_956, %sub3A_956 : vector<16xf32>
      %add3A_958 = arith.addf %add3A_953, %mul3A_957 : vector<16xf32>
      %get3A_959 = arith.constant 336 : index
      %get3A_960 = tpu.vector_load %arg14[%get3A_959] {strides = array<i32>} : memref<768xf32, #tpu.memory_space<vmem>>, vector<16xf32>,
      %sub3A_961 = arith.subf %get3A_960, %broadcast_in_dim3A_854 : vector<16xf32>
      %mul3A_962 = arith.mulf %sub3A_961, %sub3A_961 : vector<16xf32>
      %add3A_963 = arith.addf %add3A_958, %mul3A_962 : vector<16xf32>
      %get3A_964 = arith.constant 352 : index
      %get3A_965 = tpu.vector_load %arg14[%get3A_964] {strides = array<i32>} : memref<768xf32, #tpu.memory_space<vmem>>, vector<16xf32>,
      %sub3A_966 = arith.subf %get3A_965, %broadcast_in_dim3A_854 : vector<16xf32>
      %mul3A_967 = arith.mulf %sub3A_966, %sub3A_966 : vector<16xf32>
      %add3A_968 = arith.addf %add3A_963, %mul3A_967 : vector<16xf32>
      %get3A_969 = arith.constant 368 : index
      %get3A_970 = tpu.vector_load %arg14[%get3A_969] {strides = array<i32>} : memref<768xf32, #tpu.memory_space<vmem>>, vector<16xf32>,
      %sub3A_971 = arith.subf %get3A_970, %broadcast_in_dim3A_854 : vector<16xf32>
      %mul3A_972 = arith.mulf %sub3A_971, %sub3A_971 : vector<16xf32>
      %add3A_973 = arith.addf %add3A_968, %mul3A_972 : vector<16xf32>
      %get3A_974 = arith.constant 384 : index
      %get3A_975 = tpu.vector_load %arg14[%get3A_974] {strides = array<i32>} : memref<768xf32, #tpu.memory_space<vmem>>, vector<16xf32>,
      %sub3A_976 = arith.subf %get3A_975, %broadcast_in_dim3A_854 : vector<16xf32>
      %mul3A_977 = arith.mulf %sub3A_976, %sub3A_976 : vector<16xf32>
      %add3A_978 = arith.addf %add3A_973, %mul3A_977 : vector<16xf32>
      %get3A_979 = arith.constant 400 : index
      %get3A_980 = tpu.vector_load %arg14[%get3A_979] {strides = array<i32>} : memref<768xf32, #tpu.memory_space<vmem>>, vector<16xf32>,
      %sub3A_981 = arith.subf %get3A_980, %broadcast_in_dim3A_854 : vector<16xf32>
      %mul3A_982 = arith.mulf %sub3A_981, %sub3A_981 : vector<16xf32>
      %add3A_983 = arith.addf %add3A_978, %mul3A_982 : vector<16xf32>
      %get3A_984 = arith.constant 416 : index
      %get3A_985 = tpu.vector_load %arg14[%get3A_984] {strides = array<i32>} : memref<768xf32, #tpu.memory_space<vmem>>, vector<16xf32>,
      %sub3A_986 = arith.subf %get3A_985, %broadcast_in_dim3A_854 : vector<16xf32>
      %mul3A_987 = arith.mulf %sub3A_986, %sub3A_986 : vector<16xf32>
      %add3A_988 = arith.addf %add3A_983, %mul3A_987 : vector<16xf32>
      %get3A_989 = arith.constant 432 : index
      %get3A_990 = tpu.vector_load %arg14[%get3A_989] {strides = array<i32>} : memref<768xf32, #tpu.memory_space<vmem>>, vector<16xf32>,
      %sub3A_991 = arith.subf %get3A_990, %broadcast_in_dim3A_854 : vector<16xf32>
      %mul3A_992 = arith.mulf %sub3A_991, %sub3A_991 : vector<16xf32>
      %add3A_993 = arith.addf %add3A_988, %mul3A_992 : vector<16xf32>
      %get3A_994 = arith.constant 448 : index
      %get3A_995 = tpu.vector_load %arg14[%get3A_994] {strides = array<i32>} : memref<768xf32, #tpu.memory_space<vmem>>, vector<16xf32>,
      %sub3A_996 = arith.subf %get3A_995, %broadcast_in_dim3A_854 : vector<16xf32>
      %mul3A_997 = arith.mulf %sub3A_996, %sub3A_996 : vector<16xf32>
      %add3A_998 = arith.addf %add3A_993, %mul3A_997 : vector<16xf32>
      %get3A_999 = arith.constant 464 : index
      %get3A_1000 = tpu.vector_load %arg14[%get3A_999] {strides = array<i32>} : memref<768xf32, #tpu.memory_space<vmem>>, vector<16xf32>,
      %sub3A_1001 = arith.subf %get3A_1000, %broadcast_in_dim3A_854 : vector<16xf32>
      %mul3A_1002 = arith.mulf %sub3A_1001, %sub3A_1001 : vector<16xf32>
      %add3A_1003 = arith.addf %add3A_998, %mul3A_1002 : vector<16xf32>
      %get3A_1004 = arith.constant 480 : index
      %get3A_1005 = tpu.vector_load %arg14[%get3A_1004] {strides = array<i32>} : memref<768xf32, #tpu.memory_space<vmem>>, vector<16xf32>,
      %sub3A_1006 = arith.subf %get3A_1005, %broadcast_in_dim3A_854 : vector<16xf32>
      %mul3A_1007 = arith.mulf %sub3A_1006, %sub3A_1006 : vector<16xf32>
      %add3A_1008 = arith.addf %add3A_1003, %mul3A_1007 : vector<16xf32>
      %get3A_1009 = arith.constant 496 : index
      %get3A_1010 = tpu.vector_load %arg14[%get3A_1009] {strides = array<i32>} : memref<768xf32, #tpu.memory_space<vmem>>, vector<16xf32>,
      %sub3A_1011 = arith.subf %get3A_1010, %broadcast_in_dim3A_854 : vector<16xf32>
      %mul3A_1012 = arith.mulf %sub3A_1011, %sub3A_1011 : vector<16xf32>
      %add3A_1013 = arith.addf %add3A_1008, %mul3A_1012 : vector<16xf32>
      %get3A_1014 = arith.constant 512 : index
      %get3A_1015 = tpu.vector_load %arg14[%get3A_1014] {strides = array<i32>} : memref<768xf32, #tpu.memory_space<vmem>>, vector<16xf32>,
      %sub3A_1016 = arith.subf %get3A_1015, %broadcast_in_dim3A_854 : vector<16xf32>
      %mul3A_1017 = arith.mulf %sub3A_1016, %sub3A_1016 : vector<16xf32>
      %add3A_1018 = arith.addf %add3A_1013, %mul3A_1017 : vector<16xf32>
      %get3A_1019 = arith.constant 528 : index
      %get3A_1020 = tpu.vector_load %arg14[%get3A_1019] {strides = array<i32>} : memref<768xf32, #tpu.memory_space<vmem>>, vector<16xf32>,
      %sub3A_1021 = arith.subf %get3A_1020, %broadcast_in_dim3A_854 : vector<16xf32>
      %mul3A_1022 = arith.mulf %sub3A_1021, %sub3A_1021 : vector<16xf32>
      %add3A_1023 = arith.addf %add3A_1018, %mul3A_1022 : vector<16xf32>
      %get3A_1024 = arith.constant 544 : index
      %get3A_1025 = tpu.vector_load %arg14[%get3A_1024] {strides = array<i32>} : memref<768xf32, #tpu.memory_space<vmem>>, vector<16xf32>,
      %sub3A_1026 = arith.subf %get3A_1025, %broadcast_in_dim3A_854 : vector<16xf32>
      %mul3A_1027 = arith.mulf %sub3A_1026, %sub3A_1026 : vector<16xf32>
      %add3A_1028 = arith.addf %add3A_1023, %mul3A_1027 : vector<16xf32>
      %get3A_1029 = arith.constant 560 : index
      %get3A_1030 = tpu.vector_load %arg14[%get3A_1029] {strides = array<i32>} : memref<768xf32, #tpu.memory_space<vmem>>, vector<16xf32>,
      %sub3A_1031 = arith.subf %get3A_1030, %broadcast_in_dim3A_854 : vector<16xf32>
      %mul3A_1032 = arith.mulf %sub3A_1031, %sub3A_1031 : vector<16xf32>
      %add3A_1033 = arith.addf %add3A_1028, %mul3A_1032 : vector<16xf32>
      %get3A_1034 = arith.constant 576 : index
      %get3A_1035 = tpu.vector_load %arg14[%get3A_1034] {strides = array<i32>} : memref<768xf32, #tpu.memory_space<vmem>>, vector<16xf32>,
      %sub3A_1036 = arith.subf %get3A_1035, %broadcast_in_dim3A_854 : vector<16xf32>
      %mul3A_1037 = arith.mulf %sub3A_1036, %sub3A_1036 : vector<16xf32>
      %add3A_1038 = arith.addf %add3A_1033, %mul3A_1037 : vector<16xf32>
      %get3A_1039 = arith.constant 592 : index
      %get3A_1040 = tpu.vector_load %arg14[%get3A_1039] {strides = array<i32>} : memref<768xf32, #tpu.memory_space<vmem>>, vector<16xf32>,
      %sub3A_1041 = arith.subf %get3A_1040, %broadcast_in_dim3A_854 : vector<16xf32>
      %mul3A_1042 = arith.mulf %sub3A_1041, %sub3A_1041 : vector<16xf32>
      %add3A_1043 = arith.addf %add3A_1038, %mul3A_1042 : vector<16xf32>
      %get3A_1044 = arith.constant 608 : index
      %get3A_1045 = tpu.vector_load %arg14[%get3A_1044] {strides = array<i32>} : memref<768xf32, #tpu.memory_space<vmem>>, vector<16xf32>,
      %sub3A_1046 = arith.subf %get3A_1045, %broadcast_in_dim3A_854 : vector<16xf32>
      %mul3A_1047 = arith.mulf %sub3A_1046, %sub3A_1046 : vector<16xf32>
      %add3A_1048 = arith.addf %add3A_1043, %mul3A_1047 : vector<16xf32>
      %get3A_1049 = arith.constant 624 : index
      %get3A_1050 = tpu.vector_load %arg14[%get3A_1049] {strides = array<i32>} : memref<768xf32, #tpu.memory_space<vmem>>, vector<16xf32>,
      %sub3A_1051 = arith.subf %get3A_1050, %broadcast_in_dim3A_854 : vector<16xf32>
      %mul3A_1052 = arith.mulf %sub3A_1051, %sub3A_1051 : vector<16xf32>
      %add3A_1053 = arith.addf %add3A_1048, %mul3A_1052 : vector<16xf32>
      %get3A_1054 = arith.constant 640 : index
      %get3A_1055 = tpu.vector_load %arg14[%get3A_1054] {strides = array<i32>} : memref<768xf32, #tpu.memory_space<vmem>>, vector<16xf32>,
      %sub3A_1056 = arith.subf %get3A_1055, %broadcast_in_dim3A_854 : vector<16xf32>
      %mul3A_1057 = arith.mulf %sub3A_1056, %sub3A_1056 : vector<16xf32>
      %add3A_1058 = arith.addf %add3A_1053, %mul3A_1057 : vector<16xf32>
      %get3A_1059 = arith.constant 656 : index
      %get3A_1060 = tpu.vector_load %arg14[%get3A_1059] {strides = array<i32>} : memref<768xf32, #tpu.memory_space<vmem>>, vector<16xf32>,
      %sub3A_1061 = arith.subf %get3A_1060, %broadcast_in_dim3A_854 : vector<16xf32>
      %mul3A_1062 = arith.mulf %sub3A_1061, %sub3A_1061 : vector<16xf32>
      %add3A_1063 = arith.addf %add3A_1058, %mul3A_1062 : vector<16xf32>
      %get3A_1064 = arith.constant 672 : index
      %get3A_1065 = tpu.vector_load %arg14[%get3A_1064] {strides = array<i32>} : memref<768xf32, #tpu.memory_space<vmem>>, vector<16xf32>,
      %sub3A_1066 = arith.subf %get3A_1065, %broadcast_in_dim3A_854 : vector<16xf32>
      %mul3A_1067 = arith.mulf %sub3A_1066, %sub3A_1066 : vector<16xf32>
      %add3A_1068 = arith.addf %add3A_1063, %mul3A_1067 : vector<16xf32>
      %get3A_1069 = arith.constant 688 : index
      %get3A_1070 = tpu.vector_load %arg14[%get3A_1069] {strides = array<i32>} : memref<768xf32, #tpu.memory_space<vmem>>, vector<16xf32>,
      %sub3A_1071 = arith.subf %get3A_1070, %broadcast_in_dim3A_854 : vector<16xf32>
      %mul3A_1072 = arith.mulf %sub3A_1071, %sub3A_1071 : vector<16xf32>
      %add3A_1073 = arith.addf %add3A_1068, %mul3A_1072 : vector<16xf32>
      %get3A_1074 = arith.constant 704 : index
      %get3A_1075 = tpu.vector_load %arg14[%get3A_1074] {strides = array<i32>} : memref<768xf32, #tpu.memory_space<vmem>>, vector<16xf32>,
      %sub3A_1076 = arith.subf %get3A_1075, %broadcast_in_dim3A_854 : vector<16xf32>
      %mul3A_1077 = arith.mulf %sub3A_1076, %sub3A_1076 : vector<16xf32>
      %add3A_1078 = arith.addf %add3A_1073, %mul3A_1077 : vector<16xf32>
      %get3A_1079 = arith.constant 720 : index
      %get3A_1080 = tpu.vector_load %arg14[%get3A_1079] {strides = array<i32>} : memref<768xf32, #tpu.memory_space<vmem>>, vector<16xf32>,
      %sub3A_1081 = arith.subf %get3A_1080, %broadcast_in_dim3A_854 : vector<16xf32>
      %mul3A_1082 = arith.mulf %sub3A_1081, %sub3A_1081 : vector<16xf32>
      %add3A_1083 = arith.addf %add3A_1078, %mul3A_1082 : vector<16xf32>
      %get3A_1084 = arith.constant 736 : index
      %get3A_1085 = tpu.vector_load %arg14[%get3A_1084] {strides = array<i32>} : memref<768xf32, #tpu.memory_space<vmem>>, vector<16xf32>,
      %sub3A_1086 = arith.subf %get3A_1085, %broadcast_in_dim3A_854 : vector<16xf32>
      %mul3A_1087 = arith.mulf %sub3A_1086, %sub3A_1086 : vector<16xf32>
      %add3A_1088 = arith.addf %add3A_1083, %mul3A_1087 : vector<16xf32>
      %get3A_1089 = arith.constant 752 : index
      %get3A_1090 = tpu.vector_load %arg14[%get3A_1089] {strides = array<i32>} : memref<768xf32, #tpu.memory_space<vmem>>, vector<16xf32>,
      %sub3A_1091 = arith.subf %get3A_1090, %broadcast_in_dim3A_854 : vector<16xf32>
      %mul3A_1092 = arith.mulf %sub3A_1091, %sub3A_1091 : vector<16xf32>
      %add3A_1093 = arith.addf %add3A_1088, %mul3A_1092 : vector<16xf32>
      %reduce_sum3A_1094 = arith.constant true
      %reduce_sum3A_1095 = vector.broadcast %reduce_sum3A_1094 : i1 to vector<16xi1>
      %reduce_sum3A_1096 = tpu.scan <sum>, %add3A_1093 masked %reduce_sum3A_1095 : vector<16xf32>, vector<16xi1> -> vector<16xf32>
      %reduce_sum3A_1097 = vector.extract %reduce_sum3A_1096[15] : f32 from vector<16xf32>
      %mul3A_1098 = arith.constant 0.00130208337 : f32
      %mul3A_1099 = arith.mulf %reduce_sum3A_1097, %mul3A_1098 : f32
      %add3A_1100 = arith.constant 9.99999974E-6 : f32
      %add3A_1101 = arith.addf %mul3A_1099, %add3A_1100 : f32
      %broadcast_in_dim3A_1102 = vector.broadcast %add3A_1101 : f32 to vector<16xf32>
      %bitcast3A = vector.bitcast %broadcast_in_dim3A_1102 : vector<16xf32> to vector<16xi32>
      %shift_right_arithmetic3A = arith.constant 1 : i32
      %shift_right_arithmetic3A_1103 = vector.broadcast %shift_right_arithmetic3A : i32 to vector<16xi32>
      %shift_right_arithmetic3A_1104 = arith.shrsi %bitcast3A, %shift_right_arithmetic3A_1103 : vector<16xi32>
      %sub3A_1105 = arith.constant 1597463007 : i32
      %sub3A_1106 = vector.broadcast %sub3A_1105 : i32 to vector<16xi32>
      %sub3A_1107 = arith.subi %sub3A_1106, %shift_right_arithmetic3A_1104 : vector<16xi32>
      %bitcast3A_1108 = vector.bitcast %sub3A_1107 : vector<16xi32> to vector<16xf32>
      %broadcast_in_dim3A_1109 = arith.constant 5.000000e-01 : f32
      %broadcast_in_dim3A_1110 = vector.broadcast %broadcast_in_dim3A_1109 : f32 to vector<16xf32>
      %mul3A_1111 = arith.mulf %broadcast_in_dim3A_1110, %broadcast_in_dim3A_1102 : vector<16xf32>
      %broadcast_in_dim3A_1112 = arith.constant 1.500000e+00 : f32
      %broadcast_in_dim3A_1113 = vector.broadcast %broadcast_in_dim3A_1112 : f32 to vector<16xf32>
      %mul3A_1114 = arith.mulf %mul3A_1111, %bitcast3A_1108 : vector<16xf32>
      %mul3A_1115 = arith.mulf %mul3A_1114, %bitcast3A_1108 : vector<16xf32>
      %sub3A_1116 = arith.subf %broadcast_in_dim3A_1113, %mul3A_1115 : vector<16xf32>
      %mul3A_1117 = arith.mulf %bitcast3A_1108, %sub3A_1116 : vector<16xf32>
      %broadcast_in_dim3A_1118 = arith.constant 1.500000e+00 : f32
      %broadcast_in_dim3A_1119 = vector.broadcast %broadcast_in_dim3A_1118 : f32 to vector<16xf32>
      %mul3A_1120 = arith.mulf %mul3A_1111, %mul3A_1117 : vector<16xf32>
      %mul3A_1121 = arith.mulf %mul3A_1120, %mul3A_1117 : vector<16xf32>
      %sub3A_1122 = arith.subf %broadcast_in_dim3A_1119, %mul3A_1121 : vector<16xf32>
      %mul3A_1123 = arith.mulf %mul3A_1117, %sub3A_1122 : vector<16xf32>
      %broadcast_in_dim3A_1124 = arith.constant 1.500000e+00 : f32
      %broadcast_in_dim3A_1125 = vector.broadcast %broadcast_in_dim3A_1124 : f32 to vector<16xf32>
      %mul3A_1126 = arith.mulf %mul3A_1111, %mul3A_1123 : vector<16xf32>
      %mul3A_1127 = arith.mulf %mul3A_1126, %mul3A_1123 : vector<16xf32>
      %sub3A_1128 = arith.subf %broadcast_in_dim3A_1125, %mul3A_1127 : vector<16xf32>
      %mul3A_1129 = arith.mulf %mul3A_1123, %sub3A_1128 : vector<16xf32>
      %mul3A_1130 = arith.mulf %broadcast_in_dim3A_1102, %mul3A_1129 : vector<16xf32>
      %get3A_1131 = arith.constant 0 : index
      %get3A_1132 = tpu.vector_load %arg15[%get3A_1131] {strides = array<i32>} : memref<768xf32, #tpu.memory_space<vmem>>, vector<16xf32>,
      %get3A_1133 = arith.constant 0 : index
      %get3A_1134 = tpu.vector_load %arg16[%get3A_1133] {strides = array<i32>} : memref<768xf32, #tpu.memory_space<vmem>>, vector<16xf32>,
      %add3A_1135 = arith.addf %get3A_1132, %get3A_1134 : vector<16xf32>
      %mul3A_1136 = arith.mulf %add3A_1135, %mul3A_1130 : vector<16xf32>
      %add3A_1137 = arith.addf %mul3A_1136, %broadcast_in_dim3A_854 : vector<16xf32>
      %swap3A_1138 = arith.constant 0 : index
      %swap3A_1139 = tpu.vector_load %arg15[%swap3A_1138] {strides = array<i32>} : memref<768xf32, #tpu.memory_space<vmem>>, vector<16xf32>,
      tpu.vector_store %arg15[%swap3A_1138], %add3A_1137 {strides = array<i32>} : memref<768xf32, #tpu.memory_space<vmem>>, vector<16xf32>,
      %get3A_1140 = arith.constant 16 : index
      %get3A_1141 = tpu.vector_load %arg15[%get3A_1140] {strides = array<i32>} : memref<768xf32, #tpu.memory_space<vmem>>, vector<16xf32>,
      %get3A_1142 = arith.constant 16 : index
      %get3A_1143 = tpu.vector_load %arg16[%get3A_1142] {strides = array<i32>} : memref<768xf32, #tpu.memory_space<vmem>>, vector<16xf32>,
      %add3A_1144 = arith.addf %get3A_1141, %get3A_1143 : vector<16xf32>
      %mul3A_1145 = arith.mulf %add3A_1144, %mul3A_1130 : vector<16xf32>
      %add3A_1146 = arith.addf %mul3A_1145, %broadcast_in_dim3A_854 : vector<16xf32>
      %swap3A_1147 = arith.constant 16 : index
      %swap3A_1148 = tpu.vector_load %arg15[%swap3A_1147] {strides = array<i32>} : memref<768xf32, #tpu.memory_space<vmem>>, vector<16xf32>,
      tpu.vector_store %arg15[%swap3A_1147], %add3A_1146 {strides = array<i32>} : memref<768xf32, #tpu.memory_space<vmem>>, vector<16xf32>,
      %get3A_1149 = arith.constant 32 : index
      %get3A_1150 = tpu.vector_load %arg15[%get3A_1149] {strides = array<i32>} : memref<768xf32, #tpu.memory_space<vmem>>, vector<16xf32>,
      %get3A_1151 = arith.constant 32 : index
      %get3A_1152 = tpu.vector_load %arg16[%get3A_1151] {strides = array<i32>} : memref<768xf32, #tpu.memory_space<vmem>>, vector<16xf32>,
      %add3A_1153 = arith.addf %get3A_1150, %get3A_1152 : vector<16xf32>
      %mul3A_1154 = arith.mulf %add3A_1153, %mul3A_1130 : vector<16xf32>
      %add3A_1155 = arith.addf %mul3A_1154, %broadcast_in_dim3A_854 : vector<16xf32>
      %swap3A_1156 = arith.constant 32 : index
      %swap3A_1157 = tpu.vector_load %arg15[%swap3A_1156] {strides = array<i32>} : memref<768xf32, #tpu.memory_space<vmem>>, vector<16xf32>,
      tpu.vector_store %arg15[%swap3A_1156], %add3A_1155 {strides = array<i32>} : memref<768xf32, #tpu.memory_space<vmem>>, vector<16xf32>,
      %get3A_1158 = arith.constant 48 : index
      %get3A_1159 = tpu.vector_load %arg15[%get3A_1158] {strides = array<i32>} : memref<768xf32, #tpu.memory_space<vmem>>, vector<16xf32>,
      %get3A_1160 = arith.constant 48 : index
      %get3A_1161 = tpu.vector_load %arg16[%get3A_1160] {strides = array<i32>} : memref<768xf32, #tpu.memory_space<vmem>>, vector<16xf32>,
      %add3A_1162 = arith.addf %get3A_1159, %get3A_1161 : vector<16xf32>
      %mul3A_1163 = arith.mulf %add3A_1162, %mul3A_1130 : vector<16xf32>
      %add3A_1164 = arith.addf %mul3A_1163, %broadcast_in_dim3A_854 : vector<16xf32>
      %swap3A_1165 = arith.constant 48 : index
      %swap3A_1166 = tpu.vector_load %arg15[%swap3A_1165] {strides = array<i32>} : memref<768xf32, #tpu.memory_space<vmem>>, vector<16xf32>,
      tpu.vector_store %arg15[%swap3A_1165], %add3A_1164 {strides = array<i32>} : memref<768xf32, #tpu.memory_space<vmem>>, vector<16xf32>,
      %get3A_1167 = arith.constant 64 : index
      %get3A_1168 = tpu.vector_load %arg15[%get3A_1167] {strides = array<i32>} : memref<768xf32, #tpu.memory_space<vmem>>, vector<16xf32>,
      %get3A_1169 = arith.constant 64 : index
      %get3A_1170 = tpu.vector_load %arg16[%get3A_1169] {strides = array<i32>} : memref<768xf32, #tpu.memory_space<vmem>>, vector<16xf32>,
      %add3A_1171 = arith.addf %get3A_1168, %get3A_1170 : vector<16xf32>
      %mul3A_1172 = arith.mulf %add3A_1171, %mul3A_1130 : vector<16xf32>
      %add3A_1173 = arith.addf %mul3A_1172, %broadcast_in_dim3A_854 : vector<16xf32>
      %swap3A_1174 = arith.constant 64 : index
      %swap3A_1175 = tpu.vector_load %arg15[%swap3A_1174] {strides = array<i32>} : memref<768xf32, #tpu.memory_space<vmem>>, vector<16xf32>,
      tpu.vector_store %arg15[%swap3A_1174], %add3A_1173 {strides = array<i32>} : memref<768xf32, #tpu.memory_space<vmem>>, vector<16xf32>,
      %get3A_1176 = arith.constant 80 : index
      %get3A_1177 = tpu.vector_load %arg15[%get3A_1176] {strides = array<i32>} : memref<768xf32, #tpu.memory_space<vmem>>, vector<16xf32>,
      %get3A_1178 = arith.constant 80 : index
      %get3A_1179 = tpu.vector_load %arg16[%get3A_1178] {strides = array<i32>} : memref<768xf32, #tpu.memory_space<vmem>>, vector<16xf32>,
      %add3A_1180 = arith.addf %get3A_1177, %get3A_1179 : vector<16xf32>
      %mul3A_1181 = arith.mulf %add3A_1180, %mul3A_1130 : vector<16xf32>
      %add3A_1182 = arith.addf %mul3A_1181, %broadcast_in_dim3A_854 : vector<16xf32>
      %swap3A_1183 = arith.constant 80 : index
      %swap3A_1184 = tpu.vector_load %arg15[%swap3A_1183] {strides = array<i32>} : memref<768xf32, #tpu.memory_space<vmem>>, vector<16xf32>,
      tpu.vector_store %arg15[%swap3A_1183], %add3A_1182 {strides = array<i32>} : memref<768xf32, #tpu.memory_space<vmem>>, vector<16xf32>,
      %get3A_1185 = arith.constant 96 : index
      %get3A_1186 = tpu.vector_load %arg15[%get3A_1185] {strides = array<i32>} : memref<768xf32, #tpu.memory_space<vmem>>, vector<16xf32>,
      %get3A_1187 = arith.constant 96 : index
      %get3A_1188 = tpu.vector_load %arg16[%get3A_1187] {strides = array<i32>} : memref<768xf32, #tpu.memory_space<vmem>>, vector<16xf32>,
      %add3A_1189 = arith.addf %get3A_1186, %get3A_1188 : vector<16xf32>
      %mul3A_1190 = arith.mulf %add3A_1189, %mul3A_1130 : vector<16xf32>
      %add3A_1191 = arith.addf %mul3A_1190, %broadcast_in_dim3A_854 : vector<16xf32>
      %swap3A_1192 = arith.constant 96 : index
      %swap3A_1193 = tpu.vector_load %arg15[%swap3A_1192] {strides = array<i32>} : memref<768xf32, #tpu.memory_space<vmem>>, vector<16xf32>,
      tpu.vector_store %arg15[%swap3A_1192], %add3A_1191 {strides = array<i32>} : memref<768xf32, #tpu.memory_space<vmem>>, vector<16xf32>,
      %get3A_1194 = arith.constant 112 : index
      %get3A_1195 = tpu.vector_load %arg15[%get3A_1194] {strides = array<i32>} : memref<768xf32, #tpu.memory_space<vmem>>, vector<16xf32>,
      %get3A_1196 = arith.constant 112 : index
      %get3A_1197 = tpu.vector_load %arg16[%get3A_1196] {strides = array<i32>} : memref<768xf32, #tpu.memory_space<vmem>>, vector<16xf32>,
      %add3A_1198 = arith.addf %get3A_1195, %get3A_1197 : vector<16xf32>
      %mul3A_1199 = arith.mulf %add3A_1198, %mul3A_1130 : vector<16xf32>
      %add3A_1200 = arith.addf %mul3A_1199, %broadcast_in_dim3A_854 : vector<16xf32>
      %swap3A_1201 = arith.constant 112 : index
      %swap3A_1202 = tpu.vector_load %arg15[%swap3A_1201] {strides = array<i32>} : memref<768xf32, #tpu.memory_space<vmem>>, vector<16xf32>,
      tpu.vector_store %arg15[%swap3A_1201], %add3A_1200 {strides = array<i32>} : memref<768xf32, #tpu.memory_space<vmem>>, vector<16xf32>,
      %get3A_1203 = arith.constant 128 : index
      %get3A_1204 = tpu.vector_load %arg15[%get3A_1203] {strides = array<i32>} : memref<768xf32, #tpu.memory_space<vmem>>, vector<16xf32>,
      %get3A_1205 = arith.constant 128 : index
      %get3A_1206 = tpu.vector_load %arg16[%get3A_1205] {strides = array<i32>} : memref<768xf32, #tpu.memory_space<vmem>>, vector<16xf32>,
      %add3A_1207 = arith.addf %get3A_1204, %get3A_1206 : vector<16xf32>
      %mul3A_1208 = arith.mulf %add3A_1207, %mul3A_1130 : vector<16xf32>
      %add3A_1209 = arith.addf %mul3A_1208, %broadcast_in_dim3A_854 : vector<16xf32>
      %swap3A_1210 = arith.constant 128 : index
      %swap3A_1211 = tpu.vector_load %arg15[%swap3A_1210] {strides = array<i32>} : memref<768xf32, #tpu.memory_space<vmem>>, vector<16xf32>,
      tpu.vector_store %arg15[%swap3A_1210], %add3A_1209 {strides = array<i32>} : memref<768xf32, #tpu.memory_space<vmem>>, vector<16xf32>,
      %get3A_1212 = arith.constant 144 : index
      %get3A_1213 = tpu.vector_load %arg15[%get3A_1212] {strides = array<i32>} : memref<768xf32, #tpu.memory_space<vmem>>, vector<16xf32>,
      %get3A_1214 = arith.constant 144 : index
      %get3A_1215 = tpu.vector_load %arg16[%get3A_1214] {strides = array<i32>} : memref<768xf32, #tpu.memory_space<vmem>>, vector<16xf32>,
      %add3A_1216 = arith.addf %get3A_1213, %get3A_1215 : vector<16xf32>
      %mul3A_1217 = arith.mulf %add3A_1216, %mul3A_1130 : vector<16xf32>
      %add3A_1218 = arith.addf %mul3A_1217, %broadcast_in_dim3A_854 : vector<16xf32>
      %swap3A_1219 = arith.constant 144 : index
      %swap3A_1220 = tpu.vector_load %arg15[%swap3A_1219] {strides = array<i32>} : memref<768xf32, #tpu.memory_space<vmem>>, vector<16xf32>,
      tpu.vector_store %arg15[%swap3A_1219], %add3A_1218 {strides = array<i32>} : memref<768xf32, #tpu.memory_space<vmem>>, vector<16xf32>,
      %get3A_1221 = arith.constant 160 : index
      %get3A_1222 = tpu.vector_load %arg15[%get3A_1221] {strides = array<i32>} : memref<768xf32, #tpu.memory_space<vmem>>, vector<16xf32>,
      %get3A_1223 = arith.constant 160 : index
      %get3A_1224 = tpu.vector_load %arg16[%get3A_1223] {strides = array<i32>} : memref<768xf32, #tpu.memory_space<vmem>>, vector<16xf32>,
      %add3A_1225 = arith.addf %get3A_1222, %get3A_1224 : vector<16xf32>
      %mul3A_1226 = arith.mulf %add3A_1225, %mul3A_1130 : vector<16xf32>
      %add3A_1227 = arith.addf %mul3A_1226, %broadcast_in_dim3A_854 : vector<16xf32>
      %swap3A_1228 = arith.constant 160 : index
      %swap3A_1229 = tpu.vector_load %arg15[%swap3A_1228] {strides = array<i32>} : memref<768xf32, #tpu.memory_space<vmem>>, vector<16xf32>,
      tpu.vector_store %arg15[%swap3A_1228], %add3A_1227 {strides = array<i32>} : memref<768xf32, #tpu.memory_space<vmem>>, vector<16xf32>,
      %get3A_1230 = arith.constant 176 : index
      %get3A_1231 = tpu.vector_load %arg15[%get3A_1230] {strides = array<i32>} : memref<768xf32, #tpu.memory_space<vmem>>, vector<16xf32>,
      %get3A_1232 = arith.constant 176 : index
      %get3A_1233 = tpu.vector_load %arg16[%get3A_1232] {strides = array<i32>} : memref<768xf32, #tpu.memory_space<vmem>>, vector<16xf32>,
      %add3A_1234 = arith.addf %get3A_1231, %get3A_1233 : vector<16xf32>
      %mul3A_1235 = arith.mulf %add3A_1234, %mul3A_1130 : vector<16xf32>
      %add3A_1236 = arith.addf %mul3A_1235, %broadcast_in_dim3A_854 : vector<16xf32>
      %swap3A_1237 = arith.constant 176 : index
      %swap3A_1238 = tpu.vector_load %arg15[%swap3A_1237] {strides = array<i32>} : memref<768xf32, #tpu.memory_space<vmem>>, vector<16xf32>,
      tpu.vector_store %arg15[%swap3A_1237], %add3A_1236 {strides = array<i32>} : memref<768xf32, #tpu.memory_space<vmem>>, vector<16xf32>,
      %get3A_1239 = arith.constant 192 : index
      %get3A_1240 = tpu.vector_load %arg15[%get3A_1239] {strides = array<i32>} : memref<768xf32, #tpu.memory_space<vmem>>, vector<16xf32>,
      %get3A_1241 = arith.constant 192 : index
      %get3A_1242 = tpu.vector_load %arg16[%get3A_1241] {strides = array<i32>} : memref<768xf32, #tpu.memory_space<vmem>>, vector<16xf32>,
      %add3A_1243 = arith.addf %get3A_1240, %get3A_1242 : vector<16xf32>
      %mul3A_1244 = arith.mulf %add3A_1243, %mul3A_1130 : vector<16xf32>
      %add3A_1245 = arith.addf %mul3A_1244, %broadcast_in_dim3A_854 : vector<16xf32>
      %swap3A_1246 = arith.constant 192 : index
      %swap3A_1247 = tpu.vector_load %arg15[%swap3A_1246] {strides = array<i32>} : memref<768xf32, #tpu.memory_space<vmem>>, vector<16xf32>,
      tpu.vector_store %arg15[%swap3A_1246], %add3A_1245 {strides = array<i32>} : memref<768xf32, #tpu.memory_space<vmem>>, vector<16xf32>,
      %get3A_1248 = arith.constant 208 : index
      %get3A_1249 = tpu.vector_load %arg15[%get3A_1248] {strides = array<i32>} : memref<768xf32, #tpu.memory_space<vmem>>, vector<16xf32>,
      %get3A_1250 = arith.constant 208 : index
      %get3A_1251 = tpu.vector_load %arg16[%get3A_1250] {strides = array<i32>} : memref<768xf32, #tpu.memory_space<vmem>>, vector<16xf32>,
      %add3A_1252 = arith.addf %get3A_1249, %get3A_1251 : vector<16xf32>
      %mul3A_1253 = arith.mulf %add3A_1252, %mul3A_1130 : vector<16xf32>
      %add3A_1254 = arith.addf %mul3A_1253, %broadcast_in_dim3A_854 : vector<16xf32>
      %swap3A_1255 = arith.constant 208 : index
      %swap3A_1256 = tpu.vector_load %arg15[%swap3A_1255] {strides = array<i32>} : memref<768xf32, #tpu.memory_space<vmem>>, vector<16xf32>,
      tpu.vector_store %arg15[%swap3A_1255], %add3A_1254 {strides = array<i32>} : memref<768xf32, #tpu.memory_space<vmem>>, vector<16xf32>,
      %get3A_1257 = arith.constant 224 : index
      %get3A_1258 = tpu.vector_load %arg15[%get3A_1257] {strides = array<i32>} : memref<768xf32, #tpu.memory_space<vmem>>, vector<16xf32>,
      %get3A_1259 = arith.constant 224 : index
      %get3A_1260 = tpu.vector_load %arg16[%get3A_1259] {strides = array<i32>} : memref<768xf32, #tpu.memory_space<vmem>>, vector<16xf32>,
      %add3A_1261 = arith.addf %get3A_1258, %get3A_1260 : vector<16xf32>
      %mul3A_1262 = arith.mulf %add3A_1261, %mul3A_1130 : vector<16xf32>
      %add3A_1263 = arith.addf %mul3A_1262, %broadcast_in_dim3A_854 : vector<16xf32>
      %swap3A_1264 = arith.constant 224 : index
      %swap3A_1265 = tpu.vector_load %arg15[%swap3A_1264] {strides = array<i32>} : memref<768xf32, #tpu.memory_space<vmem>>, vector<16xf32>,
      tpu.vector_store %arg15[%swap3A_1264], %add3A_1263 {strides = array<i32>} : memref<768xf32, #tpu.memory_space<vmem>>, vector<16xf32>,
      %get3A_1266 = arith.constant 240 : index
      %get3A_1267 = tpu.vector_load %arg15[%get3A_1266] {strides = array<i32>} : memref<768xf32, #tpu.memory_space<vmem>>, vector<16xf32>,
      %get3A_1268 = arith.constant 240 : index
      %get3A_1269 = tpu.vector_load %arg16[%get3A_1268] {strides = array<i32>} : memref<768xf32, #tpu.memory_space<vmem>>, vector<16xf32>,
      %add3A_1270 = arith.addf %get3A_1267, %get3A_1269 : vector<16xf32>
      %mul3A_1271 = arith.mulf %add3A_1270, %mul3A_1130 : vector<16xf32>
      %add3A_1272 = arith.addf %mul3A_1271, %broadcast_in_dim3A_854 : vector<16xf32>
      %swap3A_1273 = arith.constant 240 : index
      %swap3A_1274 = tpu.vector_load %arg15[%swap3A_1273] {strides = array<i32>} : memref<768xf32, #tpu.memory_space<vmem>>, vector<16xf32>,
      tpu.vector_store %arg15[%swap3A_1273], %add3A_1272 {strides = array<i32>} : memref<768xf32, #tpu.memory_space<vmem>>, vector<16xf32>,
      %get3A_1275 = arith.constant 256 : index
      %get3A_1276 = tpu.vector_load %arg15[%get3A_1275] {strides = array<i32>} : memref<768xf32, #tpu.memory_space<vmem>>, vector<16xf32>,
      %get3A_1277 = arith.constant 256 : index
      %get3A_1278 = tpu.vector_load %arg16[%get3A_1277] {strides = array<i32>} : memref<768xf32, #tpu.memory_space<vmem>>, vector<16xf32>,
      %add3A_1279 = arith.addf %get3A_1276, %get3A_1278 : vector<16xf32>
      %mul3A_1280 = arith.mulf %add3A_1279, %mul3A_1130 : vector<16xf32>
      %add3A_1281 = arith.addf %mul3A_1280, %broadcast_in_dim3A_854 : vector<16xf32>
      %swap3A_1282 = arith.constant 256 : index
      %swap3A_1283 = tpu.vector_load %arg15[%swap3A_1282] {strides = array<i32>} : memref<768xf32, #tpu.memory_space<vmem>>, vector<16xf32>,
      tpu.vector_store %arg15[%swap3A_1282], %add3A_1281 {strides = array<i32>} : memref<768xf32, #tpu.memory_space<vmem>>, vector<16xf32>,
      %get3A_1284 = arith.constant 272 : index
      %get3A_1285 = tpu.vector_load %arg15[%get3A_1284] {strides = array<i32>} : memref<768xf32, #tpu.memory_space<vmem>>, vector<16xf32>,
      %get3A_1286 = arith.constant 272 : index
      %get3A_1287 = tpu.vector_load %arg16[%get3A_1286] {strides = array<i32>} : memref<768xf32, #tpu.memory_space<vmem>>, vector<16xf32>,
      %add3A_1288 = arith.addf %get3A_1285, %get3A_1287 : vector<16xf32>
      %mul3A_1289 = arith.mulf %add3A_1288, %mul3A_1130 : vector<16xf32>
      %add3A_1290 = arith.addf %mul3A_1289, %broadcast_in_dim3A_854 : vector<16xf32>
      %swap3A_1291 = arith.constant 272 : index
      %swap3A_1292 = tpu.vector_load %arg15[%swap3A_1291] {strides = array<i32>} : memref<768xf32, #tpu.memory_space<vmem>>, vector<16xf32>,
      tpu.vector_store %arg15[%swap3A_1291], %add3A_1290 {strides = array<i32>} : memref<768xf32, #tpu.memory_space<vmem>>, vector<16xf32>,
      %get3A_1293 = arith.constant 288 : index
      %get3A_1294 = tpu.vector_load %arg15[%get3A_1293] {strides = array<i32>} : memref<768xf32, #tpu.memory_space<vmem>>, vector<16xf32>,
      %get3A_1295 = arith.constant 288 : index
      %get3A_1296 = tpu.vector_load %arg16[%get3A_1295] {strides = array<i32>} : memref<768xf32, #tpu.memory_space<vmem>>, vector<16xf32>,
      %add3A_1297 = arith.addf %get3A_1294, %get3A_1296 : vector<16xf32>
      %mul3A_1298 = arith.mulf %add3A_1297, %mul3A_1130 : vector<16xf32>
      %add3A_1299 = arith.addf %mul3A_1298, %broadcast_in_dim3A_854 : vector<16xf32>
      %swap3A_1300 = arith.constant 288 : index
      %swap3A_1301 = tpu.vector_load %arg15[%swap3A_1300] {strides = array<i32>} : memref<768xf32, #tpu.memory_space<vmem>>, vector<16xf32>,
      tpu.vector_store %arg15[%swap3A_1300], %add3A_1299 {strides = array<i32>} : memref<768xf32, #tpu.memory_space<vmem>>, vector<16xf32>,
      %get3A_1302 = arith.constant 304 : index
      %get3A_1303 = tpu.vector_load %arg15[%get3A_1302] {strides = array<i32>} : memref<768xf32, #tpu.memory_space<vmem>>, vector<16xf32>,
      %get3A_1304 = arith.constant 304 : index
      %get3A_1305 = tpu.vector_load %arg16[%get3A_1304] {strides = array<i32>} : memref<768xf32, #tpu.memory_space<vmem>>, vector<16xf32>,
      %add3A_1306 = arith.addf %get3A_1303, %get3A_1305 : vector<16xf32>
      %mul3A_1307 = arith.mulf %add3A_1306, %mul3A_1130 : vector<16xf32>
      %add3A_1308 = arith.addf %mul3A_1307, %broadcast_in_dim3A_854 : vector<16xf32>
      %swap3A_1309 = arith.constant 304 : index
      %swap3A_1310 = tpu.vector_load %arg15[%swap3A_1309] {strides = array<i32>} : memref<768xf32, #tpu.memory_space<vmem>>, vector<16xf32>,
      tpu.vector_store %arg15[%swap3A_1309], %add3A_1308 {strides = array<i32>} : memref<768xf32, #tpu.memory_space<vmem>>, vector<16xf32>,
      %get3A_1311 = arith.constant 320 : index
      %get3A_1312 = tpu.vector_load %arg15[%get3A_1311] {strides = array<i32>} : memref<768xf32, #tpu.memory_space<vmem>>, vector<16xf32>,
      %get3A_1313 = arith.constant 320 : index
      %get3A_1314 = tpu.vector_load %arg16[%get3A_1313] {strides = array<i32>} : memref<768xf32, #tpu.memory_space<vmem>>, vector<16xf32>,
      %add3A_1315 = arith.addf %get3A_1312, %get3A_1314 : vector<16xf32>
      %mul3A_1316 = arith.mulf %add3A_1315, %mul3A_1130 : vector<16xf32>
      %add3A_1317 = arith.addf %mul3A_1316, %broadcast_in_dim3A_854 : vector<16xf32>
      %swap3A_1318 = arith.constant 320 : index
      %swap3A_1319 = tpu.vector_load %arg15[%swap3A_1318] {strides = array<i32>} : memref<768xf32, #tpu.memory_space<vmem>>, vector<16xf32>,
      tpu.vector_store %arg15[%swap3A_1318], %add3A_1317 {strides = array<i32>} : memref<768xf32, #tpu.memory_space<vmem>>, vector<16xf32>,
      %get3A_1320 = arith.constant 336 : index
      %get3A_1321 = tpu.vector_load %arg15[%get3A_1320] {strides = array<i32>} : memref<768xf32, #tpu.memory_space<vmem>>, vector<16xf32>,
      %get3A_1322 = arith.constant 336 : index
      %get3A_1323 = tpu.vector_load %arg16[%get3A_1322] {strides = array<i32>} : memref<768xf32, #tpu.memory_space<vmem>>, vector<16xf32>,
      %add3A_1324 = arith.addf %get3A_1321, %get3A_1323 : vector<16xf32>
      %mul3A_1325 = arith.mulf %add3A_1324, %mul3A_1130 : vector<16xf32>
      %add3A_1326 = arith.addf %mul3A_1325, %broadcast_in_dim3A_854 : vector<16xf32>
      %swap3A_1327 = arith.constant 336 : index
      %swap3A_1328 = tpu.vector_load %arg15[%swap3A_1327] {strides = array<i32>} : memref<768xf32, #tpu.memory_space<vmem>>, vector<16xf32>,
      tpu.vector_store %arg15[%swap3A_1327], %add3A_1326 {strides = array<i32>} : memref<768xf32, #tpu.memory_space<vmem>>, vector<16xf32>,
      %get3A_1329 = arith.constant 352 : index
      %get3A_1330 = tpu.vector_load %arg15[%get3A_1329] {strides = array<i32>} : memref<768xf32, #tpu.memory_space<vmem>>, vector<16xf32>,
      %get3A_1331 = arith.constant 352 : index
      %get3A_1332 = tpu.vector_load %arg16[%get3A_1331] {strides = array<i32>} : memref<768xf32, #tpu.memory_space<vmem>>, vector<16xf32>,
      %add3A_1333 = arith.addf %get3A_1330, %get3A_1332 : vector<16xf32>
      %mul3A_1334 = arith.mulf %add3A_1333, %mul3A_1130 : vector<16xf32>
      %add3A_1335 = arith.addf %mul3A_1334, %broadcast_in_dim3A_854 : vector<16xf32>
      %swap3A_1336 = arith.constant 352 : index
      %swap3A_1337 = tpu.vector_load %arg15[%swap3A_1336] {strides = array<i32>} : memref<768xf32, #tpu.memory_space<vmem>>, vector<16xf32>,
      tpu.vector_store %arg15[%swap3A_1336], %add3A_1335 {strides = array<i32>} : memref<768xf32, #tpu.memory_space<vmem>>, vector<16xf32>,
      %get3A_1338 = arith.constant 368 : index
      %get3A_1339 = tpu.vector_load %arg15[%get3A_1338] {strides = array<i32>} : memref<768xf32, #tpu.memory_space<vmem>>, vector<16xf32>,
      %get3A_1340 = arith.constant 368 : index
      %get3A_1341 = tpu.vector_load %arg16[%get3A_1340] {strides = array<i32>} : memref<768xf32, #tpu.memory_space<vmem>>, vector<16xf32>,
      %add3A_1342 = arith.addf %get3A_1339, %get3A_1341 : vector<16xf32>
      %mul3A_1343 = arith.mulf %add3A_1342, %mul3A_1130 : vector<16xf32>
      %add3A_1344 = arith.addf %mul3A_1343, %broadcast_in_dim3A_854 : vector<16xf32>
      %swap3A_1345 = arith.constant 368 : index
      %swap3A_1346 = tpu.vector_load %arg15[%swap3A_1345] {strides = array<i32>} : memref<768xf32, #tpu.memory_space<vmem>>, vector<16xf32>,
      tpu.vector_store %arg15[%swap3A_1345], %add3A_1344 {strides = array<i32>} : memref<768xf32, #tpu.memory_space<vmem>>, vector<16xf32>,
      %get3A_1347 = arith.constant 384 : index
      %get3A_1348 = tpu.vector_load %arg15[%get3A_1347] {strides = array<i32>} : memref<768xf32, #tpu.memory_space<vmem>>, vector<16xf32>,
      %get3A_1349 = arith.constant 384 : index
      %get3A_1350 = tpu.vector_load %arg16[%get3A_1349] {strides = array<i32>} : memref<768xf32, #tpu.memory_space<vmem>>, vector<16xf32>,
      %add3A_1351 = arith.addf %get3A_1348, %get3A_1350 : vector<16xf32>
      %mul3A_1352 = arith.mulf %add3A_1351, %mul3A_1130 : vector<16xf32>
      %add3A_1353 = arith.addf %mul3A_1352, %broadcast_in_dim3A_854 : vector<16xf32>
      %swap3A_1354 = arith.constant 384 : index
      %swap3A_1355 = tpu.vector_load %arg15[%swap3A_1354] {strides = array<i32>} : memref<768xf32, #tpu.memory_space<vmem>>, vector<16xf32>,
      tpu.vector_store %arg15[%swap3A_1354], %add3A_1353 {strides = array<i32>} : memref<768xf32, #tpu.memory_space<vmem>>, vector<16xf32>,
      %get3A_1356 = arith.constant 400 : index
      %get3A_1357 = tpu.vector_load %arg15[%get3A_1356] {strides = array<i32>} : memref<768xf32, #tpu.memory_space<vmem>>, vector<16xf32>,
      %get3A_1358 = arith.constant 400 : index
      %get3A_1359 = tpu.vector_load %arg16[%get3A_1358] {strides = array<i32>} : memref<768xf32, #tpu.memory_space<vmem>>, vector<16xf32>,
      %add3A_1360 = arith.addf %get3A_1357, %get3A_1359 : vector<16xf32>
      %mul3A_1361 = arith.mulf %add3A_1360, %mul3A_1130 : vector<16xf32>
      %add3A_1362 = arith.addf %mul3A_1361, %broadcast_in_dim3A_854 : vector<16xf32>
      %swap3A_1363 = arith.constant 400 : index
      %swap3A_1364 = tpu.vector_load %arg15[%swap3A_1363] {strides = array<i32>} : memref<768xf32, #tpu.memory_space<vmem>>, vector<16xf32>,
      tpu.vector_store %arg15[%swap3A_1363], %add3A_1362 {strides = array<i32>} : memref<768xf32, #tpu.memory_space<vmem>>, vector<16xf32>,
      %get3A_1365 = arith.constant 416 : index
      %get3A_1366 = tpu.vector_load %arg15[%get3A_1365] {strides = array<i32>} : memref<768xf32, #tpu.memory_space<vmem>>, vector<16xf32>,
      %get3A_1367 = arith.constant 416 : index
      %get3A_1368 = tpu.vector_load %arg16[%get3A_1367] {strides = array<i32>} : memref<768xf32, #tpu.memory_space<vmem>>, vector<16xf32>,
      %add3A_1369 = arith.addf %get3A_1366, %get3A_1368 : vector<16xf32>
      %mul3A_1370 = arith.mulf %add3A_1369, %mul3A_1130 : vector<16xf32>
      %add3A_1371 = arith.addf %mul3A_1370, %broadcast_in_dim3A_854 : vector<16xf32>
      %swap3A_1372 = arith.constant 416 : index
      %swap3A_1373 = tpu.vector_load %arg15[%swap3A_1372] {strides = array<i32>} : memref<768xf32, #tpu.memory_space<vmem>>, vector<16xf32>,
      tpu.vector_store %arg15[%swap3A_1372], %add3A_1371 {strides = array<i32>} : memref<768xf32, #tpu.memory_space<vmem>>, vector<16xf32>,
      %get3A_1374 = arith.constant 432 : index
      %get3A_1375 = tpu.vector_load %arg15[%get3A_1374] {strides = array<i32>} : memref<768xf32, #tpu.memory_space<vmem>>, vector<16xf32>,
      %get3A_1376 = arith.constant 432 : index
      %get3A_1377 = tpu.vector_load %arg16[%get3A_1376] {strides = array<i32>} : memref<768xf32, #tpu.memory_space<vmem>>, vector<16xf32>,
      %add3A_1378 = arith.addf %get3A_1375, %get3A_1377 : vector<16xf32>
      %mul3A_1379 = arith.mulf %add3A_1378, %mul3A_1130 : vector<16xf32>
      %add3A_1380 = arith.addf %mul3A_1379, %broadcast_in_dim3A_854 : vector<16xf32>
      %swap3A_1381 = arith.constant 432 : index
      %swap3A_1382 = tpu.vector_load %arg15[%swap3A_1381] {strides = array<i32>} : memref<768xf32, #tpu.memory_space<vmem>>, vector<16xf32>,
      tpu.vector_store %arg15[%swap3A_1381], %add3A_1380 {strides = array<i32>} : memref<768xf32, #tpu.memory_space<vmem>>, vector<16xf32>,
      %get3A_1383 = arith.constant 448 : index
      %get3A_1384 = tpu.vector_load %arg15[%get3A_1383] {strides = array<i32>} : memref<768xf32, #tpu.memory_space<vmem>>, vector<16xf32>,
      %get3A_1385 = arith.constant 448 : index
      %get3A_1386 = tpu.vector_load %arg16[%get3A_1385] {strides = array<i32>} : memref<768xf32, #tpu.memory_space<vmem>>, vector<16xf32>,
      %add3A_1387 = arith.addf %get3A_1384, %get3A_1386 : vector<16xf32>
      %mul3A_1388 = arith.mulf %add3A_1387, %mul3A_1130 : vector<16xf32>
      %add3A_1389 = arith.addf %mul3A_1388, %broadcast_in_dim3A_854 : vector<16xf32>
      %swap3A_1390 = arith.constant 448 : index
      %swap3A_1391 = tpu.vector_load %arg15[%swap3A_1390] {strides = array<i32>} : memref<768xf32, #tpu.memory_space<vmem>>, vector<16xf32>,
      tpu.vector_store %arg15[%swap3A_1390], %add3A_1389 {strides = array<i32>} : memref<768xf32, #tpu.memory_space<vmem>>, vector<16xf32>,
      %get3A_1392 = arith.constant 464 : index
      %get3A_1393 = tpu.vector_load %arg15[%get3A_1392] {strides = array<i32>} : memref<768xf32, #tpu.memory_space<vmem>>, vector<16xf32>,
      %get3A_1394 = arith.constant 464 : index
      %get3A_1395 = tpu.vector_load %arg16[%get3A_1394] {strides = array<i32>} : memref<768xf32, #tpu.memory_space<vmem>>, vector<16xf32>,
      %add3A_1396 = arith.addf %get3A_1393, %get3A_1395 : vector<16xf32>
      %mul3A_1397 = arith.mulf %add3A_1396, %mul3A_1130 : vector<16xf32>
      %add3A_1398 = arith.addf %mul3A_1397, %broadcast_in_dim3A_854 : vector<16xf32>
      %swap3A_1399 = arith.constant 464 : index
      %swap3A_1400 = tpu.vector_load %arg15[%swap3A_1399] {strides = array<i32>} : memref<768xf32, #tpu.memory_space<vmem>>, vector<16xf32>,
      tpu.vector_store %arg15[%swap3A_1399], %add3A_1398 {strides = array<i32>} : memref<768xf32, #tpu.memory_space<vmem>>, vector<16xf32>,
      %get3A_1401 = arith.constant 480 : index
      %get3A_1402 = tpu.vector_load %arg15[%get3A_1401] {strides = array<i32>} : memref<768xf32, #tpu.memory_space<vmem>>, vector<16xf32>,
      %get3A_1403 = arith.constant 480 : index
      %get3A_1404 = tpu.vector_load %arg16[%get3A_1403] {strides = array<i32>} : memref<768xf32, #tpu.memory_space<vmem>>, vector<16xf32>,
      %add3A_1405 = arith.addf %get3A_1402, %get3A_1404 : vector<16xf32>
      %mul3A_1406 = arith.mulf %add3A_1405, %mul3A_1130 : vector<16xf32>
      %add3A_1407 = arith.addf %mul3A_1406, %broadcast_in_dim3A_854 : vector<16xf32>
      %swap3A_1408 = arith.constant 480 : index
      %swap3A_1409 = tpu.vector_load %arg15[%swap3A_1408] {strides = array<i32>} : memref<768xf32, #tpu.memory_space<vmem>>, vector<16xf32>,
      tpu.vector_store %arg15[%swap3A_1408], %add3A_1407 {strides = array<i32>} : memref<768xf32, #tpu.memory_space<vmem>>, vector<16xf32>,
      %get3A_1410 = arith.constant 496 : index
      %get3A_1411 = tpu.vector_load %arg15[%get3A_1410] {strides = array<i32>} : memref<768xf32, #tpu.memory_space<vmem>>, vector<16xf32>,
      %get3A_1412 = arith.constant 496 : index
      %get3A_1413 = tpu.vector_load %arg16[%get3A_1412] {strides = array<i32>} : memref<768xf32, #tpu.memory_space<vmem>>, vector<16xf32>,
      %add3A_1414 = arith.addf %get3A_1411, %get3A_1413 : vector<16xf32>
      %mul3A_1415 = arith.mulf %add3A_1414, %mul3A_1130 : vector<16xf32>
      %add3A_1416 = arith.addf %mul3A_1415, %broadcast_in_dim3A_854 : vector<16xf32>
      %swap3A_1417 = arith.constant 496 : index
      %swap3A_1418 = tpu.vector_load %arg15[%swap3A_1417] {strides = array<i32>} : memref<768xf32, #tpu.memory_space<vmem>>, vector<16xf32>,
      tpu.vector_store %arg15[%swap3A_1417], %add3A_1416 {strides = array<i32>} : memref<768xf32, #tpu.memory_space<vmem>>, vector<16xf32>,
      %get3A_1419 = arith.constant 512 : index
      %get3A_1420 = tpu.vector_load %arg15[%get3A_1419] {strides = array<i32>} : memref<768xf32, #tpu.memory_space<vmem>>, vector<16xf32>,
      %get3A_1421 = arith.constant 512 : index
      %get3A_1422 = tpu.vector_load %arg16[%get3A_1421] {strides = array<i32>} : memref<768xf32, #tpu.memory_space<vmem>>, vector<16xf32>,
      %add3A_1423 = arith.addf %get3A_1420, %get3A_1422 : vector<16xf32>
      %mul3A_1424 = arith.mulf %add3A_1423, %mul3A_1130 : vector<16xf32>
      %add3A_1425 = arith.addf %mul3A_1424, %broadcast_in_dim3A_854 : vector<16xf32>
      %swap3A_1426 = arith.constant 512 : index
      %swap3A_1427 = tpu.vector_load %arg15[%swap3A_1426] {strides = array<i32>} : memref<768xf32, #tpu.memory_space<vmem>>, vector<16xf32>,
      tpu.vector_store %arg15[%swap3A_1426], %add3A_1425 {strides = array<i32>} : memref<768xf32, #tpu.memory_space<vmem>>, vector<16xf32>,
      %get3A_1428 = arith.constant 528 : index
      %get3A_1429 = tpu.vector_load %arg15[%get3A_1428] {strides = array<i32>} : memref<768xf32, #tpu.memory_space<vmem>>, vector<16xf32>,
      %get3A_1430 = arith.constant 528 : index
      %get3A_1431 = tpu.vector_load %arg16[%get3A_1430] {strides = array<i32>} : memref<768xf32, #tpu.memory_space<vmem>>, vector<16xf32>,
      %add3A_1432 = arith.addf %get3A_1429, %get3A_1431 : vector<16xf32>
      %mul3A_1433 = arith.mulf %add3A_1432, %mul3A_1130 : vector<16xf32>
      %add3A_1434 = arith.addf %mul3A_1433, %broadcast_in_dim3A_854 : vector<16xf32>
      %swap3A_1435 = arith.constant 528 : index
      %swap3A_1436 = tpu.vector_load %arg15[%swap3A_1435] {strides = array<i32>} : memref<768xf32, #tpu.memory_space<vmem>>, vector<16xf32>,
      tpu.vector_store %arg15[%swap3A_1435], %add3A_1434 {strides = array<i32>} : memref<768xf32, #tpu.memory_space<vmem>>, vector<16xf32>,
      %get3A_1437 = arith.constant 544 : index
      %get3A_1438 = tpu.vector_load %arg15[%get3A_1437] {strides = array<i32>} : memref<768xf32, #tpu.memory_space<vmem>>, vector<16xf32>,
      %get3A_1439 = arith.constant 544 : index
      %get3A_1440 = tpu.vector_load %arg16[%get3A_1439] {strides = array<i32>} : memref<768xf32, #tpu.memory_space<vmem>>, vector<16xf32>,
      %add3A_1441 = arith.addf %get3A_1438, %get3A_1440 : vector<16xf32>
      %mul3A_1442 = arith.mulf %add3A_1441, %mul3A_1130 : vector<16xf32>
      %add3A_1443 = arith.addf %mul3A_1442, %broadcast_in_dim3A_854 : vector<16xf32>
      %swap3A_1444 = arith.constant 544 : index
      %swap3A_1445 = tpu.vector_load %arg15[%swap3A_1444] {strides = array<i32>} : memref<768xf32, #tpu.memory_space<vmem>>, vector<16xf32>,
      tpu.vector_store %arg15[%swap3A_1444], %add3A_1443 {strides = array<i32>} : memref<768xf32, #tpu.memory_space<vmem>>, vector<16xf32>,
      %get3A_1446 = arith.constant 560 : index
      %get3A_1447 = tpu.vector_load %arg15[%get3A_1446] {strides = array<i32>} : memref<768xf32, #tpu.memory_space<vmem>>, vector<16xf32>,
      %get3A_1448 = arith.constant 560 : index
      %get3A_1449 = tpu.vector_load %arg16[%get3A_1448] {strides = array<i32>} : memref<768xf32, #tpu.memory_space<vmem>>, vector<16xf32>,
      %add3A_1450 = arith.addf %get3A_1447, %get3A_1449 : vector<16xf32>
      %mul3A_1451 = arith.mulf %add3A_1450, %mul3A_1130 : vector<16xf32>
      %add3A_1452 = arith.addf %mul3A_1451, %broadcast_in_dim3A_854 : vector<16xf32>
      %swap3A_1453 = arith.constant 560 : index
      %swap3A_1454 = tpu.vector_load %arg15[%swap3A_1453] {strides = array<i32>} : memref<768xf32, #tpu.memory_space<vmem>>, vector<16xf32>,
      tpu.vector_store %arg15[%swap3A_1453], %add3A_1452 {strides = array<i32>} : memref<768xf32, #tpu.memory_space<vmem>>, vector<16xf32>,
      %get3A_1455 = arith.constant 576 : index
      %get3A_1456 = tpu.vector_load %arg15[%get3A_1455] {strides = array<i32>} : memref<768xf32, #tpu.memory_space<vmem>>, vector<16xf32>,
      %get3A_1457 = arith.constant 576 : index
      %get3A_1458 = tpu.vector_load %arg16[%get3A_1457] {strides = array<i32>} : memref<768xf32, #tpu.memory_space<vmem>>, vector<16xf32>,
      %add3A_1459 = arith.addf %get3A_1456, %get3A_1458 : vector<16xf32>
      %mul3A_1460 = arith.mulf %add3A_1459, %mul3A_1130 : vector<16xf32>
      %add3A_1461 = arith.addf %mul3A_1460, %broadcast_in_dim3A_854 : vector<16xf32>
      %swap3A_1462 = arith.constant 576 : index
      %swap3A_1463 = tpu.vector_load %arg15[%swap3A_1462] {strides = array<i32>} : memref<768xf32, #tpu.memory_space<vmem>>, vector<16xf32>,
      tpu.vector_store %arg15[%swap3A_1462], %add3A_1461 {strides = array<i32>} : memref<768xf32, #tpu.memory_space<vmem>>, vector<16xf32>,
      %get3A_1464 = arith.constant 592 : index
      %get3A_1465 = tpu.vector_load %arg15[%get3A_1464] {strides = array<i32>} : memref<768xf32, #tpu.memory_space<vmem>>, vector<16xf32>,
      %get3A_1466 = arith.constant 592 : index
      %get3A_1467 = tpu.vector_load %arg16[%get3A_1466] {strides = array<i32>} : memref<768xf32, #tpu.memory_space<vmem>>, vector<16xf32>,
      %add3A_1468 = arith.addf %get3A_1465, %get3A_1467 : vector<16xf32>
      %mul3A_1469 = arith.mulf %add3A_1468, %mul3A_1130 : vector<16xf32>
      %add3A_1470 = arith.addf %mul3A_1469, %broadcast_in_dim3A_854 : vector<16xf32>
      %swap3A_1471 = arith.constant 592 : index
      %swap3A_1472 = tpu.vector_load %arg15[%swap3A_1471] {strides = array<i32>} : memref<768xf32, #tpu.memory_space<vmem>>, vector<16xf32>,
      tpu.vector_store %arg15[%swap3A_1471], %add3A_1470 {strides = array<i32>} : memref<768xf32, #tpu.memory_space<vmem>>, vector<16xf32>,
      %get3A_1473 = arith.constant 608 : index
      %get3A_1474 = tpu.vector_load %arg15[%get3A_1473] {strides = array<i32>} : memref<768xf32, #tpu.memory_space<vmem>>, vector<16xf32>,
      %get3A_1475 = arith.constant 608 : index
      %get3A_1476 = tpu.vector_load %arg16[%get3A_1475] {strides = array<i32>} : memref<768xf32, #tpu.memory_space<vmem>>, vector<16xf32>,
      %add3A_1477 = arith.addf %get3A_1474, %get3A_1476 : vector<16xf32>
      %mul3A_1478 = arith.mulf %add3A_1477, %mul3A_1130 : vector<16xf32>
      %add3A_1479 = arith.addf %mul3A_1478, %broadcast_in_dim3A_854 : vector<16xf32>
      %swap3A_1480 = arith.constant 608 : index
      %swap3A_1481 = tpu.vector_load %arg15[%swap3A_1480] {strides = array<i32>} : memref<768xf32, #tpu.memory_space<vmem>>, vector<16xf32>,
      tpu.vector_store %arg15[%swap3A_1480], %add3A_1479 {strides = array<i32>} : memref<768xf32, #tpu.memory_space<vmem>>, vector<16xf32>,
      %get3A_1482 = arith.constant 624 : index
      %get3A_1483 = tpu.vector_load %arg15[%get3A_1482] {strides = array<i32>} : memref<768xf32, #tpu.memory_space<vmem>>, vector<16xf32>,
      %get3A_1484 = arith.constant 624 : index
      %get3A_1485 = tpu.vector_load %arg16[%get3A_1484] {strides = array<i32>} : memref<768xf32, #tpu.memory_space<vmem>>, vector<16xf32>,
      %add3A_1486 = arith.addf %get3A_1483, %get3A_1485 : vector<16xf32>
      %mul3A_1487 = arith.mulf %add3A_1486, %mul3A_1130 : vector<16xf32>
      %add3A_1488 = arith.addf %mul3A_1487, %broadcast_in_dim3A_854 : vector<16xf32>
      %swap3A_1489 = arith.constant 624 : index
      %swap3A_1490 = tpu.vector_load %arg15[%swap3A_1489] {strides = array<i32>} : memref<768xf32, #tpu.memory_space<vmem>>, vector<16xf32>,
      tpu.vector_store %arg15[%swap3A_1489], %add3A_1488 {strides = array<i32>} : memref<768xf32, #tpu.memory_space<vmem>>, vector<16xf32>,
      %get3A_1491 = arith.constant 640 : index
      %get3A_1492 = tpu.vector_load %arg15[%get3A_1491] {strides = array<i32>} : memref<768xf32, #tpu.memory_space<vmem>>, vector<16xf32>,
      %get3A_1493 = arith.constant 640 : index
      %get3A_1494 = tpu.vector_load %arg16[%get3A_1493] {strides = array<i32>} : memref<768xf32, #tpu.memory_space<vmem>>, vector<16xf32>,
      %add3A_1495 = arith.addf %get3A_1492, %get3A_1494 : vector<16xf32>
      %mul3A_1496 = arith.mulf %add3A_1495, %mul3A_1130 : vector<16xf32>
      %add3A_1497 = arith.addf %mul3A_1496, %broadcast_in_dim3A_854 : vector<16xf32>
      %swap3A_1498 = arith.constant 640 : index
      %swap3A_1499 = tpu.vector_load %arg15[%swap3A_1498] {strides = array<i32>} : memref<768xf32, #tpu.memory_space<vmem>>, vector<16xf32>,
      tpu.vector_store %arg15[%swap3A_1498], %add3A_1497 {strides = array<i32>} : memref<768xf32, #tpu.memory_space<vmem>>, vector<16xf32>,
      %get3A_1500 = arith.constant 656 : index
      %get3A_1501 = tpu.vector_load %arg15[%get3A_1500] {strides = array<i32>} : memref<768xf32, #tpu.memory_space<vmem>>, vector<16xf32>,
      %get3A_1502 = arith.constant 656 : index
      %get3A_1503 = tpu.vector_load %arg16[%get3A_1502] {strides = array<i32>} : memref<768xf32, #tpu.memory_space<vmem>>, vector<16xf32>,
      %add3A_1504 = arith.addf %get3A_1501, %get3A_1503 : vector<16xf32>
      %mul3A_1505 = arith.mulf %add3A_1504, %mul3A_1130 : vector<16xf32>
      %add3A_1506 = arith.addf %mul3A_1505, %broadcast_in_dim3A_854 : vector<16xf32>
      %swap3A_1507 = arith.constant 656 : index
      %swap3A_1508 = tpu.vector_load %arg15[%swap3A_1507] {strides = array<i32>} : memref<768xf32, #tpu.memory_space<vmem>>, vector<16xf32>,
      tpu.vector_store %arg15[%swap3A_1507], %add3A_1506 {strides = array<i32>} : memref<768xf32, #tpu.memory_space<vmem>>, vector<16xf32>,
      %get3A_1509 = arith.constant 672 : index
      %get3A_1510 = tpu.vector_load %arg15[%get3A_1509] {strides = array<i32>} : memref<768xf32, #tpu.memory_space<vmem>>, vector<16xf32>,
      %get3A_1511 = arith.constant 672 : index
      %get3A_1512 = tpu.vector_load %arg16[%get3A_1511] {strides = array<i32>} : memref<768xf32, #tpu.memory_space<vmem>>, vector<16xf32>,
      %add3A_1513 = arith.addf %get3A_1510, %get3A_1512 : vector<16xf32>
      %mul3A_1514 = arith.mulf %add3A_1513, %mul3A_1130 : vector<16xf32>
      %add3A_1515 = arith.addf %mul3A_1514, %broadcast_in_dim3A_854 : vector<16xf32>
      %swap3A_1516 = arith.constant 672 : index
      %swap3A_1517 = tpu.vector_load %arg15[%swap3A_1516] {strides = array<i32>} : memref<768xf32, #tpu.memory_space<vmem>>, vector<16xf32>,
      tpu.vector_store %arg15[%swap3A_1516], %add3A_1515 {strides = array<i32>} : memref<768xf32, #tpu.memory_space<vmem>>, vector<16xf32>,
      %get3A_1518 = arith.constant 688 : index
      %get3A_1519 = tpu.vector_load %arg15[%get3A_1518] {strides = array<i32>} : memref<768xf32, #tpu.memory_space<vmem>>, vector<16xf32>,
      %get3A_1520 = arith.constant 688 : index
      %get3A_1521 = tpu.vector_load %arg16[%get3A_1520] {strides = array<i32>} : memref<768xf32, #tpu.memory_space<vmem>>, vector<16xf32>,
      %add3A_1522 = arith.addf %get3A_1519, %get3A_1521 : vector<16xf32>
      %mul3A_1523 = arith.mulf %add3A_1522, %mul3A_1130 : vector<16xf32>
      %add3A_1524 = arith.addf %mul3A_1523, %broadcast_in_dim3A_854 : vector<16xf32>
      %swap3A_1525 = arith.constant 688 : index
      %swap3A_1526 = tpu.vector_load %arg15[%swap3A_1525] {strides = array<i32>} : memref<768xf32, #tpu.memory_space<vmem>>, vector<16xf32>,
      tpu.vector_store %arg15[%swap3A_1525], %add3A_1524 {strides = array<i32>} : memref<768xf32, #tpu.memory_space<vmem>>, vector<16xf32>,
      %get3A_1527 = arith.constant 704 : index
      %get3A_1528 = tpu.vector_load %arg15[%get3A_1527] {strides = array<i32>} : memref<768xf32, #tpu.memory_space<vmem>>, vector<16xf32>,
      %get3A_1529 = arith.constant 704 : index
      %get3A_1530 = tpu.vector_load %arg16[%get3A_1529] {strides = array<i32>} : memref<768xf32, #tpu.memory_space<vmem>>, vector<16xf32>,
      %add3A_1531 = arith.addf %get3A_1528, %get3A_1530 : vector<16xf32>
      %mul3A_1532 = arith.mulf %add3A_1531, %mul3A_1130 : vector<16xf32>
      %add3A_1533 = arith.addf %mul3A_1532, %broadcast_in_dim3A_854 : vector<16xf32>
      %swap3A_1534 = arith.constant 704 : index
      %swap3A_1535 = tpu.vector_load %arg15[%swap3A_1534] {strides = array<i32>} : memref<768xf32, #tpu.memory_space<vmem>>, vector<16xf32>,
      tpu.vector_store %arg15[%swap3A_1534], %add3A_1533 {strides = array<i32>} : memref<768xf32, #tpu.memory_space<vmem>>, vector<16xf32>,
      %get3A_1536 = arith.constant 720 : index
      %get3A_1537 = tpu.vector_load %arg15[%get3A_1536] {strides = array<i32>} : memref<768xf32, #tpu.memory_space<vmem>>, vector<16xf32>,
      %get3A_1538 = arith.constant 720 : index
      %get3A_1539 = tpu.vector_load %arg16[%get3A_1538] {strides = array<i32>} : memref<768xf32, #tpu.memory_space<vmem>>, vector<16xf32>,
      %add3A_1540 = arith.addf %get3A_1537, %get3A_1539 : vector<16xf32>
      %mul3A_1541 = arith.mulf %add3A_1540, %mul3A_1130 : vector<16xf32>
      %add3A_1542 = arith.addf %mul3A_1541, %broadcast_in_dim3A_854 : vector<16xf32>
      %swap3A_1543 = arith.constant 720 : index
      %swap3A_1544 = tpu.vector_load %arg15[%swap3A_1543] {strides = array<i32>} : memref<768xf32, #tpu.memory_space<vmem>>, vector<16xf32>,
      tpu.vector_store %arg15[%swap3A_1543], %add3A_1542 {strides = array<i32>} : memref<768xf32, #tpu.memory_space<vmem>>, vector<16xf32>,
      %get3A_1545 = arith.constant 736 : index
      %get3A_1546 = tpu.vector_load %arg15[%get3A_1545] {strides = array<i32>} : memref<768xf32, #tpu.memory_space<vmem>>, vector<16xf32>,
      %get3A_1547 = arith.constant 736 : index
      %get3A_1548 = tpu.vector_load %arg16[%get3A_1547] {strides = array<i32>} : memref<768xf32, #tpu.memory_space<vmem>>, vector<16xf32>,
      %add3A_1549 = arith.addf %get3A_1546, %get3A_1548 : vector<16xf32>
      %mul3A_1550 = arith.mulf %add3A_1549, %mul3A_1130 : vector<16xf32>
      %add3A_1551 = arith.addf %mul3A_1550, %broadcast_in_dim3A_854 : vector<16xf32>
      %swap3A_1552 = arith.constant 736 : index
      %swap3A_1553 = tpu.vector_load %arg15[%swap3A_1552] {strides = array<i32>} : memref<768xf32, #tpu.memory_space<vmem>>, vector<16xf32>,
      tpu.vector_store %arg15[%swap3A_1552], %add3A_1551 {strides = array<i32>} : memref<768xf32, #tpu.memory_space<vmem>>, vector<16xf32>,
      %get3A_1554 = arith.constant 752 : index
      %get3A_1555 = tpu.vector_load %arg15[%get3A_1554] {strides = array<i32>} : memref<768xf32, #tpu.memory_space<vmem>>, vector<16xf32>,
      %get3A_1556 = arith.constant 752 : index
      %get3A_1557 = tpu.vector_load %arg16[%get3A_1556] {strides = array<i32>} : memref<768xf32, #tpu.memory_space<vmem>>, vector<16xf32>,
      %add3A_1558 = arith.addf %get3A_1555, %get3A_1557 : vector<16xf32>
      %mul3A_1559 = arith.mulf %add3A_1558, %mul3A_1130 : vector<16xf32>
      %add3A_1560 = arith.addf %mul3A_1559, %broadcast_in_dim3A_854 : vector<16xf32>
      %swap3A_1561 = arith.constant 752 : index
      %swap3A_1562 = tpu.vector_load %arg15[%swap3A_1561] {strides = array<i32>} : memref<768xf32, #tpu.memory_space<vmem>>, vector<16xf32>,
      tpu.vector_store %arg15[%swap3A_1561], %add3A_1560 {strides = array<i32>} : memref<768xf32, #tpu.memory_space<vmem>>, vector<16xf32>,
      "tpu.region"() ({
        %run_scoped3A = tpu.sem_alloc : memref<!tpu.dma_semaphore, #tpu.memory_space<semaphore_mem>>
        %dma_start3A_1564 = arith.constant 0 : i32
        %dma_start3A_1565 = tpu.memref_slice %arg6[%add3A_11, %dma_start3A_1564] : memref<2048x768xf32, #tpu.memory_space<hbm>> -> memref<1x768xf32, #tpu.memory_space<hbm>>
        %dma_start3A_1566 = tpu.memref_squeeze %dma_start3A_1565 : memref<1x768xf32, #tpu.memory_space<hbm>> -> memref<768xf32, #tpu.memory_space<hbm>>
        %dma_start3A_1567 = arith.constant 0 : i32
        %dma_start3A_1568 = tpu.memref_slice %arg6[%add3A_11, %dma_start3A_1567] : memref<2048x768xf32, #tpu.memory_space<hbm>> -> memref<1x768xf32, #tpu.memory_space<hbm>>
        %dma_start3A_1569 = tpu.memref_squeeze %dma_start3A_1568 : memref<1x768xf32, #tpu.memory_space<hbm>> -> memref<768xf32, #tpu.memory_space<hbm>>
        tpu.enqueue_dma source(%arg15 : memref<768xf32, #tpu.memory_space<vmem>>) target(%dma_start3A_1569 : memref<768xf32, #tpu.memory_space<hbm>>) target_semaphore(%run_scoped3A : memref<!tpu.dma_semaphore, #tpu.memory_space<semaphore_mem>>)
        %dma_wait3A_1570 = arith.constant 0 : i32
        %dma_wait3A_1571 = tpu.memref_slice %arg6[%add3A_11, %dma_wait3A_1570] : memref<2048x768xf32, #tpu.memory_space<hbm>> -> memref<1x768xf32, #tpu.memory_space<hbm>>
        %dma_wait3A_1572 = tpu.memref_squeeze %dma_wait3A_1571 : memref<1x768xf32, #tpu.memory_space<hbm>> -> memref<768xf32, #tpu.memory_space<hbm>>
        %dma_wait3A_1573 = arith.constant 0 : i32
        %dma_wait3A_1574 = tpu.memref_slice %arg6[%add3A_11, %dma_wait3A_1573] : memref<2048x768xf32, #tpu.memory_space<hbm>> -> memref<1x768xf32, #tpu.memory_space<hbm>>
        %dma_wait3A_1575 = tpu.memref_squeeze %dma_wait3A_1574 : memref<1x768xf32, #tpu.memory_space<hbm>> -> memref<768xf32, #tpu.memory_space<hbm>>
        tpu.wait_dma2 semaphore(%run_scoped3A : memref<!tpu.dma_semaphore, #tpu.memory_space<semaphore_mem>>) src(%arg15 : memref<768xf32, #tpu.memory_space<vmem>>) dst(%dma_wait3A_1575 : memref<768xf32, #tpu.memory_space<hbm>>)
        tpu.yield
      }) : () -> ()
      %scan3A_1563 = arith.constant 0 : i32
      scf.yield %scan3A_1563 : i32
    }
    %scan3A_8 = arith.constant 64 : i32
    return
  }
}

module attributes {stable_mosaic.version = 14 : i64} {
  func.func @_encode_body(%arg0: i32, %arg1: i32, %arg2: memref<2048x768xf32, #tpu.memory_space<vmem>>, %arg3: memref<768xf32, #tpu.memory_space<vmem>>, %arg4: memref<2048xf32, #tpu.memory_space<vmem>>, %arg5: memref<2048x768xf32, #tpu.memory_space<vmem>>, %arg6: memref<512x2048xf32, #tpu.memory_space<vmem>>) attributes {dimension_semantics = [#tpu.dimension_semantics<arbitrary>, #tpu.dimension_semantics<arbitrary>], iteration_bounds = array<i64: 16, 4>, scalar_prefetch = 0 : i64, scratch_operands = 0 : i64, tpu.core_type = #tpu.core_type<tc>, window_params = [{pipeline_mode = #tpu.pipeline_mode<synchronous>, transform_indices = @transform_0, window_bounds = array<i64: 2048, 768>}, {pipeline_mode = #tpu.pipeline_mode<synchronous>, transform_indices = @transform_1, window_bounds = array<i64: 768>}, {transform_indices = @transform_2, window_bounds = array<i64: 2048>}, {transform_indices = @transform_3, window_bounds = array<i64: 2048, 768>}, {transform_indices = @transform_4, window_bounds = array<i64: 512, 2048>}]} {
    %mul3A = arith.constant 512 : i32
    %mul3A_0 = arith.muli %arg1, %mul3A : i32
    %get3A = arith.index_cast %mul3A_0 : i32 to index
    %get3A_1 = arith.constant 0 : index
    %get3A_2 = vector.load %arg2[%get3A, %get3A_1] : memref<2048x768xf32, #tpu.memory_space<vmem>>, vector<512x768xf32>
    %reduce_sum3A = arith.constant dense<0.000000e+00> : vector<512xf32>
    %reduce_sum3A_3 = vector.multi_reduction <add>, %get3A_2, %reduce_sum3A [1] : vector<512x768xf32> to vector<512xf32>
    %broadcast_in_dim3A = vector.shape_cast %reduce_sum3A_3 : vector<512xf32> to vector<512x1xf32>
    %div3A = arith.constant 7.680000e+02 : f32
    %div3A_4 = vector.broadcast %div3A : f32 to vector<512x1xf32>
    %div3A_5 = arith.divf %broadcast_in_dim3A, %div3A_4 : vector<512x1xf32>
    %sub3A = vector.broadcast %div3A_5 : vector<512x1xf32> to vector<512x768xf32>
    %sub3A_6 = arith.subf %get3A_2, %sub3A : vector<512x768xf32>
    %square3A = arith.mulf %sub3A_6, %sub3A_6 : vector<512x768xf32>
    %reduce_sum3A_7 = arith.constant dense<0.000000e+00> : vector<512xf32>
    %reduce_sum3A_8 = vector.multi_reduction <add>, %square3A, %reduce_sum3A_7 [1] : vector<512x768xf32> to vector<512xf32>
    %broadcast_in_dim3A_9 = vector.shape_cast %reduce_sum3A_8 : vector<512xf32> to vector<512x1xf32>
    %div3A_10 = arith.constant 7.680000e+02 : f32
    %div3A_11 = vector.broadcast %div3A_10 : f32 to vector<512x1xf32>
    %div3A_12 = arith.divf %broadcast_in_dim3A_9, %div3A_11 : vector<512x1xf32>
    %add3A = arith.constant 9.99999974E-6 : f32
    %add3A_13 = vector.broadcast %add3A : f32 to vector<512x1xf32>
    %add3A_14 = arith.addf %div3A_12, %add3A_13 : vector<512x1xf32>
    %rsqrt3A = math.rsqrt %add3A_14 : vector<512x1xf32>
    %sub3A_15 = vector.broadcast %div3A_5 : vector<512x1xf32> to vector<512x768xf32>
    %sub3A_16 = arith.subf %get3A_2, %sub3A_15 : vector<512x768xf32>
    %mul3A_17 = vector.broadcast %rsqrt3A : vector<512x1xf32> to vector<512x768xf32>
    %mul3A_18 = arith.mulf %sub3A_16, %mul3A_17 : vector<512x768xf32>
    %get3A_19 = arith.constant 0 : index
    %get3A_20 = vector.load %arg3[%get3A_19] : memref<768xf32, #tpu.memory_space<vmem>>, vector<768xf32>
    %broadcast_in_dim3A_21 = vector.shape_cast %get3A_20 : vector<768xf32> to vector<1x768xf32>
    %sub3A_22 = vector.broadcast %broadcast_in_dim3A_21 : vector<1x768xf32> to vector<512x768xf32>
    %sub3A_23 = arith.subf %mul3A_18, %sub3A_22 : vector<512x768xf32>
    %get3A_24 = arith.constant 0 : index
    %get3A_25 = arith.constant 0 : index
    %get3A_26 = vector.load %arg5[%get3A_24, %get3A_25] : memref<2048x768xf32, #tpu.memory_space<vmem>>, vector<2048x768xf32>
    %dot_general3A = arith.constant dense<0.000000e+00> : vector<512x2048xf32>
    %dot_general3A_27 = tpu.matmul %sub3A_23, %get3A_26, %dot_general3A {dimension_numbers = #tpu.dot_dimension_numbers<[1], [1], [0], [0], [0, 0, 1, 0], [], []>, transpose_lhs_hint = false} : vector<512x768xf32>, vector<2048x768xf32>, vector<512x2048xf32> -> vector<512x2048xf32>
    %get3A_28 = arith.constant 0 : index
    %get3A_29 = vector.load %arg4[%get3A_28] : memref<2048xf32, #tpu.memory_space<vmem>>, vector<2048xf32>
    %broadcast_in_dim3A_30 = vector.shape_cast %get3A_29 : vector<2048xf32> to vector<1x2048xf32>
    %add3A_31 = vector.broadcast %broadcast_in_dim3A_30 : vector<1x2048xf32> to vector<512x2048xf32>
    %add3A_32 = arith.addf %dot_general3A_27, %add3A_31 : vector<512x2048xf32>
    %swap3A = arith.constant 0 : index
    %swap3A_33 = arith.constant 0 : index
    %swap3A_34 = vector.load %arg6[%swap3A, %swap3A_33] : memref<512x2048xf32, #tpu.memory_space<vmem>>, vector<512x2048xf32>
    tpu.vector_store %arg6[%swap3A, %swap3A_33], %add3A_32 {strides = array<i32>} : memref<512x2048xf32, #tpu.memory_space<vmem>>, vector<512x2048xf32>,
    return
  }
  func.func @transform_0(%arg0: i32, %arg1: i32) -> (i32, i32) {
    %c0_i32 = arith.constant 0 : i32
    %c0_i32_0 = arith.constant 0 : i32
    %c0_i32_1 = arith.constant 0 : i32
    return %c0_i32, %c0_i32_0 : i32, i32
  }
  func.func @transform_1(%arg0: i32, %arg1: i32) -> i32 {
    %c0_i32 = arith.constant 0 : i32
    %c0_i32_0 = arith.constant 0 : i32
    return %c0_i32 : i32
  }
  func.func @transform_2(%arg0: i32, %arg1: i32) -> i32 {
    %c0_i32 = arith.constant 0 : i32
    return %arg0 : i32
  }
  func.func @transform_3(%arg0: i32, %arg1: i32) -> (i32, i32) {
    %c0_i32 = arith.constant 0 : i32
    %c0_i32_0 = arith.constant 0 : i32
    return %arg0, %c0_i32 : i32, i32
  }
  func.func @transform_4(%arg0: i32, %arg1: i32) -> (i32, i32) {
    %c0_i32 = arith.constant 0 : i32
    return %arg1, %arg0 : i32, i32
  }
}

</mosaic_0001>

<sc_bundles>
// kernel: kernel.4.cloned.1.call-start
scs
__scs_entry_jumppad:
0x0: {  	(pc) =	sbr.rel $0x88, $3  }
0x1: {  	(tag) =	ssettag $0x0;
	lr =	simm.s32 $0x1  }
0x2: {  	[smem:$0x3F9C] =	sst lr;
	_ =	strace $0xD0000000  }
0x3: {  	_ = 	snop  }
0x4: {  	_ = 	snop  }
0x5: {  	_ = 	snop  }
0x6: {  	_ = 	snop  }
0x7: {  	_ = 	snop  }
__scs_overlays_trampoline_lowered:
0x8: {  	[smem:$0x3FAB] =	sst s0  }
0x9: {  	[smem:$0x3FAC] =	sst s1  }
0xa: {  	[smem:$0x3FAD] =	sst s2  }
0xb: {  	[smem:$0x3FAE] =	sst s3  }
0xc: {  	[smem:$0x3FAF] =	sst s4  }
0xd: {  	[smem:$0x3FB0] =	sst s5  }
0xe: {  	[smem:$0x3FB1] =	sst s6  }
0xf: {  	[smem:$0x3FB2] =	sst s7  }
0x10: {  	[smem:$0x3FB3] =	sst s8  }
0x11: {  	[smem:$0x3FB4] =	sst s9;
	s0 =	simm.s32 @!p0 $0x0  }
0x12: {  	s1 =	sld [smem:$0x3F9A];
	s0 =	simm.s32 @p0 $0x1  }
0x13: {  	[smem:$0x3FB5] =	sst s0;
	s0 =	simm.s32 @!p1 $0x0  }
0x14: {  	s2 =	sld [smem:$0x3F99];
	s0 =	simm.s32 @p1 $0x1  }
0x15: {  	[smem:$0x3FB6] =	sst s0;
	s0 =	simm.s32 @!p2 $0x0  }
0x16: {  	s3 =	sld [smem:$0x3FDB];
	s0 =	simm.s32 @p2 $0x1  }
0x17: {  	s4 =	simm.s32 $0x1BF5;
	[smem:$0x3FB8] =	sst s0  }
0x18: {  	s0 =	sld [smem:$0x3F9B];
	_ =	swait.ge [sflag:s4], $0x0  }
0x19: {  	s7 =	sld [smem:$0x3F9C]  }
0x1a: {  	s8 =	sadd.s32 $0xFFFFE003, lr  }
0x1b: {  	s9 =	sadd.s32 $0xFFFFFEF7, lr;
	s5 =	simm.s32 $0xFFFFFFFF;
	p2 =	slt.u32 s8, $0xFFFFF086  }
0x1c: {  	p1 =	slt.u32 s9, $0xF7A;
	s5 =	simm.s32 @!p2 $0x0  }
0x1d: {  	s5 =	simm.s32 @p1 $0x1;
	p0 =	seq.s32 s7, s2  }
0x1e: {  	s7 =	smul.u32 @!p0 $0xF7A, s2;
	p2 =	seq.s32 @!p0 s5, $0x0  }
0x1f: {  	s9 =	smul.u32 $0xF7A, s1;
	s8 =	simm.s32 @!p0 $0x1BF5;
	p2 =	por !p2, p0  }
0x20: {  	[sflag:s8] =	ssyncset.s32 @!p0 $0xFFFFF086;
	s6 =	sadd.s32 @!p0 s3, s7;
	s7 =	simm.s32 @!p0 $0x108  }
0x21: {  	s3 =	sadd.s32 s3, s9;
	s6 =	sadd.s32 @!p0 $0x88, s6;
	s7 =	simm.s32 @p2 $0x1082  }
0x22: {  	[simem:s7], [sflag:s8] =	dma.local @!p0 [hbm:s6], $0xF7A  }
0x23: {  	s9 =	sor.u32 $0xD0000000, s2;
	s6 =	simm.s32 $0x108;
	_ =	swait.ge @!p0 [sflag:s8], $0x0  }
0x24: {  	s3 =	sadd.s32 $0x88, s3;
	s6 =	simm.s32 @!p1 $0x1082;
	[sflag:s4] =	ssyncset.s32 $0xFFFFF086  }
0x25: {  	[simem:s6], [sflag:s4] =	dma.local [hbm:s3], $0xF7A  }
0x26: {  	[smem:$0x3F9C] =	sst s1;
	(tag) =	ssettag s2;
	_ =	strace s9  }
0x27: {  	s1 =	sld [smem:$0x3FAC]  }
0x28: {  	s2 =	sld [smem:$0x3FAD]  }
0x29: {  	s4 =	sld [smem:$0x3FAF]  }
0x2a: {  	p0 =	seq.s32 s5, $0x0;
	s5 =	sld [smem:$0x3FB0]  }
0x2b: {  	s6 =	sld [smem:$0x3FB1]  }
0x2c: {  	s7 =	sld [smem:$0x3FB2]  }
0x2d: {  	s3 =	simm.s32 $0x108;
	s8 =	sld [smem:$0x3FB3]  }
0x2e: {  	s3 =	simm.s32 @!p0 $0x1082;
	s9 =	sld [smem:$0x3FB4]  }
0x2f: {  	lr =	sadd.s32 s0, s3;
	s0 =	sld [smem:$0x3FAB]  }
0x30: {  	s3 =	sld [smem:$0x3FAE]  }
0x31: {  	[smem:$0x3FB7] =	sst s10  }
0x32: {  	s10 =	sld [smem:$0x3FB5];
	_ =	sdelay $0x3  }
0x33: {  	p0 =	seq.s32 s10, $0x1;
	s10 =	sld [smem:$0x3FB7];
	_ =	sdelay $0x3  }
0x34: {  	[smem:$0x3FB7] =	sst s10  }
0x35: {  	s10 =	sld [smem:$0x3FB6];
	_ =	sdelay $0x3  }
0x36: {  	p1 =	seq.s32 s10, $0x1;
	s10 =	sld [smem:$0x3FB7];
	_ =	sdelay $0x3  }
0x37: {  	[smem:$0x3FB7] =	sst s10  }
0x38: {  	s10 =	sld [smem:$0x3FB8]  }
0x39: {  	_ = 	snop;
	(pc) =	sbr.ind lr, $3  }
0x3a: {  	_ = 	snop  }
0x3b: {  	_ = 	snop  }
0x3c: {  	p2 =	seq.s32 s10, $0x1;
	s10 =	sld [smem:$0x3FB7]  }
0x3d: {  	_ =	shalt  }
0x3e: {  	_ =	shalt  }
0x3f: {  	_ =	shalt  }
0x40: {  	_ =	shalt  }
0x41: {  	_ =	shalt  }
0x42: {  	_ =	shalt  }
0x43: {  	_ =	shalt  }
0x44: {  	_ =	shalt  }
0x45: {  	_ =	shalt  }
0x46: {  	_ =	shalt  }
0x47: {  	_ =	shalt  }
0x48: {  	_ =	shalt  }
0x49: {  	_ =	shalt  }
0x4a: {  	_ =	shalt  }
0x4b: {  	_ =	shalt  }
0x4c: {  	_ =	shalt  }
0x4d: {  	_ =	shalt  }
0x4e: {  	_ =	shalt  }
0x4f: {  	_ =	shalt  }
0x50: {  	_ =	shalt  }
0x51: {  	_ =	shalt  }
0x52: {  	_ =	shalt  }
0x53: {  	_ =	shalt  }
0x54: {  	_ =	shalt  }
0x55: {  	_ =	shalt  }
0x56: {  	_ =	shalt  }
0x57: {  	_ =	shalt  }
0x58: {  	_ =	shalt  }
0x59: {  	_ =	shalt  }
0x5a: {  	_ =	shalt  }
0x5b: {  	_ =	shalt  }
0x5c: {  	_ =	shalt  }
0x5d: {  	_ =	shalt  }
0x5e: {  	_ =	shalt  }
0x5f: {  	_ =	shalt  }
0x60: {  	_ =	shalt  }
0x61: {  	_ =	shalt  }
0x62: {  	_ =	shalt  }
0x63: {  	_ =	shalt  }
0x64: {  	_ =	shalt  }
0x65: {  	_ =	shalt  }
0x66: {  	_ =	shalt  }
0x67: {  	_ =	shalt  }
0x68: {  	_ =	shalt  }
0x69: {  	_ =	shalt  }
0x6a: {  	_ =	shalt  }
0x6b: {  	_ =	shalt  }
0x6c: {  	_ =	shalt  }
0x6d: {  	_ =	shalt  }
0x6e: {  	_ =	shalt  }
0x6f: {  	_ =	shalt  }
0x70: {  	_ =	shalt  }
0x71: {  	_ =	shalt  }
0x72: {  	_ =	shalt  }
0x73: {  	_ =	shalt  }
0x74: {  	_ =	shalt  }
0x75: {  	_ =	shalt  }
0x76: {  	_ =	shalt  }
0x77: {  	_ =	shalt  }
0x78: {  	_ =	shalt  }
0x79: {  	_ =	shalt  }
0x7a: {  	_ =	shalt  }
0x7b: {  	_ =	shalt  }
0x7c: {  	_ =	shalt  }
0x7d: {  	_ =	shalt  }
0x7e: {  	_ =	shalt  }
0x7f: {  	_ =	shalt  }
0x80: {  	_ =	shalt  }
0x81: {  	_ =	shalt  }
0x82: {  	_ =	shalt  }
0x83: {  	_ =	shalt  }
0x84: {  	_ =	shalt  }
0x85: {  	_ =	shalt  }
0x86: {  	_ =	shalt  }
0x87: {  	_ =	shalt  }
.Lfunc_end0:
.L_simem_size_0:
called_computation_lowered:
.L_overlay_start_0:
0x88: {  	s2 =	sld [smem:$0x3FD9]  }
0x89: {  	s3 =	sld [smem:$0x3FFE];
	_ =	sdelay $0x1  }
0x8a: {  	s1 =	srdreg.scid  }
0x8b: {  	s0 =	sand.u32 $0x1, s1  }
0x8c: {  	s17 =	sshll.u32 s0, $0xA;
	s2 =	sadd.s32 s3, s2  }
0x8d: {  	s2 =	sadd.s32 s2, s17  }
0x8e: {  	[smem:$0x3FC3] =	sst s2  }
0x8f: {  	_ = 	snop  }
0x90: {  	s2 =	sld [smem:$0x3FC9]  }
0x91: {  	s18 =	sld [smem:$0x3FC8]  }
0x92: {  	s4 =	sld [smem:$0x3FD0];
	(tm) =	ssettm $0x1  }
0x93: {  	s5 =	sld [smem:$0x3FFB];
	_ =	sdelay $0x3  }
0x94: {  	_ =	strace s5  }
0x95: {  	s5 =	sld [smem:$0x3FFC];
	_ =	sdelay $0x3  }
0x96: {  	_ =	strace s5  }
0x97: {  	s5 =	sld [smem:$0x3FFD];
	_ =	sdelay $0x3  }
0x98: {  	_ =	strace s5  }
0x99: {  	_ =	strace $0x8FFFFFFF  }
0x9a: {  	s19 =	sld [smem:$0x3FDB];
	_ =	sdelay $0x1  }
0x9b: {  	s6 =	simm.s32 $_scs_section_size  }
0x9c: {  	s7 =	simm.s32 $_size__tile_overlayer_lowered;
	s8 =	simm.s32 $_tile_overlayer_lowered  }
0x9d: {  	s22 =	simm.s32 $0x1BFF;
	s21 =	sshll.u32 s8, $0x1;
	s5 =	sadd.s32 s6, s19  }
0x9e: {  	s9 =	simm.s32 $0x0;
	s20 =	sshll.u32 s7, $0x1;
	s7 =	sadd.s32 s21, s5  }
0x9f: {  	[timem:s9], [sflag:s22] =	dma.local [hbm:s7], s20  }
0xa0: {  	_ =	swait.ge [sflag:s22], s20  }
0xa1: {  	s6 =	ssub.s32 $0x0, s20;
	[sflag:s22] =	ssyncset.done $0x0  }
0xa2: {  	[sflag:s22] =	ssyncadd.s32 s6;
	_ =	sdelay $0x1  }
0xa3: {  	s23 =	simm.s32 $0x1B8B  }
0xa4: {  	_ =	swait.ge [sflag:s23], $0x1  }
0xa5: {  	[sflag:s23] =	ssyncset.done $0x0  }
0xa6: {  	s25 =	simm.s32 $0x1B8E;
	s24 =	sld [smem:$0x3FFE];
	[sflag:s23] =	ssyncadd.s32 $0xFFFFFFFF  }
0xa7: {  	s26 =	simm.s32 $execute0_lowered;
	[smem:$0x3FD2] =	sst s25  }
0xa8: {  	s7 =	sshll.u32 s26, $0x1;
	_ =	strace $0x80000046;
	[dreg:$0x1] =	wrdreg $0xFFFFFFFF  }
0xa9: {  	s28 =	simm.s32 $_size_execute0_lowered;
	s5 =	sadd.s32 s5, s7;
	[dreg:$0x0] =	wrdreg $0x0  }
0xaa: {  	s7 =	sshll.u32 s28, $0x1;
	[dreg:$0x2] =	wrdreg s5  }
0xab: {  	[dreg:$0x3] =	wrdreg s7  }
0xac: {  	[dreg:$0x4] =	wrdreg $0xC0  }
0xad: {  	_ =	task [dreg:s9], $0x5FFFF  }
0xae: {  	[dreg:$0x1] =	wrdreg $0xFFFFFFFF  }
0xaf: {  	[dreg:$0x0] =	wrdreg $0x60  }
0xb0: {  	[dreg:$0x2] =	wrdreg s24  }
0xb1: {  	[dreg:$0x3] =	wrdreg s2  }
0xb2: {  	[dreg:$0x4] =	wrdreg s18  }
0xb3: {  	[dreg:$0x5] =	wrdreg s4  }
0xb4: {  	[dreg:$0x6] =	wrdreg $0x9  }
0xb5: {  	_ =	task.clear_ibuf [dreg:s9], $0x7FFFF;
	_ =	strace $0x90000046  }
0xb6: {  	s29 =	simm.s32 $0x9;
	_ =	strace $0x80000048  }
0xb7: {  	_ =	swait.ge [sflag:s29], $0x1  }
0xb8: {  	[sflag:s29] =	ssyncadd.s32 $0xFFFFFFFF  }
0xb9: {  	_ =	strace $0x90000048  }
0xba: {  	_ =	sfence  }
0xbb: {  	s30 =	sld [smem:$0x0];
	_ =	sdelay $0x2  }
0xbc: {  	s31 =	sshll.u32 s1, $0xD;
	s1 =	sshrl.u32 s1, $0x2  }
0xbd: {  	s3 =	sand.u32 $0x4000, s31;
	s1 =	sadd.s32 s1, s30  }
0xbe: {  	s0 =	sor.u32 s3, s0;
	s1 =	sshll.u32 s1, $0x11  }
0xbf: {  	s0 =	sor.u32 s1, s0  }
0xc0: {  	s0 =	sadd.s32 $0x8F2B, s0  }
0xc1: {  	[sflag:s0] =	ssyncadd.remote.s32 $0x1  }
0xc2: {  	_ =	sfence.sel $0xFFFF  }
0xc3: {  	[dreg:$0x0] =	wrdreg $0xFFFFFFFF;
	(pc) =	sbr.abs _section_cstart, $3  }
0xc4: {  	[dreg:$0x1] =	wrdreg $0xFFFFFFFF  }
0xc5: {  	_ =	task.clear_ibuf [dreg:s9], $0x2FFFF;
	_ =	strace $0x9FFFFFFF  }
0xc6: {  	(tm) =	ssettm $0x7FFFFFFF  }
0xc7: {  	_ =	shalt  }
tec
execute0_lowered:
.L_overlay_start_1:
0x0: {  	(tag) =	ssettag $0x1  }
0x1: {  	s0 =	rddreg [dreg:$0x0];
	s2 =	simm.s32 $0x0;
	s1 =	srdreg.scid  }
0x2: {  	s3 =	stileid.u32;
	s13 =	simm.s32 $0x2;
	s14 =	simm.s32 $0x80  }
0x3: {  	s15 =	simm.s32 $0x400;
	s17 =	simm.s32 $0x1;
	s19 =	simm.s32 $0x8E80  }
0x4: {  	s20 =	simm.s32 $0x9680;
	s21 =	simm.s32 $0x9E80;
	s22 =	simm.s32 $0xA680  }
0x5: {  	s23 =	simm.s32 $0xAE80;
	s28 =	simm.s32 $0xCE80;
	s29 =	simm.s32 $0xD680  }
0x6: {  	s30 =	simm.s32 $0xDE80;
	s31 =	simm.s32 $0xE980;
	[smem:$0x7FF] =	sst s2  }
0x7: {  	s1 =	sand.u32 $0x1, s1;
	s6 =	sadd.s32 $0x300A00, s0;
	s7 =	sadd.s32 $0xA00, s0  }
0x8: {  	s25 =	sshll.u32 s3, $0x7;
	s9 =	sadd.s32 $0xB00, s0;
	s24 =	ssub.s32 $0x2, s1  }
0x9: {  	s10 =	sadd.s32 $0xC00, s0;
	s1 =	sshll.u32 s1, $0x6;
	s4 =	sshrl.u32 s24, $0x1  }
0xa: {  	_ =	strace $0x80000047;
	s8 =	sor.u32 s1, s25;
	s2 =	ssub.s32 s24, s4  }
0xb: {  	v0 =	vimm.f32 $-3.000000010e+38;
	s25 =	simm.s32 $0xBE80;
	s1 =	simm.s32 $0x0;
	s26 =	smax.u32 s2, $0x1  }
0xc: {  	vm0 =	vcmask $0x308;
	v1 =	vlaneseq.u32;
	vm1 =	vmxor vm1, vm1;
	s24 =	simm.s32 $0xB680;
	[dreg:$0x5] =	wrdreg s26;
	s26 =	simm.s32 $0xC680  }
.LBB2_1:
0xd: {  	[dreg:$0x6] =	wrdreg s1  }
0xe: {  	s0 =	rddreg [dreg:$0x2];
	s18 =	simm.s32 $0x0;
	s2 =	simm.s32 $0xEC80  }
0xf: {  	[tilespmem:s2], [sflag:$0x2] =	stream.linear.gather [hbm4b:s0+s18], $0x300, $0x38;
	[tilespmem:$0xEF80] =	vst v63  }
0x10: {  	_ =	swait.ge [sflag:s13], $0x300  }
0x11: {  	[sflag:s13] =	ssyncset.done $0x0  }
0x12: {  	s5 =	simm.s32 $0x0;
	[sflag:s13] =	ssyncadd.s32 $0xFFFFFD00  }
.LBB2_2:
0x13: {  	s0 =	sadd.s32 s8, s5  }
0x14: {  	s12 =	sshll.u32 s5, $0x7;
	s1 =	sshrl.u32 s0, $0x3  }
0x15: {  	s4 =	sand.u32 $0x380, s12;
	s2 =	sshll.u32 s1, $0x12  }
0x16: {  	s0 =	sor.u32 s4, s2  }
0x17: {  	s0 =	sshrl.u32 s0, $0x3  }
0x18: {  	s16 =	sadd.s32 s6, s0;
	s0 =	simm.s32 $0x0  }
0x19: {  	[tilespmem:s0], [sflag:$0x2] =	stream.strided.gather [hbm4b:s16+s14], $0x8000, s15, s14, $0x38;
	[tilespmem:$0xEF80] =	vst v63  }
0x1a: {  	s1 =	smul.u32 $0x1800, s1;
	_ =	swait.ge [sflag:s13], $0x8000  }
0x1b: {  	[sflag:s13] =	ssyncset.done $0x0  }
0x1c: {  	s1 =	sor.u32 s4, s1;
	[sflag:s13] =	ssyncadd.s32 $0xFFFF8000  }
0x1d: {  	s2 =	sshrl.u32 s1, $0x3;
	s18 =	rddreg [dreg:$0x1]  }
0x1e: {  	s3 =	simm.s32 $0xE680;
	s1 =	sadd.s32 s18, s2  }
0x1f: {  	[tilespmem:s3], [sflag:$0x2] =	stream.strided.gather [hbm4b:s1+s14], $0x300, s15, s14, $0x38;
	[tilespmem:$0xEF80] =	vst v63  }
0x20: {  	_ =	swait.ge [sflag:s13], $0x300  }
0x21: {  	[sflag:s13] =	ssyncset.done $0x0  }
0x22: {  	[sflag:s13] =	ssyncadd.s32 $0xFFFFFD00  }
0x23: {  	[tilespmem:$0x8000] =	vst v0  }
0x24: {  	[tilespmem:$0x8010] =	vst v0  }
0x25: {  	[tilespmem:$0x8020] =	vst v0  }
0x26: {  	[tilespmem:$0x8030] =	vst v0  }
0x27: {  	[tilespmem:$0x8040] =	vst v0  }
0x28: {  	[tilespmem:$0x8050] =	vst v0  }
0x29: {  	[tilespmem:$0x8060] =	vst v0  }
0x2a: {  	[tilespmem:$0x8070] =	vst v0  }
0x2b: {  	[tilespmem:$0x8080] =	vst v0  }
0x2c: {  	[tilespmem:$0x8090] =	vst v0  }
0x2d: {  	[tilespmem:$0x80A0] =	vst v0  }
0x2e: {  	[tilespmem:$0x80B0] =	vst v0  }
0x2f: {  	[tilespmem:$0x80C0] =	vst v0  }
0x30: {  	[tilespmem:$0x80D0] =	vst v0  }
0x31: {  	[tilespmem:$0x80E0] =	vst v0  }
0x32: {  	[tilespmem:$0x80F0] =	vst v0  }
0x33: {  	[tilespmem:$0x8100] =	vst v0  }
0x34: {  	[tilespmem:$0x8110] =	vst v0  }
0x35: {  	[tilespmem:$0x8120] =	vst v0  }
0x36: {  	[tilespmem:$0x8130] =	vst v0  }
0x37: {  	[tilespmem:$0x8140] =	vst v0  }
0x38: {  	[tilespmem:$0x8150] =	vst v0  }
0x39: {  	[tilespmem:$0x8160] =	vst v0  }
0x3a: {  	[tilespmem:$0x8170] =	vst v0  }
0x3b: {  	[tilespmem:$0x8180] =	vst v0  }
0x3c: {  	[tilespmem:$0x8190] =	vst v0  }
0x3d: {  	[tilespmem:$0x81A0] =	vst v0  }
0x3e: {  	[tilespmem:$0x81B0] =	vst v0  }
0x3f: {  	[tilespmem:$0x81C0] =	vst v0  }
.Ltmp0:
0x40: {  	[tilespmem:$0x81D0] =	vst v0;
	(pc) =	sbr.rel .LBB2_3-.Ltmp0, $4  }
0x41: {  	[tilespmem:$0x81E0] =	vst v0  }
0x42: {  	[tilespmem:$0x81F0] =	vst v0  }
0x43: {  	[tilespmem:$0x8200] =	vst v0  }
0x44: {  	s12 =	simm.s32 $0x0;
	s4 =	simm.f32 $-3.000000010e+38;
	[tilespmem:$0x8210] =	vst v0  }
.LBB2_4:
0x45: {  	s0 =	smov.u32 @p0 s11;
	s4 =	smov.u32 @p0 s4  }
.LBB2_8:
0x46: {  	s12 =	sadd.s32 $0x1, s12  }
0x47: {  	p0 =	sne.s32 s12, $0x80  }
.Ltmp1:
0x48: {  	_ = 	snop;
	(pc) =	sbr.rel @!p0 .LBB2_9-.Ltmp1, $1  }
0x49: {  	_ =	sdelay $0x3  }
.LBB2_3:
0x4a: {  	s1 =	sshll.u32 s12, $0x8  }
0x4b: {  	v3 =	vld [tilespmem:s1+$0x0]  }
0x4c: {  	v2 =	vld [tilespmem:s1+$0x10]  }
0x4d: {  	v4 =	vld [tilespmem:s1+$0x20]  }
0x4e: {  	v5 =	vld [tilespmem:s1+$0x30]  }
0x4f: {  	v6 =	vld [tilespmem:s1+$0x40]  }
0x50: {  	v7 =	vld [tilespmem:s1+$0x50]  }
0x51: {  	v8 =	vld [tilespmem:s1+$0x60];
	v2 =	vmax.f32 v3, v2  }
0x52: {  	v55 =	vld [tilespmem:s1+$0x70];
	v2 =	vmax.f32 v2, v4  }
0x53: {  	v56 =	vld [tilespmem:s1+$0x80];
	v2 =	vmax.f32 v2, v5  }
0x54: {  	v57 =	vld [tilespmem:s1+$0x90];
	v2 =	vmax.f32 v2, v6  }
0x55: {  	v58 =	vld [tilespmem:s1+$0xA0];
	v2 =	vmax.f32 v2, v7  }
0x56: {  	v59 =	vld [tilespmem:s1+$0xB0];
	v2 =	vmax.f32 v2, v8  }
0x57: {  	v60 =	vld [tilespmem:s1+$0xC0];
	v2 =	vmax.f32 v2, v55  }
0x58: {  	v61 =	vld [tilespmem:s1+$0xD0];
	v2 =	vmax.f32 v2, v56  }
0x59: {  	v62 =	vld [tilespmem:s1+$0xE0];
	v2 =	vmax.f32 v2, v57  }
0x5a: {  	v63 =	vld [tilespmem:s1+$0xF0];
	v2 =	vmax.f32 v2, v58  }
0x5b: {  	v2 =	vmax.f32 v2, v59  }
0x5c: {  	v2 =	vmax.f32 v2, v60  }
0x5d: {  	v2 =	vmax.f32 v2, v61  }
0x5e: {  	v2 =	vmax.f32 v2, v62  }
0x5f: {  	v2 =	vmax.f32 v2, v63  }
0x60: {  	(xrf0) =	vmax.scan.msk.f32 $0xffff, v2;
	_ =	sdelay $0x5  }
0x61: {  	v2, _, _ =	vpop (xrf0)  }
0x62: {  	(v2sf) =	vpush v2, $0xF;
	_ =	sdelay $0xe  }
0x63: {  	s11 =	spop (v2sf)  }
0x64: {  	p0 =	sgt.f32 s11, s4;
	_ =	sdelay $0x1  }
0x65: {  	vm2 =	vgt.f32 @p0 v3, s4;
	v2 =	vlaneseq.u32 @p0  }
0x66: {  	v4 =	vor.u32 @p0 s1, v2;
	[tilespmem:s0+$0x8000] =	vst.msk @p0 vm2, v3;
	v3 =	vmpcnt.ones.xlane @p0 vm2  }
0x67: {  	[tilespmem:s0+$0x8280] =	vst.msk @p0 vm2, v4  }
0x68: {  	v3 =	vxor.u32 @p0 $0x80000000, v3;
	v4 =	vld @p0 [tilespmem:s1+$0x10]  }
0x69: {  	(xrf0) =	vmax.scan.msk.u32 @p0 $0xffff, v3;
	_ =	sdelay $0x3  }
0x6a: {  	vm2 =	vgt.f32 @p0 v4, s4  }
0x6b: {  	v3 =	vmpcnt.ones.xlane @p0 vm2  }
0x6c: {  	v5, _, _ =	vpop @p0 (xrf0)  }
0x6d: {  	(v2sf) =	vpush @p0 v5, $0xF;
	v3 =	vxor.u32 @p0 $0x80000000, v3  }
0x6e: {  	(xrf0) =	vmax.scan.msk.u32 @p0 $0xffff, v3;
	_ =	sdelay $0x5  }
0x6f: {  	v3, _, _ =	vpop @p0 (xrf0)  }
0x70: {  	(v2sf) =	vpush @p0 v3, $0xF;
	_ =	sdelay $0x6  }
0x71: {  	s11 =	spop @p0 (v2sf)  }
0x72: {  	s11 =	sadd.s32 @p0 s11, s0  }
0x73: {  	s3 =	sor.u32 @p0 $0x10, s1;
	s11 =	sadd.s32 @p0 $0x80000000, s11  }
0x74: {  	v3 =	vor.u32 @p0 s3, v2;
	[tilespmem:s11+$0x8000] =	vst.msk @p0 vm2, v4  }
0x75: {  	[tilespmem:s11+$0x8280] =	vst.msk @p0 vm2, v3  }
0x76: {  	v3 =	vld @p0 [tilespmem:s1+$0x20];
	_ =	sdelay $0x2  }
0x77: {  	s3 =	spop @p0 (v2sf)  }
0x78: {  	s3 =	sadd.s32 @p0 s3, s11  }
0x79: {  	s11 =	sor.u32 @p0 $0x20, s1;
	s3 =	sadd.s32 @p0 $0x80000000, s3;
	vm2 =	vgt.f32 @p0 v3, s4  }
0x7a: {  	v4 =	vor.u32 @p0 s11, v2;
	[tilespmem:s3+$0x8000] =	vst.msk @p0 vm2, v3;
	v3 =	vmpcnt.ones.xlane @p0 vm2  }
0x7b: {  	[tilespmem:s3+$0x8280] =	vst.msk @p0 vm2, v4  }
0x7c: {  	v3 =	vxor.u32 @p0 $0x80000000, v3;
	v4 =	vld @p0 [tilespmem:s1+$0x30]  }
0x7d: {  	(xrf0) =	vmax.scan.msk.u32 @p0 $0xffff, v3;
	_ =	sdelay $0x3  }
0x7e: {  	vm2 =	vgt.f32 @p0 v4, s4  }
0x7f: {  	v3 =	vmpcnt.ones.xlane @p0 vm2  }
0x80: {  	v5, _, _ =	vpop @p0 (xrf0)  }
0x81: {  	(v2sf) =	vpush @p0 v5, $0xF;
	v3 =	vxor.u32 @p0 $0x80000000, v3  }
0x82: {  	(xrf0) =	vmax.scan.msk.u32 @p0 $0xffff, v3;
	_ =	sdelay $0x5  }
0x83: {  	v3, _, _ =	vpop @p0 (xrf0)  }
0x84: {  	(v2sf) =	vpush @p0 v3, $0xF;
	_ =	sdelay $0x6  }
0x85: {  	s11 =	spop @p0 (v2sf)  }
0x86: {  	s3 =	sadd.s32 @p0 s11, s3  }
0x87: {  	s11 =	sor.u32 @p0 $0x30, s1;
	s3 =	sadd.s32 @p0 $0x80000000, s3  }
0x88: {  	v3 =	vor.u32 @p0 s11, v2;
	[tilespmem:s3+$0x8000] =	vst.msk @p0 vm2, v4  }
0x89: {  	[tilespmem:s3+$0x8280] =	vst.msk @p0 vm2, v3  }
0x8a: {  	v3 =	vld @p0 [tilespmem:s1+$0x40];
	_ =	sdelay $0x2  }
0x8b: {  	s11 =	spop @p0 (v2sf)  }
0x8c: {  	s3 =	sadd.s32 @p0 s11, s3  }
0x8d: {  	s11 =	sor.u32 @p0 $0x40, s1;
	s3 =	sadd.s32 @p0 $0x80000000, s3;
	vm2 =	vgt.f32 @p0 v3, s4  }
0x8e: {  	v4 =	vor.u32 @p0 s11, v2;
	[tilespmem:s3+$0x8000] =	vst.msk @p0 vm2, v3;
	v3 =	vmpcnt.ones.xlane @p0 vm2  }
0x8f: {  	[tilespmem:s3+$0x8280] =	vst.msk @p0 vm2, v4  }
0x90: {  	v3 =	vxor.u32 @p0 $0x80000000, v3;
	v4 =	vld @p0 [tilespmem:s1+$0x50]  }
0x91: {  	(xrf0) =	vmax.scan.msk.u32 @p0 $0xffff, v3;
	_ =	sdelay $0x3  }
0x92: {  	vm2 =	vgt.f32 @p0 v4, s4  }
0x93: {  	v3 =	vmpcnt.ones.xlane @p0 vm2  }
0x94: {  	v5, _, _ =	vpop @p0 (xrf0)  }
0x95: {  	(v2sf) =	vpush @p0 v5, $0xF;
	v3 =	vxor.u32 @p0 $0x80000000, v3  }
0x96: {  	(xrf0) =	vmax.scan.msk.u32 @p0 $0xffff, v3;
	_ =	sdelay $0x5  }
0x97: {  	v3, _, _ =	vpop @p0 (xrf0)  }
0x98: {  	(v2sf) =	vpush @p0 v3, $0xF;
	_ =	sdelay $0x6  }
0x99: {  	s11 =	spop @p0 (v2sf)  }
0x9a: {  	s3 =	sadd.s32 @p0 s11, s3  }
0x9b: {  	s11 =	sor.u32 @p0 $0x50, s1;
	s3 =	sadd.s32 @p0 $0x80000000, s3  }
0x9c: {  	v3 =	vor.u32 @p0 s11, v2;
	[tilespmem:s3+$0x8000] =	vst.msk @p0 vm2, v4  }
0x9d: {  	[tilespmem:s3+$0x8280] =	vst.msk @p0 vm2, v3  }
0x9e: {  	v3 =	vld @p0 [tilespmem:s1+$0x60];
	_ =	sdelay $0x2  }
0x9f: {  	s11 =	spop @p0 (v2sf)  }
0xa0: {  	s3 =	sadd.s32 @p0 s11, s3  }
0xa1: {  	s11 =	sor.u32 @p0 $0x60, s1;
	s3 =	sadd.s32 @p0 $0x80000000, s3;
	vm2 =	vgt.f32 @p0 v3, s4  }
0xa2: {  	v4 =	vor.u32 @p0 s11, v2;
	[tilespmem:s3+$0x8000] =	vst.msk @p0 vm2, v3;
	v3 =	vmpcnt.ones.xlane @p0 vm2  }
0xa3: {  	[tilespmem:s3+$0x8280] =	vst.msk @p0 vm2, v4  }
0xa4: {  	v3 =	vxor.u32 @p0 $0x80000000, v3;
	v4 =	vld @p0 [tilespmem:s1+$0x70]  }
0xa5: {  	(xrf0) =	vmax.scan.msk.u32 @p0 $0xffff, v3;
	_ =	sdelay $0x3  }
0xa6: {  	vm2 =	vgt.f32 @p0 v4, s4  }
0xa7: {  	v3 =	vmpcnt.ones.xlane @p0 vm2  }
0xa8: {  	v5, _, _ =	vpop @p0 (xrf0)  }
0xa9: {  	(v2sf) =	vpush @p0 v5, $0xF;
	v3 =	vxor.u32 @p0 $0x80000000, v3  }
0xaa: {  	(xrf0) =	vmax.scan.msk.u32 @p0 $0xffff, v3;
	_ =	sdelay $0x5  }
0xab: {  	v3, _, _ =	vpop @p0 (xrf0)  }
0xac: {  	(v2sf) =	vpush @p0 v3, $0xF;
	_ =	sdelay $0x6  }
0xad: {  	s11 =	spop @p0 (v2sf)  }
0xae: {  	s3 =	sadd.s32 @p0 s11, s3  }
0xaf: {  	s11 =	sor.u32 @p0 $0x70, s1;
	s3 =	sadd.s32 @p0 $0x80000000, s3  }
0xb0: {  	v3 =	vor.u32 @p0 s11, v2;
	[tilespmem:s3+$0x8000] =	vst.msk @p0 vm2, v4  }
0xb1: {  	s11 =	sor.u32 $0x80, s1;
	[tilespmem:s3+$0x8280] =	vst.msk @p0 vm2, v3  }
0xb2: {  	v3 =	vld @p0 [tilespmem:s11+$0x0];
	_ =	sdelay $0x2  }
0xb3: {  	s16 =	spop @p0 (v2sf)  }
0xb4: {  	s3 =	sadd.s32 @p0 s16, s3  }
0xb5: {  	s3 =	sadd.s32 @p0 $0x80000000, s3;
	vm2 =	vgt.f32 @p0 v3, s4  }
0xb6: {  	v4 =	vor.u32 @p0 s11, v2;
	[tilespmem:s3+$0x8000] =	vst.msk @p0 vm2, v3;
	v3 =	vmpcnt.ones.xlane @p0 vm2  }
0xb7: {  	[tilespmem:s3+$0x8280] =	vst.msk @p0 vm2, v4  }
0xb8: {  	v3 =	vxor.u32 @p0 $0x80000000, v3;
	v4 =	vld @p0 [tilespmem:s1+$0x90]  }
0xb9: {  	(xrf0) =	vmax.scan.msk.u32 @p0 $0xffff, v3;
	_ =	sdelay $0x3  }
0xba: {  	vm2 =	vgt.f32 @p0 v4, s4  }
0xbb: {  	v3 =	vmpcnt.ones.xlane @p0 vm2  }
0xbc: {  	v5, _, _ =	vpop @p0 (xrf0)  }
0xbd: {  	(v2sf) =	vpush @p0 v5, $0xF;
	v3 =	vxor.u32 @p0 $0x80000000, v3  }
0xbe: {  	(xrf0) =	vmax.scan.msk.u32 @p0 $0xffff, v3;
	_ =	sdelay $0x5  }
0xbf: {  	v3, _, _ =	vpop @p0 (xrf0)  }
0xc0: {  	(v2sf) =	vpush @p0 v3, $0xF;
	_ =	sdelay $0x6  }
0xc1: {  	s11 =	spop @p0 (v2sf)  }
0xc2: {  	s3 =	sadd.s32 @p0 s11, s3  }
0xc3: {  	s11 =	sor.u32 @p0 $0x90, s1;
	s3 =	sadd.s32 @p0 $0x80000000, s3  }
0xc4: {  	v3 =	vor.u32 @p0 s11, v2;
	[tilespmem:s3+$0x8000] =	vst.msk @p0 vm2, v4  }
0xc5: {  	[tilespmem:s3+$0x8280] =	vst.msk @p0 vm2, v3  }
0xc6: {  	v3 =	vld @p0 [tilespmem:s1+$0xA0];
	_ =	sdelay $0x2  }
0xc7: {  	s11 =	spop @p0 (v2sf)  }
0xc8: {  	s3 =	sadd.s32 @p0 s11, s3  }
0xc9: {  	s11 =	sor.u32 @p0 $0xA0, s1;
	s3 =	sadd.s32 @p0 $0x80000000, s3;
	vm2 =	vgt.f32 @p0 v3, s4  }
0xca: {  	v4 =	vor.u32 @p0 s11, v2;
	[tilespmem:s3+$0x8000] =	vst.msk @p0 vm2, v3;
	v3 =	vmpcnt.ones.xlane @p0 vm2  }
0xcb: {  	[tilespmem:s3+$0x8280] =	vst.msk @p0 vm2, v4  }
0xcc: {  	v3 =	vxor.u32 @p0 $0x80000000, v3;
	v4 =	vld @p0 [tilespmem:s1+$0xB0]  }
0xcd: {  	(xrf0) =	vmax.scan.msk.u32 @p0 $0xffff, v3;
	_ =	sdelay $0x3  }
0xce: {  	vm2 =	vgt.f32 @p0 v4, s4  }
0xcf: {  	v3 =	vmpcnt.ones.xlane @p0 vm2  }
0xd0: {  	v5, _, _ =	vpop @p0 (xrf0)  }
0xd1: {  	(v2sf) =	vpush @p0 v5, $0xF;
	v3 =	vxor.u32 @p0 $0x80000000, v3  }
0xd2: {  	(xrf0) =	vmax.scan.msk.u32 @p0 $0xffff, v3;
	_ =	sdelay $0x5  }
0xd3: {  	v3, _, _ =	vpop @p0 (xrf0)  }
0xd4: {  	(v2sf) =	vpush @p0 v3, $0xF;
	_ =	sdelay $0x6  }
0xd5: {  	s11 =	spop @p0 (v2sf)  }
0xd6: {  	s3 =	sadd.s32 @p0 s11, s3  }
0xd7: {  	s11 =	sor.u32 @p0 $0xB0, s1;
	s3 =	sadd.s32 @p0 $0x80000000, s3  }
0xd8: {  	v3 =	vor.u32 @p0 s11, v2;
	[tilespmem:s3+$0x8000] =	vst.msk @p0 vm2, v4  }
0xd9: {  	[tilespmem:s3+$0x8280] =	vst.msk @p0 vm2, v3  }
0xda: {  	v3 =	vld @p0 [tilespmem:s1+$0xC0];
	_ =	sdelay $0x2  }
0xdb: {  	s11 =	spop @p0 (v2sf)  }
0xdc: {  	s3 =	sadd.s32 @p0 s11, s3  }
0xdd: {  	s11 =	sor.u32 @p0 $0xC0, s1;
	s3 =	sadd.s32 @p0 $0x80000000, s3;
	vm2 =	vgt.f32 @p0 v3, s4  }
0xde: {  	v4 =	vor.u32 @p0 s11, v2;
	[tilespmem:s3+$0x8000] =	vst.msk @p0 vm2, v3;
	v3 =	vmpcnt.ones.xlane @p0 vm2  }
0xdf: {  	[tilespmem:s3+$0x8280] =	vst.msk @p0 vm2, v4  }
0xe0: {  	v3 =	vxor.u32 @p0 $0x80000000, v3;
	v4 =	vld @p0 [tilespmem:s1+$0xD0]  }
0xe1: {  	(xrf0) =	vmax.scan.msk.u32 @p0 $0xffff, v3;
	_ =	sdelay $0x3  }
0xe2: {  	vm2 =	vgt.f32 @p0 v4, s4  }
0xe3: {  	v3 =	vmpcnt.ones.xlane @p0 vm2  }
0xe4: {  	v5, _, _ =	vpop @p0 (xrf0)  }
0xe5: {  	(v2sf) =	vpush @p0 v5, $0xF;
	v3 =	vxor.u32 @p0 $0x80000000, v3  }
0xe6: {  	(xrf0) =	vmax.scan.msk.u32 @p0 $0xffff, v3;
	_ =	sdelay $0x5  }
0xe7: {  	v3, _, _ =	vpop @p0 (xrf0)  }
0xe8: {  	(v2sf) =	vpush @p0 v3, $0xF;
	_ =	sdelay $0x6  }
0xe9: {  	s11 =	spop @p0 (v2sf)  }
0xea: {  	s3 =	sadd.s32 @p0 s11, s3  }
0xeb: {  	s11 =	sor.u32 @p0 $0xD0, s1;
	s3 =	sadd.s32 @p0 $0x80000000, s3  }
0xec: {  	v3 =	vor.u32 @p0 s11, v2;
	[tilespmem:s3+$0x8000] =	vst.msk @p0 vm2, v4  }
0xed: {  	[tilespmem:s3+$0x8280] =	vst.msk @p0 vm2, v3  }
0xee: {  	v3 =	vld @p0 [tilespmem:s1+$0xE0];
	_ =	sdelay $0x2  }
0xef: {  	s11 =	spop @p0 (v2sf)  }
0xf0: {  	s3 =	sadd.s32 @p0 s11, s3  }
0xf1: {  	s11 =	sor.u32 @p0 $0xE0, s1;
	s3 =	sadd.s32 @p0 $0x80000000, s3;
	vm2 =	vgt.f32 @p0 v3, s4  }
0xf2: {  	v4 =	vor.u32 @p0 s11, v2;
	[tilespmem:s3+$0x8000] =	vst.msk @p0 vm2, v3  }
0xf3: {  	[tilespmem:s3+$0x8280] =	vst.msk @p0 vm2, v4  }
0xf4: {  	v3 =	vld @p0 [tilespmem:s1+$0xF0];
	_ =	sdelay $0x3  }
0xf5: {  	v4 =	vmpcnt.ones.xlane @p0 vm2  }
0xf6: {  	vm2 =	vgt.f32 @p0 v3, s4  }
0xf7: {  	v4 =	vxor.u32 @p0 $0x80000000, v4;
	v5 =	vmpcnt.ones.xlane @p0 vm2  }
0xf8: {  	(xrf0) =	vmax.scan.msk.u32 @p0 $0xffff, v4  }
0xf9: {  	v4 =	vxor.u32 @p0 $0x80000000, v5  }
0xfa: {  	(xrf0) =	vmax.scan.msk.u32 @p0 $0xffff, v4;
	_ =	sdelay $0x3  }
0xfb: {  	v4, _, _ =	vpop @p0 (xrf0)  }
0xfc: {  	(v2sf) =	vpush @p0 v4, $0xF  }
0xfd: {  	v4, _, _ =	vpop @p0 (xrf0)  }
0xfe: {  	(v2sf) =	vpush @p0 v4, $0xF;
	_ =	sdelay $0xc  }
0xff: {  	s11 =	spop @p0 (v2sf)  }
0x100: {  	s3 =	sadd.s32 @p0 s11, s3  }
0x101: {  	s3 =	sadd.s32 @p0 $0x80000000, s3;
	s11 =	spop @p0 (v2sf)  }
0x102: {  	s11 =	sadd.s32 @p0 s11, s3  }
0x103: {  	s11 =	sadd.s32 @p0 $0x80000000, s11  }
0x104: {  	p1 =	slt.s32 @p0 s11, $0x100  }
0x105: {  	p1 =	por !p0, p1  }
.Ltmp2:
0x106: {  	_ = 	snop;
	(pc) =	sbr.rel @p1 .LBB2_4-.Ltmp2, $4  }
0x107: {  	_ = 	snop  }
0x108: {  	s1 =	sor.u32 @p0 $0xF0, s1  }
0x109: {  	v2 =	vor.u32 @p0 s1, v2;
	[tilespmem:s3+$0x8000] =	vst.msk @p0 vm2, v3  }
0x10a: {  	[tilespmem:s3+$0x8280] =	vst.msk @p0 vm2, v2  }
0x10b: {  	v2 =	vld [tilespmem:$0x8000]  }
0x10c: {  	v3 =	vld [tilespmem:$0x8010]  }
0x10d: {  	v4 =	vld [tilespmem:$0x8020]  }
0x10e: {  	v5 =	vld [tilespmem:$0x8030]  }
0x10f: {  	v6 =	vld [tilespmem:$0x8040]  }
0x110: {  	(xrf0) =	vmax.scan.msk.f32 $0xffff, v2;
	v2 =	vld [tilespmem:$0x8050]  }
0x111: {  	(xrf0) =	vmax.scan.msk.f32 $0xffff, v3;
	v3 =	vld [tilespmem:$0x8060]  }
0x112: {  	(xrf0) =	vmax.scan.msk.f32 $0xffff, v4;
	v4 =	vld [tilespmem:$0x8070]  }
0x113: {  	(xrf0) =	vmax.scan.msk.f32 $0xffff, v5;
	v5 =	vld [tilespmem:$0x8080]  }
0x114: {  	(xrf0) =	vmax.scan.msk.f32 $0xffff, v6;
	v6 =	vld [tilespmem:$0x8090]  }
0x115: {  	(xrf0) =	vmax.scan.msk.f32 $0xffff, v2;
	v2 =	vld [tilespmem:$0x80A0]  }
0x116: {  	v7, _, _ =	vpop (xrf0);
	(xrf0) =	vmax.scan.msk.f32 $0xffff, v3;
	v3 =	vld [tilespmem:$0x80B0]  }
0x117: {  	v8, _, _ =	vpop (xrf0);
	(xrf0) =	vmax.scan.msk.f32 $0xffff, v4;
	v4 =	vld [tilespmem:$0x80C0]  }
0x118: {  	v9, _, _ =	vpop (xrf0);
	(xrf0) =	vmax.scan.msk.f32 $0xffff, v5;
	v5 =	vld [tilespmem:$0x80D0]  }
0x119: {  	v10, _, _ =	vpop (xrf0);
	(xrf0) =	vmax.scan.msk.f32 $0xffff, v6;
	v6 =	vld [tilespmem:$0x80E0]  }
0x11a: {  	v11, _, _ =	vpop (xrf0);
	(xrf0) =	vmax.scan.msk.f32 $0xffff, v2;
	v2 =	vld [tilespmem:$0x80F0]  }
0x11b: {  	v12, _, _ =	vpop (xrf0);
	(xrf0) =	vmax.scan.msk.f32 $0xffff, v3;
	v3 =	vld [tilespmem:$0x8100]  }
0x11c: {  	v13, _, _ =	vpop (xrf0);
	(xrf0) =	vmax.scan.msk.f32 $0xffff, v4;
	v4 =	vld [tilespmem:$0x8110]  }
0x11d: {  	v14, _, _ =	vpop (xrf0);
	(xrf0) =	vmax.scan.msk.f32 $0xffff, v5;
	v5 =	vld [tilespmem:$0x8120]  }
0x11e: {  	v15, _, _ =	vpop (xrf0);
	(xrf0) =	vmax.scan.msk.f32 $0xffff, v6;
	v6 =	vld [tilespmem:$0x8130]  }
0x11f: {  	v16, _, _ =	vpop (xrf0);
	(xrf0) =	vmax.scan.msk.f32 $0xffff, v2  }
0x120: {  	v17, _, _ =	vpop (xrf0);
	(xrf0) =	vmax.scan.msk.f32 $0xffff, v3;
	v3 =	vbroadcast v7, $0xF;
	v7 =	vbroadcast v8, $0xF  }
0x121: {  	vm2 =	vmmov $0x1;
	v9 =	vbroadcast v9, $0xF;
	v2 =	vld [tilespmem:$0x8140];
	v8, _, _ =	vpop (xrf0);
	(xrf0) =	vmax.scan.msk.f32 $0xffff, v4  }
0x122: {  	v4 =	vld [tilespmem:$0x8150];
	v18, _, _ =	vpop (xrf0);
	(xrf0) =	vmax.scan.msk.f32 $0xffff, v5;
	v3 =	vsel vm2, v3, v7;
	v7 =	vbroadcast v10, $0xF  }
0x123: {  	v5 =	vld [tilespmem:$0x8160];
	v10, _, _ =	vpop (xrf0);
	(xrf0) =	vmax.scan.msk.f32 $0xffff, v6;
	v6 =	vbroadcast v11, $0xF  }
0x124: {  	vm6 =	vmmov $0x3  }
0x125: {  	vm7 =	vmmov $0x7;
	v3 =	vsel vm6, v3, v9;
	v9, _, _ =	vpop (xrf0)  }
0x126: {  	vm5 =	vmmov $0xf;
	v11 =	vld [tilespmem:$0x8170];
	(xrf0) =	vmax.scan.msk.f32 $0xffff, v2;
	v2 =	vsel vm7, v3, v7;
	v7, _, _ =	vpop (xrf0)  }
0x127: {  	v2 =	vsel vm5, v2, v6;
	v6, _, _ =	vpop (xrf0);
	(xrf0) =	vmax.scan.msk.f32 $0xffff, v4;
	v4 =	vld [tilespmem:$0x8180]  }
0x128: {  	v3 =	vbroadcast v12, $0xF;
	v52, _, _ =	vpop (xrf0);
	(xrf0) =	vmax.scan.msk.f32 $0xffff, v5;
	v5 =	vld [tilespmem:$0x8190]  }
0x129: {  	vm3 =	vmmov $0x1f;
	v19 =	vld [tilespmem:$0x81A0]  }
0x12a: {  	v20 =	vld [tilespmem:$0x81B0];
	v2 =	vsel vm3, v2, v3;
	v3 =	vbroadcast v13, $0xF  }
0x12b: {  	vm4 =	vmmov $0x3f;
	v6 =	vbroadcast v6, $0xF;
	v12 =	vbroadcast v52, $0xF;
	v53, _, _ =	vpop (xrf0);
	(xrf0) =	vmax.scan.msk.f32 $0xffff, v11;
	v11 =	vld [tilespmem:$0x81C0]  }
0x12c: {  	v2 =	vsel vm4, v2, v3;
	v3 =	vbroadcast v53, $0xF;
	v54, _, _ =	vpop (xrf0);
	(xrf0) =	vmax.scan.msk.f32 $0xffff, v4;
	v4 =	vld [tilespmem:$0x81D0]  }
0x12d: {  	v14 =	vbroadcast v14, $0xF;
	v6 =	vsel vm2, v6, v12;
	v55 =	vbroadcast v54, $0xF;
	v56, _, _ =	vpop (xrf0);
	(xrf0) =	vmax.scan.msk.f32 $0xffff, v5;
	v5 =	vld [tilespmem:$0x81E0]  }
0x12e: {  	v58 =	vbroadcast v15, $0xF;
	v3 =	vsel vm6, v6, v3;
	v6 =	vbroadcast v56, $0xF;
	(xrf0) =	vmax.scan.msk.f32 $0xffff, v19  }
0x12f: {  	v61 =	vbroadcast v16, $0xF;
	vm6 =	vmmov $0x7f;
	v3 =	vsel vm7, v3, v55;
	v57, _, _ =	vpop (xrf0);
	(xrf0) =	vmax.scan.msk.f32 $0xffff, v20  }
0x130: {  	v2 =	vsel vm6, v2, v14;
	v3 =	vsel vm5, v3, v6;
	v6 =	vbroadcast v57, $0xF;
	v59, _, _ =	vpop (xrf0);
	(xrf0) =	vmax.scan.msk.f32 $0xffff, v11  }
0x131: {  	v60 =	vld [tilespmem:$0x81F0];
	vm5 =	vmmov $0xff;
	v12 =	vbroadcast v59, $0xF;
	v63, _, _ =	vpop (xrf0);
	v11 =	vbroadcast v17, $0xF;
	(xrf0) =	vmax.scan.msk.f32 $0xffff, v4  }
0x132: {  	v62 =	vld [tilespmem:$0x8200];
	v2 =	vsel vm5, v2, v58;
	v3 =	vsel vm3, v3, v6;
	v4, _, _ =	vpop (xrf0);
	(xrf0) =	vmax.scan.msk.f32 $0xffff, v5;
	v5 =	vbroadcast v8, $0xF  }
0x133: {  	vm3 =	vmmov $0x1ff;
	v6 =	vld [tilespmem:$0x8210];
	v3 =	vsel vm4, v3, v12;
	v8 =	vbroadcast v63, $0xF  }
0x134: {  	v2 =	vsel vm3, v2, v61;
	vm4 =	vmmov $0x3ff;
	v4 =	vbroadcast v4, $0xF  }
0x135: {  	vm7 =	vmmov $0x7ff;
	v2 =	vsel vm4, v2, v11;
	v11, _, _ =	vpop (xrf0);
	v3 =	vsel vm6, v3, v8  }
0x136: {  	(xrf0) =	vmax.scan.msk.f32 $0xffff, v60;
	v2 =	vsel vm7, v2, v5;
	v8 =	vbroadcast v18, $0xF;
	v3 =	vsel vm5, v3, v4;
	v5, _, _ =	vpop (xrf0)  }
0x137: {  	vm5 =	vmmov $0xfff;
	v4 =	vbroadcast v11, $0xF;
	(xrf0) =	vmax.scan.msk.f32 $0xffff, v62;
	v11, _, _ =	vpop (xrf0);
	v5 =	vbroadcast v5, $0xF  }
0x138: {  	v2 =	vsel vm5, v2, v8;
	v8 =	vbroadcast v10, $0xF;
	(xrf0) =	vmax.scan.msk.f32 $0xffff, v6;
	v6, _, _ =	vpop (xrf0)  }
0x139: {  	v6 =	vbroadcast v6, $0xF  }
0x13a: {  	v3 =	vsel vm3, v3, v4;
	v4 =	vbroadcast v11, $0xF;
	v10, _, _ =	vpop (xrf0)  }
0x13b: {  	v9 =	vbroadcast v9, $0xF;
	vm3 =	vmmov $0x1fff;
	v3 =	vsel vm4, v3, v5;
	v5, _, _ =	vpop (xrf0)  }
0x13c: {  	v2 =	vsel vm3, v2, v8;
	v3 =	vsel vm7, v3, v4;
	v4 =	vbroadcast v10, $0xF;
	v8, _, _ =	vpop (xrf0)  }
0x13d: {  	vm4 =	vmmov $0x3fff;
	v3 =	vsel vm5, v3, v6;
	v5 =	vbroadcast v5, $0xF;
	v6, _, _ =	vpop (xrf0)  }
0x13e: {  	v2 =	vsel vm4, v2, v9;
	v3 =	vsel vm3, v3, v4;
	v4 =	vbroadcast v6, $0xF;
	v6, _, _ =	vpop (xrf0)  }
0x13f: {  	vm3 =	vmmov $0x7fff;
	v3 =	vsel vm4, v3, v5;
	v5 =	vbroadcast v6, $0xF  }
0x140: {  	v6 =	vsel vm3, v2, v7;
	v7 =	vsel vm3, v3, v8;
	v2 =	vnsel vm2, $0xFF61B1E6, v4  }
0x141: {  	v5 =	vsel vm0, v2, v5;
	v2 =	vmax.f32 v6, v7  }
0x142: {  	v2 =	vmax.f32 v2, v5  }
0x143: {  	(xrf0) =	vmax.scan.msk.f32 $0xffff, v2;
	_ =	sdelay $0x5  }
0x144: {  	v2, _, _ =	vpop (xrf0)  }
0x145: {  	v8 =	vbroadcast v2, $0xF;
	_ =	sdelay $0x1  }
0x146: {  	v2 =	vor.u32 $0x80000020, v1;
	vm2 =	veq.f32 v5, v8  }
0x147: {  	v3 =	vor.u32 $0x80000010, v1;
	vm3 =	veq.f32 v7, v8;
	v4 =	vnsel vm2, $0xBB9ACA00, v2  }
0x148: {  	vm2 =	veq.f32 v6, v8;
	v9 =	vsel vm3, v3, v4;
	v4 =	vor.u32 $0x80000000, v1  }
0x149: {  	v9 =	vsel vm2, v4, v9  }
0x14a: {  	(xrf0) =	vmin.scan.msk.u32 $0xffff, v9;
	_ =	sdelay $0x5  }
0x14b: {  	v9, _, _ =	vpop (xrf0)  }
0x14c: {  	(v2sf) =	vpush v9, $0xF;
	_ =	sdelay $0xd  }
0x14d: {  	[tilespmem:$0x8600] =	vst v6  }
0x14e: {  	[tilespmem:$0x8610] =	vst v7;
	s0 =	spop (v2sf)  }
0x14f: {  	[tilespmem:$0x8620] =	vst v5;
	s1 =	sshll.u32 s0, $0x4  }
0x150: {  	v5 =	vld [tilespmem:s1+$0x8000];
	_ =	sdelay $0x4  }
0x151: {  	vm2 =	veq.f32 v5, v8  }
0x152: {  	v6 =	vnsel vm2, $0xBB9ACA00, v4  }
0x153: {  	(xrf0) =	vmin.scan.msk.u32 $0xffff, v6;
	_ =	sdelay $0x5  }
0x154: {  	v6, _, _ =	vpop (xrf0)  }
0x155: {  	(v2sf) =	vpush v6, $0xF;
	_ =	sdelay $0xc  }
0x156: {  	v6 =	vld [tilespmem:s1+$0x8280];
	_ =	sdelay $0x1  }
0x157: {  	s3 =	spop (v2sf)  }
0x158: {  	s3 =	sxor.u32 $0x80000000, s3  }
0x159: {  	v7 =	vmov s3  }
0x15a: {  	v6 =	vxor.u32 $0x80000000, v6;
	vm2 =	veq.s32 v7, v1  }
0x15b: {  	v6 =	vnsel vm2, $0x7FFFFFFF, v6  }
0x15c: {  	(xrf0) =	vmax.scan.msk.u32 $0xffff, v6;
	_ =	sdelay $0x5  }
0x15d: {  	v6, _, _ =	vpop (xrf0)  }
0x15e: {  	(v2sf) =	vpush v6, $0xF;
	_ =	sdelay $0x8  }
0x15f: {  	s18 =	simm.s32 $0x0  }
0x160: {  	s4 =	sand.u32 $0x10, s18  }
0x161: {  	v6 =	vld [tilespmem:s4+$0x8500]  }
0x162: {  	s11 =	sxor.u32 $0x80000000, s0;
	v7 =	vld [tilespmem:s4+$0x8580]  }
0x163: {  	s16 =	sshra.s32 s11, $0x1F;
	s3 =	sand.u32 $0xF, s18  }
0x164: {  	s16 =	sshrl.u32 s16, $0x1C;
	v9 =	vmov s3;
	v5 =	vsel vm2, $0xFF61B1E6, v5  }
0x165: {  	p1 =	sgt.s32 s0, $0xFFFFFFFF;
	s3 =	sadd.s32 s16, s11;
	vm2 =	veq.s32 v9, v1;
	(xrf0) =	vmax.scan.msk.f32 $0xffff, v5;
	s16 =	spop (v2sf)  }
0x166: {  	p0 =	slt.s32 s11, $0x1;
	s18 =	sand.u32 $0xFFFFFFF0, s3;
	v6 =	vsel vm2, v8, v6;
	s16 =	sxor.u32 $0x80000000, s16  }
0x167: {  	p0 =	por p1, p0;
	p6 =	sne.s32 s11, s18;
	[tilespmem:s4+$0x8500] =	vst v6;
	v6 =	vsel vm2, s16, v7  }
0x168: {  	p0 =	por !p0, !p6;
	[tilespmem:s4+$0x8580] =	vst v6  }
0x169: {  	p0 =	por !p0, !p0;
	s4 =	simm.s32 $0x1;
	[tilespmem:s1+$0x8000] =	vst v5  }
0x16a: {  	s0 =	sand.u32 $0xF, s0;
	s18 =	sshra.s32 s3, $0x4;
	s4 =	simm.s32 @!p0 $0x0;
	v6 =	vld [tilespmem:$0x8620]  }
0x16b: {  	v7, _, _ =	vpop (xrf0);
	v5 =	vmov s0;
	s1 =	ssub.s32 s18, s4;
	v8 =	vld [tilespmem:$0x8600]  }
0x16c: {  	vm2 =	vmmov vm1;
	vm6 =	veq.s32 v5, v1;
	v5 =	vbroadcast v7, $0xF;
	v7 =	vld [tilespmem:$0x8610];
	p0 =	seq.s32 s1, $0x2  }
0x16d: {  	vm5 =	vmmov vm1;
	vm3 =	vmmov vm1;
	p1 =	seq.s32 s1, $0x0;
	p2 =	seq.s32 s1, $0x1;
	vm2 =	vmneg @p0 vm2  }
0x16e: {  	vm3 =	vmneg @p1 vm3;
	vm5 =	vmneg @p2 vm5;
	vm7 =	vmand vm6, vm2  }
0x16f: {  	s0 =	simm.s32 $0x1;
	vm4 =	vmand vm6, vm3;
	vm2 =	vmand vm6, vm5;
	v6 =	vsel vm7, v5, v6  }
.LBB2_6:
0x170: {  	p0 =	sne.s32 s0, $0x1F;
	v8 =	vsel vm4, v5, v8;
	[tilespmem:$0x8620] =	vst v6;
	s1 =	smov.u32 s0;
	s0 =	sadd.s32 $0x1, s0  }
0x171: {  	[tilespmem:$0x8600] =	vst v8;
	v7 =	vsel vm2, v5, v7  }
0x172: {  	v5 =	vmax.f32 v8, v7;
	[tilespmem:$0x8610] =	vst v7  }
0x173: {  	v5 =	vmax.f32 v5, v6  }
0x174: {  	(xrf0) =	vmax.scan.msk.f32 $0xffff, v5;
	_ =	sdelay $0x5  }
0x175: {  	v5, _, _ =	vpop (xrf0)  }
0x176: {  	v5 =	vbroadcast v5, $0xF;
	_ =	sdelay $0x1  }
0x177: {  	vm2 =	veq.f32 v6, v5  }
0x178: {  	vm3 =	veq.f32 v7, v5;
	v6 =	vnsel vm2, $0xBB9ACA00, v2  }
0x179: {  	vm2 =	veq.f32 v8, v5;
	v6 =	vsel vm3, v3, v6  }
0x17a: {  	v6 =	vsel vm2, v4, v6  }
0x17b: {  	(xrf0) =	vmin.scan.msk.u32 $0xffff, v6;
	_ =	sdelay $0x5  }
0x17c: {  	v6, _, _ =	vpop (xrf0)  }
0x17d: {  	(v2sf) =	vpush v6, $0xF;
	_ =	sdelay $0xe  }
0x17e: {  	s3 =	spop (v2sf)  }
0x17f: {  	s11 =	sxor.u32 $0x80000000, s3;
	s4 =	sshll.u32 s3, $0x4;
	s16 =	sand.u32 $0xF, s3  }
0x180: {  	v6 =	vld [tilespmem:s4+$0x8000];
	s18 =	sshra.s32 s11, $0x1F;
	p1 =	slt.s32 s11, $0x1;
	v9 =	vmov s16  }
0x181: {  	s16 =	sshrl.u32 s18, $0x1C  }
0x182: {  	s16 =	sadd.s32 s16, s11  }
0x183: {  	p2 =	sgt.s32 s3, $0xFFFFFFFF;
	s3 =	sand.u32 $0xFFFFFFF0, s16  }
0x184: {  	p1 =	por p2, p1;
	p2 =	sne.s32 s11, s3  }
0x185: {  	vm2 =	veq.f32 v6, v5;
	p1 =	por !p1, !p2  }
0x186: {  	s11 =	simm.s32 $0x1;
	v7 =	vnsel vm2, $0xBB9ACA00, v4;
	p1 =	por !p1, !p1  }
0x187: {  	s3 =	sshra.s32 s16, $0x4;
	s11 =	simm.s32 @!p1 $0x0;
	(xrf0) =	vmin.scan.msk.u32 $0xffff, v7  }
0x188: {  	s3 =	ssub.s32 s3, s11  }
0x189: {  	vm4 =	vmmov vm1;
	vm3 =	vmmov vm1;
	vm2 =	vmmov vm1;
	p1 =	seq.s32 s3, $0x0;
	p2 =	seq.s32 s3, $0x1;
	p3 =	seq.s32 s3, $0x2  }
0x18a: {  	vm2 =	vmneg @p1 vm2;
	vm3 =	vmneg @p2 vm3;
	vm4 =	vmneg @p3 vm4;
	_ =	sdelay $0x2  }
0x18b: {  	v7, _, _ =	vpop (xrf0)  }
0x18c: {  	(v2sf) =	vpush v7, $0xF;
	_ =	sdelay $0xc  }
0x18d: {  	v7 =	vld [tilespmem:s4+$0x8280];
	_ =	sdelay $0x1  }
0x18e: {  	s3 =	spop (v2sf)  }
0x18f: {  	s3 =	sxor.u32 $0x80000000, s3  }
0x190: {  	v8 =	vmov s3  }
0x191: {  	vm5 =	veq.s32 v8, v1;
	v7 =	vxor.u32 $0x80000000, v7  }
0x192: {  	v7 =	vnsel vm5, $0x7FFFFFFF, v7;
	v6 =	vsel vm5, $0xFF61B1E6, v6  }
0x193: {  	(xrf0) =	vmax.scan.msk.u32 $0xffff, v7  }
0x194: {  	(xrf0) =	vmax.scan.msk.f32 $0xffff, v6;
	_ =	sdelay $0x4  }
0x195: {  	v7, _, _ =	vpop (xrf0)  }
0x196: {  	(v2sf) =	vpush v7, $0xF;
	v10, _, _ =	vpop (xrf0);
	_ =	sdelay $0x9  }
0x197: {  	s3 =	sand.u32 $0x10, s1  }
0x198: {  	v7 =	vld [tilespmem:s3+$0x8500]  }
0x199: {  	v8 =	vld [tilespmem:s3+$0x8580]  }
0x19a: {  	s1 =	sand.u32 $0xF, s1  }
0x19b: {  	v11 =	vmov s1  }
0x19c: {  	vm5 =	veq.s32 v11, v1;
	s1 =	spop (v2sf)  }
0x19d: {  	s1 =	sxor.u32 $0x80000000, s1;
	v5 =	vsel vm5, v5, v7  }
0x19e: {  	[tilespmem:s3+$0x8500] =	vst v5;
	v5 =	vsel vm5, s1, v8  }
0x19f: {  	[tilespmem:s3+$0x8580] =	vst v5  }
0x1a0: {  	[tilespmem:s4+$0x8000] =	vst v6  }
0x1a1: {  	v6 =	vld [tilespmem:$0x8620]  }
.Ltmp3:
0x1a2: {  	v8 =	vld [tilespmem:$0x8600];
	(pc) =	sbr.rel @p0 .LBB2_6-.Ltmp3, $4  }
0x1a3: {  	v7 =	vld [tilespmem:$0x8610]  }
0x1a4: {  	vm5 =	veq.s32 v9, v1;
	v5 =	vbroadcast v10, $0xF  }
0x1a5: {  	vm6 =	vmand vm5, vm4  }
0x1a6: {  	vm4 =	vmand vm5, vm2;
	vm2 =	vmand vm5, vm3;
	v6 =	vsel vm6, v5, v6  }
0x1a7: {  	[tilespmem:$0x8620] =	vst v6  }
0x1a8: {  	[tilespmem:$0x8000] =	vst v0  }
0x1a9: {  	[tilespmem:$0x8010] =	vst v0  }
0x1aa: {  	[tilespmem:$0x8020] =	vst v0  }
0x1ab: {  	[tilespmem:$0x8030] =	vst v0  }
0x1ac: {  	[tilespmem:$0x8040] =	vst v0  }
0x1ad: {  	[tilespmem:$0x8050] =	vst v0  }
0x1ae: {  	[tilespmem:$0x8060] =	vst v0  }
0x1af: {  	[tilespmem:$0x8070] =	vst v0  }
0x1b0: {  	[tilespmem:$0x8080] =	vst v0  }
0x1b1: {  	v2 =	vsel vm4, v5, v8;
	[tilespmem:$0x8090] =	vst v0  }
0x1b2: {  	v3 =	vld [tilespmem:$0x8510];
	[tilespmem:$0x8600] =	vst v2;
	v2 =	vsel vm2, v5, v7  }
0x1b3: {  	[tilespmem:$0x8610] =	vst v2;
	v2 =	vld [tilespmem:$0x8500]  }
0x1b4: {  	[tilespmem:$0x80A0] =	vst v0  }
0x1b5: {  	[tilespmem:$0x80B0] =	vst v0  }
0x1b6: {  	[tilespmem:$0x80C0] =	vst v0  }
0x1b7: {  	[tilespmem:$0x80D0] =	vst v0  }
0x1b8: {  	[tilespmem:$0x80E0] =	vst v0;
	v2 =	vmin.f32 v2, v3  }
0x1b9: {  	[tilespmem:$0x80F0] =	vst v0;
	(xrf0) =	vmin.scan.msk.f32 $0xffff, v2  }
0x1ba: {  	[tilespmem:$0x8100] =	vst v0  }
0x1bb: {  	[tilespmem:$0x8110] =	vst v0  }
0x1bc: {  	[tilespmem:$0x8120] =	vst v0  }
0x1bd: {  	[tilespmem:$0x8130] =	vst v0  }
0x1be: {  	[tilespmem:$0x8140] =	vst v0  }
0x1bf: {  	[tilespmem:$0x8150] =	vst v0;
	v2, _, _ =	vpop (xrf0)  }
0x1c0: {  	[tilespmem:$0x8160] =	vst v0;
	(v2sf) =	vpush v2, $0xF  }
0x1c1: {  	[tilespmem:$0x8170] =	vst v0  }
0x1c2: {  	[tilespmem:$0x8180] =	vst v0  }
0x1c3: {  	[tilespmem:$0x8190] =	vst v0  }
0x1c4: {  	[tilespmem:$0x81A0] =	vst v0  }
0x1c5: {  	[tilespmem:$0x81B0] =	vst v0  }
0x1c6: {  	[tilespmem:$0x81C0] =	vst v0  }
0x1c7: {  	[tilespmem:$0x81D0] =	vst v0;
	v4 =	vld [tilespmem:$0x8580]  }
0x1c8: {  	[tilespmem:$0x81E0] =	vst v0;
	v63 =	vld [tilespmem:$0x8590]  }
0x1c9: {  	[tilespmem:$0x81F0] =	vst v0;
	v3 =	vld [tilespmem:$0x8510]  }
0x1ca: {  	[tilespmem:$0x8200] =	vst v0;
	v2 =	vld [tilespmem:$0x8500]  }
.Ltmp4:
0x1cb: {  	[tilespmem:$0x8210] =	vst v0;
	(pc) =	sbr.rel .LBB2_8-.Ltmp4, $4  }
0x1cc: {  	[tilespmem:$0x8280] =	vst v4  }
0x1cd: {  	[tilespmem:$0x8290] =	vst v63  }
0x1ce: {  	[tilespmem:$0x8010] =	vst v3  }
0x1cf: {  	s0 =	simm.s32 $0x20;
	[tilespmem:$0x8000] =	vst v2;
	s4 =	spop (v2sf)  }
.LBB2_9:
0x1d0: {  	v2 =	vld [tilespmem:$0x8000]  }
0x1d1: {  	v3 =	vld [tilespmem:$0x8010]  }
0x1d2: {  	v4 =	vld [tilespmem:$0x8020]  }
0x1d3: {  	v5 =	vld [tilespmem:$0x8030]  }
0x1d4: {  	v6 =	vld [tilespmem:$0x8040]  }
0x1d5: {  	(xrf0) =	vmax.scan.msk.f32 $0xffff, v2;
	v2 =	vld [tilespmem:$0x8050]  }
0x1d6: {  	(xrf0) =	vmax.scan.msk.f32 $0xffff, v3;
	v3 =	vld [tilespmem:$0x8060]  }
0x1d7: {  	(xrf0) =	vmax.scan.msk.f32 $0xffff, v4;
	v4 =	vld [tilespmem:$0x8070]  }
0x1d8: {  	(xrf0) =	vmax.scan.msk.f32 $0xffff, v5;
	v5 =	vld [tilespmem:$0x8080]  }
0x1d9: {  	(xrf0) =	vmax.scan.msk.f32 $0xffff, v6;
	v6 =	vld [tilespmem:$0x8090]  }
0x1da: {  	(xrf0) =	vmax.scan.msk.f32 $0xffff, v2;
	v2 =	vld [tilespmem:$0x80A0]  }
0x1db: {  	v7, _, _ =	vpop (xrf0);
	(xrf0) =	vmax.scan.msk.f32 $0xffff, v3;
	v3 =	vld [tilespmem:$0x80B0]  }
0x1dc: {  	v8, _, _ =	vpop (xrf0);
	(xrf0) =	vmax.scan.msk.f32 $0xffff, v4;
	v4 =	vld [tilespmem:$0x80C0]  }
0x1dd: {  	v9, _, _ =	vpop (xrf0);
	(xrf0) =	vmax.scan.msk.f32 $0xffff, v5;
	v5 =	vld [tilespmem:$0x80D0]  }
0x1de: {  	v10, _, _ =	vpop (xrf0);
	(xrf0) =	vmax.scan.msk.f32 $0xffff, v6;
	v6 =	vld [tilespmem:$0x80E0]  }
0x1df: {  	v11, _, _ =	vpop (xrf0);
	(xrf0) =	vmax.scan.msk.f32 $0xffff, v2;
	v2 =	vld [tilespmem:$0x80F0]  }
0x1e0: {  	v12, _, _ =	vpop (xrf0);
	(xrf0) =	vmax.scan.msk.f32 $0xffff, v3;
	v3 =	vld [tilespmem:$0x8100]  }
0x1e1: {  	v13, _, _ =	vpop (xrf0);
	(xrf0) =	vmax.scan.msk.f32 $0xffff, v4;
	v4 =	vld [tilespmem:$0x8110]  }
0x1e2: {  	v14, _, _ =	vpop (xrf0);
	(xrf0) =	vmax.scan.msk.f32 $0xffff, v5;
	v5 =	vld [tilespmem:$0x8120]  }
0x1e3: {  	v15, _, _ =	vpop (xrf0);
	(xrf0) =	vmax.scan.msk.f32 $0xffff, v6;
	v6 =	vld [tilespmem:$0x8130]  }
0x1e4: {  	v16, _, _ =	vpop (xrf0);
	(xrf0) =	vmax.scan.msk.f32 $0xffff, v2  }
0x1e5: {  	v17, _, _ =	vpop (xrf0);
	(xrf0) =	vmax.scan.msk.f32 $0xffff, v3;
	v3 =	vbroadcast v7, $0xF;
	v7 =	vbroadcast v8, $0xF  }
0x1e6: {  	vm2 =	vmmov $0x1;
	v9 =	vbroadcast v9, $0xF;
	v2 =	vld [tilespmem:$0x8140];
	v8, _, _ =	vpop (xrf0);
	(xrf0) =	vmax.scan.msk.f32 $0xffff, v4  }
0x1e7: {  	v4 =	vld [tilespmem:$0x8150];
	v18, _, _ =	vpop (xrf0);
	(xrf0) =	vmax.scan.msk.f32 $0xffff, v5;
	v3 =	vsel vm2, v3, v7;
	v7 =	vbroadcast v10, $0xF  }
0x1e8: {  	v5 =	vld [tilespmem:$0x8160];
	v10, _, _ =	vpop (xrf0);
	(xrf0) =	vmax.scan.msk.f32 $0xffff, v6;
	v6 =	vbroadcast v11, $0xF  }
0x1e9: {  	vm6 =	vmmov $0x3  }
0x1ea: {  	vm7 =	vmmov $0x7;
	v3 =	vsel vm6, v3, v9;
	v9, _, _ =	vpop (xrf0)  }
0x1eb: {  	vm5 =	vmmov $0xf;
	v11 =	vld [tilespmem:$0x8170];
	(xrf0) =	vmax.scan.msk.f32 $0xffff, v2;
	v2 =	vsel vm7, v3, v7;
	v7, _, _ =	vpop (xrf0)  }
0x1ec: {  	v2 =	vsel vm5, v2, v6;
	v6, _, _ =	vpop (xrf0);
	(xrf0) =	vmax.scan.msk.f32 $0xffff, v4;
	v4 =	vld [tilespmem:$0x8180]  }
0x1ed: {  	v3 =	vbroadcast v12, $0xF;
	v52, _, _ =	vpop (xrf0);
	(xrf0) =	vmax.scan.msk.f32 $0xffff, v5;
	v5 =	vld [tilespmem:$0x8190]  }
0x1ee: {  	vm3 =	vmmov $0x1f;
	v19 =	vld [tilespmem:$0x81A0]  }
0x1ef: {  	v20 =	vld [tilespmem:$0x81B0];
	v2 =	vsel vm3, v2, v3;
	v3 =	vbroadcast v13, $0xF  }
0x1f0: {  	vm4 =	vmmov $0x3f;
	v6 =	vbroadcast v6, $0xF;
	v12 =	vbroadcast v52, $0xF;
	v53, _, _ =	vpop (xrf0);
	(xrf0) =	vmax.scan.msk.f32 $0xffff, v11;
	v11 =	vld [tilespmem:$0x81C0]  }
0x1f1: {  	v2 =	vsel vm4, v2, v3;
	v3 =	vbroadcast v53, $0xF;
	v54, _, _ =	vpop (xrf0);
	(xrf0) =	vmax.scan.msk.f32 $0xffff, v4;
	v4 =	vld [tilespmem:$0x81D0]  }
0x1f2: {  	v14 =	vbroadcast v14, $0xF;
	v6 =	vsel vm2, v6, v12;
	v55 =	vbroadcast v54, $0xF;
	v56, _, _ =	vpop (xrf0);
	(xrf0) =	vmax.scan.msk.f32 $0xffff, v5;
	v5 =	vld [tilespmem:$0x81E0]  }
0x1f3: {  	v58 =	vbroadcast v15, $0xF;
	v3 =	vsel vm6, v6, v3;
	v6 =	vbroadcast v56, $0xF;
	(xrf0) =	vmax.scan.msk.f32 $0xffff, v19  }
0x1f4: {  	v61 =	vbroadcast v16, $0xF;
	vm6 =	vmmov $0x7f;
	v3 =	vsel vm7, v3, v55;
	v57, _, _ =	vpop (xrf0);
	(xrf0) =	vmax.scan.msk.f32 $0xffff, v20  }
0x1f5: {  	v2 =	vsel vm6, v2, v14;
	v3 =	vsel vm5, v3, v6;
	v6 =	vbroadcast v57, $0xF;
	v59, _, _ =	vpop (xrf0);
	(xrf0) =	vmax.scan.msk.f32 $0xffff, v11  }
0x1f6: {  	v60 =	vld [tilespmem:$0x81F0];
	vm5 =	vmmov $0xff;
	v12 =	vbroadcast v59, $0xF;
	v63, _, _ =	vpop (xrf0);
	v11 =	vbroadcast v17, $0xF;
	(xrf0) =	vmax.scan.msk.f32 $0xffff, v4  }
0x1f7: {  	v62 =	vld [tilespmem:$0x8200];
	v2 =	vsel vm5, v2, v58;
	v3 =	vsel vm3, v3, v6;
	v4, _, _ =	vpop (xrf0);
	(xrf0) =	vmax.scan.msk.f32 $0xffff, v5;
	v5 =	vbroadcast v8, $0xF  }
0x1f8: {  	vm3 =	vmmov $0x1ff;
	v6 =	vld [tilespmem:$0x8210];
	v3 =	vsel vm4, v3, v12;
	v8 =	vbroadcast v63, $0xF  }
0x1f9: {  	v2 =	vsel vm3, v2, v61;
	vm4 =	vmmov $0x3ff;
	v4 =	vbroadcast v4, $0xF  }
0x1fa: {  	vm7 =	vmmov $0x7ff;
	v2 =	vsel vm4, v2, v11;
	v11, _, _ =	vpop (xrf0);
	v3 =	vsel vm6, v3, v8  }
0x1fb: {  	(xrf0) =	vmax.scan.msk.f32 $0xffff, v60;
	v2 =	vsel vm7, v2, v5;
	v8 =	vbroadcast v18, $0xF;
	v3 =	vsel vm5, v3, v4;
	v5, _, _ =	vpop (xrf0)  }
0x1fc: {  	vm5 =	vmmov $0xfff;
	v4 =	vbroadcast v11, $0xF;
	(xrf0) =	vmax.scan.msk.f32 $0xffff, v62;
	v11, _, _ =	vpop (xrf0);
	v5 =	vbroadcast v5, $0xF  }
0x1fd: {  	v2 =	vsel vm5, v2, v8;
	v8 =	vbroadcast v10, $0xF;
	(xrf0) =	vmax.scan.msk.f32 $0xffff, v6;
	v6, _, _ =	vpop (xrf0)  }
0x1fe: {  	v6 =	vbroadcast v6, $0xF  }
0x1ff: {  	v3 =	vsel vm3, v3, v4;
	v4 =	vbroadcast v11, $0xF;
	v10, _, _ =	vpop (xrf0)  }
0x200: {  	v9 =	vbroadcast v9, $0xF;
	vm3 =	vmmov $0x1fff;
	v3 =	vsel vm4, v3, v5;
	v5, _, _ =	vpop (xrf0)  }
0x201: {  	v2 =	vsel vm3, v2, v8;
	v3 =	vsel vm7, v3, v4;
	v4 =	vbroadcast v10, $0xF;
	v8, _, _ =	vpop (xrf0)  }
0x202: {  	vm4 =	vmmov $0x3fff;
	v3 =	vsel vm5, v3, v6;
	v5 =	vbroadcast v5, $0xF;
	v6, _, _ =	vpop (xrf0)  }
0x203: {  	v2 =	vsel vm4, v2, v9;
	v3 =	vsel vm3, v3, v4;
	v4 =	vbroadcast v6, $0xF;
	v6, _, _ =	vpop (xrf0)  }
0x204: {  	vm3 =	vmmov $0x7fff;
	v3 =	vsel vm4, v3, v5;
	v5 =	vbroadcast v6, $0xF  }
0x205: {  	v6 =	vsel vm3, v2, v7;
	v7 =	vsel vm3, v3, v8;
	v2 =	vnsel vm2, $0xFF61B1E6, v4  }
0x206: {  	v5 =	vsel vm0, v2, v5;
	v2 =	vmax.f32 v6, v7  }
0x207: {  	v2 =	vmax.f32 v2, v5  }
0x208: {  	(xrf0) =	vmax.scan.msk.f32 $0xffff, v2;
	_ =	sdelay $0x5  }
0x209: {  	v2, _, _ =	vpop (xrf0)  }
0x20a: {  	v8 =	vbroadcast v2, $0xF;
	_ =	sdelay $0x1  }
0x20b: {  	v2 =	vor.u32 $0x80000020, v1;
	vm2 =	veq.f32 v5, v8  }
0x20c: {  	v3 =	vor.u32 $0x80000010, v1;
	vm3 =	veq.f32 v7, v8;
	v4 =	vnsel vm2, $0xBB9ACA00, v2  }
0x20d: {  	vm2 =	veq.f32 v6, v8;
	v9 =	vsel vm3, v3, v4;
	v4 =	vor.u32 $0x80000000, v1  }
0x20e: {  	v9 =	vsel vm2, v4, v9  }
0x20f: {  	(xrf0) =	vmin.scan.msk.u32 $0xffff, v9;
	_ =	sdelay $0x5  }
0x210: {  	v9, _, _ =	vpop (xrf0)  }
0x211: {  	(v2sf) =	vpush v9, $0xF;
	_ =	sdelay $0xd  }
0x212: {  	[tilespmem:$0x8600] =	vst v6  }
0x213: {  	[tilespmem:$0x8610] =	vst v7;
	s0 =	spop (v2sf)  }
0x214: {  	[tilespmem:$0x8620] =	vst v5;
	s1 =	sshll.u32 s0, $0x4  }
0x215: {  	v5 =	vld [tilespmem:s1+$0x8000];
	_ =	sdelay $0x4  }
0x216: {  	vm2 =	veq.f32 v5, v8  }
0x217: {  	v6 =	vnsel vm2, $0xBB9ACA00, v4  }
0x218: {  	(xrf0) =	vmin.scan.msk.u32 $0xffff, v6;
	_ =	sdelay $0x5  }
0x219: {  	v6, _, _ =	vpop (xrf0)  }
0x21a: {  	(v2sf) =	vpush v6, $0xF;
	_ =	sdelay $0xc  }
0x21b: {  	v6 =	vld [tilespmem:s1+$0x8280];
	_ =	sdelay $0x1  }
0x21c: {  	s3 =	spop (v2sf)  }
0x21d: {  	s3 =	sxor.u32 $0x80000000, s3  }
0x21e: {  	v7 =	vmov s3  }
0x21f: {  	v6 =	vxor.u32 $0x80000000, v6;
	vm2 =	veq.s32 v7, v1  }
0x220: {  	v6 =	vnsel vm2, $0x7FFFFFFF, v6  }
0x221: {  	(xrf0) =	vmax.scan.msk.u32 $0xffff, v6;
	_ =	sdelay $0x5  }
0x222: {  	v6, _, _ =	vpop (xrf0)  }
0x223: {  	(v2sf) =	vpush v6, $0xF;
	_ =	sdelay $0x8  }
0x224: {  	s16 =	simm.s32 $0x0  }
0x225: {  	s4 =	sand.u32 $0x10, s16  }
0x226: {  	v6 =	vld [tilespmem:s4+$0x8500]  }
0x227: {  	s11 =	sxor.u32 $0x80000000, s0;
	v7 =	vld [tilespmem:s4+$0x8580]  }
0x228: {  	s12 =	sshra.s32 s11, $0x1F;
	s3 =	sand.u32 $0xF, s16  }
0x229: {  	s12 =	sshrl.u32 s12, $0x1C;
	v9 =	vmov s3;
	v5 =	vsel vm2, $0xFF61B1E6, v5  }
0x22a: {  	p1 =	sgt.s32 s0, $0xFFFFFFFF;
	s3 =	sadd.s32 s12, s11;
	vm2 =	veq.s32 v9, v1;
	(xrf0) =	vmax.scan.msk.f32 $0xffff, v5;
	s18 =	spop (v2sf)  }
0x22b: {  	p0 =	slt.s32 s11, $0x1;
	s16 =	sand.u32 $0xFFFFFFF0, s3;
	v6 =	vsel vm2, v8, v6;
	s12 =	sxor.u32 $0x80000000, s18  }
0x22c: {  	p0 =	por p1, p0;
	p6 =	sne.s32 s11, s16;
	[tilespmem:s4+$0x8500] =	vst v6;
	v6 =	vsel vm2, s12, v7  }
0x22d: {  	p0 =	por !p0, !p6;
	[tilespmem:s4+$0x8580] =	vst v6  }
0x22e: {  	p0 =	por !p0, !p0;
	s4 =	simm.s32 $0x1;
	[tilespmem:s1+$0x8000] =	vst v5  }
0x22f: {  	s0 =	sand.u32 $0xF, s0;
	s18 =	sshra.s32 s3, $0x4;
	s4 =	simm.s32 @!p0 $0x0;
	v6 =	vld [tilespmem:$0x8620]  }
0x230: {  	v7, _, _ =	vpop (xrf0);
	v5 =	vmov s0;
	s1 =	ssub.s32 s18, s4;
	v8 =	vld [tilespmem:$0x8600]  }
0x231: {  	vm2 =	vmmov vm1;
	vm6 =	veq.s32 v5, v1;
	v5 =	vbroadcast v7, $0xF;
	v7 =	vld [tilespmem:$0x8610];
	p0 =	seq.s32 s1, $0x2  }
0x232: {  	vm5 =	vmmov vm1;
	vm3 =	vmmov vm1;
	p1 =	seq.s32 s1, $0x0;
	p2 =	seq.s32 s1, $0x1;
	vm2 =	vmneg @p0 vm2  }
0x233: {  	vm3 =	vmneg @p1 vm3;
	vm5 =	vmneg @p2 vm5;
	vm7 =	vmand vm6, vm2  }
0x234: {  	s0 =	simm.s32 $0x1;
	vm4 =	vmand vm6, vm3;
	vm2 =	vmand vm6, vm5;
	v6 =	vsel vm7, v5, v6  }
.LBB2_10:
0x235: {  	p0 =	sne.s32 s0, $0x1F;
	v8 =	vsel vm4, v5, v8;
	[tilespmem:$0x8620] =	vst v6;
	s1 =	smov.u32 s0;
	s0 =	sadd.s32 $0x1, s0  }
0x236: {  	[tilespmem:$0x8600] =	vst v8;
	v7 =	vsel vm2, v5, v7  }
0x237: {  	v5 =	vmax.f32 v8, v7;
	[tilespmem:$0x8610] =	vst v7  }
0x238: {  	v5 =	vmax.f32 v5, v6  }
0x239: {  	(xrf0) =	vmax.scan.msk.f32 $0xffff, v5;
	_ =	sdelay $0x5  }
0x23a: {  	v5, _, _ =	vpop (xrf0)  }
0x23b: {  	v5 =	vbroadcast v5, $0xF;
	_ =	sdelay $0x1  }
0x23c: {  	vm2 =	veq.f32 v6, v5  }
0x23d: {  	vm3 =	veq.f32 v7, v5;
	v6 =	vnsel vm2, $0xBB9ACA00, v2  }
0x23e: {  	vm2 =	veq.f32 v8, v5;
	v6 =	vsel vm3, v3, v6  }
0x23f: {  	v6 =	vsel vm2, v4, v6  }
0x240: {  	(xrf0) =	vmin.scan.msk.u32 $0xffff, v6;
	_ =	sdelay $0x5  }
0x241: {  	v6, _, _ =	vpop (xrf0)  }
0x242: {  	(v2sf) =	vpush v6, $0xF;
	_ =	sdelay $0xe  }
0x243: {  	s3 =	spop (v2sf)  }
0x244: {  	s11 =	sxor.u32 $0x80000000, s3;
	s4 =	sshll.u32 s3, $0x4;
	s12 =	sand.u32 $0xF, s3  }
0x245: {  	v6 =	vld [tilespmem:s4+$0x8000];
	s16 =	sshra.s32 s11, $0x1F;
	p1 =	slt.s32 s11, $0x1;
	v9 =	vmov s12  }
0x246: {  	s12 =	sshrl.u32 s16, $0x1C  }
0x247: {  	s12 =	sadd.s32 s12, s11  }
0x248: {  	p2 =	sgt.s32 s3, $0xFFFFFFFF;
	s3 =	sand.u32 $0xFFFFFFF0, s12  }
0x249: {  	p1 =	por p2, p1;
	p2 =	sne.s32 s11, s3  }
0x24a: {  	vm2 =	veq.f32 v6, v5;
	p1 =	por !p1, !p2  }
0x24b: {  	s11 =	simm.s32 $0x1;
	v7 =	vnsel vm2, $0xBB9ACA00, v4;
	p1 =	por !p1, !p1  }
0x24c: {  	s3 =	sshra.s32 s12, $0x4;
	s11 =	simm.s32 @!p1 $0x0;
	(xrf0) =	vmin.scan.msk.u32 $0xffff, v7  }
0x24d: {  	s3 =	ssub.s32 s3, s11  }
0x24e: {  	vm4 =	vmmov vm1;
	vm3 =	vmmov vm1;
	vm2 =	vmmov vm1;
	p1 =	seq.s32 s3, $0x0;
	p2 =	seq.s32 s3, $0x1;
	p3 =	seq.s32 s3, $0x2  }
0x24f: {  	vm2 =	vmneg @p1 vm2;
	vm3 =	vmneg @p2 vm3;
	vm4 =	vmneg @p3 vm4;
	_ =	sdelay $0x2  }
0x250: {  	v7, _, _ =	vpop (xrf0)  }
0x251: {  	(v2sf) =	vpush v7, $0xF;
	_ =	sdelay $0xc  }
0x252: {  	v7 =	vld [tilespmem:s4+$0x8280];
	_ =	sdelay $0x1  }
0x253: {  	s3 =	spop (v2sf)  }
0x254: {  	s3 =	sxor.u32 $0x80000000, s3  }
0x255: {  	v8 =	vmov s3  }
0x256: {  	vm5 =	veq.s32 v8, v1;
	v7 =	vxor.u32 $0x80000000, v7  }
0x257: {  	v7 =	vnsel vm5, $0x7FFFFFFF, v7;
	v6 =	vsel vm5, $0xFF61B1E6, v6  }
0x258: {  	(xrf0) =	vmax.scan.msk.u32 $0xffff, v7  }
0x259: {  	(xrf0) =	vmax.scan.msk.f32 $0xffff, v6;
	_ =	sdelay $0x4  }
0x25a: {  	v7, _, _ =	vpop (xrf0)  }
0x25b: {  	(v2sf) =	vpush v7, $0xF;
	v10, _, _ =	vpop (xrf0);
	_ =	sdelay $0x9  }
0x25c: {  	s3 =	sand.u32 $0x10, s1  }
0x25d: {  	v7 =	vld [tilespmem:s3+$0x8500]  }
0x25e: {  	v8 =	vld [tilespmem:s3+$0x8580]  }
0x25f: {  	s1 =	sand.u32 $0xF, s1  }
0x260: {  	v11 =	vmov s1  }
0x261: {  	vm5 =	veq.s32 v11, v1;
	s1 =	spop (v2sf)  }
0x262: {  	s1 =	sxor.u32 $0x80000000, s1;
	v5 =	vsel vm5, v5, v7  }
0x263: {  	[tilespmem:s3+$0x8500] =	vst v5;
	v5 =	vsel vm5, s1, v8  }
0x264: {  	[tilespmem:s3+$0x8580] =	vst v5  }
0x265: {  	[tilespmem:s4+$0x8000] =	vst v6  }
0x266: {  	v6 =	vld [tilespmem:$0x8620]  }
.Ltmp5:
0x267: {  	v8 =	vld [tilespmem:$0x8600];
	(pc) =	sbr.rel @p0 .LBB2_10-.Ltmp5, $4  }
0x268: {  	v7 =	vld [tilespmem:$0x8610]  }
0x269: {  	vm5 =	veq.s32 v9, v1;
	v5 =	vbroadcast v10, $0xF  }
0x26a: {  	vm6 =	vmand vm5, vm4  }
0x26b: {  	vm4 =	vmand vm5, vm2;
	vm2 =	vmand vm5, vm3;
	v6 =	vsel vm6, v5, v6  }
0x26c: {  	v2 =	vld [tilespmem:$0x8580];
	_ =	sdelay $0x4  }
0x26d: {  	v3 =	vshrl.u32 v2, $0x3  }
0x26e: {  	v3 =	vmul.u32 $0x30, v3  }
0x26f: {  	v2 =	vand.u32 $0x7, v2  }
0x270: {  	v4 =	vshrl.u32 v1, $0x3;
	v2 =	vor.u32 v2, v3;
	v3 =	vand.u32 $0x7, v1  }
0x271: {  	v4 =	vmul.u32 $0x8, v4;
	v9 =	vperm.xlane v2, v3;
	_ =	sdelay $0x1  }
0x272: {  	v9 =	vadd.s32 v4, v9;
	_ =	sdelay $0x1  }
0x273: {  	v8 =	vsel vm4, v5, v8;
	[tilespmem:$0x8620] =	vst v6  }
0x274: {  	v6 =	vor.u32 $0x8, v1;
	[tilespmem:$0x8600] =	vst v8;
	v5 =	vsel vm2, v5, v7  }
0x275: {  	s0 =	simm.s32 $0x0;
	s1 =	simm.s32 $0x8680;
	vm2 =	vmmov $0xffff;
	[tilespmem:$0x8610] =	vst v5;
	v2 =	vperm.xlane v2, v6  }
0x276: {  	[tilespmem:s1], [sflag:$0x1] =	stream.indirect_vreg.gather [hbm4b:s7+s0], $0x80, v9, vm2, $0xb8;
	[tilespmem:$0xEF80] =	vst v63  }
0x277: {  	v2 =	vadd.s32 v4, v2  }
0x278: {  	[tilespmem:s19], [sflag:$0x1] =	stream.indirect_vreg.gather [hbm4b:s9+s0], $0x80, v9, vm2, $0xb8;
	[tilespmem:$0xEF80] =	vst v63  }
0x279: {  	_ = 	snop  }
0x27a: {  	[tilespmem:s20], [sflag:$0x1] =	stream.indirect_vreg.gather [hbm4b:s10+s0], $0x80, v9, vm2, $0xb8;
	[tilespmem:$0xEF80] =	vst v63  }
0x27b: {  	_ = 	snop  }
0x27c: {  	[tilespmem:s21], [sflag:$0x1] =	stream.indirect_vreg.gather [hbm4b:s7+s0], $0x80, v2, vm2, $0xb8;
	[tilespmem:$0xEF80] =	vst v63  }
0x27d: {  	_ = 	snop  }
0x27e: {  	[tilespmem:s22], [sflag:$0x1] =	stream.indirect_vreg.gather [hbm4b:s9+s0], $0x80, v2, vm2, $0xb8;
	[tilespmem:$0xEF80] =	vst v63  }
0x27f: {  	_ = 	snop  }
0x280: {  	[tilespmem:s23], [sflag:$0x1] =	stream.indirect_vreg.gather [hbm4b:s10+s0], $0x80, v2, vm2, $0xb8;
	[tilespmem:$0xEF80] =	vst v63  }
0x281: {  	v2 =	vld [tilespmem:$0x8590];
	_ =	sdelay $0x4  }
0x282: {  	v5 =	vshrl.u32 v2, $0x3  }
0x283: {  	v5 =	vmul.u32 $0x30, v5  }
0x284: {  	v2 =	vand.u32 $0x7, v2  }
0x285: {  	v2 =	vor.u32 v2, v5  }
0x286: {  	v3 =	vperm.xlane v2, v3;
	_ =	sdelay $0x1  }
0x287: {  	v3 =	vadd.s32 v4, v3;
	_ =	sdelay $0x3  }
0x288: {  	v2 =	vperm.xlane v2, v6  }
0x289: {  	[tilespmem:s24], [sflag:$0x1] =	stream.indirect_vreg.gather [hbm4b:s7+s0], $0x80, v3, vm2, $0xb8;
	[tilespmem:$0xEF80] =	vst v63  }
0x28a: {  	v2 =	vadd.s32 v4, v2  }
0x28b: {  	[tilespmem:s25], [sflag:$0x1] =	stream.indirect_vreg.gather [hbm4b:s9+s0], $0x80, v3, vm2, $0xb8;
	[tilespmem:$0xEF80] =	vst v63  }
0x28c: {  	_ = 	snop  }
0x28d: {  	[tilespmem:s26], [sflag:$0x1] =	stream.indirect_vreg.gather [hbm4b:s10+s0], $0x80, v3, vm2, $0xb8;
	[tilespmem:$0xEF80] =	vst v63  }
0x28e: {  	_ = 	snop  }
0x28f: {  	[tilespmem:s28], [sflag:$0x1] =	stream.indirect_vreg.gather [hbm4b:s7+s0], $0x80, v2, vm2, $0xb8;
	[tilespmem:$0xEF80] =	vst v63  }
0x290: {  	_ = 	snop  }
0x291: {  	[tilespmem:s29], [sflag:$0x1] =	stream.indirect_vreg.gather [hbm4b:s9+s0], $0x80, v2, vm2, $0xb8;
	[tilespmem:$0xEF80] =	vst v63  }
0x292: {  	_ = 	snop  }
0x293: {  	[tilespmem:s30], [sflag:$0x1] =	stream.indirect_vreg.gather [hbm4b:s10+s0], $0x80, v2, vm2, $0xb8;
	[tilespmem:$0xEF80] =	vst v63  }
0x294: {  	_ =	swait.ge [sflag:s17], $0x6000  }
0x295: {  	s18 =	simm.s32 $0x0;
	[sflag:s17] =	ssyncset.done $0x0  }
0x296: {  	s1 =	smul.u32 $0x6000, s18;
	[sflag:s17] =	ssyncadd.s32 $0xFFFFA000  }
0x297: {  	v2 =	vld [tilespmem:$0x8500]  }
0x298: {  	s3 =	sand.u32 $0x380, s0;
	s1 =	sshra.s32 s1, $0x2;
	v3 =	vld [tilespmem:$0x8510]  }
0x299: {  	s1 =	sor.u32 s3, s1  }
0x29a: {  	v4 =	vld [tilespmem:s1+$0x8AF0]  }
0x29b: {  	v6 =	vld [tilespmem:s1+$0x8680]  }
0x29c: {  	v7 =	vld [tilespmem:s1+$0x8690]  }
0x29d: {  	p0 =	por $0x1, $0x1;
	v8 =	vld [tilespmem:s1+$0x86A0];
	v2 =	vmax.f32 v2, $0.0e+00;
	v3 =	vmax.f32 v3, $0.0e+00  }
0x29e: {  	v9 =	vmov s0;
	v15 =	vld [tilespmem:s1+$0x86D0];
	v5 =	vpsel p0, v2, v3  }
0x29f: {  	v10 =	vld [tilespmem:s1+$0x86B0];
	v5 =	vperm.xlane v5, v9  }
0x2a0: {  	v16 =	vimm.f32 $0.0e+00;
	v19 =	vimm.f32 $0.0e+00  }
0x2a1: {  	v20 =	vimm.f32 $0.0e+00;
	v18 =	vimm.f32 $0.0e+00;
	v9 =	vld [tilespmem:s1+$0x86C0];
	v4 =	vmul.f32 v4, v5  }
0x2a2: {  	v17 =	vimm.f32 $0.0e+00;
	v6 =	vmul.f32 v6, v5;
	v7 =	vmul.f32 v7, v5  }
0x2a3: {  	v24 =	vld [tilespmem:s1+$0x86E0];
	v8 =	vmul.f32 v8, v5;
	v27 =	vmul.f32 v15, v5;
	v15 =	vimm.f32 $0.0e+00  }
0x2a4: {  	v25 =	vld [tilespmem:s1+$0x86F0];
	v4 =	vadd.f32 v4, v16;
	v14 =	vadd.f32 v6, v16;
	v6 =	vmul.f32 v10, v5  }
0x2a5: {  	v22 =	vld [tilespmem:s1+$0x8A80];
	v13 =	vadd.f32 v7, v16;
	v12 =	vadd.f32 v8, v16;
	v10 =	vimm.f32 $0.0e+00  }
0x2a6: {  	v23 =	vld [tilespmem:s1+$0x8A90];
	v8 =	vimm.f32 $0.0e+00;
	v7 =	vimm.f32 $0.0e+00;
	v26 =	vmul.f32 v9, v5  }
0x2a7: {  	s4 =	simm.s32 $0x1;
	s12 =	simm.s32 $0x0;
	s11 =	simm.s32 $0x2;
	v21 =	vld [tilespmem:s1+$0x8AA0];
	v9 =	vimm.f32 $0.0e+00;
	v11 =	vadd.f32 v6, v16;
	v6 =	vimm.f32 $0.0e+00  }
.LBB2_12:
0x2a8: {  	p0 =	sne.s32 s11, $0x1F;
	s3 =	smul.u32 $0x6000, s12;
	v16 =	vadd.f32 v26, v16;
	v24 =	vmul.f32 v24, v5;
	v26 =	vld [tilespmem:s1+$0x8AB0]  }
0x2a9: {  	s0 =	sadd.s32 $0x80, s0;
	v19 =	vadd.f32 v27, v19;
	v25 =	vmul.f32 v25, v5;
	v27 =	vld [tilespmem:s1+$0x8AC0]  }
0x2aa: {  	s12 =	sand.u32 $0x380, s0;
	s3 =	sshra.s32 s3, $0x2;
	v20 =	vadd.f32 v24, v20;
	v22 =	vmul.f32 v22, v5;
	v24 =	vld [tilespmem:s1+$0x8AD0]  }
0x2ab: {  	v18 =	vadd.f32 v25, v18;
	v23 =	vmul.f32 v23, v5;
	v25 =	vld [tilespmem:s1+$0x8AE0];
	s1 =	sor.u32 s12, s3  }
0x2ac: {  	v28 =	vld [tilespmem:s1+$0x8AF0];
	v17 =	vadd.f32 v22, v17;
	v21 =	vmul.f32 v21, v5  }
0x2ad: {  	p1 =	slt.u32 s4, $0x10;
	v22 =	vld [tilespmem:s1+$0x8680];
	v15 =	vadd.f32 v23, v15;
	v23 =	vmul.f32 v26, v5  }
0x2ae: {  	v29 =	vmov s4;
	s4 =	smov.u32 s11;
	v26 =	vpsel p1, v2, v3;
	v30 =	vld [tilespmem:s1+$0x8690];
	v27 =	vmul.f32 v27, v5  }
0x2af: {  	v26 =	vperm.xlane v26, v29;
	v10 =	vadd.f32 v21, v10;
	v29 =	vld [tilespmem:s1+$0x86A0];
	v21 =	vmul.f32 v24, v5  }
0x2b0: {  	v8 =	vadd.f32 v23, v8;
	v31 =	vld [tilespmem:s1+$0x86B0];
	v9 =	vadd.f32 v27, v9;
	v23 =	vmul.f32 v25, v5  }
0x2b1: {  	v5 =	vmov v26;
	v27 =	vld [tilespmem:s1+$0x86C0];
	v25 =	vmul.f32 v28, v26;
	v7 =	vadd.f32 v21, v7  }
0x2b2: {  	v21 =	vmul.f32 v22, v5;
	v28 =	vld [tilespmem:s1+$0x86D0];
	v6 =	vadd.f32 v23, v6  }
.Ltmp6:
0x2b3: {  	v22 =	vmul.f32 v30, v5;
	v24 =	vld [tilespmem:s1+$0x86E0];
	v4 =	vadd.f32 v25, v4;
	(pc) =	sbr.rel @p0 .LBB2_12-.Ltmp6, $4  }
0x2b4: {  	v14 =	vadd.f32 v21, v14;
	v21 =	vmul.f32 v29, v5;
	v25 =	vld [tilespmem:s1+$0x86F0]  }
0x2b5: {  	v13 =	vadd.f32 v22, v13;
	v29 =	vmul.f32 v31, v5;
	v22 =	vld [tilespmem:s1+$0x8A80]  }
0x2b6: {  	v12 =	vadd.f32 v21, v12;
	v26 =	vmul.f32 v27, v5;
	v23 =	vld [tilespmem:s1+$0x8A90]  }
0x2b7: {  	s11 =	sadd.s32 $0x1, s11;
	s12 =	sshrl.u32 s4, $0x3;
	v11 =	vadd.f32 v29, v11;
	v27 =	vmul.f32 v28, v5;
	v21 =	vld [tilespmem:s1+$0x8AA0]  }
0x2b8: {  	s3 =	smul.u32 $0x6000, s12;
	v28 =	vld [tilespmem:s1+$0x8AB0]  }
0x2b9: {  	v29 =	vld [tilespmem:s1+$0x8AC0];
	s0 =	sadd.s32 $0x80, s0  }
0x2ba: {  	v30 =	vld [tilespmem:s1+$0x8AD0];
	s0 =	sand.u32 $0x380, s0;
	s3 =	sshra.s32 s3, $0x2  }
0x2bb: {  	v31 =	vld [tilespmem:s1+$0x8AE0];
	s0 =	sor.u32 s0, s3  }
0x2bc: {  	v32 =	vld [tilespmem:s0+$0x8AF0]  }
0x2bd: {  	v33 =	vld [tilespmem:s0+$0x8680]  }
0x2be: {  	v34 =	vld [tilespmem:s0+$0x8690]  }
0x2bf: {  	v35 =	vld [tilespmem:s0+$0x86A0]  }
0x2c0: {  	v36 =	vld [tilespmem:s0+$0x86B0]  }
0x2c1: {  	v37 =	vld [tilespmem:s0+$0x86C0]  }
0x2c2: {  	v38 =	vld [tilespmem:s0+$0x86D0]  }
0x2c3: {  	p0 =	slt.u32 s4, $0x10;
	v39 =	vld [tilespmem:s0+$0x86E0]  }
0x2c4: {  	v42 =	vmov s4;
	v41 =	vpsel p0, v2, v3;
	v40 =	vld [tilespmem:s0+$0x86F0]  }
0x2c5: {  	v24 =	vmul.f32 v24, v5;
	v41 =	vperm.xlane v41, v42;
	v43 =	vld [tilespmem:s0+$0x8A80]  }
0x2c6: {  	v16 =	vadd.f32 v26, v16;
	v25 =	vmul.f32 v25, v5;
	v61 =	vld [tilespmem:s0+$0x8A90]  }
0x2c7: {  	v19 =	vadd.f32 v27, v19;
	v20 =	vadd.f32 v24, v20;
	v26 =	vld [tilespmem:s0+$0x8AA0];
	v24 =	vmul.f32 v33, v41  }
0x2c8: {  	v22 =	vmul.f32 v22, v5;
	v18 =	vadd.f32 v25, v18;
	v27 =	vld [tilespmem:s0+$0x8AB0];
	v25 =	vmul.f32 v34, v41  }
0x2c9: {  	v62 =	vld [tilespmem:s0+$0x8AC0];
	v63 =	vadd.f32 v24, v14  }
0x2ca: {  	v17 =	vadd.f32 v22, v17;
	v22 =	vld [tilespmem:s0+$0x8AE0];
	v14 =	vmul.f32 v35, v41;
	v25 =	vadd.f32 v25, v13  }
0x2cb: {  	v23 =	vmul.f32 v23, v5;
	v24 =	vld [tilespmem:s0+$0x8AD0];
	v13 =	vmul.f32 v36, v41;
	[tilespmem:$0xE980] =	vst v63  }
0x2cc: {  	v35 =	vadd.f32 v14, v12;
	v12 =	vmul.f32 v37, v41;
	[tilespmem:$0x1FF10] =	vst v25  }
0x2cd: {  	v21 =	vmul.f32 v21, v5;
	v14 =	vadd.f32 v23, v15;
	v23 =	vadd.f32 v13, v11;
	[tilespmem:$0xE990] =	vst v25  }
0x2ce: {  	v11 =	vmul.f32 v38, v41;
	v13 =	vmul.f32 v28, v5;
	v16 =	vadd.f32 v12, v16;
	[tilespmem:$0xE9A0] =	vst v35  }
0x2cf: {  	v15 =	vmul.f32 v29, v5;
	v12 =	vmul.f32 v39, v41;
	[tilespmem:$0xE9B0] =	vst v23  }
0x2d0: {  	v25 =	vadd.f32 v11, v19;
	v11 =	vmul.f32 v40, v41;
	v8 =	vadd.f32 v13, v8;
	[tilespmem:$0x1FF40] =	vst v16  }
0x2d1: {  	v9 =	vadd.f32 v15, v9;
	v13 =	vmul.f32 v62, v41;
	v19 =	vadd.f32 v12, v20;
	[tilespmem:$0xE9C0] =	vst v16  }
0x2d2: {  	v10 =	vadd.f32 v21, v10;
	v12 =	vmul.f32 v43, v41;
	v18 =	vadd.f32 v11, v18;
	[tilespmem:$0xE9D0] =	vst v25  }
0x2d3: {  	v16 =	vmul.f32 v30, v5;
	v11 =	vmul.f32 v61, v41;
	v9 =	vadd.f32 v13, v9;
	[tilespmem:$0xE9E0] =	vst v19  }
0x2d4: {  	v5 =	vmul.f32 v31, v5;
	v17 =	vadd.f32 v12, v17;
	v12 =	vmul.f32 v26, v41;
	[tilespmem:$0xE9F0] =	vst v18  }
0x2d5: {  	v14 =	vadd.f32 v11, v14;
	v11 =	vmul.f32 v27, v41;
	[tilespmem:$0xEA40] =	vst v9  }
0x2d6: {  	v5 =	vadd.f32 v5, v6;
	v6 =	vmul.f32 v22, v41;
	v12 =	vadd.f32 v12, v10;
	[tilespmem:$0xEA00] =	vst v17  }
0x2d7: {  	v7 =	vadd.f32 v16, v7;
	v10 =	vmul.f32 v24, v41;
	v11 =	vadd.f32 v11, v8;
	[tilespmem:$0xEA10] =	vst v14  }
0x2d8: {  	s12 =	simm.s32 $0x0;
	v8 =	vmul.f32 v32, v41;
	v5 =	vadd.f32 v6, v5;
	[tilespmem:$0xEA20] =	vst v12  }
0x2d9: {  	s16 =	smul.u32 $0x6000, s12;
	v7 =	vadd.f32 v10, v7;
	[tilespmem:$0xEA30] =	vst v11  }
0x2da: {  	s0 =	simm.s32 $0x0;
	v4 =	vadd.f32 v8, v4;
	[tilespmem:$0xEA60] =	vst v5  }
0x2db: {  	s1 =	sshra.s32 s16, $0x2;
	s18 =	sand.u32 $0x380, s0;
	[tilespmem:$0xEA50] =	vst v7  }
0x2dc: {  	s1 =	sor.u32 s18, s1;
	[tilespmem:$0xEA70] =	vst v4  }
0x2dd: {  	[tilespmem:$0x1FFF0] =	vst v4;
	v4 =	vld [tilespmem:s1+$0x92F0]  }
0x2de: {  	[tilespmem:$0x1FFC0] =	vst v9;
	v6 =	vld [tilespmem:s1+$0x8E80]  }
0x2df: {  	p6 =	por $0x1, $0x1;
	[tilespmem:$0x1FFD0] =	vst v7;
	v7 =	vld [tilespmem:s1+$0x8E90]  }
0x2e0: {  	v9 =	vmov s0;
	[tilespmem:$0x1FFE0] =	vst v5;
	v5 =	vpsel p6, v2, v3;
	v8 =	vld [tilespmem:s1+$0x8EA0]  }
0x2e1: {  	v5 =	vperm.xlane v5, v9;
	v9 =	vld [tilespmem:s1+$0x8EC0]  }
0x2e2: {  	[tilespmem:$0x1FF00] =	vst v63;
	v15 =	vld [tilespmem:s1+$0x8ED0]  }
0x2e3: {  	[tilespmem:$0x1FF20] =	vst v35  }
0x2e4: {  	[tilespmem:$0x1FF30] =	vst v23;
	v20 =	vimm.f32 $0.0e+00;
	v16 =	vimm.f32 $0.0e+00;
	v10 =	vld [tilespmem:s1+$0x8EB0]  }
0x2e5: {  	[tilespmem:$0x1FF60] =	vst v19;
	v19 =	vimm.f32 $0.0e+00;
	v4 =	vmul.f32 v4, v5;
	v6 =	vmul.f32 v6, v5  }
0x2e6: {  	[tilespmem:$0x1FF70] =	vst v18;
	v18 =	vimm.f32 $0.0e+00;
	v7 =	vmul.f32 v7, v5;
	v8 =	vmul.f32 v8, v5  }
0x2e7: {  	[tilespmem:$0x1FF80] =	vst v17;
	v17 =	vimm.f32 $0.0e+00;
	v24 =	vld [tilespmem:s1+$0x8EE0];
	v26 =	vmul.f32 v9, v5;
	v27 =	vmul.f32 v15, v5  }
0x2e8: {  	[tilespmem:$0x1FF50] =	vst v25;
	v25 =	vld [tilespmem:s1+$0x8EF0];
	v15 =	vimm.f32 $0.0e+00;
	v9 =	vimm.f32 $0.0e+00;
	v4 =	vadd.f32 v4, v16  }
0x2e9: {  	[tilespmem:$0x1FF90] =	vst v14;
	v22 =	vld [tilespmem:s1+$0x9280];
	v14 =	vadd.f32 v6, v16;
	v6 =	vmul.f32 v10, v5;
	v13 =	vadd.f32 v7, v16  }
0x2ea: {  	[tilespmem:$0x1FFA0] =	vst v12;
	v23 =	vld [tilespmem:s1+$0x9290];
	v12 =	vadd.f32 v8, v16;
	v10 =	vimm.f32 $0.0e+00;
	v8 =	vimm.f32 $0.0e+00  }
0x2eb: {  	s4 =	simm.s32 $0x1;
	s11 =	simm.s32 $0x2;
	s12 =	simm.s32 $0x0;
	[tilespmem:$0x1FFB0] =	vst v11;
	v21 =	vld [tilespmem:s1+$0x92A0];
	v7 =	vimm.f32 $0.0e+00;
	v11 =	vadd.f32 v6, v16;
	v6 =	vimm.f32 $0.0e+00  }
.LBB2_14:
0x2ec: {  	p0 =	sne.s32 s11, $0x1F;
	s3 =	smul.u32 $0x6000, s12;
	v16 =	vadd.f32 v26, v16;
	v24 =	vmul.f32 v24, v5;
	v26 =	vld [tilespmem:s1+$0x92B0]  }
0x2ed: {  	s0 =	sadd.s32 $0x80, s0;
	v19 =	vadd.f32 v27, v19;
	v25 =	vmul.f32 v25, v5;
	v27 =	vld [tilespmem:s1+$0x92C0]  }
0x2ee: {  	s12 =	sand.u32 $0x380, s0;
	s3 =	sshra.s32 s3, $0x2;
	v20 =	vadd.f32 v24, v20;
	v22 =	vmul.f32 v22, v5;
	v24 =	vld [tilespmem:s1+$0x92D0]  }
0x2ef: {  	v18 =	vadd.f32 v25, v18;
	v23 =	vmul.f32 v23, v5;
	v25 =	vld [tilespmem:s1+$0x92E0];
	s1 =	sor.u32 s12, s3  }
0x2f0: {  	v28 =	vld [tilespmem:s1+$0x92F0];
	v17 =	vadd.f32 v22, v17;
	v21 =	vmul.f32 v21, v5  }
0x2f1: {  	p1 =	slt.u32 s4, $0x10;
	v22 =	vld [tilespmem:s1+$0x8E80];
	v15 =	vadd.f32 v23, v15;
	v23 =	vmul.f32 v26, v5  }
0x2f2: {  	v29 =	vmov s4;
	s4 =	smov.u32 s11;
	v26 =	vpsel p1, v2, v3;
	v30 =	vld [tilespmem:s1+$0x8E90];
	v27 =	vmul.f32 v27, v5  }
0x2f3: {  	v26 =	vperm.xlane v26, v29;
	v10 =	vadd.f32 v21, v10;
	v29 =	vld [tilespmem:s1+$0x8EA0];
	v21 =	vmul.f32 v24, v5  }
0x2f4: {  	v8 =	vadd.f32 v23, v8;
	v31 =	vld [tilespmem:s1+$0x8EB0];
	v9 =	vadd.f32 v27, v9;
	v23 =	vmul.f32 v25, v5  }
0x2f5: {  	v5 =	vmov v26;
	v27 =	vld [tilespmem:s1+$0x8EC0];
	v25 =	vmul.f32 v28, v26;
	v7 =	vadd.f32 v21, v7  }
0x2f6: {  	v21 =	vmul.f32 v22, v5;
	v28 =	vld [tilespmem:s1+$0x8ED0];
	v6 =	vadd.f32 v23, v6  }
.Ltmp7:
0x2f7: {  	v22 =	vmul.f32 v30, v5;
	v24 =	vld [tilespmem:s1+$0x8EE0];
	v4 =	vadd.f32 v25, v4;
	(pc) =	sbr.rel @p0 .LBB2_14-.Ltmp7, $4  }
0x2f8: {  	v14 =	vadd.f32 v21, v14;
	v21 =	vmul.f32 v29, v5;
	v25 =	vld [tilespmem:s1+$0x8EF0]  }
0x2f9: {  	v13 =	vadd.f32 v22, v13;
	v29 =	vmul.f32 v31, v5;
	v22 =	vld [tilespmem:s1+$0x9280]  }
0x2fa: {  	v12 =	vadd.f32 v21, v12;
	v26 =	vmul.f32 v27, v5;
	v23 =	vld [tilespmem:s1+$0x9290]  }
0x2fb: {  	s11 =	sadd.s32 $0x1, s11;
	s12 =	sshrl.u32 s4, $0x3;
	v11 =	vadd.f32 v29, v11;
	v27 =	vmul.f32 v28, v5;
	v21 =	vld [tilespmem:s1+$0x92A0]  }
0x2fc: {  	s3 =	smul.u32 $0x6000, s12;
	v28 =	vld [tilespmem:s1+$0x92B0]  }
0x2fd: {  	v29 =	vld [tilespmem:s1+$0x92C0];
	s0 =	sadd.s32 $0x80, s0  }
0x2fe: {  	v30 =	vld [tilespmem:s1+$0x92D0];
	s0 =	sand.u32 $0x380, s0;
	s3 =	sshra.s32 s3, $0x2  }
0x2ff: {  	v32 =	vld [tilespmem:s1+$0x92E0];
	s0 =	sor.u32 s0, s3  }
0x300: {  	v39 =	vld [tilespmem:s0+$0x92F0]  }
0x301: {  	v31 =	vld [tilespmem:s0+$0x8E80]  }
0x302: {  	v33 =	vld [tilespmem:s0+$0x8E90]  }
0x303: {  	v34 =	vld [tilespmem:s0+$0x8EA0]  }
0x304: {  	v35 =	vld [tilespmem:s0+$0x8EB0]  }
0x305: {  	v36 =	vld [tilespmem:s0+$0x8EC0]  }
0x306: {  	p0 =	slt.u32 s4, $0x10;
	v37 =	vld [tilespmem:s0+$0x8ED0]  }
0x307: {  	v40 =	vmov s4;
	v38 =	vpsel p0, v2, v3;
	v42 =	vld [tilespmem:s0+$0x8EE0]  }
0x308: {  	v24 =	vmul.f32 v24, v5;
	v46 =	vperm.xlane v38, v40;
	v44 =	vld [tilespmem:s0+$0x8EF0]  }
0x309: {  	v45 =	vld [tilespmem:s0+$0x9280]  }
0x30a: {  	v25 =	vmul.f32 v25, v5;
	v20 =	vadd.f32 v24, v20;
	v47 =	vld [tilespmem:s0+$0x9290];
	v24 =	vmul.f32 v31, v46  }
0x30b: {  	v16 =	vadd.f32 v26, v16;
	v19 =	vadd.f32 v27, v19;
	v22 =	vmul.f32 v22, v5;
	v26 =	vld [tilespmem:s0+$0x92A0]  }
0x30c: {  	v18 =	vadd.f32 v25, v18;
	v27 =	vld [tilespmem:s0+$0x92B0];
	v25 =	vmul.f32 v33, v46;
	v63 =	vadd.f32 v24, v14  }
0x30d: {  	v48 =	vld [tilespmem:s0+$0x92C0]  }
0x30e: {  	v17 =	vadd.f32 v22, v17;
	v22 =	vld [tilespmem:s0+$0x92E0];
	v31 =	vmul.f32 v34, v46;
	v33 =	vadd.f32 v25, v13;
	[tilespmem:$0x1FE00] =	vst v63  }
0x30f: {  	v24 =	vld [tilespmem:s0+$0x92D0];
	[tilespmem:$0xEA80] =	vst v63  }
0x310: {  	v34 =	vmul.f32 v35, v46;
	v35 =	vadd.f32 v31, v12;
	[tilespmem:$0x1FE10] =	vst v33  }
0x311: {  	v23 =	vmul.f32 v23, v5;
	[tilespmem:$0xEA90] =	vst v33  }
0x312: {  	v36 =	vmul.f32 v36, v46;
	v25 =	vadd.f32 v34, v11;
	[tilespmem:$0x1FE20] =	vst v35  }
0x313: {  	v21 =	vmul.f32 v21, v5;
	v38 =	vadd.f32 v23, v15;
	v40 =	vmul.f32 v37, v46;
	[tilespmem:$0xEAA0] =	vst v35  }
0x314: {  	v41 =	vmul.f32 v28, v5;
	v42 =	vmul.f32 v42, v46;
	v16 =	vadd.f32 v36, v16;
	[tilespmem:$0x1FE30] =	vst v25  }
0x315: {  	v43 =	vmul.f32 v29, v5;
	v44 =	vmul.f32 v44, v46;
	v23 =	vadd.f32 v40, v19;
	[tilespmem:$0xEAB0] =	vst v25  }
0x316: {  	v50 =	vmul.f32 v30, v5;
	v49 =	vmul.f32 v45, v46;
	v19 =	vadd.f32 v42, v20;
	[tilespmem:$0xEAC0] =	vst v16  }
0x317: {  	v5 =	vmul.f32 v32, v5;
	v51 =	vmul.f32 v47, v46;
	v18 =	vadd.f32 v44, v18;
	[tilespmem:$0xEAD0] =	vst v23  }
0x318: {  	v10 =	vadd.f32 v21, v10;
	v52 =	vmul.f32 v26, v46;
	v17 =	vadd.f32 v49, v17;
	[tilespmem:$0xEAE0] =	vst v19  }
0x319: {  	v8 =	vadd.f32 v41, v8;
	v53 =	vmul.f32 v27, v46;
	v14 =	vadd.f32 v51, v38;
	[tilespmem:$0xEAF0] =	vst v18  }
0x31a: {  	v9 =	vadd.f32 v43, v9;
	v54 =	vmul.f32 v48, v46;
	v12 =	vadd.f32 v52, v10;
	[tilespmem:$0xEB00] =	vst v17  }
0x31b: {  	v5 =	vadd.f32 v5, v6;
	v56 =	vmul.f32 v22, v46;
	v11 =	vadd.f32 v53, v8;
	[tilespmem:$0xEB10] =	vst v14  }
0x31c: {  	v57 =	vmul.f32 v39, v46;
	v9 =	vadd.f32 v54, v9;
	[tilespmem:$0xEB20] =	vst v12  }
0x31d: {  	s12 =	simm.s32 $0x0;
	v7 =	vadd.f32 v50, v7;
	v5 =	vadd.f32 v56, v5;
	[tilespmem:$0xEB30] =	vst v11;
	v55 =	vmul.f32 v24, v46  }
0x31e: {  	s16 =	smul.u32 $0x6000, s12;
	v4 =	vadd.f32 v57, v4;
	[tilespmem:$0xEB40] =	vst v9  }
0x31f: {  	s0 =	simm.s32 $0x0;
	[tilespmem:$0xEB60] =	vst v5;
	v7 =	vadd.f32 v55, v7  }
0x320: {  	s1 =	sshra.s32 s16, $0x2;
	s18 =	sand.u32 $0x380, s0;
	[tilespmem:$0xEB70] =	vst v4  }
0x321: {  	s11 =	sor.u32 s18, s1;
	[tilespmem:$0xEB50] =	vst v7  }
0x322: {  	[tilespmem:$0x1FEF0] =	vst v4;
	v4 =	vld [tilespmem:s11+$0x9AF0]  }
0x323: {  	[tilespmem:$0x1FEE0] =	vst v5;
	v5 =	vld [tilespmem:s11+$0x9680]  }
0x324: {  	p6 =	por $0x1, $0x1;
	[tilespmem:$0x1FE40] =	vst v16;
	v58 =	vld [tilespmem:s11+$0x9690]  }
0x325: {  	v59 =	vpsel p6, v2, v3;
	v50 =	vimm.f32 $0.0e+00;
	[tilespmem:$0x1FED0] =	vst v7;
	v7 =	vld [tilespmem:s11+$0x96A0]  }
0x326: {  	v39 =	vimm.f32 $0.0e+00;
	v22 =	vimm.f32 $0.0e+00;
	v60 =	vmov s0;
	[tilespmem:$0x1FE50] =	vst v23;
	v61 =	vld [tilespmem:s11+$0x96B0]  }
0x327: {  	v53 =	vimm.f32 $0.0e+00;
	v54 =	vimm.f32 $0.0e+00;
	[tilespmem:$0x1FE60] =	vst v19;
	v21 =	vperm.xlane v59, v60;
	v62 =	vld [tilespmem:s11+$0x96C0]  }
0x328: {  	v52 =	vimm.f32 $0.0e+00;
	v51 =	vimm.f32 $0.0e+00;
	v42 =	vimm.f32 $0.0e+00;
	[tilespmem:$0x1FE70] =	vst v18;
	v63 =	vld [tilespmem:s11+$0x96D0]  }
0x329: {  	[tilespmem:$0x1FE80] =	vst v17;
	v25 =	vimm.f32 $0.0e+00;
	v23 =	vimm.f32 $0.0e+00;
	v56 =	vld [tilespmem:s11+$0x96E0];
	v4 =	vmul.f32 v4, v21  }
0x32a: {  	[tilespmem:$0x1FE90] =	vst v14;
	v24 =	vimm.f32 $0.0e+00;
	v57 =	vld [tilespmem:s11+$0x96F0];
	v5 =	vmul.f32 v5, v21;
	v6 =	vmul.f32 v58, v21  }
0x32b: {  	[tilespmem:$0x1FEA0] =	vst v12;
	v55 =	vld [tilespmem:s11+$0x9A80];
	v7 =	vmul.f32 v7, v21;
	v20 =	vadd.f32 v4, v50;
	v4 =	vmul.f32 v61, v21  }
0x32c: {  	[tilespmem:$0x1FEB0] =	vst v11;
	v48 =	vld [tilespmem:s11+$0x9A90];
	v58 =	vmul.f32 v62, v21;
	v47 =	vadd.f32 v5, v50;
	v46 =	vadd.f32 v6, v50  }
0x32d: {  	s4 =	simm.s32 $0x1;
	s12 =	simm.s32 $0x2;
	[tilespmem:$0x1FEC0] =	vst v9;
	s1 =	simm.s32 $0x0;
	v49 =	vld [tilespmem:s11+$0x9AA0];
	v59 =	vmul.f32 v63, v21;
	v45 =	vadd.f32 v7, v50;
	v44 =	vadd.f32 v4, v50  }
.LBB2_16:
0x32e: {  	p0 =	sne.s32 s12, $0x1F;
	s1 =	smul.u32 $0x6000, s1;
	v50 =	vadd.f32 v58, v50;
	v4 =	vmul.f32 v56, v21;
	v5 =	vld [tilespmem:s11+$0x9AB0]  }
0x32f: {  	s0 =	sadd.s32 $0x80, s0;
	v53 =	vadd.f32 v59, v53;
	v6 =	vmul.f32 v57, v21;
	v7 =	vld [tilespmem:s11+$0x9AC0]  }
0x330: {  	s3 =	sand.u32 $0x380, s0;
	s1 =	sshra.s32 s1, $0x2;
	v54 =	vadd.f32 v4, v54;
	v4 =	vmul.f32 v55, v21;
	v8 =	vld [tilespmem:s11+$0x9AD0]  }
0x331: {  	v52 =	vadd.f32 v6, v52;
	v6 =	vmul.f32 v48, v21;
	v9 =	vld [tilespmem:s11+$0x9AE0];
	s11 =	sor.u32 s3, s1  }
0x332: {  	v10 =	vld [tilespmem:s11+$0x9AF0];
	v51 =	vadd.f32 v4, v51;
	v4 =	vmul.f32 v49, v21  }
0x333: {  	p1 =	slt.u32 s4, $0x10;
	v11 =	vld [tilespmem:s11+$0x9680];
	v42 =	vadd.f32 v6, v42;
	v5 =	vmul.f32 v5, v21  }
0x334: {  	v12 =	vmov s4;
	s4 =	smov.u32 s12;
	v6 =	vpsel p1, v2, v3;
	v13 =	vld [tilespmem:s11+$0x9690];
	v7 =	vmul.f32 v7, v21  }
0x335: {  	v6 =	vperm.xlane v6, v12;
	v39 =	vadd.f32 v4, v39;
	v12 =	vld [tilespmem:s11+$0x96A0];
	v4 =	vmul.f32 v8, v21  }
0x336: {  	v24 =	vadd.f32 v5, v24;
	v8 =	vld [tilespmem:s11+$0x96B0];
	v25 =	vadd.f32 v7, v25;
	v5 =	vmul.f32 v9, v21  }
0x337: {  	v21 =	vmov v6;
	v7 =	vld [tilespmem:s11+$0x96C0];
	v9 =	vmul.f32 v10, v6;
	v23 =	vadd.f32 v4, v23  }
0x338: {  	v4 =	vmul.f32 v11, v21;
	v6 =	vld [tilespmem:s11+$0x96D0];
	v22 =	vadd.f32 v5, v22  }
.Ltmp8:
0x339: {  	v5 =	vmul.f32 v13, v21;
	v56 =	vld [tilespmem:s11+$0x96E0];
	v20 =	vadd.f32 v9, v20;
	(pc) =	sbr.rel @p0 .LBB2_16-.Ltmp8, $4  }
0x33a: {  	v47 =	vadd.f32 v4, v47;
	v4 =	vmul.f32 v12, v21;
	v57 =	vld [tilespmem:s11+$0x96F0]  }
0x33b: {  	v46 =	vadd.f32 v5, v46;
	v5 =	vmul.f32 v8, v21;
	v55 =	vld [tilespmem:s11+$0x9A80]  }
0x33c: {  	v45 =	vadd.f32 v4, v45;
	v58 =	vmul.f32 v7, v21;
	v48 =	vld [tilespmem:s11+$0x9A90]  }
0x33d: {  	s12 =	sadd.s32 $0x1, s12;
	s1 =	sshrl.u32 s4, $0x3;
	v44 =	vadd.f32 v5, v44;
	v59 =	vmul.f32 v6, v21;
	v49 =	vld [tilespmem:s11+$0x9AA0]  }
0x33e: {  	v28 =	vld [tilespmem:$0xE680];
	_ =	sdelay $0x1  }
0x33f: {  	v29 =	vld [tilespmem:$0xE690];
	_ =	sdelay $0x1  }
0x340: {  	v30 =	vld [tilespmem:$0xE6A0]  }
0x341: {  	v4 =	vadd.f32 $0.0e+00, v28  }
0x342: {  	v31 =	vld [tilespmem:$0xE6B0]  }
0x343: {  	v4 =	vadd.f32 v29, v4  }
0x344: {  	v32 =	vld [tilespmem:$0xE6C0]  }
0x345: {  	v4 =	vadd.f32 v30, v4  }
0x346: {  	v33 =	vld [tilespmem:$0xE6D0]  }
0x347: {  	v4 =	vadd.f32 v31, v4  }
0x348: {  	v34 =	vld [tilespmem:$0xE6E0]  }
0x349: {  	v4 =	vadd.f32 v32, v4  }
0x34a: {  	v35 =	vld [tilespmem:$0xE6F0]  }
0x34b: {  	v4 =	vadd.f32 v33, v4  }
0x34c: {  	v36 =	vld [tilespmem:$0xE700]  }
0x34d: {  	v4 =	vadd.f32 v34, v4  }
0x34e: {  	v37 =	vld [tilespmem:$0xE710]  }
0x34f: {  	v4 =	vadd.f32 v35, v4  }
0x350: {  	v38 =	vld [tilespmem:$0xE720]  }
0x351: {  	v4 =	vadd.f32 v36, v4  }
0x352: {  	v40 =	vld [tilespmem:$0xE730]  }
0x353: {  	v4 =	vadd.f32 v37, v4  }
0x354: {  	v41 =	vld [tilespmem:$0xE740]  }
0x355: {  	v4 =	vadd.f32 v38, v4  }
0x356: {  	v43 =	vld [tilespmem:$0xE750]  }
0x357: {  	v4 =	vadd.f32 v40, v4  }
0x358: {  	v7 =	vld [tilespmem:$0xE760]  }
0x359: {  	v4 =	vadd.f32 v41, v4  }
0x35a: {  	v8 =	vld [tilespmem:$0xE770]  }
0x35b: {  	v4 =	vadd.f32 v43, v4  }
0x35c: {  	v9 =	vld [tilespmem:$0xE780]  }
0x35d: {  	v4 =	vadd.f32 v7, v4  }
0x35e: {  	v10 =	vld [tilespmem:$0xE790]  }
0x35f: {  	v4 =	vadd.f32 v8, v4  }
0x360: {  	v11 =	vld [tilespmem:$0xE7A0]  }
0x361: {  	v4 =	vadd.f32 v9, v4  }
0x362: {  	v12 =	vld [tilespmem:$0xE7B0]  }
0x363: {  	v4 =	vadd.f32 v10, v4  }
0x364: {  	v13 =	vld [tilespmem:$0xE7C0]  }
0x365: {  	v4 =	vadd.f32 v11, v4  }
0x366: {  	v15 =	vld [tilespmem:$0xE7D0]  }
0x367: {  	v4 =	vadd.f32 v12, v4  }
0x368: {  	v16 =	vld [tilespmem:$0xE7E0]  }
0x369: {  	v4 =	vadd.f32 v13, v4  }
0x36a: {  	v17 =	vld [tilespmem:$0xE7F0]  }
0x36b: {  	v4 =	vadd.f32 v15, v4  }
0x36c: {  	v18 =	vld [tilespmem:$0xE800]  }
0x36d: {  	v4 =	vadd.f32 v16, v4  }
0x36e: {  	v19 =	vld [tilespmem:$0xE810]  }
0x36f: {  	v4 =	vadd.f32 v17, v4  }
0x370: {  	v26 =	vld [tilespmem:$0xE820]  }
0x371: {  	v4 =	vadd.f32 v18, v4  }
0x372: {  	v27 =	vld [tilespmem:$0xE830]  }
0x373: {  	v14 =	vadd.f32 v19, v4  }
0x374: {  	v60 =	vld [tilespmem:$0xE840]  }
0x375: {  	v14 =	vadd.f32 v26, v14  }
0x376: {  	v63 =	vld [tilespmem:$0xE850]  }
0x377: {  	v14 =	vadd.f32 v27, v14  }
0x378: {  	v62 =	vld [tilespmem:$0xE860]  }
0x379: {  	v14 =	vadd.f32 v60, v14  }
0x37a: {  	v61 =	vld [tilespmem:$0xE870]  }
0x37b: {  	v14 =	vadd.f32 v63, v14  }
0x37c: {  	v4 =	vld [tilespmem:$0xE880]  }
0x37d: {  	v14 =	vadd.f32 v62, v14  }
0x37e: {  	v6 =	vld [tilespmem:$0xE890]  }
0x37f: {  	v14 =	vadd.f32 v61, v14  }
0x380: {  	v5 =	vld [tilespmem:$0xE8A0]  }
0x381: {  	v14 =	vadd.f32 v4, v14  }
0x382: {  	[tilespmem:$0x1FD00] =	vst v4;
	v4 =	vld [tilespmem:$0xE8B0]  }
0x383: {  	v14 =	vadd.f32 v6, v14  }
0x384: {  	[tilespmem:$0x1FD10] =	vst v6;
	v6 =	vld [tilespmem:$0xE8C0]  }
0x385: {  	v14 =	vadd.f32 v5, v14  }
0x386: {  	[tilespmem:$0x1FD20] =	vst v5;
	v5 =	vld [tilespmem:$0xE8D0]  }
0x387: {  	v14 =	vadd.f32 v4, v14  }
0x388: {  	[tilespmem:$0x1FD30] =	vst v4;
	v4 =	vld [tilespmem:$0xE8E0]  }
0x389: {  	v14 =	vadd.f32 v6, v14  }
0x38a: {  	[tilespmem:$0x1FD40] =	vst v6;
	v6 =	vld [tilespmem:$0xE8F0]  }
0x38b: {  	v14 =	vadd.f32 v5, v14  }
0x38c: {  	[tilespmem:$0x1FD50] =	vst v5;
	v5 =	vld [tilespmem:$0xE900]  }
0x38d: {  	v14 =	vadd.f32 v4, v14  }
0x38e: {  	[tilespmem:$0x1FD60] =	vst v4;
	v4 =	vld [tilespmem:$0xE910]  }
0x38f: {  	v14 =	vadd.f32 v6, v14  }
0x390: {  	[tilespmem:$0x1FD70] =	vst v6;
	v6 =	vld [tilespmem:$0xE920]  }
0x391: {  	v14 =	vadd.f32 v5, v14  }
0x392: {  	[tilespmem:$0x1FD80] =	vst v5;
	v5 =	vld [tilespmem:$0xE930]  }
0x393: {  	v14 =	vadd.f32 v4, v14  }
0x394: {  	[tilespmem:$0x1FD90] =	vst v4;
	v4 =	vld [tilespmem:$0xE940]  }
0x395: {  	v14 =	vadd.f32 v6, v14  }
0x396: {  	[tilespmem:$0x1FDA0] =	vst v6;
	v6 =	vld [tilespmem:$0xE950]  }
0x397: {  	v14 =	vadd.f32 v5, v14  }
0x398: {  	[tilespmem:$0x1FDB0] =	vst v5;
	v5 =	vld [tilespmem:$0xE960]  }
0x399: {  	v14 =	vadd.f32 v4, v14  }
0x39a: {  	[tilespmem:$0x1FDC0] =	vst v4;
	v4 =	vld [tilespmem:$0xE970]  }
0x39b: {  	v14 =	vadd.f32 v6, v14;
	_ =	sdelay $0x1  }
0x39c: {  	v14 =	vadd.f32 v5, v14;
	_ =	sdelay $0x1  }
0x39d: {  	v14 =	vadd.f32 v4, v14;
	_ =	sdelay $0x1  }
0x39e: {  	(xrf2) =	vadd.scan.msk.f32 $0xffff, v14;
	_ =	sdelay $0x9  }
0x39f: {  	v14, _, _ =	vpop (xrf2)  }
0x3a0: {  	(v2sf) =	vpush v14, $0xF;
	_ =	sdelay $0xe  }
0x3a1: {  	s3 =	spop (v2sf)  }
0x3a2: {  	s12 =	smul.f32 $1.302083370e-03, s3;
	_ =	sdelay $0x1  }
0x3a3: {  	v14 =	vmov s12  }
0x3a4: {  	v28 =	vsub.f32 v28, v14;
	v29 =	vsub.f32 v29, v14;
	_ =	sdelay $0x1  }
0x3a5: {  	v30 =	vsub.f32 v30, v14;
	v28 =	vmul.f32 v28, v28;
	v29 =	vmul.f32 v29, v29  }
0x3a6: {  	[tilespmem:$0x1FDE0] =	vst v5  }
0x3a7: {  	[tilespmem:$0x1FDF0] =	vst v4;
	v5 =	vsub.f32 v31, v14;
	v4 =	vmul.f32 v30, v30;
	v28 =	vadd.f32 v29, v28;
	_ =	sdelay $0x1  }
0x3a8: {  	[tilespmem:$0x1FDD0] =	vst v6;
	v6 =	vmul.f32 v5, v5;
	v28 =	vadd.f32 v28, v4;
	v4 =	vsub.f32 v32, v14;
	_ =	sdelay $0x1  }
0x3a9: {  	v28 =	vadd.f32 v28, v6;
	v5 =	vmul.f32 v4, v4;
	v6 =	vsub.f32 v33, v14;
	_ =	sdelay $0x1  }
0x3aa: {  	v4 =	vsub.f32 v34, v14;
	v28 =	vadd.f32 v28, v5;
	v33 =	vmul.f32 v6, v6;
	_ =	sdelay $0x1  }
0x3ab: {  	v5 =	vmul.f32 v4, v4;
	v6 =	vsub.f32 v35, v14;
	v28 =	vadd.f32 v28, v33;
	_ =	sdelay $0x1  }
0x3ac: {  	v34 =	vsub.f32 v36, v14;
	v33 =	vmul.f32 v6, v6;
	v28 =	vadd.f32 v28, v5;
	_ =	sdelay $0x1  }
0x3ad: {  	v36 =	vsub.f32 v37, v14;
	v35 =	vmul.f32 v34, v34;
	v28 =	vadd.f32 v28, v33;
	_ =	sdelay $0x1  }
0x3ae: {  	v37 =	vmul.f32 v36, v36;
	v4 =	vsub.f32 v38, v14;
	v28 =	vadd.f32 v28, v35;
	_ =	sdelay $0x1  }
0x3af: {  	v6 =	vsub.f32 v40, v14;
	v5 =	vmul.f32 v4, v4;
	v28 =	vadd.f32 v28, v37;
	_ =	sdelay $0x1  }
0x3b0: {  	v34 =	vsub.f32 v41, v14;
	v33 =	vmul.f32 v6, v6;
	v28 =	vadd.f32 v28, v5;
	_ =	sdelay $0x1  }
0x3b1: {  	v36 =	vsub.f32 v43, v14;
	v35 =	vmul.f32 v34, v34;
	v28 =	vadd.f32 v28, v33;
	_ =	sdelay $0x1  }
0x3b2: {  	v38 =	vsub.f32 v7, v14;
	v37 =	vmul.f32 v36, v36;
	v28 =	vadd.f32 v28, v35;
	_ =	sdelay $0x1  }
0x3b3: {  	v40 =	vsub.f32 v8, v14;
	v5 =	vmul.f32 v38, v38;
	v28 =	vadd.f32 v28, v37;
	_ =	sdelay $0x1  }
0x3b4: {  	v41 =	vsub.f32 v9, v14;
	v6 =	vmul.f32 v40, v40;
	v5 =	vadd.f32 v28, v5;
	_ =	sdelay $0x1  }
0x3b5: {  	v9 =	vsub.f32 v10, v14;
	v43 =	vmul.f32 v41, v41;
	v5 =	vadd.f32 v5, v6;
	_ =	sdelay $0x1  }
0x3b6: {  	v10 =	vmul.f32 v9, v9;
	v28 =	vsub.f32 v11, v14;
	v5 =	vadd.f32 v5, v43;
	_ =	sdelay $0x1  }
0x3b7: {  	v30 =	vsub.f32 v12, v14;
	v29 =	vmul.f32 v28, v28;
	v5 =	vadd.f32 v5, v10;
	_ =	sdelay $0x1  }
0x3b8: {  	v31 =	vmul.f32 v30, v30;
	v32 =	vsub.f32 v13, v14;
	v5 =	vadd.f32 v5, v29;
	_ =	sdelay $0x1  }
0x3b9: {  	v34 =	vsub.f32 v15, v14;
	v33 =	vmul.f32 v32, v32;
	v5 =	vadd.f32 v5, v31;
	_ =	sdelay $0x1  }
0x3ba: {  	v36 =	vsub.f32 v16, v14;
	v35 =	vmul.f32 v34, v34;
	v5 =	vadd.f32 v5, v33;
	_ =	sdelay $0x1  }
0x3bb: {  	v38 =	vsub.f32 v17, v14;
	v37 =	vmul.f32 v36, v36;
	v5 =	vadd.f32 v5, v35;
	_ =	sdelay $0x1  }
0x3bc: {  	v41 =	vsub.f32 v18, v14;
	v40 =	vmul.f32 v38, v38;
	v5 =	vadd.f32 v5, v37;
	_ =	sdelay $0x1  }
0x3bd: {  	v9 =	vsub.f32 v19, v14;
	v43 =	vmul.f32 v41, v41;
	v5 =	vadd.f32 v5, v40;
	_ =	sdelay $0x1  }
0x3be: {  	v11 =	vsub.f32 v26, v14;
	v10 =	vmul.f32 v9, v9;
	v5 =	vadd.f32 v5, v43;
	_ =	sdelay $0x1  }
0x3bf: {  	v13 =	vsub.f32 v27, v14;
	v12 =	vmul.f32 v11, v11;
	v5 =	vadd.f32 v5, v10;
	_ =	sdelay $0x1  }
0x3c0: {  	v15 =	vmul.f32 v13, v13;
	v16 =	vsub.f32 v60, v14;
	v5 =	vadd.f32 v5, v12;
	_ =	sdelay $0x1  }
0x3c1: {  	v4 =	vmul.f32 v16, v16;
	v17 =	vsub.f32 v63, v14;
	v5 =	vadd.f32 v5, v15  }
0x3c2: {  	v29 =	vld [tilespmem:$0x1FD00]  }
0x3c3: {  	v19 =	vsub.f32 v62, v14;
	v18 =	vmul.f32 v17, v17;
	v4 =	vadd.f32 v5, v4  }
0x3c4: {  	v31 =	vld [tilespmem:$0x1FD10]  }
0x3c5: {  	v27 =	vsub.f32 v61, v14;
	v26 =	vmul.f32 v19, v19;
	v4 =	vadd.f32 v4, v18  }
0x3c6: {  	v33 =	vld [tilespmem:$0x1FD20]  }
0x3c7: {  	v28 =	vmul.f32 v27, v27;
	v6 =	vsub.f32 v29, v14;
	v4 =	vadd.f32 v4, v26  }
0x3c8: {  	v35 =	vld [tilespmem:$0x1FD30]  }
0x3c9: {  	v30 =	vmul.f32 v6, v6;
	v6 =	vsub.f32 v31, v14;
	v4 =	vadd.f32 v4, v28  }
0x3ca: {  	v37 =	vld [tilespmem:$0x1FD40]  }
0x3cb: {  	v32 =	vmul.f32 v6, v6;
	v6 =	vsub.f32 v33, v14;
	v4 =	vadd.f32 v4, v30  }
0x3cc: {  	v40 =	vld [tilespmem:$0x1FD50]  }
0x3cd: {  	v34 =	vmul.f32 v6, v6;
	v6 =	vsub.f32 v35, v14;
	v4 =	vadd.f32 v4, v32  }
0x3ce: {  	v43 =	vld [tilespmem:$0x1FD60]  }
0x3cf: {  	v36 =	vmul.f32 v6, v6;
	v6 =	vsub.f32 v37, v14;
	v4 =	vadd.f32 v4, v34  }
0x3d0: {  	v61 =	vld [tilespmem:$0x1FD70]  }
0x3d1: {  	v38 =	vmul.f32 v6, v6;
	v6 =	vsub.f32 v40, v14;
	v4 =	vadd.f32 v4, v36  }
0x3d2: {  	v63 =	vld [tilespmem:$0x1FD80]  }
0x3d3: {  	v41 =	vmul.f32 v6, v6;
	v6 =	vsub.f32 v43, v14;
	v4 =	vadd.f32 v4, v38  }
0x3d4: {  	v10 =	vld [tilespmem:$0x1FD90]  }
0x3d5: {  	v60 =	vmul.f32 v6, v6;
	v6 =	vsub.f32 v61, v14;
	v4 =	vadd.f32 v4, v41  }
0x3d6: {  	v12 =	vld [tilespmem:$0x1FDA0]  }
0x3d7: {  	v62 =	vmul.f32 v6, v6;
	v6 =	vsub.f32 v63, v14;
	v4 =	vadd.f32 v4, v60  }
0x3d8: {  	v15 =	vld [tilespmem:$0x1FDB0]  }
0x3d9: {  	v9 =	vmul.f32 v6, v6;
	v6 =	vsub.f32 v10, v14;
	v4 =	vadd.f32 v4, v62  }
0x3da: {  	v17 =	vld [tilespmem:$0x1FDC0]  }
0x3db: {  	v11 =	vmul.f32 v6, v6;
	v6 =	vsub.f32 v12, v14;
	v4 =	vadd.f32 v4, v9  }
0x3dc: {  	v19 =	vld [tilespmem:$0x1FDD0]  }
0x3dd: {  	v13 =	vmul.f32 v6, v6;
	v6 =	vsub.f32 v15, v14;
	v4 =	vadd.f32 v4, v11  }
0x3de: {  	v27 =	vld [tilespmem:$0x1FDE0]  }
0x3df: {  	v16 =	vmul.f32 v6, v6;
	v6 =	vsub.f32 v17, v14;
	v4 =	vadd.f32 v4, v13  }
0x3e0: {  	v29 =	vld [tilespmem:$0x1FDF0]  }
0x3e1: {  	v18 =	vmul.f32 v6, v6;
	v6 =	vsub.f32 v19, v14;
	v4 =	vadd.f32 v4, v16;
	_ =	sdelay $0x1  }
0x3e2: {  	v26 =	vmul.f32 v6, v6;
	v6 =	vsub.f32 v27, v14;
	v4 =	vadd.f32 v4, v18;
	_ =	sdelay $0x1  }
0x3e3: {  	v28 =	vmul.f32 v6, v6;
	v6 =	vsub.f32 v29, v14;
	v4 =	vadd.f32 v4, v26;
	_ =	sdelay $0x1  }
0x3e4: {  	v30 =	vmul.f32 v6, v6;
	v4 =	vadd.f32 v4, v28;
	_ =	sdelay $0x1  }
0x3e5: {  	v4 =	vadd.f32 v4, v30;
	_ =	sdelay $0x1  }
0x3e6: {  	(xrf2) =	vadd.scan.msk.f32 $0xffff, v4;
	_ =	sdelay $0x9  }
0x3e7: {  	v4, _, _ =	vpop (xrf2)  }
0x3e8: {  	(v2sf) =	vpush v4, $0xF;
	_ =	sdelay $0x4  }
0x3e9: {  	s1 =	smul.u32 $0x6000, s1;
	p0 =	slt.u32 s4, $0x10  }
0x3ea: {  	s0 =	sadd.s32 $0x80, s0;
	v2 =	vpsel p0, v2, v3;
	v3 =	vld [tilespmem:$0x1FF10]  }
0x3eb: {  	s0 =	sand.u32 $0x380, s0;
	s1 =	sshra.s32 s1, $0x2;
	v37 =	vld [tilespmem:$0xEC90]  }
0x3ec: {  	v50 =	vadd.f32 v58, v50;
	v58 =	vld [tilespmem:$0xECD0];
	s0 =	sor.u32 s0, s1  }
0x3ed: {  	v7 =	vld [tilespmem:s0+$0x9AC0]  }
0x3ee: {  	v40 =	vld [tilespmem:$0xECA0]  }
0x3ef: {  	v43 =	vld [tilespmem:$0xECB0]  }
0x3f0: {  	v3 =	vadd.f32 v37, v3;
	v37 =	vld [tilespmem:$0x1FF20]  }
0x3f1: {  	v61 =	vld [tilespmem:s11+$0x9AE0]  }
0x3f2: {  	v63 =	vld [tilespmem:s0+$0x9AE0]  }
0x3f3: {  	v10 =	vld [tilespmem:s0+$0x9A90];
	s16 =	spop (v2sf)  }
0x3f4: {  	v12 =	vld [tilespmem:s0+$0x96E0];
	s3 =	smul.f32 $1.302083370e-03, s16  }
0x3f5: {  	v15 =	vld [tilespmem:s0+$0x96D0]  }
0x3f6: {  	v17 =	vld [tilespmem:s0+$0x96A0];
	s3 =	sadd.f32 $9.999999740e-06, s3  }
0x3f7: {  	v19 =	vld [tilespmem:s0+$0x9690]  }
0x3f8: {  	v14 =	vld [tilespmem:s0+$0x96C0];
	v38 =	vmul.f32 v56, v21;
	v56 =	vadd.f32 v59, v53;
	v31 =	vmov s3  }
0x3f9: {  	v59 =	vmul.f32 v55, v21;
	v55 =	vld [tilespmem:$0x1FF60];
	v32 =	vshra.s32 v31, $0x1;
	v33 =	vmul.f32 $5.000000000e-01, v31  }
0x3fa: {  	v6 =	vld [tilespmem:s11+$0x9AB0];
	v5 =	vsub.s32 $0x5F3759DF, v32  }
0x3fb: {  	v41 =	vmul.f32 v57, v21;
	v57 =	vld [tilespmem:$0x1FF00];
	v34 =	vmul.f32 v5, v33  }
0x3fc: {  	v51 =	vadd.f32 v59, v51;
	v59 =	vld [tilespmem:$0xECE0]  }
0x3fd: {  	v53 =	vadd.f32 v38, v54;
	v38 =	vmov s4;
	v54 =	vld [tilespmem:$0x1FF50];
	v8 =	vmul.f32 v5, v34  }
0x3fe: {  	v2 =	vperm.xlane v2, v38;
	v38 =	vld [tilespmem:$0x1FFC0]  }
0x3ff: {  	v60 =	vld [tilespmem:s0+$0x9AF0];
	v8 =	vsub.f32 $1.500000000e+00, v8  }
0x400: {  	v52 =	vadd.f32 v41, v52;
	v41 =	vld [tilespmem:$0xED00];
	v19 =	vmul.f32 v19, v2  }
0x401: {  	v17 =	vmul.f32 v17, v2;
	v62 =	vld [tilespmem:s11+$0x9AD0];
	v5 =	vmul.f32 v5, v8  }
0x402: {  	v12 =	vmul.f32 v12, v2;
	v19 =	vadd.f32 v19, v46;
	v46 =	vld [tilespmem:$0x1FEC0]  }
0x403: {  	v17 =	vadd.f32 v17, v45;
	v45 =	vld [tilespmem:$0xEEF0];
	v8 =	vmul.f32 v5, v33  }
0x404: {  	v12 =	vadd.f32 v12, v53;
	v53 =	vld [tilespmem:$0xEF30]  }
0x405: {  	v26 =	vld [tilespmem:s0+$0x9680];
	v8 =	vmul.f32 v8, v5  }
0x406: {  	v9 =	vld [tilespmem:s0+$0x9AA0]  }
0x407: {  	v11 =	vld [tilespmem:s0+$0x9A80];
	v8 =	vsub.f32 $1.500000000e+00, v8  }
0x408: {  	v30 =	vadd.f32 v40, v37;
	v40 =	vld [tilespmem:$0x1FF30]  }
0x409: {  	v13 =	vld [tilespmem:s0+$0x96F0];
	v35 =	vmul.f32 v8, v5  }
0x40a: {  	v16 =	vld [tilespmem:s0+$0x96B0];
	v26 =	vmul.f32 v26, v2  }
0x40b: {  	v28 =	vld [tilespmem:$0xEC80];
	v36 =	vmul.f32 v35, v33  }
0x40c: {  	v26 =	vadd.f32 v26, v47;
	v47 =	vld [tilespmem:$0xEE90]  }
0x40d: {  	v31 =	vadd.f32 v43, v40;
	v40 =	vld [tilespmem:$0x1FF80];
	v27 =	vmul.f32 v36, v35  }
0x40e: {  	v4 =	vld [tilespmem:s11+$0x9AC0]  }
0x40f: {  	v43 =	vld [tilespmem:$0x1FF40];
	v27 =	vsub.f32 $1.500000000e+00, v27  }
0x410: {  	v32 =	vld [tilespmem:$0xEDF0]  }
0x411: {  	v34 =	vld [tilespmem:$0xECF0];
	v18 =	vmul.f32 v27, v35  }
0x412: {  	v29 =	vadd.f32 v41, v40;
	v41 =	vld [tilespmem:$0xED50]  }
0x413: {  	v36 =	vld [tilespmem:$0xECC0];
	v18 =	vmul.f32 s3, v18  }
0x414: {  	v40 =	vld [tilespmem:$0xED90]  }
0x415: {  	v8 =	vld [tilespmem:s0+$0x9AB0];
	v3 =	vmul.f32 v18, v3  }
0x416: {  	v5 =	vld [tilespmem:s0+$0x9AD0];
	[tilespmem:$0xEB90] =	vst v19;
	v19 =	vadd.f32 v47, v19  }
0x417: {  	v47 =	vld [tilespmem:$0xEF10];
	v27 =	vadd.f32 v28, v57;
	v3 =	vadd.f32 s12, v3  }
0x418: {  	v35 =	vld [tilespmem:$0xED10];
	v33 =	vadd.f32 v36, v43  }
0x419: {  	v27 =	vmul.f32 v18, v27;
	[tilespmem:$0xE990] =	vst v3;
	v3 =	vld [tilespmem:$0x1FF70]  }
0x41a: {  	v28 =	vadd.f32 v58, v54;
	v54 =	vld [tilespmem:$0xED60];
	v30 =	vmul.f32 v18, v30;
	v58 =	vmul.f32 v18, v33  }
0x41b: {  	v43 =	vld [tilespmem:$0x1FF90];
	v27 =	vadd.f32 s12, v27  }
0x41c: {  	v57 =	vadd.f32 s12, v30;
	v30 =	vadd.f32 s12, v58;
	v58 =	vld [tilespmem:$0x1FFB0]  }
0x41d: {  	v31 =	vmul.f32 v18, v31;
	[tilespmem:$0xE980] =	vst v27;
	v27 =	vadd.f32 v59, v55;
	v59 =	vld [tilespmem:$0xED30]  }
0x41e: {  	v28 =	vmul.f32 v18, v28;
	v3 =	vadd.f32 v34, v3;
	v34 =	vld [tilespmem:$0xED40]  }
0x41f: {  	v36 =	vld [tilespmem:$0xED20];
	v31 =	vadd.f32 s12, v31;
	v27 =	vmul.f32 v18, v27  }
0x420: {  	v28 =	vadd.f32 s12, v28;
	[tilespmem:$0xE9A0] =	vst v57;
	v55 =	vld [tilespmem:$0x1FFA0];
	v3 =	vmul.f32 v18, v3  }
0x421: {  	[tilespmem:$0xE9B0] =	vst v31;
	v31 =	vadd.f32 v35, v43;
	v57 =	vld [tilespmem:$0xED70];
	v27 =	vadd.f32 s12, v27  }
0x422: {  	[tilespmem:$0xE9D0] =	vst v28;
	v43 =	vld [tilespmem:$0x1FFE0];
	v28 =	vadd.f32 v59, v58;
	v3 =	vadd.f32 s12, v3  }
0x423: {  	[tilespmem:$0xE9E0] =	vst v27;
	v27 =	vadd.f32 v34, v38;
	v38 =	vld [tilespmem:$0x1FE10]  }
0x424: {  	v28 =	vmul.f32 v18, v28;
	[tilespmem:$0xE9F0] =	vst v3;
	v3 =	vld [tilespmem:$0x1FFD0]  }
0x425: {  	v35 =	vld [tilespmem:$0xEE00]  }
0x426: {  	v29 =	vmul.f32 v18, v29;
	v59 =	vld [tilespmem:$0xED80];
	v28 =	vadd.f32 s12, v28  }
0x427: {  	[tilespmem:$0xE9C0] =	vst v30;
	v30 =	vadd.f32 v36, v55;
	v55 =	vld [tilespmem:$0x1FFF0]  }
0x428: {  	v29 =	vadd.f32 s12, v29;
	v31 =	vmul.f32 v18, v31;
	[tilespmem:$0xEA30] =	vst v28;
	v28 =	vadd.f32 v40, v38;
	v40 =	vld [tilespmem:$0x1FE20]  }
0x429: {  	v3 =	vadd.f32 v41, v3;
	v41 =	vld [tilespmem:$0xEDA0]  }
0x42a: {  	[tilespmem:$0xEA00] =	vst v29;
	v31 =	vadd.f32 s12, v31;
	v29 =	vadd.f32 v54, v43;
	v54 =	vld [tilespmem:$0xEDB0];
	v27 =	vmul.f32 v18, v27  }
0x42b: {  	v58 =	vld [tilespmem:$0x1FE00]  }
0x42c: {  	v36 =	vld [tilespmem:$0xEE60];
	[tilespmem:$0xEA10] =	vst v31;
	v31 =	vadd.f32 v57, v55;
	v27 =	vadd.f32 s12, v27;
	v3 =	vmul.f32 v18, v3  }
0x42d: {  	[tilespmem:$0xEB80] =	vst v26;
	v30 =	vmul.f32 v18, v30;
	v57 =	vld [tilespmem:$0xEDC0]  }
0x42e: {  	v31 =	vmul.f32 v18, v31;
	[tilespmem:$0xEA40] =	vst v27;
	v3 =	vadd.f32 s12, v3;
	v27 =	vadd.f32 v41, v40;
	v41 =	vld [tilespmem:$0x1FE30]  }
0x42f: {  	v14 =	vmul.f32 v14, v2;
	v15 =	vmul.f32 v15, v2;
	[tilespmem:$0xEBA0] =	vst v17;
	v30 =	vadd.f32 s12, v30;
	v34 =	vld [tilespmem:$0xEDE0]  }
0x430: {  	v6 =	vmul.f32 v6, v21;
	v55 =	vld [tilespmem:$0xEE10];
	v28 =	vmul.f32 v18, v28;
	[tilespmem:$0xEA50] =	vst v3;
	v3 =	vadd.f32 s12, v31  }
0x431: {  	v14 =	vadd.f32 v14, v50;
	v13 =	vmul.f32 v13, v2;
	[tilespmem:$0xEA20] =	vst v30;
	v30 =	vadd.f32 v59, v58;
	v59 =	vld [tilespmem:$0xEDD0]  }
0x432: {  	v6 =	vadd.f32 v6, v24;
	v8 =	vmul.f32 v8, v2;
	v58 =	vld [tilespmem:$0x1FE50];
	[tilespmem:$0xEA70] =	vst v3;
	v3 =	vadd.f32 s12, v28  }
0x433: {  	v13 =	vadd.f32 v13, v52;
	[tilespmem:$0xEBC0] =	vst v14;
	v30 =	vmul.f32 v18, v30;
	v31 =	vadd.f32 v54, v41;
	v54 =	vld [tilespmem:$0x1FE40]  }
0x434: {  	v10 =	vmul.f32 v10, v2;
	v7 =	vmul.f32 v7, v2;
	v6 =	vadd.f32 v8, v6;
	[tilespmem:$0xEA90] =	vst v3;
	v3 =	vld [tilespmem:$0x1FE70]  }
0x435: {  	v15 =	vadd.f32 v15, v56;
	v11 =	vmul.f32 v11, v2;
	[tilespmem:$0xEBF0] =	vst v13;
	v43 =	vadd.f32 s12, v30;
	v41 =	vld [tilespmem:$0x1FE80]  }
0x436: {  	v9 =	vmul.f32 v9, v2;
	v13 =	vadd.f32 v45, v13;
	[tilespmem:$0xEC30] =	vst v6;
	v38 =	vld [tilespmem:$0x1FE60];
	v27 =	vmul.f32 v18, v27  }
0x437: {  	v11 =	vadd.f32 v11, v51;
	v6 =	vadd.f32 v53, v6;
	v29 =	vmul.f32 v18, v29;
	[tilespmem:$0xEA80] =	vst v43;
	v43 =	vld [tilespmem:$0x1FE90]  }
0x438: {  	[tilespmem:$0xEBD0] =	vst v15;
	v13 =	vmul.f32 v18, v13;
	v40 =	vld [tilespmem:$0xEE30];
	v27 =	vadd.f32 s12, v27;
	v30 =	vadd.f32 v57, v54  }
0x439: {  	[tilespmem:$0xEBE0] =	vst v12;
	v29 =	vadd.f32 s12, v29;
	v57 =	vmul.f32 v18, v31;
	v31 =	vadd.f32 v59, v58;
	v58 =	vld [tilespmem:$0x1FEB0]  }
0x43a: {  	[tilespmem:$0xEAA0] =	vst v27;
	v3 =	vadd.f32 v32, v3;
	v27 =	vadd.f32 v35, v41;
	v41 =	vld [tilespmem:$0xEE80];
	v37 =	vmul.f32 v18, v30  }
0x43b: {  	[tilespmem:$0xEC00] =	vst v11;
	v30 =	vadd.f32 v34, v38;
	v28 =	vadd.f32 s12, v57;
	v31 =	vmul.f32 v18, v31;
	v57 =	vld [tilespmem:$0xEE40]  }
0x43c: {  	[tilespmem:$0xEA60] =	vst v29;
	v59 =	vld [tilespmem:$0xEE20];
	v3 =	vmul.f32 v18, v3;
	v27 =	vmul.f32 v18, v27;
	v29 =	vadd.f32 s12, v37  }
0x43d: {  	v38 =	vld [tilespmem:$0xEE70];
	v30 =	vmul.f32 v18, v30;
	[tilespmem:$0xEAB0] =	vst v28;
	v28 =	vadd.f32 v55, v43;
	v31 =	vadd.f32 s12, v31  }
0x43e: {  	v6 =	vmul.f32 v6, v18;
	v55 =	vld [tilespmem:$0x1FEA0];
	v3 =	vadd.f32 s12, v3;
	v27 =	vadd.f32 s12, v27;
	[tilespmem:$0xEAC0] =	vst v29  }
0x43f: {  	v26 =	vadd.f32 v41, v26;
	v41 =	vld [tilespmem:$0xEEC0];
	v54 =	vadd.f32 s12, v30;
	[tilespmem:$0xEAD0] =	vst v31;
	v28 =	vmul.f32 v18, v28  }
0x440: {  	v31 =	vadd.f32 v40, v58;
	[tilespmem:$0xEB00] =	vst v27;
	v58 =	vmul.f32 v48, v21;
	v27 =	vadd.f32 v57, v46;
	v57 =	vld [tilespmem:$0x1FEF0]  }
0x441: {  	v50 =	vadd.f32 s12, v13;
	v6 =	vadd.f32 s12, v6;
	[tilespmem:$0xEAF0] =	vst v3;
	v26 =	vmul.f32 v18, v26;
	v46 =	vld [tilespmem:$0xEF00]  }
0x442: {  	[tilespmem:$0xEAE0] =	vst v54;
	v3 =	vadd.f32 s12, v28;
	v37 =	vmul.f32 v18, v31;
	v54 =	vld [tilespmem:$0x1FED0];
	v29 =	vadd.f32 v58, v42  }
0x443: {  	[tilespmem:$0xEBF0] =	vst v50;
	v42 =	vld [tilespmem:$0xEED0];
	v30 =	vadd.f32 v59, v55;
	v27 =	vmul.f32 v18, v27;
	v26 =	vadd.f32 s12, v26  }
0x444: {  	v59 =	vld [tilespmem:$0xEE50];
	[tilespmem:$0xEB10] =	vst v3;
	v3 =	vmul.f32 v16, v2;
	v43 =	vadd.f32 s12, v37;
	v10 =	vadd.f32 v10, v29  }
0x445: {  	v19 =	vmul.f32 v18, v19;
	[tilespmem:$0xEC30] =	vst v6;
	v55 =	vld [tilespmem:$0x1FEE0];
	v14 =	vadd.f32 v41, v14;
	v27 =	vadd.f32 s12, v27  }
0x446: {  	v35 =	vmul.f32 v18, v30;
	[tilespmem:$0xEB80] =	vst v26;
	v3 =	vadd.f32 v3, v44;
	v31 =	vadd.f32 v38, v57  }
0x447: {  	v52 =	vmul.f32 v62, v21;
	[tilespmem:$0xEB30] =	vst v43;
	v38 =	vld [tilespmem:$0xEEB0];
	v43 =	vadd.f32 s12, v19;
	v11 =	vadd.f32 v46, v11  }
0x448: {  	v5 =	vmul.f32 v5, v2;
	[tilespmem:$0xEC10] =	vst v10;
	v10 =	vadd.f32 v47, v10;
	v40 =	vadd.f32 s12, v35  }
0x449: {  	v14 =	vmul.f32 v18, v14;
	[tilespmem:$0xEB40] =	vst v27;
	v15 =	vadd.f32 v42, v15;
	v16 =	vadd.f32 v59, v54  }
0x44a: {  	v30 =	vadd.f32 v36, v55;
	v59 =	vmul.f32 v49, v21;
	[tilespmem:$0xEBB0] =	vst v3;
	v31 =	vmul.f32 v18, v31  }
0x44b: {  	v44 =	vld [tilespmem:$0xEEE0];
	[tilespmem:$0xEB90] =	vst v43;
	v14 =	vadd.f32 s12, v14;
	v11 =	vmul.f32 v11, v18;
	v10 =	vmul.f32 v10, v18  }
0x44c: {  	v54 =	vmul.f32 v61, v21;
	[tilespmem:$0xEB20] =	vst v40;
	v40 =	vadd.f32 s12, v31;
	v3 =	vadd.f32 v38, v3  }
0x44d: {  	v15 =	vmul.f32 v18, v15;
	v16 =	vmul.f32 v18, v16;
	[tilespmem:$0xEBC0] =	vst v14;
	v11 =	vadd.f32 s12, v11  }
0x44e: {  	v36 =	vld [tilespmem:$0xEEA0];
	v32 =	vadd.f32 v59, v39;
	v55 =	vadd.f32 s12, v10;
	[tilespmem:$0xEB70] =	vst v40;
	v3 =	vmul.f32 v18, v3  }
0x44f: {  	v51 =	vld [tilespmem:$0xEF20];
	v30 =	vmul.f32 v18, v30;
	v14 =	vadd.f32 v52, v23;
	v49 =	vadd.f32 s12, v15;
	[tilespmem:$0xEC00] =	vst v11  }
0x450: {  	v57 =	vld [tilespmem:$0xEF50];
	v59 =	vmul.f32 v63, v2;
	v12 =	vadd.f32 v44, v12;
	[tilespmem:$0xEC10] =	vst v55;
	v3 =	vadd.f32 s12, v3  }
0x451: {  	v62 =	vld [tilespmem:$0xEF70];
	v2 =	vmul.f32 v60, v2;
	v15 =	vadd.f32 v54, v22;
	v16 =	vadd.f32 s12, v16;
	[tilespmem:$0xEBD0] =	vst v49  }
0x452: {  	v37 =	vadd.f32 s12, v30;
	v9 =	vadd.f32 v9, v32;
	[tilespmem:$0xEBB0] =	vst v3;
	v3 =	vmul.f32 v4, v21  }
0x453: {  	v56 =	vld [tilespmem:$0xEF40];
	v5 =	vadd.f32 v5, v14;
	v17 =	vadd.f32 v36, v17;
	[tilespmem:$0xEB50] =	vst v16  }
0x454: {  	v2 =	vadd.f32 v2, v20;
	v12 =	vmul.f32 v18, v12;
	[tilespmem:$0xEB60] =	vst v37;
	v3 =	vadd.f32 v3, v25  }
0x455: {  	v58 =	vld [tilespmem:$0xEF60];
	v61 =	vadd.f32 v51, v9;
	[tilespmem:$0xEC50] =	vst v5;
	v5 =	vadd.f32 v57, v5;
	v17 =	vmul.f32 v18, v17  }
0x456: {  	[tilespmem:$0xEC70] =	vst v2;
	v2 =	vadd.f32 v62, v2;
	v3 =	vadd.f32 v7, v3  }
0x457: {  	[tilespmem:$0xEC20] =	vst v9;
	v12 =	vadd.f32 s12, v12;
	v8 =	vmul.f32 v61, v18;
	v48 =	vadd.f32 s12, v17  }
0x458: {  	v5 =	vmul.f32 v5, v18;
	v7 =	vadd.f32 v59, v15;
	[tilespmem:$0xEC40] =	vst v3;
	v3 =	vadd.f32 v56, v3  }
0x459: {  	v2 =	vmul.f32 v2, v18;
	[tilespmem:$0xEBE0] =	vst v12;
	v63 =	vadd.f32 s12, v8  }
0x45a: {  	v5 =	vadd.f32 s12, v5;
	[tilespmem:$0xEBA0] =	vst v48;
	v4 =	vadd.f32 v58, v7;
	v3 =	vmul.f32 v3, v18  }
0x45b: {  	v2 =	vadd.f32 s12, v2;
	[tilespmem:$0xEC20] =	vst v63  }
0x45c: {  	[tilespmem:$0xEC50] =	vst v5;
	v4 =	vmul.f32 v4, v18;
	v3 =	vadd.f32 s12, v3  }
0x45d: {  	[tilespmem:$0xEC70] =	vst v2  }
0x45e: {  	s5 =	sadd.s32 $0x1, s5;
	[tilespmem:$0xEC40] =	vst v3;
	v3 =	vadd.f32 s12, v4  }
0x45f: {  	s18 =	rddreg [dreg:$0x3];
	p0 =	sne.s32 s5, $0x40;
	[tilespmem:$0xEC60] =	vst v7  }
.Ltmp9:
0x460: {  	s0 =	sadd.s32 s18, s2;
	[tilespmem:$0xEC60] =	vst v3;
	(pc) =	sbr.rel @p0 .LBB2_2-.Ltmp9, $4  }
0x461: {  	[hbm4b:s0+s14] =	stream.strided.scatter [tilespmem:s31], [sflag:$0x2], $0x300, s15, s14, $0x38;
	[tilespmem:$0xEF80] =	vst v63  }
0x462: {  	_ =	swait.ge [sflag:s13], $0x300  }
0x463: {  	[sflag:s13] =	ssyncset.done $0x0  }
0x464: {  	[sflag:s13] =	ssyncadd.s32 $0xFFFFFD00  }
0x465: {  	s1 =	rddreg [dreg:$0x6]  }
0x466: {  	s0 =	rddreg [dreg:$0x5];
	s1 =	sadd.s32 $0x1, s1  }
0x467: {  	p0 =	sne.s32 s1, s0  }
.Ltmp10:
0x468: {  	_ = 	snop;
	(pc) =	sbr.rel @p0 .LBB2_1-.Ltmp10, $1  }
0x469: {  	_ =	sdelay $0x3  }
0x46a: {  	_ =	sfence.sel $0x180000  }
0x46b: {  	[bflag:$0x0] =	sbarrier.arrive $0xFFFF  }
0x46c: {  	_ =	strace $0x90000047  }
0x46d: {  	s0 =	stileid.u32;
	[bflag:$0x2] =	sbarrier.arrive $0xFFFF  }
0x46e: {  	p0 =	sne.s32 s0, $0x0;
	s0 =	rddreg [dreg:$0x4]  }
0x46f: {  	s0 =	sadd.s32 @!p0 $0x100000, s0  }
0x470: {  	[sflag:s0] =	ssyncadd.tile.s32 @!p0 $0x1;
	_ =	shalt  }
.Lfunc_end2:
_tile_overlayer_lowered:
.L_overlay_start_2:
0x471: {  	(tag) =	ssettag $0x2  }
0x472: {  	s0 =	rddreg [dreg:$0x0];
	s2 =	stileid.u32  }
0x473: {  	s1 =	rddreg [dreg:$0x1];
	p0 =	sne.s32 s2, $0x0  }
0x474: {  	s3 =	rddreg [dreg:$0x2];
	[bflag:$0x3] =	sbarrier.arrive $0xFFFF;
	s2 =	simm.s32 @!p0 $0x1C02  }
0x475: {  	[timem:s3], [sflag:s2] =	dma.local @!p0 [hbm:s0], s1  }
0x476: {  	s0 =	simm.s32 @!p0 $0x2  }
0x477: {  	_ =	swait.ge @!p0 [sflag:s0], s1  }
0x478: {  	s1 =	ssub.s32 @!p0 $0x0, s1;
	[sflag:s0] =	ssyncset.done @!p0 $0x0  }
0x479: {  	[sflag:s0] =	ssyncadd.s32 @!p0 s1  }
0x47a: {  	[bflag:$0x3] =	sbarrier.arrive $0xFFFF  }
0x47b: {  	_ =	shalt  }

</sc_bundles>
